<compile_context>
chip_gen: v7x
topology: tpu7x:2x2x1
jax: 0.10.2.dev20260603
libtpu: 0.0.44.dev20260713+nightly
codegen_flags: <defaults>
</compile_context>

<pallas_src>
import functools

import jax
import jax.numpy as jnp
import numpy as np
from jax import lax
from jax.experimental import pallas as pl
from jax.experimental.pallas import tpu as pltpu
from jax.experimental.pallas import tpu_sc as plsc

N = 10000
RPAD = 10240
NC, NS = 2, 16
EB = 112
STRIPE = RPAD // NS

_mesh = plsc.VectorSubcoreMesh(core_axis_name="c", subcore_axis_name="s",
                               num_cores=NC, num_subcores=NS)



def _deg_body(dst2, zeros_hbm, ones_hbm, out, dacc, didx, ones_v, d0, d1, d2):
    dsems = (d0, d1, d2)
    c = lax.axis_index("c")
    s = lax.axis_index("s")
    pltpu.sync_copy(zeros_hbm, dacc.at[pl.ds(s * STRIPE, STRIPE)])
    pltpu.sync_copy(ones_hbm, ones_v)
    plsc.subcore_barrier()
    w = c * NS + s
    nb = dst2.shape[0] // (NC * NS)
    ng = nb // NBUF
    for k in range(NBUF):
        pltpu.async_copy(dst2.at[w * nb + k], didx.at[k], dsems[k])

    def body(g, carry):
        for k in range(NBUF):
            b = g * NBUF + k
            pltpu.make_async_copy(dst2.at[w * nb + b], didx.at[k],
                                  dsems[k]).wait()
            pltpu.sync_copy(ones_v, dacc.at[didx.at[k]], add=True)

            @pl.when(g < ng - 1)
            def _():
                pltpu.async_copy(dst2.at[w * nb + b + NBUF], didx.at[k],
                                 dsems[k])
        return carry

    lax.fori_loop(0, ng, body, 0)
    plsc.subcore_barrier()
    pltpu.sync_copy(dacc.at[pl.ds(s * STRIPE, STRIPE)],
                    out.at[c, pl.ds(s * STRIPE, STRIPE)])


def _make_deg_kernel():
    return functools.partial(
        pl.kernel,
        out_type=jax.ShapeDtypeStruct((NC, RPAD, 128), jnp.float32),
        mesh=_mesh,
        scratch_types=[
            pltpu.VMEM_SHARED((RPAD, 128), jnp.float32),
            pltpu.VMEM((NBUF, EB), jnp.int32),
            pltpu.VMEM((EB, 128), jnp.float32),
            pltpu.SemaphoreType.DMA,
            pltpu.SemaphoreType.DMA,
            pltpu.SemaphoreType.DMA,
        ],
    )(_deg_body)


NBUF = 3


def _agg_body(npass, nslab, nb, ytab, src2, dst2, zeros_hbm, out, acc,
              sidx, didx, rows, s0, s1, s2, d0, d1, d2, t0, t1, t2):
    sems = (s0, s1, s2)
    dsems = (d0, d1, d2)
    tsems = (t0, t1, t2)
    c = lax.axis_index("c")
    s = lax.axis_index("s")
    ng = nb // NBUF

    def _transform_and_fire(b, k, slab):
        for j in range(EB // 16):
            sl = (k, pl.ds(j * 16, 16))
            sidx[sl] = sidx[sl] * nslab + slab
        pltpu.async_copy(dst2.at[s * nb + b], didx.at[k], dsems[k])
        pltpu.async_copy(ytab.at[sidx.at[k]], rows.at[k], sems[k])

    for p in range(npass):
        slab = c * npass + p
        pltpu.sync_copy(zeros_hbm, acc.at[pl.ds(s * STRIPE, STRIPE)])
        plsc.subcore_barrier()
        for k in range(NBUF):
            pltpu.sync_copy(src2.at[s * nb + k], sidx.at[k])
            _transform_and_fire(k, k, slab)

        def gbody(g, carry):
            for k in range(NBUF):
                b = g * NBUF + k
                pltpu.make_async_copy(ytab.at[sidx.at[k]], rows.at[k],
                                      sems[k]).wait()

                @pl.when(g < ng - 1)
                def _():
                    pltpu.async_copy(src2.at[s * nb + b + NBUF], sidx.at[k],
                                     tsems[k])

                pltpu.make_async_copy(dst2.at[s * nb + b], didx.at[k],
                                      dsems[k]).wait()
                pltpu.sync_copy(rows.at[k], acc.at[didx.at[k]], add=True)

                @pl.when(g < ng - 1)
                def _():
                    pltpu.make_async_copy(src2.at[s * nb + b + NBUF],
                                          sidx.at[k], tsems[k]).wait()
                    _transform_and_fire(b + NBUF, k, slab)
            return carry

        lax.fori_loop(0, ng, gbody, 0)
        plsc.subcore_barrier()
        pltpu.sync_copy(acc.at[pl.ds(s * STRIPE, STRIPE)],
                        out.at[slab, pl.ds(s * STRIPE, STRIPE)])
        if p + 1 < npass:
            plsc.subcore_barrier()


def _make_agg_kernel(npass, nb):
    nslab = NC * npass
    return functools.partial(
        pl.kernel,
        out_type=jax.ShapeDtypeStruct((nslab, RPAD, 128), jnp.float32),
        mesh=_mesh,
        scratch_types=[
            pltpu.VMEM_SHARED((RPAD, 128), jnp.float32),
            pltpu.VMEM((NBUF, EB), jnp.int32),
            pltpu.VMEM((NBUF, EB), jnp.int32),
            pltpu.VMEM((NBUF, EB, 128), jnp.float32),
            pltpu.SemaphoreType.DMA,
            pltpu.SemaphoreType.DMA,
            pltpu.SemaphoreType.DMA,
            pltpu.SemaphoreType.DMA,
            pltpu.SemaphoreType.DMA,
            pltpu.SemaphoreType.DMA,
            pltpu.SemaphoreType.DMA,
            pltpu.SemaphoreType.DMA,
            pltpu.SemaphoreType.DMA,
        ],
    )(functools.partial(_agg_body, npass, nslab, nb))



_BR = 1000


def _scale_body(p_ref, x_ref, y_ref, dis_ref):
    d = 1.0 + p_ref[0][:, 0:1] + p_ref[1][:, 0:1]
    iv = lax.rsqrt(d)
    dis_ref[...] = iv
    y_ref[...] = x_ref[...] * iv


def _scale_call(degp, x):
    return pl.pallas_call(
        _scale_body,
        grid=(N // _BR,),
        in_specs=[
            pl.BlockSpec((NC, _BR, 128), lambda i: (0, i, 0)),
            pl.BlockSpec((_BR, x.shape[1]), lambda i: (i, 0)),
        ],
        out_specs=[
            pl.BlockSpec((_BR, x.shape[1]), lambda i: (i, 0)),
            pl.BlockSpec((_BR, 1), lambda i: (i, 0)),
        ],
        out_shape=[
            jax.ShapeDtypeStruct((N, x.shape[1]), jnp.float32),
            jax.ShapeDtypeStruct((N, 1), jnp.float32),
        ],
    )(degp, x)


_BN_S = float(1.0 / np.sqrt(1.0 + 1e-5))


def _mm1_body(z_ref, y_ref, dis_ref, w_ref, b_ref, g_ref, be_ref, y2_ref):
    zcat = jnp.concatenate([z_ref[k] for k in range(2)], axis=1)
    u = (zcat + y_ref[...]) * dis_ref[...]
    h = jnp.dot(u, w_ref[...], preferred_element_type=jnp.float32) + b_ref[...]
    h = h * (g_ref[...] * _BN_S) + be_ref[...]
    h = jnp.maximum(h, 0.0)
    y2_ref[...] = h * dis_ref[...]


def _mm1_call(z1, y1, dis, W1, b1, g1, be1):
    return pl.pallas_call(
        _mm1_body,
        grid=(N // _BR,),
        in_specs=[
            pl.BlockSpec((2, _BR, 128), lambda i: (0, i, 0)),
            pl.BlockSpec((_BR, 256), lambda i: (i, 0)),
            pl.BlockSpec((_BR, 1), lambda i: (i, 0)),
            pl.BlockSpec((256, 512), lambda i: (0, 0)),
            pl.BlockSpec((1, 512), lambda i: (0, 0)),
            pl.BlockSpec((1, 512), lambda i: (0, 0)),
            pl.BlockSpec((1, 512), lambda i: (0, 0)),
        ],
        out_specs=pl.BlockSpec((_BR, 512), lambda i: (i, 0)),
        out_shape=jax.ShapeDtypeStruct((N, 512), jnp.float32),
    )(z1, y1, dis, W1, b1, g1, be1)


def _mm2_body(z_ref, y_ref, dis_ref, w_ref, b_ref, g_ref, be_ref, fw_ref, fb_ref,
              o_ref):
    zcat = jnp.concatenate([z_ref[k] for k in range(4)], axis=1)
    u = (zcat + y_ref[...]) * dis_ref[...]
    h = jnp.dot(u, w_ref[...], preferred_element_type=jnp.float32) + b_ref[...]
    h = h * (g_ref[...] * _BN_S) + be_ref[...]
    h = jnp.maximum(h, 0.0)
    o = jnp.dot(h, fw_ref[...], preferred_element_type=jnp.float32) + fb_ref[...]
    o_ref[...] = jax.nn.sigmoid(o)


def _mm2_call(z2, y2, dis, W2, b2, g2, be2, fcW, fcb):
    return pl.pallas_call(
        _mm2_body,
        grid=(N // _BR,),
        in_specs=[
            pl.BlockSpec((4, _BR, 128), lambda i: (0, i, 0)),
            pl.BlockSpec((_BR, 512), lambda i: (i, 0)),
            pl.BlockSpec((_BR, 1), lambda i: (i, 0)),
            pl.BlockSpec((512, 512), lambda i: (0, 0)),
            pl.BlockSpec((1, 512), lambda i: (0, 0)),
            pl.BlockSpec((1, 512), lambda i: (0, 0)),
            pl.BlockSpec((1, 512), lambda i: (0, 0)),
            pl.BlockSpec((512, 256), lambda i: (0, 0)),
            pl.BlockSpec((1, 256), lambda i: (0, 0)),
        ],
        out_specs=pl.BlockSpec((_BR, 256), lambda i: (i, 0)),
        out_shape=jax.ShapeDtypeStruct((N, 256), jnp.float32),
    )(z2, y2, dis, W2, b2, g2, be2, fcW, fcb)



def kernel(x, edge_index, W1, b1, gamma1, beta1, W2, b2, gamma2, beta2, fcW, fcb):
    E = edge_index.shape[1]
    quantum = EB * NS * NC * NBUF
    epad = ((E + quantum - 1) // quantum) * quantum
    src = edge_index[0].astype(jnp.int32)
    dst = edge_index[1].astype(jnp.int32)
    src2 = jnp.concatenate([src, jnp.zeros((epad - E,), jnp.int32)]).reshape(-1, EB)
    dst2 = jnp.concatenate([dst, jnp.full((epad - E,), N, jnp.int32)]).reshape(-1, EB)

    zeros_w = jnp.zeros((STRIPE, 128), jnp.float32)
    ones_w = jnp.ones((EB, 128), jnp.float32)

    nb = epad // EB // NS
    degp = _make_deg_kernel()(dst2, zeros_w, ones_w)
    y1, dis = _scale_call(degp, x)
    z1 = _make_agg_kernel(1, nb)(y1.reshape(2 * N, 128), src2, dst2, zeros_w)
    y2 = _mm1_call(z1, y1, dis, W1, b1.reshape(1, -1), gamma1.reshape(1, -1),
                   beta1.reshape(1, -1))
    z2 = _make_agg_kernel(2, nb)(y2.reshape(4 * N, 128), src2, dst2, zeros_w)
    out = _mm2_call(z2, y2, dis, W2, b2.reshape(1, -1), gamma2.reshape(1, -1),
                    beta2.reshape(1, -1), fcW, fcb.reshape(1, -1))
    return out

# --- scband reference (transcript-rebuilt; emitter-appended) ---
"""Pipeline reference for scband-gcn-75522704933150 (READ-ONLY COPY).

The authoritative reference and input builder live on the scoring server;
editing this copy changes nothing except your own understanding.
"""

import jax, jax.numpy as jnp
import numpy as np

N_NODES = 10000
IN_CH = 256
HID = 512
OUT_CH = 256
N_EDGES = 160000


def _gcn_conv(x, edge_index, W, b):
    N = x.shape[0]
    self_loops = jnp.arange(N, dtype=edge_index.dtype)
    src = jnp.concatenate([edge_index[0], self_loops])
    dst = jnp.concatenate([edge_index[1], self_loops])
    deg = jax.ops.segment_sum(jnp.ones(src.shape[0], dtype=x.dtype), dst, num_segments=N)
    deg_inv_sqrt = jnp.where(deg > 0, 1.0 / jnp.sqrt(deg), 0.0)
    norm = deg_inv_sqrt[src] * deg_inv_sqrt[dst]
    h = x @ W
    msg = jnp.take(h, src, axis=0) * norm[:, None]
    out = jax.ops.segment_sum(msg, dst, num_segments=N)
    return out + b


def _bn_eval(x, gamma, beta, eps=1e-5):
    # BatchNorm1d in eval mode with running_mean=0, running_var=1 (init values)
    return x / jnp.sqrt(1.0 + eps) * gamma + beta


def setup_inputs(seed: int = 0) -> dict:
    key = jax.random.key(seed)
    ks = jax.random.split(key, 8)
    x = jax.random.normal(ks[0], (N_NODES, IN_CH), dtype=jnp.float32)
    edge_index = jax.random.randint(ks[1], (2, N_EDGES), 0, N_NODES, dtype=jnp.int64)
    W1 = jax.random.normal(ks[2], (IN_CH, HID), dtype=jnp.float32) / np.sqrt(IN_CH)
    b1 = jnp.zeros((HID,), dtype=jnp.float32)
    gamma1 = jnp.ones((HID,), dtype=jnp.float32)
    beta1 = jnp.zeros((HID,), dtype=jnp.float32)
    W2 = jax.random.normal(ks[3], (HID, HID), dtype=jnp.float32) / np.sqrt(HID)
    b2 = jnp.zeros((HID,), dtype=jnp.float32)
    gamma2 = jnp.ones((HID,), dtype=jnp.float32)
    beta2 = jnp.zeros((HID,), dtype=jnp.float32)
    fcW = jax.random.normal(ks[4], (HID, OUT_CH), dtype=jnp.float32) / np.sqrt(HID)
    fcb = jnp.zeros((OUT_CH,), dtype=jnp.float32)
    return {"x": x, "edge_index": edge_index, "W1": W1, "b1": b1, "gamma1": gamma1,
            "beta1": beta1, "W2": W2, "b2": b2, "gamma2": gamma2, "beta2": beta2,
            "fcW": fcW, "fcb": fcb}


def reference(x, edge_index, W1, b1, gamma1, beta1, W2, b2, gamma2, beta2, fcW, fcb):
    h = _gcn_conv(x, edge_index, W1, b1)
    h = _bn_eval(h, gamma1, beta1)
    h = jax.nn.relu(h)
    # dropout with training=False is identity
    h = _gcn_conv(h, edge_index, W2, b2)
    h = _bn_eval(h, gamma2, beta2)
    h = jax.nn.relu(h)
    h = h @ fcW + fcb
    return jax.nn.sigmoid(h)

if __name__ == "__main__":
    import jax
    _d = setup_inputs()
    print(jax.jit(kernel)(*tuple(_d.values())))

</pallas_src>

<mosaic_0001>
#map = affine_map<(d0, d1) -> (0, 0)>
#map1 = affine_map<(d0, d1) -> (0, 0, 0)>
module attributes {stable_mosaic.version = 14 : i64} {
  func.func @_agg_body(%arg0: i32, %arg1: i32, %arg2: memref<20000x128xf32, #tpu.memory_space<hbm>>, %arg3: memref<1440x112xi32, #tpu.memory_space<hbm>>, %arg4: memref<1440x112xi32, #tpu.memory_space<hbm>>, %arg5: memref<640x128xf32, #tpu.memory_space<hbm>>, %arg6: memref<2x10240x128xf32, #tpu.memory_space<hbm>>, %arg7: memref<10240x128xf32, #tpu.memory_space<vmem_shared>>, %arg8: memref<3x112xi32, #tpu.memory_space<vmem>>, %arg9: memref<3x112xi32, #tpu.memory_space<vmem>>, %arg10: memref<3x112x128xf32, #tpu.memory_space<vmem>>, %arg11: memref<!tpu.dma_semaphore, #tpu.memory_space<semaphore_mem>>, %arg12: memref<!tpu.dma_semaphore, #tpu.memory_space<semaphore_mem>>, %arg13: memref<!tpu.dma_semaphore, #tpu.memory_space<semaphore_mem>>, %arg14: memref<!tpu.dma_semaphore, #tpu.memory_space<semaphore_mem>>, %arg15: memref<!tpu.dma_semaphore, #tpu.memory_space<semaphore_mem>>, %arg16: memref<!tpu.dma_semaphore, #tpu.memory_space<semaphore_mem>>, %arg17: memref<!tpu.dma_semaphore, #tpu.memory_space<semaphore_mem>>, %arg18: memref<!tpu.dma_semaphore, #tpu.memory_space<semaphore_mem>>, %arg19: memref<!tpu.dma_semaphore, #tpu.memory_space<semaphore_mem>>) attributes {dimension_semantics = [#tpu.dimension_semantics<core_parallel>, #tpu.dimension_semantics<subcore_parallel>], iteration_bounds = array<i64: 2, 16>, scalar_prefetch = 0 : i64, scratch_operands = 13 : i64, tpu.core_type = #tpu.core_type<sc_vector_subcore>, window_params = [{transform_indices = #map}, {transform_indices = #map}, {transform_indices = #map}, {transform_indices = #map}, {transform_indices = #map1}]} {
    %mul3A = arith.constant 1 : i32
    %mul3A_0 = arith.muli %arg0, %mul3A : i32
    %add3A = arith.constant 0 : i32
    %add3A_1 = arith.addi %mul3A_0, %add3A : i32
    %mul3A_2 = arith.constant 640 : i32
    %mul3A_3 = arith.muli %arg1, %mul3A_2 : i32
    "tpu.region"() ({
      %run_scoped3A_448 = tpu.sem_alloc : memref<!tpu.dma_semaphore, #tpu.memory_space<semaphore_mem>>
      %dma_start3A_449 = arith.constant 0 : i32
      %dma_start3A_450 = tpu.memref_slice %arg7[%mul3A_3, %dma_start3A_449] : memref<10240x128xf32, #tpu.memory_space<vmem_shared>> -> memref<640x128xf32, #tpu.memory_space<vmem_shared>>
      tpu.enqueue_dma source(%arg5 : memref<640x128xf32, #tpu.memory_space<hbm>>) target(%dma_start3A_450 : memref<640x128xf32, #tpu.memory_space<vmem_shared>>) target_semaphore(%run_scoped3A_448 : memref<!tpu.dma_semaphore, #tpu.memory_space<semaphore_mem>>)
      %dma_wait3A = arith.constant 0 : i32
      %dma_wait3A_451 = tpu.memref_slice %arg7[%mul3A_3, %dma_wait3A] : memref<10240x128xf32, #tpu.memory_space<vmem_shared>> -> memref<640x128xf32, #tpu.memory_space<vmem_shared>>
      tpu.wait_dma2 semaphore(%run_scoped3A_448 : memref<!tpu.dma_semaphore, #tpu.memory_space<semaphore_mem>>) src(%arg5 : memref<640x128xf32, #tpu.memory_space<hbm>>) dst(%dma_wait3A_451 : memref<640x128xf32, #tpu.memory_space<vmem_shared>>)
      tpu.yield
    }) : () -> ()
    %barrier3A = arith.constant 0 : index
    tpu.barrier barrier_id(%barrier3A)
    %mul3A_4 = arith.constant 90 : i32
    %mul3A_5 = arith.muli %arg1, %mul3A_4 : i32
    %add3A_6 = arith.constant 0 : i32
    %add3A_7 = arith.addi %mul3A_5, %add3A_6 : i32
    %run_scoped3A = arith.constant 0 : i32
    "tpu.region"() ({
      %run_scoped3A_448 = tpu.sem_alloc : memref<!tpu.dma_semaphore, #tpu.memory_space<semaphore_mem>>
      %dma_start3A_449 = arith.constant 0 : i32
      %dma_start3A_450 = tpu.memref_slice %arg8[%run_scoped3A, %dma_start3A_449] : memref<3x112xi32, #tpu.memory_space<vmem>> -> memref<1x112xi32, #tpu.memory_space<vmem>>
      %dma_start3A_451 = tpu.memref_squeeze %dma_start3A_450 : memref<1x112xi32, #tpu.memory_space<vmem>> -> memref<112xi32, #tpu.memory_space<vmem>>
      %dma_start3A_452 = arith.constant 0 : i32
      %dma_start3A_453 = tpu.memref_slice %arg3[%add3A_7, %dma_start3A_452] : memref<1440x112xi32, #tpu.memory_space<hbm>> -> memref<1x112xi32, #tpu.memory_space<hbm>>
      %dma_start3A_454 = tpu.memref_squeeze %dma_start3A_453 : memref<1x112xi32, #tpu.memory_space<hbm>> -> memref<112xi32, #tpu.memory_space<hbm>>
      %dma_start3A_455 = arith.constant 0 : i32
      %dma_start3A_456 = tpu.memref_slice %arg8[%run_scoped3A, %dma_start3A_455] : memref<3x112xi32, #tpu.memory_space<vmem>> -> memref<1x112xi32, #tpu.memory_space<vmem>>
      %dma_start3A_457 = tpu.memref_squeeze %dma_start3A_456 : memref<1x112xi32, #tpu.memory_space<vmem>> -> memref<112xi32, #tpu.memory_space<vmem>>
      %dma_start3A_458 = arith.constant 0 : i32
      %dma_start3A_459 = tpu.memref_slice %arg3[%add3A_7, %dma_start3A_458] : memref<1440x112xi32, #tpu.memory_space<hbm>> -> memref<1x112xi32, #tpu.memory_space<hbm>>
      %dma_start3A_460 = tpu.memref_squeeze %dma_start3A_459 : memref<1x112xi32, #tpu.memory_space<hbm>> -> memref<112xi32, #tpu.memory_space<hbm>>
      tpu.enqueue_dma source(%dma_start3A_460 : memref<112xi32, #tpu.memory_space<hbm>>) target(%dma_start3A_457 : memref<112xi32, #tpu.memory_space<vmem>>) target_semaphore(%run_scoped3A_448 : memref<!tpu.dma_semaphore, #tpu.memory_space<semaphore_mem>>)
      %dma_wait3A = arith.constant 0 : i32
      %dma_wait3A_461 = tpu.memref_slice %arg8[%run_scoped3A, %dma_wait3A] : memref<3x112xi32, #tpu.memory_space<vmem>> -> memref<1x112xi32, #tpu.memory_space<vmem>>
      %dma_wait3A_462 = tpu.memref_squeeze %dma_wait3A_461 : memref<1x112xi32, #tpu.memory_space<vmem>> -> memref<112xi32, #tpu.memory_space<vmem>>
      %dma_wait3A_463 = arith.constant 0 : i32
      %dma_wait3A_464 = tpu.memref_slice %arg3[%add3A_7, %dma_wait3A_463] : memref<1440x112xi32, #tpu.memory_space<hbm>> -> memref<1x112xi32, #tpu.memory_space<hbm>>
      %dma_wait3A_465 = tpu.memref_squeeze %dma_wait3A_464 : memref<1x112xi32, #tpu.memory_space<hbm>> -> memref<112xi32, #tpu.memory_space<hbm>>
      %dma_wait3A_466 = arith.constant 0 : i32
      %dma_wait3A_467 = tpu.memref_slice %arg8[%run_scoped3A, %dma_wait3A_466] : memref<3x112xi32, #tpu.memory_space<vmem>> -> memref<1x112xi32, #tpu.memory_space<vmem>>
      %dma_wait3A_468 = tpu.memref_squeeze %dma_wait3A_467 : memref<1x112xi32, #tpu.memory_space<vmem>> -> memref<112xi32, #tpu.memory_space<vmem>>
      %dma_wait3A_469 = arith.constant 0 : i32
      %dma_wait3A_470 = tpu.memref_slice %arg3[%add3A_7, %dma_wait3A_469] : memref<1440x112xi32, #tpu.memory_space<hbm>> -> memref<1x112xi32, #tpu.memory_space<hbm>>
      %dma_wait3A_471 = tpu.memref_squeeze %dma_wait3A_470 : memref<1x112xi32, #tpu.memory_space<hbm>> -> memref<112xi32, #tpu.memory_space<hbm>>
      tpu.wait_dma2 semaphore(%run_scoped3A_448 : memref<!tpu.dma_semaphore, #tpu.memory_space<semaphore_mem>>) src(%dma_wait3A_471 : memref<112xi32, #tpu.memory_space<hbm>>) dst(%dma_wait3A_468 : memref<112xi32, #tpu.memory_space<vmem>>)
      tpu.yield
    }) : () -> ()
    %get3A = arith.constant 0 : i32
    %get3A_8 = arith.index_cast %get3A : i32 to index
    %get3A_9 = arith.constant 0 : index
    %get3A_10 = tpu.vector_load %arg8[%get3A_8, %get3A_9] {strides = array<i32>} : memref<3x112xi32, #tpu.memory_space<vmem>>, vector<1x16xi32>,
    %get3A_11 = vector.shape_cast %get3A_10 : vector<1x16xi32> to vector<16xi32>
    %mul3A_12 = arith.constant 2 : i32
    %mul3A_13 = vector.broadcast %mul3A_12 : i32 to vector<16xi32>
    %mul3A_14 = arith.muli %get3A_11, %mul3A_13 : vector<16xi32>
    %add3A_15 = vector.broadcast %add3A_1 : i32 to vector<16xi32>
    %add3A_16 = arith.addi %mul3A_14, %add3A_15 : vector<16xi32>
    %swap3A = arith.constant 0 : i32
    %swap3A_17 = arith.index_cast %swap3A : i32 to index
    %swap3A_18 = arith.constant 0 : index
    %swap3A_19 = tpu.vector_load %arg8[%swap3A_17, %swap3A_18] {strides = array<i32>} : memref<3x112xi32, #tpu.memory_space<vmem>>, vector<1x16xi32>,
    %swap3A_20 = vector.shape_cast %swap3A_19 : vector<1x16xi32> to vector<16xi32>
    %swap3A_21 = vector.shape_cast %add3A_16 : vector<16xi32> to vector<1x16xi32>
    tpu.vector_store %arg8[%swap3A_17, %swap3A_18], %swap3A_21 {strides = array<i32>} : memref<3x112xi32, #tpu.memory_space<vmem>>, vector<1x16xi32>,
    %get3A_22 = arith.constant 0 : i32
    %get3A_23 = arith.index_cast %get3A_22 : i32 to index
    %get3A_24 = arith.constant 16 : index
    %get3A_25 = tpu.vector_load %arg8[%get3A_23, %get3A_24] {strides = array<i32>} : memref<3x112xi32, #tpu.memory_space<vmem>>, vector<1x16xi32>,
    %get3A_26 = vector.shape_cast %get3A_25 : vector<1x16xi32> to vector<16xi32>
    %mul3A_27 = arith.constant 2 : i32
    %mul3A_28 = vector.broadcast %mul3A_27 : i32 to vector<16xi32>
    %mul3A_29 = arith.muli %get3A_26, %mul3A_28 : vector<16xi32>
    %add3A_30 = vector.broadcast %add3A_1 : i32 to vector<16xi32>
    %add3A_31 = arith.addi %mul3A_29, %add3A_30 : vector<16xi32>
    %swap3A_32 = arith.constant 0 : i32
    %swap3A_33 = arith.index_cast %swap3A_32 : i32 to index
    %swap3A_34 = arith.constant 16 : index
    %swap3A_35 = tpu.vector_load %arg8[%swap3A_33, %swap3A_34] {strides = array<i32>} : memref<3x112xi32, #tpu.memory_space<vmem>>, vector<1x16xi32>,
    %swap3A_36 = vector.shape_cast %swap3A_35 : vector<1x16xi32> to vector<16xi32>
    %swap3A_37 = vector.shape_cast %add3A_31 : vector<16xi32> to vector<1x16xi32>
    tpu.vector_store %arg8[%swap3A_33, %swap3A_34], %swap3A_37 {strides = array<i32>} : memref<3x112xi32, #tpu.memory_space<vmem>>, vector<1x16xi32>,
    %get3A_38 = arith.constant 0 : i32
    %get3A_39 = arith.index_cast %get3A_38 : i32 to index
    %get3A_40 = arith.constant 32 : index
    %get3A_41 = tpu.vector_load %arg8[%get3A_39, %get3A_40] {strides = array<i32>} : memref<3x112xi32, #tpu.memory_space<vmem>>, vector<1x16xi32>,
    %get3A_42 = vector.shape_cast %get3A_41 : vector<1x16xi32> to vector<16xi32>
    %mul3A_43 = arith.constant 2 : i32
    %mul3A_44 = vector.broadcast %mul3A_43 : i32 to vector<16xi32>
    %mul3A_45 = arith.muli %get3A_42, %mul3A_44 : vector<16xi32>
    %add3A_46 = vector.broadcast %add3A_1 : i32 to vector<16xi32>
    %add3A_47 = arith.addi %mul3A_45, %add3A_46 : vector<16xi32>
    %swap3A_48 = arith.constant 0 : i32
    %swap3A_49 = arith.index_cast %swap3A_48 : i32 to index
    %swap3A_50 = arith.constant 32 : index
    %swap3A_51 = tpu.vector_load %arg8[%swap3A_49, %swap3A_50] {strides = array<i32>} : memref<3x112xi32, #tpu.memory_space<vmem>>, vector<1x16xi32>,
    %swap3A_52 = vector.shape_cast %swap3A_51 : vector<1x16xi32> to vector<16xi32>
    %swap3A_53 = vector.shape_cast %add3A_47 : vector<16xi32> to vector<1x16xi32>
    tpu.vector_store %arg8[%swap3A_49, %swap3A_50], %swap3A_53 {strides = array<i32>} : memref<3x112xi32, #tpu.memory_space<vmem>>, vector<1x16xi32>,
    %get3A_54 = arith.constant 0 : i32
    %get3A_55 = arith.index_cast %get3A_54 : i32 to index
    %get3A_56 = arith.constant 48 : index
    %get3A_57 = tpu.vector_load %arg8[%get3A_55, %get3A_56] {strides = array<i32>} : memref<3x112xi32, #tpu.memory_space<vmem>>, vector<1x16xi32>,
    %get3A_58 = vector.shape_cast %get3A_57 : vector<1x16xi32> to vector<16xi32>
    %mul3A_59 = arith.constant 2 : i32
    %mul3A_60 = vector.broadcast %mul3A_59 : i32 to vector<16xi32>
    %mul3A_61 = arith.muli %get3A_58, %mul3A_60 : vector<16xi32>
    %add3A_62 = vector.broadcast %add3A_1 : i32 to vector<16xi32>
    %add3A_63 = arith.addi %mul3A_61, %add3A_62 : vector<16xi32>
    %swap3A_64 = arith.constant 0 : i32
    %swap3A_65 = arith.index_cast %swap3A_64 : i32 to index
    %swap3A_66 = arith.constant 48 : index
    %swap3A_67 = tpu.vector_load %arg8[%swap3A_65, %swap3A_66] {strides = array<i32>} : memref<3x112xi32, #tpu.memory_space<vmem>>, vector<1x16xi32>,
    %swap3A_68 = vector.shape_cast %swap3A_67 : vector<1x16xi32> to vector<16xi32>
    %swap3A_69 = vector.shape_cast %add3A_63 : vector<16xi32> to vector<1x16xi32>
    tpu.vector_store %arg8[%swap3A_65, %swap3A_66], %swap3A_69 {strides = array<i32>} : memref<3x112xi32, #tpu.memory_space<vmem>>, vector<1x16xi32>,
    %get3A_70 = arith.constant 0 : i32
    %get3A_71 = arith.index_cast %get3A_70 : i32 to index
    %get3A_72 = arith.constant 64 : index
    %get3A_73 = tpu.vector_load %arg8[%get3A_71, %get3A_72] {strides = array<i32>} : memref<3x112xi32, #tpu.memory_space<vmem>>, vector<1x16xi32>,
    %get3A_74 = vector.shape_cast %get3A_73 : vector<1x16xi32> to vector<16xi32>
    %mul3A_75 = arith.constant 2 : i32
    %mul3A_76 = vector.broadcast %mul3A_75 : i32 to vector<16xi32>
    %mul3A_77 = arith.muli %get3A_74, %mul3A_76 : vector<16xi32>
    %add3A_78 = vector.broadcast %add3A_1 : i32 to vector<16xi32>
    %add3A_79 = arith.addi %mul3A_77, %add3A_78 : vector<16xi32>
    %swap3A_80 = arith.constant 0 : i32
    %swap3A_81 = arith.index_cast %swap3A_80 : i32 to index
    %swap3A_82 = arith.constant 64 : index
    %swap3A_83 = tpu.vector_load %arg8[%swap3A_81, %swap3A_82] {strides = array<i32>} : memref<3x112xi32, #tpu.memory_space<vmem>>, vector<1x16xi32>,
    %swap3A_84 = vector.shape_cast %swap3A_83 : vector<1x16xi32> to vector<16xi32>
    %swap3A_85 = vector.shape_cast %add3A_79 : vector<16xi32> to vector<1x16xi32>
    tpu.vector_store %arg8[%swap3A_81, %swap3A_82], %swap3A_85 {strides = array<i32>} : memref<3x112xi32, #tpu.memory_space<vmem>>, vector<1x16xi32>,
    %get3A_86 = arith.constant 0 : i32
    %get3A_87 = arith.index_cast %get3A_86 : i32 to index
    %get3A_88 = arith.constant 80 : index
    %get3A_89 = tpu.vector_load %arg8[%get3A_87, %get3A_88] {strides = array<i32>} : memref<3x112xi32, #tpu.memory_space<vmem>>, vector<1x16xi32>,
    %get3A_90 = vector.shape_cast %get3A_89 : vector<1x16xi32> to vector<16xi32>
    %mul3A_91 = arith.constant 2 : i32
    %mul3A_92 = vector.broadcast %mul3A_91 : i32 to vector<16xi32>
    %mul3A_93 = arith.muli %get3A_90, %mul3A_92 : vector<16xi32>
    %add3A_94 = vector.broadcast %add3A_1 : i32 to vector<16xi32>
    %add3A_95 = arith.addi %mul3A_93, %add3A_94 : vector<16xi32>
    %swap3A_96 = arith.constant 0 : i32
    %swap3A_97 = arith.index_cast %swap3A_96 : i32 to index
    %swap3A_98 = arith.constant 80 : index
    %swap3A_99 = tpu.vector_load %arg8[%swap3A_97, %swap3A_98] {strides = array<i32>} : memref<3x112xi32, #tpu.memory_space<vmem>>, vector<1x16xi32>,
    %swap3A_100 = vector.shape_cast %swap3A_99 : vector<1x16xi32> to vector<16xi32>
    %swap3A_101 = vector.shape_cast %add3A_95 : vector<16xi32> to vector<1x16xi32>
    tpu.vector_store %arg8[%swap3A_97, %swap3A_98], %swap3A_101 {strides = array<i32>} : memref<3x112xi32, #tpu.memory_space<vmem>>, vector<1x16xi32>,
    %get3A_102 = arith.constant 0 : i32
    %get3A_103 = arith.index_cast %get3A_102 : i32 to index
    %get3A_104 = arith.constant 96 : index
    %get3A_105 = tpu.vector_load %arg8[%get3A_103, %get3A_104] {strides = array<i32>} : memref<3x112xi32, #tpu.memory_space<vmem>>, vector<1x16xi32>,
    %get3A_106 = vector.shape_cast %get3A_105 : vector<1x16xi32> to vector<16xi32>
    %mul3A_107 = arith.constant 2 : i32
    %mul3A_108 = vector.broadcast %mul3A_107 : i32 to vector<16xi32>
    %mul3A_109 = arith.muli %get3A_106, %mul3A_108 : vector<16xi32>
    %add3A_110 = vector.broadcast %add3A_1 : i32 to vector<16xi32>
    %add3A_111 = arith.addi %mul3A_109, %add3A_110 : vector<16xi32>
    %swap3A_112 = arith.constant 0 : i32
    %swap3A_113 = arith.index_cast %swap3A_112 : i32 to index
    %swap3A_114 = arith.constant 96 : index
    %swap3A_115 = tpu.vector_load %arg8[%swap3A_113, %swap3A_114] {strides = array<i32>} : memref<3x112xi32, #tpu.memory_space<vmem>>, vector<1x16xi32>,
    %swap3A_116 = vector.shape_cast %swap3A_115 : vector<1x16xi32> to vector<16xi32>
    %swap3A_117 = vector.shape_cast %add3A_111 : vector<16xi32> to vector<1x16xi32>
    tpu.vector_store %arg8[%swap3A_113, %swap3A_114], %swap3A_117 {strides = array<i32>} : memref<3x112xi32, #tpu.memory_space<vmem>>, vector<1x16xi32>,
    %mul3A_118 = arith.constant 90 : i32
    %mul3A_119 = arith.muli %arg1, %mul3A_118 : i32
    %add3A_120 = arith.constant 0 : i32
    %add3A_121 = arith.addi %mul3A_119, %add3A_120 : i32
    %dma_start3A = arith.constant 0 : i32
    %dma_start3A_122 = arith.constant 0 : i32
    %dma_start3A_123 = tpu.memref_slice %arg9[%dma_start3A, %dma_start3A_122] : memref<3x112xi32, #tpu.memory_space<vmem>> -> memref<1x112xi32, #tpu.memory_space<vmem>>
    %dma_start3A_124 = tpu.memref_squeeze %dma_start3A_123 : memref<1x112xi32, #tpu.memory_space<vmem>> -> memref<112xi32, #tpu.memory_space<vmem>>
    %dma_start3A_125 = arith.constant 0 : i32
    %dma_start3A_126 = tpu.memref_slice %arg4[%add3A_121, %dma_start3A_125] : memref<1440x112xi32, #tpu.memory_space<hbm>> -> memref<1x112xi32, #tpu.memory_space<hbm>>
    %dma_start3A_127 = tpu.memref_squeeze %dma_start3A_126 : memref<1x112xi32, #tpu.memory_space<hbm>> -> memref<112xi32, #tpu.memory_space<hbm>>
    %dma_start3A_128 = arith.constant 0 : i32
    %dma_start3A_129 = tpu.memref_slice %arg9[%dma_start3A, %dma_start3A_128] : memref<3x112xi32, #tpu.memory_space<vmem>> -> memref<1x112xi32, #tpu.memory_space<vmem>>
    %dma_start3A_130 = tpu.memref_squeeze %dma_start3A_129 : memref<1x112xi32, #tpu.memory_space<vmem>> -> memref<112xi32, #tpu.memory_space<vmem>>
    %dma_start3A_131 = arith.constant 0 : i32
    %dma_start3A_132 = tpu.memref_slice %arg4[%add3A_121, %dma_start3A_131] : memref<1440x112xi32, #tpu.memory_space<hbm>> -> memref<1x112xi32, #tpu.memory_space<hbm>>
    %dma_start3A_133 = tpu.memref_squeeze %dma_start3A_132 : memref<1x112xi32, #tpu.memory_space<hbm>> -> memref<112xi32, #tpu.memory_space<hbm>>
    tpu.enqueue_dma source(%dma_start3A_133 : memref<112xi32, #tpu.memory_space<hbm>>) target(%dma_start3A_130 : memref<112xi32, #tpu.memory_space<vmem>>) target_semaphore(%arg14 : memref<!tpu.dma_semaphore, #tpu.memory_space<semaphore_mem>>)
    %dma_start3A_134 = arith.constant 0 : i32
    %dma_start3A_135 = arith.constant 0 : i32
    %dma_start3A_136 = arith.constant 0 : i32
    %dma_start3A_137 = arith.constant 0 : i32
    %dma_start3A_138 = tpu.memref_slice %arg10[%dma_start3A_135, %dma_start3A_136, %dma_start3A_137] : memref<3x112x128xf32, #tpu.memory_space<vmem>> -> memref<1x112x128xf32, #tpu.memory_space<vmem>>
    %dma_start3A_139 = tpu.memref_squeeze %dma_start3A_138 : memref<1x112x128xf32, #tpu.memory_space<vmem>> -> memref<112x128xf32, #tpu.memory_space<vmem>>
    %dma_start3A_140 = arith.constant 0 : i32
    %dma_start3A_141 = tpu.memref_slice %arg8[%dma_start3A_134, %dma_start3A_140] : memref<3x112xi32, #tpu.memory_space<vmem>> -> memref<1x112xi32, #tpu.memory_space<vmem>>
    %dma_start3A_142 = tpu.memref_squeeze %dma_start3A_141 : memref<1x112xi32, #tpu.memory_space<vmem>> -> memref<112xi32, #tpu.memory_space<vmem>>
    %dma_start3A_143 = arith.constant 0 : i32
    %dma_start3A_144 = arith.constant 0 : i32
    %dma_start3A_145 = tpu.memref_slice %arg2[%dma_start3A_143, %dma_start3A_144] : memref<20000x128xf32, #tpu.memory_space<hbm>> -> memref<20000x128xf32, #tpu.memory_space<hbm>>
    tpu.enqueue_indirect_dma source(%dma_start3A_145 : memref<20000x128xf32, #tpu.memory_space<hbm>>) target(%dma_start3A_139 : memref<112x128xf32, #tpu.memory_space<vmem>>) offsets(%dma_start3A_142 : memref<112xi32, #tpu.memory_space<vmem>>) semaphore(%arg11 : memref<!tpu.dma_semaphore, #tpu.memory_space<semaphore_mem>>)
    %mul3A_146 = arith.constant 90 : i32
    %mul3A_147 = arith.muli %arg1, %mul3A_146 : i32
    %add3A_148 = arith.constant 1 : i32
    %add3A_149 = arith.addi %mul3A_147, %add3A_148 : i32
    %run_scoped3A_150 = arith.constant 1 : i32
    "tpu.region"() ({
      %run_scoped3A_448 = tpu.sem_alloc : memref<!tpu.dma_semaphore, #tpu.memory_space<semaphore_mem>>
      %dma_start3A_449 = arith.constant 0 : i32
      %dma_start3A_450 = tpu.memref_slice %arg8[%run_scoped3A_150, %dma_start3A_449] : memref<3x112xi32, #tpu.memory_space<vmem>> -> memref<1x112xi32, #tpu.memory_space<vmem>>
      %dma_start3A_451 = tpu.memref_squeeze %dma_start3A_450 : memref<1x112xi32, #tpu.memory_space<vmem>> -> memref<112xi32, #tpu.memory_space<vmem>>
      %dma_start3A_452 = arith.constant 0 : i32
      %dma_start3A_453 = tpu.memref_slice %arg3[%add3A_149, %dma_start3A_452] : memref<1440x112xi32, #tpu.memory_space<hbm>> -> memref<1x112xi32, #tpu.memory_space<hbm>>
      %dma_start3A_454 = tpu.memref_squeeze %dma_start3A_453 : memref<1x112xi32, #tpu.memory_space<hbm>> -> memref<112xi32, #tpu.memory_space<hbm>>
      %dma_start3A_455 = arith.constant 0 : i32
      %dma_start3A_456 = tpu.memref_slice %arg8[%run_scoped3A_150, %dma_start3A_455] : memref<3x112xi32, #tpu.memory_space<vmem>> -> memref<1x112xi32, #tpu.memory_space<vmem>>
      %dma_start3A_457 = tpu.memref_squeeze %dma_start3A_456 : memref<1x112xi32, #tpu.memory_space<vmem>> -> memref<112xi32, #tpu.memory_space<vmem>>
      %dma_start3A_458 = arith.constant 0 : i32
      %dma_start3A_459 = tpu.memref_slice %arg3[%add3A_149, %dma_start3A_458] : memref<1440x112xi32, #tpu.memory_space<hbm>> -> memref<1x112xi32, #tpu.memory_space<hbm>>
      %dma_start3A_460 = tpu.memref_squeeze %dma_start3A_459 : memref<1x112xi32, #tpu.memory_space<hbm>> -> memref<112xi32, #tpu.memory_space<hbm>>
      tpu.enqueue_dma source(%dma_start3A_460 : memref<112xi32, #tpu.memory_space<hbm>>) target(%dma_start3A_457 : memref<112xi32, #tpu.memory_space<vmem>>) target_semaphore(%run_scoped3A_448 : memref<!tpu.dma_semaphore, #tpu.memory_space<semaphore_mem>>)
      %dma_wait3A = arith.constant 0 : i32
      %dma_wait3A_461 = tpu.memref_slice %arg8[%run_scoped3A_150, %dma_wait3A] : memref<3x112xi32, #tpu.memory_space<vmem>> -> memref<1x112xi32, #tpu.memory_space<vmem>>
      %dma_wait3A_462 = tpu.memref_squeeze %dma_wait3A_461 : memref<1x112xi32, #tpu.memory_space<vmem>> -> memref<112xi32, #tpu.memory_space<vmem>>
      %dma_wait3A_463 = arith.constant 0 : i32
      %dma_wait3A_464 = tpu.memref_slice %arg3[%add3A_149, %dma_wait3A_463] : memref<1440x112xi32, #tpu.memory_space<hbm>> -> memref<1x112xi32, #tpu.memory_space<hbm>>
      %dma_wait3A_465 = tpu.memref_squeeze %dma_wait3A_464 : memref<1x112xi32, #tpu.memory_space<hbm>> -> memref<112xi32, #tpu.memory_space<hbm>>
      %dma_wait3A_466 = arith.constant 0 : i32
      %dma_wait3A_467 = tpu.memref_slice %arg8[%run_scoped3A_150, %dma_wait3A_466] : memref<3x112xi32, #tpu.memory_space<vmem>> -> memref<1x112xi32, #tpu.memory_space<vmem>>
      %dma_wait3A_468 = tpu.memref_squeeze %dma_wait3A_467 : memref<1x112xi32, #tpu.memory_space<vmem>> -> memref<112xi32, #tpu.memory_space<vmem>>
      %dma_wait3A_469 = arith.constant 0 : i32
      %dma_wait3A_470 = tpu.memref_slice %arg3[%add3A_149, %dma_wait3A_469] : memref<1440x112xi32, #tpu.memory_space<hbm>> -> memref<1x112xi32, #tpu.memory_space<hbm>>
      %dma_wait3A_471 = tpu.memref_squeeze %dma_wait3A_470 : memref<1x112xi32, #tpu.memory_space<hbm>> -> memref<112xi32, #tpu.memory_space<hbm>>
      tpu.wait_dma2 semaphore(%run_scoped3A_448 : memref<!tpu.dma_semaphore, #tpu.memory_space<semaphore_mem>>) src(%dma_wait3A_471 : memref<112xi32, #tpu.memory_space<hbm>>) dst(%dma_wait3A_468 : memref<112xi32, #tpu.memory_space<vmem>>)
      tpu.yield
    }) : () -> ()
    %get3A_151 = arith.constant 1 : i32
    %get3A_152 = arith.index_cast %get3A_151 : i32 to index
    %get3A_153 = arith.constant 0 : index
    %get3A_154 = tpu.vector_load %arg8[%get3A_152, %get3A_153] {strides = array<i32>} : memref<3x112xi32, #tpu.memory_space<vmem>>, vector<1x16xi32>,
    %get3A_155 = vector.shape_cast %get3A_154 : vector<1x16xi32> to vector<16xi32>
    %mul3A_156 = arith.constant 2 : i32
    %mul3A_157 = vector.broadcast %mul3A_156 : i32 to vector<16xi32>
    %mul3A_158 = arith.muli %get3A_155, %mul3A_157 : vector<16xi32>
    %add3A_159 = vector.broadcast %add3A_1 : i32 to vector<16xi32>
    %add3A_160 = arith.addi %mul3A_158, %add3A_159 : vector<16xi32>
    %swap3A_161 = arith.constant 1 : i32
    %swap3A_162 = arith.index_cast %swap3A_161 : i32 to index
    %swap3A_163 = arith.constant 0 : index
    %swap3A_164 = tpu.vector_load %arg8[%swap3A_162, %swap3A_163] {strides = array<i32>} : memref<3x112xi32, #tpu.memory_space<vmem>>, vector<1x16xi32>,
    %swap3A_165 = vector.shape_cast %swap3A_164 : vector<1x16xi32> to vector<16xi32>
    %swap3A_166 = vector.shape_cast %add3A_160 : vector<16xi32> to vector<1x16xi32>
    tpu.vector_store %arg8[%swap3A_162, %swap3A_163], %swap3A_166 {strides = array<i32>} : memref<3x112xi32, #tpu.memory_space<vmem>>, vector<1x16xi32>,
    %get3A_167 = arith.constant 1 : i32
    %get3A_168 = arith.index_cast %get3A_167 : i32 to index
    %get3A_169 = arith.constant 16 : index
    %get3A_170 = tpu.vector_load %arg8[%get3A_168, %get3A_169] {strides = array<i32>} : memref<3x112xi32, #tpu.memory_space<vmem>>, vector<1x16xi32>,
    %get3A_171 = vector.shape_cast %get3A_170 : vector<1x16xi32> to vector<16xi32>
    %mul3A_172 = arith.constant 2 : i32
    %mul3A_173 = vector.broadcast %mul3A_172 : i32 to vector<16xi32>
    %mul3A_174 = arith.muli %get3A_171, %mul3A_173 : vector<16xi32>
    %add3A_175 = vector.broadcast %add3A_1 : i32 to vector<16xi32>
    %add3A_176 = arith.addi %mul3A_174, %add3A_175 : vector<16xi32>
    %swap3A_177 = arith.constant 1 : i32
    %swap3A_178 = arith.index_cast %swap3A_177 : i32 to index
    %swap3A_179 = arith.constant 16 : index
    %swap3A_180 = tpu.vector_load %arg8[%swap3A_178, %swap3A_179] {strides = array<i32>} : memref<3x112xi32, #tpu.memory_space<vmem>>, vector<1x16xi32>,
    %swap3A_181 = vector.shape_cast %swap3A_180 : vector<1x16xi32> to vector<16xi32>
    %swap3A_182 = vector.shape_cast %add3A_176 : vector<16xi32> to vector<1x16xi32>
    tpu.vector_store %arg8[%swap3A_178, %swap3A_179], %swap3A_182 {strides = array<i32>} : memref<3x112xi32, #tpu.memory_space<vmem>>, vector<1x16xi32>,
    %get3A_183 = arith.constant 1 : i32
    %get3A_184 = arith.index_cast %get3A_183 : i32 to index
    %get3A_185 = arith.constant 32 : index
    %get3A_186 = tpu.vector_load %arg8[%get3A_184, %get3A_185] {strides = array<i32>} : memref<3x112xi32, #tpu.memory_space<vmem>>, vector<1x16xi32>,
    %get3A_187 = vector.shape_cast %get3A_186 : vector<1x16xi32> to vector<16xi32>
    %mul3A_188 = arith.constant 2 : i32
    %mul3A_189 = vector.broadcast %mul3A_188 : i32 to vector<16xi32>
    %mul3A_190 = arith.muli %get3A_187, %mul3A_189 : vector<16xi32>
    %add3A_191 = vector.broadcast %add3A_1 : i32 to vector<16xi32>
    %add3A_192 = arith.addi %mul3A_190, %add3A_191 : vector<16xi32>
    %swap3A_193 = arith.constant 1 : i32
    %swap3A_194 = arith.index_cast %swap3A_193 : i32 to index
    %swap3A_195 = arith.constant 32 : index
    %swap3A_196 = tpu.vector_load %arg8[%swap3A_194, %swap3A_195] {strides = array<i32>} : memref<3x112xi32, #tpu.memory_space<vmem>>, vector<1x16xi32>,
    %swap3A_197 = vector.shape_cast %swap3A_196 : vector<1x16xi32> to vector<16xi32>
    %swap3A_198 = vector.shape_cast %add3A_192 : vector<16xi32> to vector<1x16xi32>
    tpu.vector_store %arg8[%swap3A_194, %swap3A_195], %swap3A_198 {strides = array<i32>} : memref<3x112xi32, #tpu.memory_space<vmem>>, vector<1x16xi32>,
    %get3A_199 = arith.constant 1 : i32
    %get3A_200 = arith.index_cast %get3A_199 : i32 to index
    %get3A_201 = arith.constant 48 : index
    %get3A_202 = tpu.vector_load %arg8[%get3A_200, %get3A_201] {strides = array<i32>} : memref<3x112xi32, #tpu.memory_space<vmem>>, vector<1x16xi32>,
    %get3A_203 = vector.shape_cast %get3A_202 : vector<1x16xi32> to vector<16xi32>
    %mul3A_204 = arith.constant 2 : i32
    %mul3A_205 = vector.broadcast %mul3A_204 : i32 to vector<16xi32>
    %mul3A_206 = arith.muli %get3A_203, %mul3A_205 : vector<16xi32>
    %add3A_207 = vector.broadcast %add3A_1 : i32 to vector<16xi32>
    %add3A_208 = arith.addi %mul3A_206, %add3A_207 : vector<16xi32>
    %swap3A_209 = arith.constant 1 : i32
    %swap3A_210 = arith.index_cast %swap3A_209 : i32 to index
    %swap3A_211 = arith.constant 48 : index
    %swap3A_212 = tpu.vector_load %arg8[%swap3A_210, %swap3A_211] {strides = array<i32>} : memref<3x112xi32, #tpu.memory_space<vmem>>, vector<1x16xi32>,
    %swap3A_213 = vector.shape_cast %swap3A_212 : vector<1x16xi32> to vector<16xi32>
    %swap3A_214 = vector.shape_cast %add3A_208 : vector<16xi32> to vector<1x16xi32>
    tpu.vector_store %arg8[%swap3A_210, %swap3A_211], %swap3A_214 {strides = array<i32>} : memref<3x112xi32, #tpu.memory_space<vmem>>, vector<1x16xi32>,
    %get3A_215 = arith.constant 1 : i32
    %get3A_216 = arith.index_cast %get3A_215 : i32 to index
    %get3A_217 = arith.constant 64 : index
    %get3A_218 = tpu.vector_load %arg8[%get3A_216, %get3A_217] {strides = array<i32>} : memref<3x112xi32, #tpu.memory_space<vmem>>, vector<1x16xi32>,
    %get3A_219 = vector.shape_cast %get3A_218 : vector<1x16xi32> to vector<16xi32>
    %mul3A_220 = arith.constant 2 : i32
    %mul3A_221 = vector.broadcast %mul3A_220 : i32 to vector<16xi32>
    %mul3A_222 = arith.muli %get3A_219, %mul3A_221 : vector<16xi32>
    %add3A_223 = vector.broadcast %add3A_1 : i32 to vector<16xi32>
    %add3A_224 = arith.addi %mul3A_222, %add3A_223 : vector<16xi32>
    %swap3A_225 = arith.constant 1 : i32
    %swap3A_226 = arith.index_cast %swap3A_225 : i32 to index
    %swap3A_227 = arith.constant 64 : index
    %swap3A_228 = tpu.vector_load %arg8[%swap3A_226, %swap3A_227] {strides = array<i32>} : memref<3x112xi32, #tpu.memory_space<vmem>>, vector<1x16xi32>,
    %swap3A_229 = vector.shape_cast %swap3A_228 : vector<1x16xi32> to vector<16xi32>
    %swap3A_230 = vector.shape_cast %add3A_224 : vector<16xi32> to vector<1x16xi32>
    tpu.vector_store %arg8[%swap3A_226, %swap3A_227], %swap3A_230 {strides = array<i32>} : memref<3x112xi32, #tpu.memory_space<vmem>>, vector<1x16xi32>,
    %get3A_231 = arith.constant 1 : i32
    %get3A_232 = arith.index_cast %get3A_231 : i32 to index
    %get3A_233 = arith.constant 80 : index
    %get3A_234 = tpu.vector_load %arg8[%get3A_232, %get3A_233] {strides = array<i32>} : memref<3x112xi32, #tpu.memory_space<vmem>>, vector<1x16xi32>,
    %get3A_235 = vector.shape_cast %get3A_234 : vector<1x16xi32> to vector<16xi32>
    %mul3A_236 = arith.constant 2 : i32
    %mul3A_237 = vector.broadcast %mul3A_236 : i32 to vector<16xi32>
    %mul3A_238 = arith.muli %get3A_235, %mul3A_237 : vector<16xi32>
    %add3A_239 = vector.broadcast %add3A_1 : i32 to vector<16xi32>
    %add3A_240 = arith.addi %mul3A_238, %add3A_239 : vector<16xi32>
    %swap3A_241 = arith.constant 1 : i32
    %swap3A_242 = arith.index_cast %swap3A_241 : i32 to index
    %swap3A_243 = arith.constant 80 : index
    %swap3A_244 = tpu.vector_load %arg8[%swap3A_242, %swap3A_243] {strides = array<i32>} : memref<3x112xi32, #tpu.memory_space<vmem>>, vector<1x16xi32>,
    %swap3A_245 = vector.shape_cast %swap3A_244 : vector<1x16xi32> to vector<16xi32>
    %swap3A_246 = vector.shape_cast %add3A_240 : vector<16xi32> to vector<1x16xi32>
    tpu.vector_store %arg8[%swap3A_242, %swap3A_243], %swap3A_246 {strides = array<i32>} : memref<3x112xi32, #tpu.memory_space<vmem>>, vector<1x16xi32>,
    %get3A_247 = arith.constant 1 : i32
    %get3A_248 = arith.index_cast %get3A_247 : i32 to index
    %get3A_249 = arith.constant 96 : index
    %get3A_250 = tpu.vector_load %arg8[%get3A_248, %get3A_249] {strides = array<i32>} : memref<3x112xi32, #tpu.memory_space<vmem>>, vector<1x16xi32>,
    %get3A_251 = vector.shape_cast %get3A_250 : vector<1x16xi32> to vector<16xi32>
    %mul3A_252 = arith.constant 2 : i32
    %mul3A_253 = vector.broadcast %mul3A_252 : i32 to vector<16xi32>
    %mul3A_254 = arith.muli %get3A_251, %mul3A_253 : vector<16xi32>
    %add3A_255 = vector.broadcast %add3A_1 : i32 to vector<16xi32>
    %add3A_256 = arith.addi %mul3A_254, %add3A_255 : vector<16xi32>
    %swap3A_257 = arith.constant 1 : i32
    %swap3A_258 = arith.index_cast %swap3A_257 : i32 to index
    %swap3A_259 = arith.constant 96 : index
    %swap3A_260 = tpu.vector_load %arg8[%swap3A_258, %swap3A_259] {strides = array<i32>} : memref<3x112xi32, #tpu.memory_space<vmem>>, vector<1x16xi32>,
    %swap3A_261 = vector.shape_cast %swap3A_260 : vector<1x16xi32> to vector<16xi32>
    %swap3A_262 = vector.shape_cast %add3A_256 : vector<16xi32> to vector<1x16xi32>
    tpu.vector_store %arg8[%swap3A_258, %swap3A_259], %swap3A_262 {strides = array<i32>} : memref<3x112xi32, #tpu.memory_space<vmem>>, vector<1x16xi32>,
    %mul3A_263 = arith.constant 90 : i32
    %mul3A_264 = arith.muli %arg1, %mul3A_263 : i32
    %add3A_265 = arith.constant 1 : i32
    %add3A_266 = arith.addi %mul3A_264, %add3A_265 : i32
    %dma_start3A_267 = arith.constant 1 : i32
    %dma_start3A_268 = arith.constant 0 : i32
    %dma_start3A_269 = tpu.memref_slice %arg9[%dma_start3A_267, %dma_start3A_268] : memref<3x112xi32, #tpu.memory_space<vmem>> -> memref<1x112xi32, #tpu.memory_space<vmem>>
    %dma_start3A_270 = tpu.memref_squeeze %dma_start3A_269 : memref<1x112xi32, #tpu.memory_space<vmem>> -> memref<112xi32, #tpu.memory_space<vmem>>
    %dma_start3A_271 = arith.constant 0 : i32
    %dma_start3A_272 = tpu.memref_slice %arg4[%add3A_266, %dma_start3A_271] : memref<1440x112xi32, #tpu.memory_space<hbm>> -> memref<1x112xi32, #tpu.memory_space<hbm>>
    %dma_start3A_273 = tpu.memref_squeeze %dma_start3A_272 : memref<1x112xi32, #tpu.memory_space<hbm>> -> memref<112xi32, #tpu.memory_space<hbm>>
    %dma_start3A_274 = arith.constant 0 : i32
    %dma_start3A_275 = tpu.memref_slice %arg9[%dma_start3A_267, %dma_start3A_274] : memref<3x112xi32, #tpu.memory_space<vmem>> -> memref<1x112xi32, #tpu.memory_space<vmem>>
    %dma_start3A_276 = tpu.memref_squeeze %dma_start3A_275 : memref<1x112xi32, #tpu.memory_space<vmem>> -> memref<112xi32, #tpu.memory_space<vmem>>
    %dma_start3A_277 = arith.constant 0 : i32
    %dma_start3A_278 = tpu.memref_slice %arg4[%add3A_266, %dma_start3A_277] : memref<1440x112xi32, #tpu.memory_space<hbm>> -> memref<1x112xi32, #tpu.memory_space<hbm>>
    %dma_start3A_279 = tpu.memref_squeeze %dma_start3A_278 : memref<1x112xi32, #tpu.memory_space<hbm>> -> memref<112xi32, #tpu.memory_space<hbm>>
    tpu.enqueue_dma source(%dma_start3A_279 : memref<112xi32, #tpu.memory_space<hbm>>) target(%dma_start3A_276 : memref<112xi32, #tpu.memory_space<vmem>>) target_semaphore(%arg15 : memref<!tpu.dma_semaphore, #tpu.memory_space<semaphore_mem>>)
    %dma_start3A_280 = arith.constant 1 : i32
    %dma_start3A_281 = arith.constant 1 : i32
    %dma_start3A_282 = arith.constant 0 : i32
    %dma_start3A_283 = arith.constant 0 : i32
    %dma_start3A_284 = tpu.memref_slice %arg10[%dma_start3A_281, %dma_start3A_282, %dma_start3A_283] : memref<3x112x128xf32, #tpu.memory_space<vmem>> -> memref<1x112x128xf32, #tpu.memory_space<vmem>>
    %dma_start3A_285 = tpu.memref_squeeze %dma_start3A_284 : memref<1x112x128xf32, #tpu.memory_space<vmem>> -> memref<112x128xf32, #tpu.memory_space<vmem>>
    %dma_start3A_286 = arith.constant 0 : i32
    %dma_start3A_287 = tpu.memref_slice %arg8[%dma_start3A_280, %dma_start3A_286] : memref<3x112xi32, #tpu.memory_space<vmem>> -> memref<1x112xi32, #tpu.memory_space<vmem>>
    %dma_start3A_288 = tpu.memref_squeeze %dma_start3A_287 : memref<1x112xi32, #tpu.memory_space<vmem>> -> memref<112xi32, #tpu.memory_space<vmem>>
    %dma_start3A_289 = arith.constant 0 : i32
    %dma_start3A_290 = arith.constant 0 : i32
    %dma_start3A_291 = tpu.memref_slice %arg2[%dma_start3A_289, %dma_start3A_290] : memref<20000x128xf32, #tpu.memory_space<hbm>> -> memref<20000x128xf32, #tpu.memory_space<hbm>>
    tpu.enqueue_indirect_dma source(%dma_start3A_291 : memref<20000x128xf32, #tpu.memory_space<hbm>>) target(%dma_start3A_285 : memref<112x128xf32, #tpu.memory_space<vmem>>) offsets(%dma_start3A_288 : memref<112xi32, #tpu.memory_space<vmem>>) semaphore(%arg12 : memref<!tpu.dma_semaphore, #tpu.memory_space<semaphore_mem>>)
    %mul3A_292 = arith.constant 90 : i32
    %mul3A_293 = arith.muli %arg1, %mul3A_292 : i32
    %add3A_294 = arith.constant 2 : i32
    %add3A_295 = arith.addi %mul3A_293, %add3A_294 : i32
    %run_scoped3A_296 = arith.constant 2 : i32
    "tpu.region"() ({
      %run_scoped3A_448 = tpu.sem_alloc : memref<!tpu.dma_semaphore, #tpu.memory_space<semaphore_mem>>
      %dma_start3A_449 = arith.constant 0 : i32
      %dma_start3A_450 = tpu.memref_slice %arg8[%run_scoped3A_296, %dma_start3A_449] : memref<3x112xi32, #tpu.memory_space<vmem>> -> memref<1x112xi32, #tpu.memory_space<vmem>>
      %dma_start3A_451 = tpu.memref_squeeze %dma_start3A_450 : memref<1x112xi32, #tpu.memory_space<vmem>> -> memref<112xi32, #tpu.memory_space<vmem>>
      %dma_start3A_452 = arith.constant 0 : i32
      %dma_start3A_453 = tpu.memref_slice %arg3[%add3A_295, %dma_start3A_452] : memref<1440x112xi32, #tpu.memory_space<hbm>> -> memref<1x112xi32, #tpu.memory_space<hbm>>
      %dma_start3A_454 = tpu.memref_squeeze %dma_start3A_453 : memref<1x112xi32, #tpu.memory_space<hbm>> -> memref<112xi32, #tpu.memory_space<hbm>>
      %dma_start3A_455 = arith.constant 0 : i32
      %dma_start3A_456 = tpu.memref_slice %arg8[%run_scoped3A_296, %dma_start3A_455] : memref<3x112xi32, #tpu.memory_space<vmem>> -> memref<1x112xi32, #tpu.memory_space<vmem>>
      %dma_start3A_457 = tpu.memref_squeeze %dma_start3A_456 : memref<1x112xi32, #tpu.memory_space<vmem>> -> memref<112xi32, #tpu.memory_space<vmem>>
      %dma_start3A_458 = arith.constant 0 : i32
      %dma_start3A_459 = tpu.memref_slice %arg3[%add3A_295, %dma_start3A_458] : memref<1440x112xi32, #tpu.memory_space<hbm>> -> memref<1x112xi32, #tpu.memory_space<hbm>>
      %dma_start3A_460 = tpu.memref_squeeze %dma_start3A_459 : memref<1x112xi32, #tpu.memory_space<hbm>> -> memref<112xi32, #tpu.memory_space<hbm>>
      tpu.enqueue_dma source(%dma_start3A_460 : memref<112xi32, #tpu.memory_space<hbm>>) target(%dma_start3A_457 : memref<112xi32, #tpu.memory_space<vmem>>) target_semaphore(%run_scoped3A_448 : memref<!tpu.dma_semaphore, #tpu.memory_space<semaphore_mem>>)
      %dma_wait3A = arith.constant 0 : i32
      %dma_wait3A_461 = tpu.memref_slice %arg8[%run_scoped3A_296, %dma_wait3A] : memref<3x112xi32, #tpu.memory_space<vmem>> -> memref<1x112xi32, #tpu.memory_space<vmem>>
      %dma_wait3A_462 = tpu.memref_squeeze %dma_wait3A_461 : memref<1x112xi32, #tpu.memory_space<vmem>> -> memref<112xi32, #tpu.memory_space<vmem>>
      %dma_wait3A_463 = arith.constant 0 : i32
      %dma_wait3A_464 = tpu.memref_slice %arg3[%add3A_295, %dma_wait3A_463] : memref<1440x112xi32, #tpu.memory_space<hbm>> -> memref<1x112xi32, #tpu.memory_space<hbm>>
      %dma_wait3A_465 = tpu.memref_squeeze %dma_wait3A_464 : memref<1x112xi32, #tpu.memory_space<hbm>> -> memref<112xi32, #tpu.memory_space<hbm>>
      %dma_wait3A_466 = arith.constant 0 : i32
      %dma_wait3A_467 = tpu.memref_slice %arg8[%run_scoped3A_296, %dma_wait3A_466] : memref<3x112xi32, #tpu.memory_space<vmem>> -> memref<1x112xi32, #tpu.memory_space<vmem>>
      %dma_wait3A_468 = tpu.memref_squeeze %dma_wait3A_467 : memref<1x112xi32, #tpu.memory_space<vmem>> -> memref<112xi32, #tpu.memory_space<vmem>>
      %dma_wait3A_469 = arith.constant 0 : i32
      %dma_wait3A_470 = tpu.memref_slice %arg3[%add3A_295, %dma_wait3A_469] : memref<1440x112xi32, #tpu.memory_space<hbm>> -> memref<1x112xi32, #tpu.memory_space<hbm>>
      %dma_wait3A_471 = tpu.memref_squeeze %dma_wait3A_470 : memref<1x112xi32, #tpu.memory_space<hbm>> -> memref<112xi32, #tpu.memory_space<hbm>>
      tpu.wait_dma2 semaphore(%run_scoped3A_448 : memref<!tpu.dma_semaphore, #tpu.memory_space<semaphore_mem>>) src(%dma_wait3A_471 : memref<112xi32, #tpu.memory_space<hbm>>) dst(%dma_wait3A_468 : memref<112xi32, #tpu.memory_space<vmem>>)
      tpu.yield
    }) : () -> ()
    %get3A_297 = arith.constant 2 : i32
    %get3A_298 = arith.index_cast %get3A_297 : i32 to index
    %get3A_299 = arith.constant 0 : index
    %get3A_300 = tpu.vector_load %arg8[%get3A_298, %get3A_299] {strides = array<i32>} : memref<3x112xi32, #tpu.memory_space<vmem>>, vector<1x16xi32>,
    %get3A_301 = vector.shape_cast %get3A_300 : vector<1x16xi32> to vector<16xi32>
    %mul3A_302 = arith.constant 2 : i32
    %mul3A_303 = vector.broadcast %mul3A_302 : i32 to vector<16xi32>
    %mul3A_304 = arith.muli %get3A_301, %mul3A_303 : vector<16xi32>
    %add3A_305 = vector.broadcast %add3A_1 : i32 to vector<16xi32>
    %add3A_306 = arith.addi %mul3A_304, %add3A_305 : vector<16xi32>
    %swap3A_307 = arith.constant 2 : i32
    %swap3A_308 = arith.index_cast %swap3A_307 : i32 to index
    %swap3A_309 = arith.constant 0 : index
    %swap3A_310 = tpu.vector_load %arg8[%swap3A_308, %swap3A_309] {strides = array<i32>} : memref<3x112xi32, #tpu.memory_space<vmem>>, vector<1x16xi32>,
    %swap3A_311 = vector.shape_cast %swap3A_310 : vector<1x16xi32> to vector<16xi32>
    %swap3A_312 = vector.shape_cast %add3A_306 : vector<16xi32> to vector<1x16xi32>
    tpu.vector_store %arg8[%swap3A_308, %swap3A_309], %swap3A_312 {strides = array<i32>} : memref<3x112xi32, #tpu.memory_space<vmem>>, vector<1x16xi32>,
    %get3A_313 = arith.constant 2 : i32
    %get3A_314 = arith.index_cast %get3A_313 : i32 to index
    %get3A_315 = arith.constant 16 : index
    %get3A_316 = tpu.vector_load %arg8[%get3A_314, %get3A_315] {strides = array<i32>} : memref<3x112xi32, #tpu.memory_space<vmem>>, vector<1x16xi32>,
    %get3A_317 = vector.shape_cast %get3A_316 : vector<1x16xi32> to vector<16xi32>
    %mul3A_318 = arith.constant 2 : i32
    %mul3A_319 = vector.broadcast %mul3A_318 : i32 to vector<16xi32>
    %mul3A_320 = arith.muli %get3A_317, %mul3A_319 : vector<16xi32>
    %add3A_321 = vector.broadcast %add3A_1 : i32 to vector<16xi32>
    %add3A_322 = arith.addi %mul3A_320, %add3A_321 : vector<16xi32>
    %swap3A_323 = arith.constant 2 : i32
    %swap3A_324 = arith.index_cast %swap3A_323 : i32 to index
    %swap3A_325 = arith.constant 16 : index
    %swap3A_326 = tpu.vector_load %arg8[%swap3A_324, %swap3A_325] {strides = array<i32>} : memref<3x112xi32, #tpu.memory_space<vmem>>, vector<1x16xi32>,
    %swap3A_327 = vector.shape_cast %swap3A_326 : vector<1x16xi32> to vector<16xi32>
    %swap3A_328 = vector.shape_cast %add3A_322 : vector<16xi32> to vector<1x16xi32>
    tpu.vector_store %arg8[%swap3A_324, %swap3A_325], %swap3A_328 {strides = array<i32>} : memref<3x112xi32, #tpu.memory_space<vmem>>, vector<1x16xi32>,
    %get3A_329 = arith.constant 2 : i32
    %get3A_330 = arith.index_cast %get3A_329 : i32 to index
    %get3A_331 = arith.constant 32 : index
    %get3A_332 = tpu.vector_load %arg8[%get3A_330, %get3A_331] {strides = array<i32>} : memref<3x112xi32, #tpu.memory_space<vmem>>, vector<1x16xi32>,
    %get3A_333 = vector.shape_cast %get3A_332 : vector<1x16xi32> to vector<16xi32>
    %mul3A_334 = arith.constant 2 : i32
    %mul3A_335 = vector.broadcast %mul3A_334 : i32 to vector<16xi32>
    %mul3A_336 = arith.muli %get3A_333, %mul3A_335 : vector<16xi32>
    %add3A_337 = vector.broadcast %add3A_1 : i32 to vector<16xi32>
    %add3A_338 = arith.addi %mul3A_336, %add3A_337 : vector<16xi32>
    %swap3A_339 = arith.constant 2 : i32
    %swap3A_340 = arith.index_cast %swap3A_339 : i32 to index
    %swap3A_341 = arith.constant 32 : index
    %swap3A_342 = tpu.vector_load %arg8[%swap3A_340, %swap3A_341] {strides = array<i32>} : memref<3x112xi32, #tpu.memory_space<vmem>>, vector<1x16xi32>,
    %swap3A_343 = vector.shape_cast %swap3A_342 : vector<1x16xi32> to vector<16xi32>
    %swap3A_344 = vector.shape_cast %add3A_338 : vector<16xi32> to vector<1x16xi32>
    tpu.vector_store %arg8[%swap3A_340, %swap3A_341], %swap3A_344 {strides = array<i32>} : memref<3x112xi32, #tpu.memory_space<vmem>>, vector<1x16xi32>,
    %get3A_345 = arith.constant 2 : i32
    %get3A_346 = arith.index_cast %get3A_345 : i32 to index
    %get3A_347 = arith.constant 48 : index
    %get3A_348 = tpu.vector_load %arg8[%get3A_346, %get3A_347] {strides = array<i32>} : memref<3x112xi32, #tpu.memory_space<vmem>>, vector<1x16xi32>,
    %get3A_349 = vector.shape_cast %get3A_348 : vector<1x16xi32> to vector<16xi32>
    %mul3A_350 = arith.constant 2 : i32
    %mul3A_351 = vector.broadcast %mul3A_350 : i32 to vector<16xi32>
    %mul3A_352 = arith.muli %get3A_349, %mul3A_351 : vector<16xi32>
    %add3A_353 = vector.broadcast %add3A_1 : i32 to vector<16xi32>
    %add3A_354 = arith.addi %mul3A_352, %add3A_353 : vector<16xi32>
    %swap3A_355 = arith.constant 2 : i32
    %swap3A_356 = arith.index_cast %swap3A_355 : i32 to index
    %swap3A_357 = arith.constant 48 : index
    %swap3A_358 = tpu.vector_load %arg8[%swap3A_356, %swap3A_357] {strides = array<i32>} : memref<3x112xi32, #tpu.memory_space<vmem>>, vector<1x16xi32>,
    %swap3A_359 = vector.shape_cast %swap3A_358 : vector<1x16xi32> to vector<16xi32>
    %swap3A_360 = vector.shape_cast %add3A_354 : vector<16xi32> to vector<1x16xi32>
    tpu.vector_store %arg8[%swap3A_356, %swap3A_357], %swap3A_360 {strides = array<i32>} : memref<3x112xi32, #tpu.memory_space<vmem>>, vector<1x16xi32>,
    %get3A_361 = arith.constant 2 : i32
    %get3A_362 = arith.index_cast %get3A_361 : i32 to index
    %get3A_363 = arith.constant 64 : index
    %get3A_364 = tpu.vector_load %arg8[%get3A_362, %get3A_363] {strides = array<i32>} : memref<3x112xi32, #tpu.memory_space<vmem>>, vector<1x16xi32>,
    %get3A_365 = vector.shape_cast %get3A_364 : vector<1x16xi32> to vector<16xi32>
    %mul3A_366 = arith.constant 2 : i32
    %mul3A_367 = vector.broadcast %mul3A_366 : i32 to vector<16xi32>
    %mul3A_368 = arith.muli %get3A_365, %mul3A_367 : vector<16xi32>
    %add3A_369 = vector.broadcast %add3A_1 : i32 to vector<16xi32>
    %add3A_370 = arith.addi %mul3A_368, %add3A_369 : vector<16xi32>
    %swap3A_371 = arith.constant 2 : i32
    %swap3A_372 = arith.index_cast %swap3A_371 : i32 to index
    %swap3A_373 = arith.constant 64 : index
    %swap3A_374 = tpu.vector_load %arg8[%swap3A_372, %swap3A_373] {strides = array<i32>} : memref<3x112xi32, #tpu.memory_space<vmem>>, vector<1x16xi32>,
    %swap3A_375 = vector.shape_cast %swap3A_374 : vector<1x16xi32> to vector<16xi32>
    %swap3A_376 = vector.shape_cast %add3A_370 : vector<16xi32> to vector<1x16xi32>
    tpu.vector_store %arg8[%swap3A_372, %swap3A_373], %swap3A_376 {strides = array<i32>} : memref<3x112xi32, #tpu.memory_space<vmem>>, vector<1x16xi32>,
    %get3A_377 = arith.constant 2 : i32
    %get3A_378 = arith.index_cast %get3A_377 : i32 to index
    %get3A_379 = arith.constant 80 : index
    %get3A_380 = tpu.vector_load %arg8[%get3A_378, %get3A_379] {strides = array<i32>} : memref<3x112xi32, #tpu.memory_space<vmem>>, vector<1x16xi32>,
    %get3A_381 = vector.shape_cast %get3A_380 : vector<1x16xi32> to vector<16xi32>
    %mul3A_382 = arith.constant 2 : i32
    %mul3A_383 = vector.broadcast %mul3A_382 : i32 to vector<16xi32>
    %mul3A_384 = arith.muli %get3A_381, %mul3A_383 : vector<16xi32>
    %add3A_385 = vector.broadcast %add3A_1 : i32 to vector<16xi32>
    %add3A_386 = arith.addi %mul3A_384, %add3A_385 : vector<16xi32>
    %swap3A_387 = arith.constant 2 : i32
    %swap3A_388 = arith.index_cast %swap3A_387 : i32 to index
    %swap3A_389 = arith.constant 80 : index
    %swap3A_390 = tpu.vector_load %arg8[%swap3A_388, %swap3A_389] {strides = array<i32>} : memref<3x112xi32, #tpu.memory_space<vmem>>, vector<1x16xi32>,
    %swap3A_391 = vector.shape_cast %swap3A_390 : vector<1x16xi32> to vector<16xi32>
    %swap3A_392 = vector.shape_cast %add3A_386 : vector<16xi32> to vector<1x16xi32>
    tpu.vector_store %arg8[%swap3A_388, %swap3A_389], %swap3A_392 {strides = array<i32>} : memref<3x112xi32, #tpu.memory_space<vmem>>, vector<1x16xi32>,
    %get3A_393 = arith.constant 2 : i32
    %get3A_394 = arith.index_cast %get3A_393 : i32 to index
    %get3A_395 = arith.constant 96 : index
    %get3A_396 = tpu.vector_load %arg8[%get3A_394, %get3A_395] {strides = array<i32>} : memref<3x112xi32, #tpu.memory_space<vmem>>, vector<1x16xi32>,
    %get3A_397 = vector.shape_cast %get3A_396 : vector<1x16xi32> to vector<16xi32>
    %mul3A_398 = arith.constant 2 : i32
    %mul3A_399 = vector.broadcast %mul3A_398 : i32 to vector<16xi32>
    %mul3A_400 = arith.muli %get3A_397, %mul3A_399 : vector<16xi32>
    %add3A_401 = vector.broadcast %add3A_1 : i32 to vector<16xi32>
    %add3A_402 = arith.addi %mul3A_400, %add3A_401 : vector<16xi32>
    %swap3A_403 = arith.constant 2 : i32
    %swap3A_404 = arith.index_cast %swap3A_403 : i32 to index
    %swap3A_405 = arith.constant 96 : index
    %swap3A_406 = tpu.vector_load %arg8[%swap3A_404, %swap3A_405] {strides = array<i32>} : memref<3x112xi32, #tpu.memory_space<vmem>>, vector<1x16xi32>,
    %swap3A_407 = vector.shape_cast %swap3A_406 : vector<1x16xi32> to vector<16xi32>
    %swap3A_408 = vector.shape_cast %add3A_402 : vector<16xi32> to vector<1x16xi32>
    tpu.vector_store %arg8[%swap3A_404, %swap3A_405], %swap3A_408 {strides = array<i32>} : memref<3x112xi32, #tpu.memory_space<vmem>>, vector<1x16xi32>,
    %mul3A_409 = arith.constant 90 : i32
    %mul3A_410 = arith.muli %arg1, %mul3A_409 : i32
    %add3A_411 = arith.constant 2 : i32
    %add3A_412 = arith.addi %mul3A_410, %add3A_411 : i32
    %dma_start3A_413 = arith.constant 2 : i32
    %dma_start3A_414 = arith.constant 0 : i32
    %dma_start3A_415 = tpu.memref_slice %arg9[%dma_start3A_413, %dma_start3A_414] : memref<3x112xi32, #tpu.memory_space<vmem>> -> memref<1x112xi32, #tpu.memory_space<vmem>>
    %dma_start3A_416 = tpu.memref_squeeze %dma_start3A_415 : memref<1x112xi32, #tpu.memory_space<vmem>> -> memref<112xi32, #tpu.memory_space<vmem>>
    %dma_start3A_417 = arith.constant 0 : i32
    %dma_start3A_418 = tpu.memref_slice %arg4[%add3A_412, %dma_start3A_417] : memref<1440x112xi32, #tpu.memory_space<hbm>> -> memref<1x112xi32, #tpu.memory_space<hbm>>
    %dma_start3A_419 = tpu.memref_squeeze %dma_start3A_418 : memref<1x112xi32, #tpu.memory_space<hbm>> -> memref<112xi32, #tpu.memory_space<hbm>>
    %dma_start3A_420 = arith.constant 0 : i32
    %dma_start3A_421 = tpu.memref_slice %arg9[%dma_start3A_413, %dma_start3A_420] : memref<3x112xi32, #tpu.memory_space<vmem>> -> memref<1x112xi32, #tpu.memory_space<vmem>>
    %dma_start3A_422 = tpu.memref_squeeze %dma_start3A_421 : memref<1x112xi32, #tpu.memory_space<vmem>> -> memref<112xi32, #tpu.memory_space<vmem>>
    %dma_start3A_423 = arith.constant 0 : i32
    %dma_start3A_424 = tpu.memref_slice %arg4[%add3A_412, %dma_start3A_423] : memref<1440x112xi32, #tpu.memory_space<hbm>> -> memref<1x112xi32, #tpu.memory_space<hbm>>
    %dma_start3A_425 = tpu.memref_squeeze %dma_start3A_424 : memref<1x112xi32, #tpu.memory_space<hbm>> -> memref<112xi32, #tpu.memory_space<hbm>>
    tpu.enqueue_dma source(%dma_start3A_425 : memref<112xi32, #tpu.memory_space<hbm>>) target(%dma_start3A_422 : memref<112xi32, #tpu.memory_space<vmem>>) target_semaphore(%arg16 : memref<!tpu.dma_semaphore, #tpu.memory_space<semaphore_mem>>)
    %dma_start3A_426 = arith.constant 2 : i32
    %dma_start3A_427 = arith.constant 2 : i32
    %dma_start3A_428 = arith.constant 0 : i32
    %dma_start3A_429 = arith.constant 0 : i32
    %dma_start3A_430 = tpu.memref_slice %arg10[%dma_start3A_427, %dma_start3A_428, %dma_start3A_429] : memref<3x112x128xf32, #tpu.memory_space<vmem>> -> memref<1x112x128xf32, #tpu.memory_space<vmem>>
    %dma_start3A_431 = tpu.memref_squeeze %dma_start3A_430 : memref<1x112x128xf32, #tpu.memory_space<vmem>> -> memref<112x128xf32, #tpu.memory_space<vmem>>
    %dma_start3A_432 = arith.constant 0 : i32
    %dma_start3A_433 = tpu.memref_slice %arg8[%dma_start3A_426, %dma_start3A_432] : memref<3x112xi32, #tpu.memory_space<vmem>> -> memref<1x112xi32, #tpu.memory_space<vmem>>
    %dma_start3A_434 = tpu.memref_squeeze %dma_start3A_433 : memref<1x112xi32, #tpu.memory_space<vmem>> -> memref<112xi32, #tpu.memory_space<vmem>>
    %dma_start3A_435 = arith.constant 0 : i32
    %dma_start3A_436 = arith.constant 0 : i32
    %dma_start3A_437 = tpu.memref_slice %arg2[%dma_start3A_435, %dma_start3A_436] : memref<20000x128xf32, #tpu.memory_space<hbm>> -> memref<20000x128xf32, #tpu.memory_space<hbm>>
    tpu.enqueue_indirect_dma source(%dma_start3A_437 : memref<20000x128xf32, #tpu.memory_space<hbm>>) target(%dma_start3A_431 : memref<112x128xf32, #tpu.memory_space<vmem>>) offsets(%dma_start3A_434 : memref<112xi32, #tpu.memory_space<vmem>>) semaphore(%arg13 : memref<!tpu.dma_semaphore, #tpu.memory_space<semaphore_mem>>)
    %scan3A = arith.constant 0 : i32
    %scan3A_438 = arith.constant 0 : i32
    %scan3A_439 = arith.constant 30 : i32
    %scan3A_440 = arith.addi %scan3A_438, %scan3A_439 : i32
    %scan3A_441 = arith.constant 1 : i32
    scf.for %scan3A_448 = %scan3A_438 to %scan3A_440 step %scan3A_441  : i32 {
      %mul3A_449 = arith.constant 3 : i32
      %mul3A_450 = arith.muli %scan3A_448, %mul3A_449 : i32
      %add3A_451 = arith.constant 0 : i32
      %add3A_452 = arith.addi %mul3A_450, %add3A_451 : i32
      %dma_wait3A = arith.constant 0 : i32
      %dma_wait3A_453 = arith.constant 0 : i32
      %dma_wait3A_454 = arith.constant 0 : i32
      %dma_wait3A_455 = arith.constant 0 : i32
      %dma_wait3A_456 = tpu.memref_slice %arg10[%dma_wait3A_453, %dma_wait3A_454, %dma_wait3A_455] : memref<3x112x128xf32, #tpu.memory_space<vmem>> -> memref<1x112x128xf32, #tpu.memory_space<vmem>>
      %dma_wait3A_457 = tpu.memref_squeeze %dma_wait3A_456 : memref<1x112x128xf32, #tpu.memory_space<vmem>> -> memref<112x128xf32, #tpu.memory_space<vmem>>
      %dma_wait3A_458 = arith.constant 0 : i32
      %dma_wait3A_459 = tpu.memref_slice %arg8[%dma_wait3A, %dma_wait3A_458] : memref<3x112xi32, #tpu.memory_space<vmem>> -> memref<1x112xi32, #tpu.memory_space<vmem>>
      %dma_wait3A_460 = tpu.memref_squeeze %dma_wait3A_459 : memref<1x112xi32, #tpu.memory_space<vmem>> -> memref<112xi32, #tpu.memory_space<vmem>>
      %dma_wait3A_461 = arith.constant 0 : i32
      %dma_wait3A_462 = arith.constant 0 : i32
      %dma_wait3A_463 = tpu.memref_slice %arg2[%dma_wait3A_461, %dma_wait3A_462] : memref<20000x128xf32, #tpu.memory_space<hbm>> -> memref<20000x128xf32, #tpu.memory_space<hbm>>
      tpu.wait_indirect_dma semaphore(%arg11 : memref<!tpu.dma_semaphore, #tpu.memory_space<semaphore_mem>>) src(%dma_wait3A_463 : memref<20000x128xf32, #tpu.memory_space<hbm>>) dst(%dma_wait3A_457 : memref<112x128xf32, #tpu.memory_space<vmem>>)
      %lt3A = arith.constant 29 : i32
      %lt3A_464 = arith.cmpi slt, %scan3A_448, %lt3A : i32
      %convert_element_type3A = arith.extui %lt3A_464 : i1 to i32
      %cond3A = arith.constant 0 : i32
      %cond3A_465 = arith.cmpi ne, %convert_element_type3A, %cond3A : i32
      scf.if %cond3A_465 {
        %mul3A_577 = arith.constant 90 : i32
        %mul3A_578 = arith.muli %arg1, %mul3A_577 : i32
        %add3A_579 = arith.addi %mul3A_578, %add3A_452 : i32
        %add3A_580 = arith.constant 3 : i32
        %add3A_581 = arith.addi %add3A_579, %add3A_580 : i32
        %dma_start3A_582 = arith.constant 0 : i32
        %dma_start3A_583 = arith.constant 0 : i32
        %dma_start3A_584 = tpu.memref_slice %arg8[%dma_start3A_582, %dma_start3A_583] : memref<3x112xi32, #tpu.memory_space<vmem>> -> memref<1x112xi32, #tpu.memory_space<vmem>>
        %dma_start3A_585 = tpu.memref_squeeze %dma_start3A_584 : memref<1x112xi32, #tpu.memory_space<vmem>> -> memref<112xi32, #tpu.memory_space<vmem>>
        %dma_start3A_586 = arith.constant 0 : i32
        %dma_start3A_587 = tpu.memref_slice %arg3[%add3A_581, %dma_start3A_586] : memref<1440x112xi32, #tpu.memory_space<hbm>> -> memref<1x112xi32, #tpu.memory_space<hbm>>
        %dma_start3A_588 = tpu.memref_squeeze %dma_start3A_587 : memref<1x112xi32, #tpu.memory_space<hbm>> -> memref<112xi32, #tpu.memory_space<hbm>>
        %dma_start3A_589 = arith.constant 0 : i32
        %dma_start3A_590 = tpu.memref_slice %arg8[%dma_start3A_582, %dma_start3A_589] : memref<3x112xi32, #tpu.memory_space<vmem>> -> memref<1x112xi32, #tpu.memory_space<vmem>>
        %dma_start3A_591 = tpu.memref_squeeze %dma_start3A_590 : memref<1x112xi32, #tpu.memory_space<vmem>> -> memref<112xi32, #tpu.memory_space<vmem>>
        %dma_start3A_592 = arith.constant 0 : i32
        %dma_start3A_593 = tpu.memref_slice %arg3[%add3A_581, %dma_start3A_592] : memref<1440x112xi32, #tpu.memory_space<hbm>> -> memref<1x112xi32, #tpu.memory_space<hbm>>
        %dma_start3A_594 = tpu.memref_squeeze %dma_start3A_593 : memref<1x112xi32, #tpu.memory_space<hbm>> -> memref<112xi32, #tpu.memory_space<hbm>>
        tpu.enqueue_dma source(%dma_start3A_594 : memref<112xi32, #tpu.memory_space<hbm>>) target(%dma_start3A_591 : memref<112xi32, #tpu.memory_space<vmem>>) target_semaphore(%arg17 : memref<!tpu.dma_semaphore, #tpu.memory_space<semaphore_mem>>)
      } else {
      }
      %mul3A_466 = arith.constant 90 : i32
      %mul3A_467 = arith.muli %arg1, %mul3A_466 : i32
      %add3A_468 = arith.addi %mul3A_467, %add3A_452 : i32
      %dma_wait3A_469 = arith.constant 0 : i32
      %dma_wait3A_470 = arith.constant 0 : i32
      %dma_wait3A_471 = tpu.memref_slice %arg9[%dma_wait3A_469, %dma_wait3A_470] : memref<3x112xi32, #tpu.memory_space<vmem>> -> memref<1x112xi32, #tpu.memory_space<vmem>>
      %dma_wait3A_472 = tpu.memref_squeeze %dma_wait3A_471 : memref<1x112xi32, #tpu.memory_space<vmem>> -> memref<112xi32, #tpu.memory_space<vmem>>
      %dma_wait3A_473 = arith.constant 0 : i32
      %dma_wait3A_474 = tpu.memref_slice %arg4[%add3A_468, %dma_wait3A_473] : memref<1440x112xi32, #tpu.memory_space<hbm>> -> memref<1x112xi32, #tpu.memory_space<hbm>>
      %dma_wait3A_475 = tpu.memref_squeeze %dma_wait3A_474 : memref<1x112xi32, #tpu.memory_space<hbm>> -> memref<112xi32, #tpu.memory_space<hbm>>
      %dma_wait3A_476 = arith.constant 0 : i32
      %dma_wait3A_477 = tpu.memref_slice %arg9[%dma_wait3A_469, %dma_wait3A_476] : memref<3x112xi32, #tpu.memory_space<vmem>> -> memref<1x112xi32, #tpu.memory_space<vmem>>
      %dma_wait3A_478 = tpu.memref_squeeze %dma_wait3A_477 : memref<1x112xi32, #tpu.memory_space<vmem>> -> memref<112xi32, #tpu.memory_space<vmem>>
      %dma_wait3A_479 = arith.constant 0 : i32
      %dma_wait3A_480 = tpu.memref_slice %arg4[%add3A_468, %dma_wait3A_479] : memref<1440x112xi32, #tpu.memory_space<hbm>> -> memref<1x112xi32, #tpu.memory_space<hbm>>
      %dma_wait3A_481 = tpu.memref_squeeze %dma_wait3A_480 : memref<1x112xi32, #tpu.memory_space<hbm>> -> memref<112xi32, #tpu.memory_space<hbm>>
      tpu.wait_dma2 semaphore(%arg14 : memref<!tpu.dma_semaphore, #tpu.memory_space<semaphore_mem>>) src(%dma_wait3A_481 : memref<112xi32, #tpu.memory_space<hbm>>) dst(%dma_wait3A_478 : memref<112xi32, #tpu.memory_space<vmem>>)
      %run_scoped3A_482 = arith.constant 0 : i32
      %run_scoped3A_483 = arith.constant 0 : i32
      "tpu.region"() ({
        %run_scoped3A_577 = tpu.sem_alloc : memref<!tpu.dma_semaphore, #tpu.memory_space<semaphore_mem>>
        %dma_start3A_578 = arith.constant 0 : i32
        %dma_start3A_579 = arith.constant 0 : i32
        %dma_start3A_580 = tpu.memref_slice %arg10[%run_scoped3A_482, %dma_start3A_578, %dma_start3A_579] : memref<3x112x128xf32, #tpu.memory_space<vmem>> -> memref<1x112x128xf32, #tpu.memory_space<vmem>>
        %dma_start3A_581 = tpu.memref_squeeze %dma_start3A_580 : memref<1x112x128xf32, #tpu.memory_space<vmem>> -> memref<112x128xf32, #tpu.memory_space<vmem>>
        %dma_start3A_582 = arith.constant 0 : i32
        %dma_start3A_583 = tpu.memref_slice %arg9[%run_scoped3A_483, %dma_start3A_582] : memref<3x112xi32, #tpu.memory_space<vmem>> -> memref<1x112xi32, #tpu.memory_space<vmem>>
        %dma_start3A_584 = tpu.memref_squeeze %dma_start3A_583 : memref<1x112xi32, #tpu.memory_space<vmem>> -> memref<112xi32, #tpu.memory_space<vmem>>
        %dma_start3A_585 = arith.constant 0 : i32
        %dma_start3A_586 = arith.constant 0 : i32
        %dma_start3A_587 = tpu.memref_slice %arg7[%dma_start3A_585, %dma_start3A_586] : memref<10240x128xf32, #tpu.memory_space<vmem_shared>> -> memref<10240x128xf32, #tpu.memory_space<vmem_shared>>
        tpu.enqueue_indirect_dma source(%dma_start3A_581 : memref<112x128xf32, #tpu.memory_space<vmem>>) target(%dma_start3A_587 : memref<10240x128xf32, #tpu.memory_space<vmem_shared>>) offsets(%dma_start3A_584 : memref<112xi32, #tpu.memory_space<vmem>>) semaphore(%run_scoped3A_577 : memref<!tpu.dma_semaphore, #tpu.memory_space<semaphore_mem>>) {add = true}
        %dma_wait3A_588 = arith.constant 0 : i32
        %dma_wait3A_589 = arith.constant 0 : i32
        %dma_wait3A_590 = tpu.memref_slice %arg10[%run_scoped3A_482, %dma_wait3A_588, %dma_wait3A_589] : memref<3x112x128xf32, #tpu.memory_space<vmem>> -> memref<1x112x128xf32, #tpu.memory_space<vmem>>
        %dma_wait3A_591 = tpu.memref_squeeze %dma_wait3A_590 : memref<1x112x128xf32, #tpu.memory_space<vmem>> -> memref<112x128xf32, #tpu.memory_space<vmem>>
        %dma_wait3A_592 = arith.constant 0 : i32
        %dma_wait3A_593 = tpu.memref_slice %arg9[%run_scoped3A_483, %dma_wait3A_592] : memref<3x112xi32, #tpu.memory_space<vmem>> -> memref<1x112xi32, #tpu.memory_space<vmem>>
        %dma_wait3A_594 = tpu.memref_squeeze %dma_wait3A_593 : memref<1x112xi32, #tpu.memory_space<vmem>> -> memref<112xi32, #tpu.memory_space<vmem>>
        %dma_wait3A_595 = arith.constant 0 : i32
        %dma_wait3A_596 = arith.constant 0 : i32
        %dma_wait3A_597 = tpu.memref_slice %arg7[%dma_wait3A_595, %dma_wait3A_596] : memref<10240x128xf32, #tpu.memory_space<vmem_shared>> -> memref<10240x128xf32, #tpu.memory_space<vmem_shared>>
        tpu.wait_indirect_dma semaphore(%run_scoped3A_577 : memref<!tpu.dma_semaphore, #tpu.memory_space<semaphore_mem>>) src(%dma_wait3A_591 : memref<112x128xf32, #tpu.memory_space<vmem>>) dst(%dma_wait3A_597 : memref<10240x128xf32, #tpu.memory_space<vmem_shared>>)
        tpu.yield
      }) : () -> ()
      %lt3A_484 = arith.constant 29 : i32
      %lt3A_485 = arith.cmpi slt, %scan3A_448, %lt3A_484 : i32
      %convert_element_type3A_486 = arith.extui %lt3A_485 : i1 to i32
      %cond3A_487 = arith.constant 0 : i32
      %cond3A_488 = arith.cmpi ne, %convert_element_type3A_486, %cond3A_487 : i32
      scf.if %cond3A_488 {
        %mul3A_577 = arith.constant 90 : i32
        %mul3A_578 = arith.muli %arg1, %mul3A_577 : i32
        %add3A_579 = arith.addi %mul3A_578, %add3A_452 : i32
        %add3A_580 = arith.constant 3 : i32
        %add3A_581 = arith.addi %add3A_579, %add3A_580 : i32
        %dma_wait3A_582 = arith.constant 0 : i32
        %dma_wait3A_583 = arith.constant 0 : i32
        %dma_wait3A_584 = tpu.memref_slice %arg8[%dma_wait3A_582, %dma_wait3A_583] : memref<3x112xi32, #tpu.memory_space<vmem>> -> memref<1x112xi32, #tpu.memory_space<vmem>>
        %dma_wait3A_585 = tpu.memref_squeeze %dma_wait3A_584 : memref<1x112xi32, #tpu.memory_space<vmem>> -> memref<112xi32, #tpu.memory_space<vmem>>
        %dma_wait3A_586 = arith.constant 0 : i32
        %dma_wait3A_587 = tpu.memref_slice %arg3[%add3A_581, %dma_wait3A_586] : memref<1440x112xi32, #tpu.memory_space<hbm>> -> memref<1x112xi32, #tpu.memory_space<hbm>>
        %dma_wait3A_588 = tpu.memref_squeeze %dma_wait3A_587 : memref<1x112xi32, #tpu.memory_space<hbm>> -> memref<112xi32, #tpu.memory_space<hbm>>
        %dma_wait3A_589 = arith.constant 0 : i32
        %dma_wait3A_590 = tpu.memref_slice %arg8[%dma_wait3A_582, %dma_wait3A_589] : memref<3x112xi32, #tpu.memory_space<vmem>> -> memref<1x112xi32, #tpu.memory_space<vmem>>
        %dma_wait3A_591 = tpu.memref_squeeze %dma_wait3A_590 : memref<1x112xi32, #tpu.memory_space<vmem>> -> memref<112xi32, #tpu.memory_space<vmem>>
        %dma_wait3A_592 = arith.constant 0 : i32
        %dma_wait3A_593 = tpu.memref_slice %arg3[%add3A_581, %dma_wait3A_592] : memref<1440x112xi32, #tpu.memory_space<hbm>> -> memref<1x112xi32, #tpu.memory_space<hbm>>
        %dma_wait3A_594 = tpu.memref_squeeze %dma_wait3A_593 : memref<1x112xi32, #tpu.memory_space<hbm>> -> memref<112xi32, #tpu.memory_space<hbm>>
        tpu.wait_dma2 semaphore(%arg17 : memref<!tpu.dma_semaphore, #tpu.memory_space<semaphore_mem>>) src(%dma_wait3A_594 : memref<112xi32, #tpu.memory_space<hbm>>) dst(%dma_wait3A_591 : memref<112xi32, #tpu.memory_space<vmem>>)
        %add3A_595 = arith.constant 3 : i32
        %add3A_596 = arith.addi %add3A_452, %add3A_595 : i32
        %get3A_597 = arith.constant 0 : i32
        %get3A_598 = arith.index_cast %get3A_597 : i32 to index
        %get3A_599 = arith.constant 0 : index
        %get3A_600 = tpu.vector_load %arg8[%get3A_598, %get3A_599] {strides = array<i32>} : memref<3x112xi32, #tpu.memory_space<vmem>>, vector<1x16xi32>,
        %get3A_601 = vector.shape_cast %get3A_600 : vector<1x16xi32> to vector<16xi32>
        %mul3A_602 = arith.constant 2 : i32
        %mul3A_603 = vector.broadcast %mul3A_602 : i32 to vector<16xi32>
        %mul3A_604 = arith.muli %get3A_601, %mul3A_603 : vector<16xi32>
        %add3A_605 = vector.broadcast %add3A_1 : i32 to vector<16xi32>
        %add3A_606 = arith.addi %mul3A_604, %add3A_605 : vector<16xi32>
        %swap3A_607 = arith.constant 0 : i32
        %swap3A_608 = arith.index_cast %swap3A_607 : i32 to index
        %swap3A_609 = arith.constant 0 : index
        %swap3A_610 = tpu.vector_load %arg8[%swap3A_608, %swap3A_609] {strides = array<i32>} : memref<3x112xi32, #tpu.memory_space<vmem>>, vector<1x16xi32>,
        %swap3A_611 = vector.shape_cast %swap3A_610 : vector<1x16xi32> to vector<16xi32>
        %swap3A_612 = vector.shape_cast %add3A_606 : vector<16xi32> to vector<1x16xi32>
        tpu.vector_store %arg8[%swap3A_608, %swap3A_609], %swap3A_612 {strides = array<i32>} : memref<3x112xi32, #tpu.memory_space<vmem>>, vector<1x16xi32>,
        %get3A_613 = arith.constant 0 : i32
        %get3A_614 = arith.index_cast %get3A_613 : i32 to index
        %get3A_615 = arith.constant 16 : index
        %get3A_616 = tpu.vector_load %arg8[%get3A_614, %get3A_615] {strides = array<i32>} : memref<3x112xi32, #tpu.memory_space<vmem>>, vector<1x16xi32>,
        %get3A_617 = vector.shape_cast %get3A_616 : vector<1x16xi32> to vector<16xi32>
        %mul3A_618 = arith.constant 2 : i32
        %mul3A_619 = vector.broadcast %mul3A_618 : i32 to vector<16xi32>
        %mul3A_620 = arith.muli %get3A_617, %mul3A_619 : vector<16xi32>
        %add3A_621 = vector.broadcast %add3A_1 : i32 to vector<16xi32>
        %add3A_622 = arith.addi %mul3A_620, %add3A_621 : vector<16xi32>
        %swap3A_623 = arith.constant 0 : i32
        %swap3A_624 = arith.index_cast %swap3A_623 : i32 to index
        %swap3A_625 = arith.constant 16 : index
        %swap3A_626 = tpu.vector_load %arg8[%swap3A_624, %swap3A_625] {strides = array<i32>} : memref<3x112xi32, #tpu.memory_space<vmem>>, vector<1x16xi32>,
        %swap3A_627 = vector.shape_cast %swap3A_626 : vector<1x16xi32> to vector<16xi32>
        %swap3A_628 = vector.shape_cast %add3A_622 : vector<16xi32> to vector<1x16xi32>
        tpu.vector_store %arg8[%swap3A_624, %swap3A_625], %swap3A_628 {strides = array<i32>} : memref<3x112xi32, #tpu.memory_space<vmem>>, vector<1x16xi32>,
        %get3A_629 = arith.constant 0 : i32
        %get3A_630 = arith.index_cast %get3A_629 : i32 to index
        %get3A_631 = arith.constant 32 : index
        %get3A_632 = tpu.vector_load %arg8[%get3A_630, %get3A_631] {strides = array<i32>} : memref<3x112xi32, #tpu.memory_space<vmem>>, vector<1x16xi32>,
        %get3A_633 = vector.shape_cast %get3A_632 : vector<1x16xi32> to vector<16xi32>
        %mul3A_634 = arith.constant 2 : i32
        %mul3A_635 = vector.broadcast %mul3A_634 : i32 to vector<16xi32>
        %mul3A_636 = arith.muli %get3A_633, %mul3A_635 : vector<16xi32>
        %add3A_637 = vector.broadcast %add3A_1 : i32 to vector<16xi32>
        %add3A_638 = arith.addi %mul3A_636, %add3A_637 : vector<16xi32>
        %swap3A_639 = arith.constant 0 : i32
        %swap3A_640 = arith.index_cast %swap3A_639 : i32 to index
        %swap3A_641 = arith.constant 32 : index
        %swap3A_642 = tpu.vector_load %arg8[%swap3A_640, %swap3A_641] {strides = array<i32>} : memref<3x112xi32, #tpu.memory_space<vmem>>, vector<1x16xi32>,
        %swap3A_643 = vector.shape_cast %swap3A_642 : vector<1x16xi32> to vector<16xi32>
        %swap3A_644 = vector.shape_cast %add3A_638 : vector<16xi32> to vector<1x16xi32>
        tpu.vector_store %arg8[%swap3A_640, %swap3A_641], %swap3A_644 {strides = array<i32>} : memref<3x112xi32, #tpu.memory_space<vmem>>, vector<1x16xi32>,
        %get3A_645 = arith.constant 0 : i32
        %get3A_646 = arith.index_cast %get3A_645 : i32 to index
        %get3A_647 = arith.constant 48 : index
        %get3A_648 = tpu.vector_load %arg8[%get3A_646, %get3A_647] {strides = array<i32>} : memref<3x112xi32, #tpu.memory_space<vmem>>, vector<1x16xi32>,
        %get3A_649 = vector.shape_cast %get3A_648 : vector<1x16xi32> to vector<16xi32>
        %mul3A_650 = arith.constant 2 : i32
        %mul3A_651 = vector.broadcast %mul3A_650 : i32 to vector<16xi32>
        %mul3A_652 = arith.muli %get3A_649, %mul3A_651 : vector<16xi32>
        %add3A_653 = vector.broadcast %add3A_1 : i32 to vector<16xi32>
        %add3A_654 = arith.addi %mul3A_652, %add3A_653 : vector<16xi32>
        %swap3A_655 = arith.constant 0 : i32
        %swap3A_656 = arith.index_cast %swap3A_655 : i32 to index
        %swap3A_657 = arith.constant 48 : index
        %swap3A_658 = tpu.vector_load %arg8[%swap3A_656, %swap3A_657] {strides = array<i32>} : memref<3x112xi32, #tpu.memory_space<vmem>>, vector<1x16xi32>,
        %swap3A_659 = vector.shape_cast %swap3A_658 : vector<1x16xi32> to vector<16xi32>
        %swap3A_660 = vector.shape_cast %add3A_654 : vector<16xi32> to vector<1x16xi32>
        tpu.vector_store %arg8[%swap3A_656, %swap3A_657], %swap3A_660 {strides = array<i32>} : memref<3x112xi32, #tpu.memory_space<vmem>>, vector<1x16xi32>,
        %get3A_661 = arith.constant 0 : i32
        %get3A_662 = arith.index_cast %get3A_661 : i32 to index
        %get3A_663 = arith.constant 64 : index
        %get3A_664 = tpu.vector_load %arg8[%get3A_662, %get3A_663] {strides = array<i32>} : memref<3x112xi32, #tpu.memory_space<vmem>>, vector<1x16xi32>,
        %get3A_665 = vector.shape_cast %get3A_664 : vector<1x16xi32> to vector<16xi32>
        %mul3A_666 = arith.constant 2 : i32
        %mul3A_667 = vector.broadcast %mul3A_666 : i32 to vector<16xi32>
        %mul3A_668 = arith.muli %get3A_665, %mul3A_667 : vector<16xi32>
        %add3A_669 = vector.broadcast %add3A_1 : i32 to vector<16xi32>
        %add3A_670 = arith.addi %mul3A_668, %add3A_669 : vector<16xi32>
        %swap3A_671 = arith.constant 0 : i32
        %swap3A_672 = arith.index_cast %swap3A_671 : i32 to index
        %swap3A_673 = arith.constant 64 : index
        %swap3A_674 = tpu.vector_load %arg8[%swap3A_672, %swap3A_673] {strides = array<i32>} : memref<3x112xi32, #tpu.memory_space<vmem>>, vector<1x16xi32>,
        %swap3A_675 = vector.shape_cast %swap3A_674 : vector<1x16xi32> to vector<16xi32>
        %swap3A_676 = vector.shape_cast %add3A_670 : vector<16xi32> to vector<1x16xi32>
        tpu.vector_store %arg8[%swap3A_672, %swap3A_673], %swap3A_676 {strides = array<i32>} : memref<3x112xi32, #tpu.memory_space<vmem>>, vector<1x16xi32>,
        %get3A_677 = arith.constant 0 : i32
        %get3A_678 = arith.index_cast %get3A_677 : i32 to index
        %get3A_679 = arith.constant 80 : index
        %get3A_680 = tpu.vector_load %arg8[%get3A_678, %get3A_679] {strides = array<i32>} : memref<3x112xi32, #tpu.memory_space<vmem>>, vector<1x16xi32>,
        %get3A_681 = vector.shape_cast %get3A_680 : vector<1x16xi32> to vector<16xi32>
        %mul3A_682 = arith.constant 2 : i32
        %mul3A_683 = vector.broadcast %mul3A_682 : i32 to vector<16xi32>
        %mul3A_684 = arith.muli %get3A_681, %mul3A_683 : vector<16xi32>
        %add3A_685 = vector.broadcast %add3A_1 : i32 to vector<16xi32>
        %add3A_686 = arith.addi %mul3A_684, %add3A_685 : vector<16xi32>
        %swap3A_687 = arith.constant 0 : i32
        %swap3A_688 = arith.index_cast %swap3A_687 : i32 to index
        %swap3A_689 = arith.constant 80 : index
        %swap3A_690 = tpu.vector_load %arg8[%swap3A_688, %swap3A_689] {strides = array<i32>} : memref<3x112xi32, #tpu.memory_space<vmem>>, vector<1x16xi32>,
        %swap3A_691 = vector.shape_cast %swap3A_690 : vector<1x16xi32> to vector<16xi32>
        %swap3A_692 = vector.shape_cast %add3A_686 : vector<16xi32> to vector<1x16xi32>
        tpu.vector_store %arg8[%swap3A_688, %swap3A_689], %swap3A_692 {strides = array<i32>} : memref<3x112xi32, #tpu.memory_space<vmem>>, vector<1x16xi32>,
        %get3A_693 = arith.constant 0 : i32
        %get3A_694 = arith.index_cast %get3A_693 : i32 to index
        %get3A_695 = arith.constant 96 : index
        %get3A_696 = tpu.vector_load %arg8[%get3A_694, %get3A_695] {strides = array<i32>} : memref<3x112xi32, #tpu.memory_space<vmem>>, vector<1x16xi32>,
        %get3A_697 = vector.shape_cast %get3A_696 : vector<1x16xi32> to vector<16xi32>
        %mul3A_698 = arith.constant 2 : i32
        %mul3A_699 = vector.broadcast %mul3A_698 : i32 to vector<16xi32>
        %mul3A_700 = arith.muli %get3A_697, %mul3A_699 : vector<16xi32>
        %add3A_701 = vector.broadcast %add3A_1 : i32 to vector<16xi32>
        %add3A_702 = arith.addi %mul3A_700, %add3A_701 : vector<16xi32>
        %swap3A_703 = arith.constant 0 : i32
        %swap3A_704 = arith.index_cast %swap3A_703 : i32 to index
        %swap3A_705 = arith.constant 96 : index
        %swap3A_706 = tpu.vector_load %arg8[%swap3A_704, %swap3A_705] {strides = array<i32>} : memref<3x112xi32, #tpu.memory_space<vmem>>, vector<1x16xi32>,
        %swap3A_707 = vector.shape_cast %swap3A_706 : vector<1x16xi32> to vector<16xi32>
        %swap3A_708 = vector.shape_cast %add3A_702 : vector<16xi32> to vector<1x16xi32>
        tpu.vector_store %arg8[%swap3A_704, %swap3A_705], %swap3A_708 {strides = array<i32>} : memref<3x112xi32, #tpu.memory_space<vmem>>, vector<1x16xi32>,
        %mul3A_709 = arith.constant 90 : i32
        %mul3A_710 = arith.muli %arg1, %mul3A_709 : i32
        %add3A_711 = arith.addi %mul3A_710, %add3A_596 : i32
        %dma_start3A_712 = arith.constant 0 : i32
        %dma_start3A_713 = arith.constant 0 : i32
        %dma_start3A_714 = tpu.memref_slice %arg9[%dma_start3A_712, %dma_start3A_713] : memref<3x112xi32, #tpu.memory_space<vmem>> -> memref<1x112xi32, #tpu.memory_space<vmem>>
        %dma_start3A_715 = tpu.memref_squeeze %dma_start3A_714 : memref<1x112xi32, #tpu.memory_space<vmem>> -> memref<112xi32, #tpu.memory_space<vmem>>
        %dma_start3A_716 = arith.constant 0 : i32
        %dma_start3A_717 = tpu.memref_slice %arg4[%add3A_711, %dma_start3A_716] : memref<1440x112xi32, #tpu.memory_space<hbm>> -> memref<1x112xi32, #tpu.memory_space<hbm>>
        %dma_start3A_718 = tpu.memref_squeeze %dma_start3A_717 : memref<1x112xi32, #tpu.memory_space<hbm>> -> memref<112xi32, #tpu.memory_space<hbm>>
        %dma_start3A_719 = arith.constant 0 : i32
        %dma_start3A_720 = tpu.memref_slice %arg9[%dma_start3A_712, %dma_start3A_719] : memref<3x112xi32, #tpu.memory_space<vmem>> -> memref<1x112xi32, #tpu.memory_space<vmem>>
        %dma_start3A_721 = tpu.memref_squeeze %dma_start3A_720 : memref<1x112xi32, #tpu.memory_space<vmem>> -> memref<112xi32, #tpu.memory_space<vmem>>
        %dma_start3A_722 = arith.constant 0 : i32
        %dma_start3A_723 = tpu.memref_slice %arg4[%add3A_711, %dma_start3A_722] : memref<1440x112xi32, #tpu.memory_space<hbm>> -> memref<1x112xi32, #tpu.memory_space<hbm>>
        %dma_start3A_724 = tpu.memref_squeeze %dma_start3A_723 : memref<1x112xi32, #tpu.memory_space<hbm>> -> memref<112xi32, #tpu.memory_space<hbm>>
        tpu.enqueue_dma source(%dma_start3A_724 : memref<112xi32, #tpu.memory_space<hbm>>) target(%dma_start3A_721 : memref<112xi32, #tpu.memory_space<vmem>>) target_semaphore(%arg14 : memref<!tpu.dma_semaphore, #tpu.memory_space<semaphore_mem>>)
        %dma_start3A_725 = arith.constant 0 : i32
        %dma_start3A_726 = arith.constant 0 : i32
        %dma_start3A_727 = arith.constant 0 : i32
        %dma_start3A_728 = arith.constant 0 : i32
        %dma_start3A_729 = tpu.memref_slice %arg10[%dma_start3A_726, %dma_start3A_727, %dma_start3A_728] : memref<3x112x128xf32, #tpu.memory_space<vmem>> -> memref<1x112x128xf32, #tpu.memory_space<vmem>>
        %dma_start3A_730 = tpu.memref_squeeze %dma_start3A_729 : memref<1x112x128xf32, #tpu.memory_space<vmem>> -> memref<112x128xf32, #tpu.memory_space<vmem>>
        %dma_start3A_731 = arith.constant 0 : i32
        %dma_start3A_732 = tpu.memref_slice %arg8[%dma_start3A_725, %dma_start3A_731] : memref<3x112xi32, #tpu.memory_space<vmem>> -> memref<1x112xi32, #tpu.memory_space<vmem>>
        %dma_start3A_733 = tpu.memref_squeeze %dma_start3A_732 : memref<1x112xi32, #tpu.memory_space<vmem>> -> memref<112xi32, #tpu.memory_space<vmem>>
        %dma_start3A_734 = arith.constant 0 : i32
        %dma_start3A_735 = arith.constant 0 : i32
        %dma_start3A_736 = tpu.memref_slice %arg2[%dma_start3A_734, %dma_start3A_735] : memref<20000x128xf32, #tpu.memory_space<hbm>> -> memref<20000x128xf32, #tpu.memory_space<hbm>>
        tpu.enqueue_indirect_dma source(%dma_start3A_736 : memref<20000x128xf32, #tpu.memory_space<hbm>>) target(%dma_start3A_730 : memref<112x128xf32, #tpu.memory_space<vmem>>) offsets(%dma_start3A_733 : memref<112xi32, #tpu.memory_space<vmem>>) semaphore(%arg11 : memref<!tpu.dma_semaphore, #tpu.memory_space<semaphore_mem>>)
      } else {
      }
      %mul3A_489 = arith.constant 3 : i32
      %mul3A_490 = arith.muli %scan3A_448, %mul3A_489 : i32
      %add3A_491 = arith.constant 1 : i32
      %add3A_492 = arith.addi %mul3A_490, %add3A_491 : i32
      %dma_wait3A_493 = arith.constant 1 : i32
      %dma_wait3A_494 = arith.constant 1 : i32
      %dma_wait3A_495 = arith.constant 0 : i32
      %dma_wait3A_496 = arith.constant 0 : i32
      %dma_wait3A_497 = tpu.memref_slice %arg10[%dma_wait3A_494, %dma_wait3A_495, %dma_wait3A_496] : memref<3x112x128xf32, #tpu.memory_space<vmem>> -> memref<1x112x128xf32, #tpu.memory_space<vmem>>
      %dma_wait3A_498 = tpu.memref_squeeze %dma_wait3A_497 : memref<1x112x128xf32, #tpu.memory_space<vmem>> -> memref<112x128xf32, #tpu.memory_space<vmem>>
      %dma_wait3A_499 = arith.constant 0 : i32
      %dma_wait3A_500 = tpu.memref_slice %arg8[%dma_wait3A_493, %dma_wait3A_499] : memref<3x112xi32, #tpu.memory_space<vmem>> -> memref<1x112xi32, #tpu.memory_space<vmem>>
      %dma_wait3A_501 = tpu.memref_squeeze %dma_wait3A_500 : memref<1x112xi32, #tpu.memory_space<vmem>> -> memref<112xi32, #tpu.memory_space<vmem>>
      %dma_wait3A_502 = arith.constant 0 : i32
      %dma_wait3A_503 = arith.constant 0 : i32
      %dma_wait3A_504 = tpu.memref_slice %arg2[%dma_wait3A_502, %dma_wait3A_503] : memref<20000x128xf32, #tpu.memory_space<hbm>> -> memref<20000x128xf32, #tpu.memory_space<hbm>>
      tpu.wait_indirect_dma semaphore(%arg12 : memref<!tpu.dma_semaphore, #tpu.memory_space<semaphore_mem>>) src(%dma_wait3A_504 : memref<20000x128xf32, #tpu.memory_space<hbm>>) dst(%dma_wait3A_498 : memref<112x128xf32, #tpu.memory_space<vmem>>)
      %lt3A_505 = arith.constant 29 : i32
      %lt3A_506 = arith.cmpi slt, %scan3A_448, %lt3A_505 : i32
      %convert_element_type3A_507 = arith.extui %lt3A_506 : i1 to i32
      %cond3A_508 = arith.constant 0 : i32
      %cond3A_509 = arith.cmpi ne, %convert_element_type3A_507, %cond3A_508 : i32
      scf.if %cond3A_509 {
        %mul3A_577 = arith.constant 90 : i32
        %mul3A_578 = arith.muli %arg1, %mul3A_577 : i32
        %add3A_579 = arith.addi %mul3A_578, %add3A_492 : i32
        %add3A_580 = arith.constant 3 : i32
        %add3A_581 = arith.addi %add3A_579, %add3A_580 : i32
        %dma_start3A_582 = arith.constant 1 : i32
        %dma_start3A_583 = arith.constant 0 : i32
        %dma_start3A_584 = tpu.memref_slice %arg8[%dma_start3A_582, %dma_start3A_583] : memref<3x112xi32, #tpu.memory_space<vmem>> -> memref<1x112xi32, #tpu.memory_space<vmem>>
        %dma_start3A_585 = tpu.memref_squeeze %dma_start3A_584 : memref<1x112xi32, #tpu.memory_space<vmem>> -> memref<112xi32, #tpu.memory_space<vmem>>
        %dma_start3A_586 = arith.constant 0 : i32
        %dma_start3A_587 = tpu.memref_slice %arg3[%add3A_581, %dma_start3A_586] : memref<1440x112xi32, #tpu.memory_space<hbm>> -> memref<1x112xi32, #tpu.memory_space<hbm>>
        %dma_start3A_588 = tpu.memref_squeeze %dma_start3A_587 : memref<1x112xi32, #tpu.memory_space<hbm>> -> memref<112xi32, #tpu.memory_space<hbm>>
        %dma_start3A_589 = arith.constant 0 : i32
        %dma_start3A_590 = tpu.memref_slice %arg8[%dma_start3A_582, %dma_start3A_589] : memref<3x112xi32, #tpu.memory_space<vmem>> -> memref<1x112xi32, #tpu.memory_space<vmem>>
        %dma_start3A_591 = tpu.memref_squeeze %dma_start3A_590 : memref<1x112xi32, #tpu.memory_space<vmem>> -> memref<112xi32, #tpu.memory_space<vmem>>
        %dma_start3A_592 = arith.constant 0 : i32
        %dma_start3A_593 = tpu.memref_slice %arg3[%add3A_581, %dma_start3A_592] : memref<1440x112xi32, #tpu.memory_space<hbm>> -> memref<1x112xi32, #tpu.memory_space<hbm>>
        %dma_start3A_594 = tpu.memref_squeeze %dma_start3A_593 : memref<1x112xi32, #tpu.memory_space<hbm>> -> memref<112xi32, #tpu.memory_space<hbm>>
        tpu.enqueue_dma source(%dma_start3A_594 : memref<112xi32, #tpu.memory_space<hbm>>) target(%dma_start3A_591 : memref<112xi32, #tpu.memory_space<vmem>>) target_semaphore(%arg18 : memref<!tpu.dma_semaphore, #tpu.memory_space<semaphore_mem>>)
      } else {
      }
      %mul3A_510 = arith.constant 90 : i32
      %mul3A_511 = arith.muli %arg1, %mul3A_510 : i32
      %add3A_512 = arith.addi %mul3A_511, %add3A_492 : i32
      %dma_wait3A_513 = arith.constant 1 : i32
      %dma_wait3A_514 = arith.constant 0 : i32
      %dma_wait3A_515 = tpu.memref_slice %arg9[%dma_wait3A_513, %dma_wait3A_514] : memref<3x112xi32, #tpu.memory_space<vmem>> -> memref<1x112xi32, #tpu.memory_space<vmem>>
      %dma_wait3A_516 = tpu.memref_squeeze %dma_wait3A_515 : memref<1x112xi32, #tpu.memory_space<vmem>> -> memref<112xi32, #tpu.memory_space<vmem>>
      %dma_wait3A_517 = arith.constant 0 : i32
      %dma_wait3A_518 = tpu.memref_slice %arg4[%add3A_512, %dma_wait3A_517] : memref<1440x112xi32, #tpu.memory_space<hbm>> -> memref<1x112xi32, #tpu.memory_space<hbm>>
      %dma_wait3A_519 = tpu.memref_squeeze %dma_wait3A_518 : memref<1x112xi32, #tpu.memory_space<hbm>> -> memref<112xi32, #tpu.memory_space<hbm>>
      %dma_wait3A_520 = arith.constant 0 : i32
      %dma_wait3A_521 = tpu.memref_slice %arg9[%dma_wait3A_513, %dma_wait3A_520] : memref<3x112xi32, #tpu.memory_space<vmem>> -> memref<1x112xi32, #tpu.memory_space<vmem>>
      %dma_wait3A_522 = tpu.memref_squeeze %dma_wait3A_521 : memref<1x112xi32, #tpu.memory_space<vmem>> -> memref<112xi32, #tpu.memory_space<vmem>>
      %dma_wait3A_523 = arith.constant 0 : i32
      %dma_wait3A_524 = tpu.memref_slice %arg4[%add3A_512, %dma_wait3A_523] : memref<1440x112xi32, #tpu.memory_space<hbm>> -> memref<1x112xi32, #tpu.memory_space<hbm>>
      %dma_wait3A_525 = tpu.memref_squeeze %dma_wait3A_524 : memref<1x112xi32, #tpu.memory_space<hbm>> -> memref<112xi32, #tpu.memory_space<hbm>>
      tpu.wait_dma2 semaphore(%arg15 : memref<!tpu.dma_semaphore, #tpu.memory_space<semaphore_mem>>) src(%dma_wait3A_525 : memref<112xi32, #tpu.memory_space<hbm>>) dst(%dma_wait3A_522 : memref<112xi32, #tpu.memory_space<vmem>>)
      %run_scoped3A_526 = arith.constant 1 : i32
      %run_scoped3A_527 = arith.constant 1 : i32
      "tpu.region"() ({
        %run_scoped3A_577 = tpu.sem_alloc : memref<!tpu.dma_semaphore, #tpu.memory_space<semaphore_mem>>
        %dma_start3A_578 = arith.constant 0 : i32
        %dma_start3A_579 = arith.constant 0 : i32
        %dma_start3A_580 = tpu.memref_slice %arg10[%run_scoped3A_526, %dma_start3A_578, %dma_start3A_579] : memref<3x112x128xf32, #tpu.memory_space<vmem>> -> memref<1x112x128xf32, #tpu.memory_space<vmem>>
        %dma_start3A_581 = tpu.memref_squeeze %dma_start3A_580 : memref<1x112x128xf32, #tpu.memory_space<vmem>> -> memref<112x128xf32, #tpu.memory_space<vmem>>
        %dma_start3A_582 = arith.constant 0 : i32
        %dma_start3A_583 = tpu.memref_slice %arg9[%run_scoped3A_527, %dma_start3A_582] : memref<3x112xi32, #tpu.memory_space<vmem>> -> memref<1x112xi32, #tpu.memory_space<vmem>>
        %dma_start3A_584 = tpu.memref_squeeze %dma_start3A_583 : memref<1x112xi32, #tpu.memory_space<vmem>> -> memref<112xi32, #tpu.memory_space<vmem>>
        %dma_start3A_585 = arith.constant 0 : i32
        %dma_start3A_586 = arith.constant 0 : i32
        %dma_start3A_587 = tpu.memref_slice %arg7[%dma_start3A_585, %dma_start3A_586] : memref<10240x128xf32, #tpu.memory_space<vmem_shared>> -> memref<10240x128xf32, #tpu.memory_space<vmem_shared>>
        tpu.enqueue_indirect_dma source(%dma_start3A_581 : memref<112x128xf32, #tpu.memory_space<vmem>>) target(%dma_start3A_587 : memref<10240x128xf32, #tpu.memory_space<vmem_shared>>) offsets(%dma_start3A_584 : memref<112xi32, #tpu.memory_space<vmem>>) semaphore(%run_scoped3A_577 : memref<!tpu.dma_semaphore, #tpu.memory_space<semaphore_mem>>) {add = true}
        %dma_wait3A_588 = arith.constant 0 : i32
        %dma_wait3A_589 = arith.constant 0 : i32
        %dma_wait3A_590 = tpu.memref_slice %arg10[%run_scoped3A_526, %dma_wait3A_588, %dma_wait3A_589] : memref<3x112x128xf32, #tpu.memory_space<vmem>> -> memref<1x112x128xf32, #tpu.memory_space<vmem>>
        %dma_wait3A_591 = tpu.memref_squeeze %dma_wait3A_590 : memref<1x112x128xf32, #tpu.memory_space<vmem>> -> memref<112x128xf32, #tpu.memory_space<vmem>>
        %dma_wait3A_592 = arith.constant 0 : i32
        %dma_wait3A_593 = tpu.memref_slice %arg9[%run_scoped3A_527, %dma_wait3A_592] : memref<3x112xi32, #tpu.memory_space<vmem>> -> memref<1x112xi32, #tpu.memory_space<vmem>>
        %dma_wait3A_594 = tpu.memref_squeeze %dma_wait3A_593 : memref<1x112xi32, #tpu.memory_space<vmem>> -> memref<112xi32, #tpu.memory_space<vmem>>
        %dma_wait3A_595 = arith.constant 0 : i32
        %dma_wait3A_596 = arith.constant 0 : i32
        %dma_wait3A_597 = tpu.memref_slice %arg7[%dma_wait3A_595, %dma_wait3A_596] : memref<10240x128xf32, #tpu.memory_space<vmem_shared>> -> memref<10240x128xf32, #tpu.memory_space<vmem_shared>>
        tpu.wait_indirect_dma semaphore(%run_scoped3A_577 : memref<!tpu.dma_semaphore, #tpu.memory_space<semaphore_mem>>) src(%dma_wait3A_591 : memref<112x128xf32, #tpu.memory_space<vmem>>) dst(%dma_wait3A_597 : memref<10240x128xf32, #tpu.memory_space<vmem_shared>>)
        tpu.yield
      }) : () -> ()
      %lt3A_528 = arith.constant 29 : i32
      %lt3A_529 = arith.cmpi slt, %scan3A_448, %lt3A_528 : i32
      %convert_element_type3A_530 = arith.extui %lt3A_529 : i1 to i32
      %cond3A_531 = arith.constant 0 : i32
      %cond3A_532 = arith.cmpi ne, %convert_element_type3A_530, %cond3A_531 : i32
      scf.if %cond3A_532 {
        %mul3A_577 = arith.constant 90 : i32
        %mul3A_578 = arith.muli %arg1, %mul3A_577 : i32
        %add3A_579 = arith.addi %mul3A_578, %add3A_492 : i32
        %add3A_580 = arith.constant 3 : i32
        %add3A_581 = arith.addi %add3A_579, %add3A_580 : i32
        %dma_wait3A_582 = arith.constant 1 : i32
        %dma_wait3A_583 = arith.constant 0 : i32
        %dma_wait3A_584 = tpu.memref_slice %arg8[%dma_wait3A_582, %dma_wait3A_583] : memref<3x112xi32, #tpu.memory_space<vmem>> -> memref<1x112xi32, #tpu.memory_space<vmem>>
        %dma_wait3A_585 = tpu.memref_squeeze %dma_wait3A_584 : memref<1x112xi32, #tpu.memory_space<vmem>> -> memref<112xi32, #tpu.memory_space<vmem>>
        %dma_wait3A_586 = arith.constant 0 : i32
        %dma_wait3A_587 = tpu.memref_slice %arg3[%add3A_581, %dma_wait3A_586] : memref<1440x112xi32, #tpu.memory_space<hbm>> -> memref<1x112xi32, #tpu.memory_space<hbm>>
        %dma_wait3A_588 = tpu.memref_squeeze %dma_wait3A_587 : memref<1x112xi32, #tpu.memory_space<hbm>> -> memref<112xi32, #tpu.memory_space<hbm>>
        %dma_wait3A_589 = arith.constant 0 : i32
        %dma_wait3A_590 = tpu.memref_slice %arg8[%dma_wait3A_582, %dma_wait3A_589] : memref<3x112xi32, #tpu.memory_space<vmem>> -> memref<1x112xi32, #tpu.memory_space<vmem>>
        %dma_wait3A_591 = tpu.memref_squeeze %dma_wait3A_590 : memref<1x112xi32, #tpu.memory_space<vmem>> -> memref<112xi32, #tpu.memory_space<vmem>>
        %dma_wait3A_592 = arith.constant 0 : i32
        %dma_wait3A_593 = tpu.memref_slice %arg3[%add3A_581, %dma_wait3A_592] : memref<1440x112xi32, #tpu.memory_space<hbm>> -> memref<1x112xi32, #tpu.memory_space<hbm>>
        %dma_wait3A_594 = tpu.memref_squeeze %dma_wait3A_593 : memref<1x112xi32, #tpu.memory_space<hbm>> -> memref<112xi32, #tpu.memory_space<hbm>>
        tpu.wait_dma2 semaphore(%arg18 : memref<!tpu.dma_semaphore, #tpu.memory_space<semaphore_mem>>) src(%dma_wait3A_594 : memref<112xi32, #tpu.memory_space<hbm>>) dst(%dma_wait3A_591 : memref<112xi32, #tpu.memory_space<vmem>>)
        %add3A_595 = arith.constant 3 : i32
        %add3A_596 = arith.addi %add3A_492, %add3A_595 : i32
        %get3A_597 = arith.constant 1 : i32
        %get3A_598 = arith.index_cast %get3A_597 : i32 to index
        %get3A_599 = arith.constant 0 : index
        %get3A_600 = tpu.vector_load %arg8[%get3A_598, %get3A_599] {strides = array<i32>} : memref<3x112xi32, #tpu.memory_space<vmem>>, vector<1x16xi32>,
        %get3A_601 = vector.shape_cast %get3A_600 : vector<1x16xi32> to vector<16xi32>
        %mul3A_602 = arith.constant 2 : i32
        %mul3A_603 = vector.broadcast %mul3A_602 : i32 to vector<16xi32>
        %mul3A_604 = arith.muli %get3A_601, %mul3A_603 : vector<16xi32>
        %add3A_605 = vector.broadcast %add3A_1 : i32 to vector<16xi32>
        %add3A_606 = arith.addi %mul3A_604, %add3A_605 : vector<16xi32>
        %swap3A_607 = arith.constant 1 : i32
        %swap3A_608 = arith.index_cast %swap3A_607 : i32 to index
        %swap3A_609 = arith.constant 0 : index
        %swap3A_610 = tpu.vector_load %arg8[%swap3A_608, %swap3A_609] {strides = array<i32>} : memref<3x112xi32, #tpu.memory_space<vmem>>, vector<1x16xi32>,
        %swap3A_611 = vector.shape_cast %swap3A_610 : vector<1x16xi32> to vector<16xi32>
        %swap3A_612 = vector.shape_cast %add3A_606 : vector<16xi32> to vector<1x16xi32>
        tpu.vector_store %arg8[%swap3A_608, %swap3A_609], %swap3A_612 {strides = array<i32>} : memref<3x112xi32, #tpu.memory_space<vmem>>, vector<1x16xi32>,
        %get3A_613 = arith.constant 1 : i32
        %get3A_614 = arith.index_cast %get3A_613 : i32 to index
        %get3A_615 = arith.constant 16 : index
        %get3A_616 = tpu.vector_load %arg8[%get3A_614, %get3A_615] {strides = array<i32>} : memref<3x112xi32, #tpu.memory_space<vmem>>, vector<1x16xi32>,
        %get3A_617 = vector.shape_cast %get3A_616 : vector<1x16xi32> to vector<16xi32>
        %mul3A_618 = arith.constant 2 : i32
        %mul3A_619 = vector.broadcast %mul3A_618 : i32 to vector<16xi32>
        %mul3A_620 = arith.muli %get3A_617, %mul3A_619 : vector<16xi32>
        %add3A_621 = vector.broadcast %add3A_1 : i32 to vector<16xi32>
        %add3A_622 = arith.addi %mul3A_620, %add3A_621 : vector<16xi32>
        %swap3A_623 = arith.constant 1 : i32
        %swap3A_624 = arith.index_cast %swap3A_623 : i32 to index
        %swap3A_625 = arith.constant 16 : index
        %swap3A_626 = tpu.vector_load %arg8[%swap3A_624, %swap3A_625] {strides = array<i32>} : memref<3x112xi32, #tpu.memory_space<vmem>>, vector<1x16xi32>,
        %swap3A_627 = vector.shape_cast %swap3A_626 : vector<1x16xi32> to vector<16xi32>
        %swap3A_628 = vector.shape_cast %add3A_622 : vector<16xi32> to vector<1x16xi32>
        tpu.vector_store %arg8[%swap3A_624, %swap3A_625], %swap3A_628 {strides = array<i32>} : memref<3x112xi32, #tpu.memory_space<vmem>>, vector<1x16xi32>,
        %get3A_629 = arith.constant 1 : i32
        %get3A_630 = arith.index_cast %get3A_629 : i32 to index
        %get3A_631 = arith.constant 32 : index
        %get3A_632 = tpu.vector_load %arg8[%get3A_630, %get3A_631] {strides = array<i32>} : memref<3x112xi32, #tpu.memory_space<vmem>>, vector<1x16xi32>,
        %get3A_633 = vector.shape_cast %get3A_632 : vector<1x16xi32> to vector<16xi32>
        %mul3A_634 = arith.constant 2 : i32
        %mul3A_635 = vector.broadcast %mul3A_634 : i32 to vector<16xi32>
        %mul3A_636 = arith.muli %get3A_633, %mul3A_635 : vector<16xi32>
        %add3A_637 = vector.broadcast %add3A_1 : i32 to vector<16xi32>
        %add3A_638 = arith.addi %mul3A_636, %add3A_637 : vector<16xi32>
        %swap3A_639 = arith.constant 1 : i32
        %swap3A_640 = arith.index_cast %swap3A_639 : i32 to index
        %swap3A_641 = arith.constant 32 : index
        %swap3A_642 = tpu.vector_load %arg8[%swap3A_640, %swap3A_641] {strides = array<i32>} : memref<3x112xi32, #tpu.memory_space<vmem>>, vector<1x16xi32>,
        %swap3A_643 = vector.shape_cast %swap3A_642 : vector<1x16xi32> to vector<16xi32>
        %swap3A_644 = vector.shape_cast %add3A_638 : vector<16xi32> to vector<1x16xi32>
        tpu.vector_store %arg8[%swap3A_640, %swap3A_641], %swap3A_644 {strides = array<i32>} : memref<3x112xi32, #tpu.memory_space<vmem>>, vector<1x16xi32>,
        %get3A_645 = arith.constant 1 : i32
        %get3A_646 = arith.index_cast %get3A_645 : i32 to index
        %get3A_647 = arith.constant 48 : index
        %get3A_648 = tpu.vector_load %arg8[%get3A_646, %get3A_647] {strides = array<i32>} : memref<3x112xi32, #tpu.memory_space<vmem>>, vector<1x16xi32>,
        %get3A_649 = vector.shape_cast %get3A_648 : vector<1x16xi32> to vector<16xi32>
        %mul3A_650 = arith.constant 2 : i32
        %mul3A_651 = vector.broadcast %mul3A_650 : i32 to vector<16xi32>
        %mul3A_652 = arith.muli %get3A_649, %mul3A_651 : vector<16xi32>
        %add3A_653 = vector.broadcast %add3A_1 : i32 to vector<16xi32>
        %add3A_654 = arith.addi %mul3A_652, %add3A_653 : vector<16xi32>
        %swap3A_655 = arith.constant 1 : i32
        %swap3A_656 = arith.index_cast %swap3A_655 : i32 to index
        %swap3A_657 = arith.constant 48 : index
        %swap3A_658 = tpu.vector_load %arg8[%swap3A_656, %swap3A_657] {strides = array<i32>} : memref<3x112xi32, #tpu.memory_space<vmem>>, vector<1x16xi32>,
        %swap3A_659 = vector.shape_cast %swap3A_658 : vector<1x16xi32> to vector<16xi32>
        %swap3A_660 = vector.shape_cast %add3A_654 : vector<16xi32> to vector<1x16xi32>
        tpu.vector_store %arg8[%swap3A_656, %swap3A_657], %swap3A_660 {strides = array<i32>} : memref<3x112xi32, #tpu.memory_space<vmem>>, vector<1x16xi32>,
        %get3A_661 = arith.constant 1 : i32
        %get3A_662 = arith.index_cast %get3A_661 : i32 to index
        %get3A_663 = arith.constant 64 : index
        %get3A_664 = tpu.vector_load %arg8[%get3A_662, %get3A_663] {strides = array<i32>} : memref<3x112xi32, #tpu.memory_space<vmem>>, vector<1x16xi32>,
        %get3A_665 = vector.shape_cast %get3A_664 : vector<1x16xi32> to vector<16xi32>
        %mul3A_666 = arith.constant 2 : i32
        %mul3A_667 = vector.broadcast %mul3A_666 : i32 to vector<16xi32>
        %mul3A_668 = arith.muli %get3A_665, %mul3A_667 : vector<16xi32>
        %add3A_669 = vector.broadcast %add3A_1 : i32 to vector<16xi32>
        %add3A_670 = arith.addi %mul3A_668, %add3A_669 : vector<16xi32>
        %swap3A_671 = arith.constant 1 : i32
        %swap3A_672 = arith.index_cast %swap3A_671 : i32 to index
        %swap3A_673 = arith.constant 64 : index
        %swap3A_674 = tpu.vector_load %arg8[%swap3A_672, %swap3A_673] {strides = array<i32>} : memref<3x112xi32, #tpu.memory_space<vmem>>, vector<1x16xi32>,
        %swap3A_675 = vector.shape_cast %swap3A_674 : vector<1x16xi32> to vector<16xi32>
        %swap3A_676 = vector.shape_cast %add3A_670 : vector<16xi32> to vector<1x16xi32>
        tpu.vector_store %arg8[%swap3A_672, %swap3A_673], %swap3A_676 {strides = array<i32>} : memref<3x112xi32, #tpu.memory_space<vmem>>, vector<1x16xi32>,
        %get3A_677 = arith.constant 1 : i32
        %get3A_678 = arith.index_cast %get3A_677 : i32 to index
        %get3A_679 = arith.constant 80 : index
        %get3A_680 = tpu.vector_load %arg8[%get3A_678, %get3A_679] {strides = array<i32>} : memref<3x112xi32, #tpu.memory_space<vmem>>, vector<1x16xi32>,
        %get3A_681 = vector.shape_cast %get3A_680 : vector<1x16xi32> to vector<16xi32>
        %mul3A_682 = arith.constant 2 : i32
        %mul3A_683 = vector.broadcast %mul3A_682 : i32 to vector<16xi32>
        %mul3A_684 = arith.muli %get3A_681, %mul3A_683 : vector<16xi32>
        %add3A_685 = vector.broadcast %add3A_1 : i32 to vector<16xi32>
        %add3A_686 = arith.addi %mul3A_684, %add3A_685 : vector<16xi32>
        %swap3A_687 = arith.constant 1 : i32
        %swap3A_688 = arith.index_cast %swap3A_687 : i32 to index
        %swap3A_689 = arith.constant 80 : index
        %swap3A_690 = tpu.vector_load %arg8[%swap3A_688, %swap3A_689] {strides = array<i32>} : memref<3x112xi32, #tpu.memory_space<vmem>>, vector<1x16xi32>,
        %swap3A_691 = vector.shape_cast %swap3A_690 : vector<1x16xi32> to vector<16xi32>
        %swap3A_692 = vector.shape_cast %add3A_686 : vector<16xi32> to vector<1x16xi32>
        tpu.vector_store %arg8[%swap3A_688, %swap3A_689], %swap3A_692 {strides = array<i32>} : memref<3x112xi32, #tpu.memory_space<vmem>>, vector<1x16xi32>,
        %get3A_693 = arith.constant 1 : i32
        %get3A_694 = arith.index_cast %get3A_693 : i32 to index
        %get3A_695 = arith.constant 96 : index
        %get3A_696 = tpu.vector_load %arg8[%get3A_694, %get3A_695] {strides = array<i32>} : memref<3x112xi32, #tpu.memory_space<vmem>>, vector<1x16xi32>,
        %get3A_697 = vector.shape_cast %get3A_696 : vector<1x16xi32> to vector<16xi32>
        %mul3A_698 = arith.constant 2 : i32
        %mul3A_699 = vector.broadcast %mul3A_698 : i32 to vector<16xi32>
        %mul3A_700 = arith.muli %get3A_697, %mul3A_699 : vector<16xi32>
        %add3A_701 = vector.broadcast %add3A_1 : i32 to vector<16xi32>
        %add3A_702 = arith.addi %mul3A_700, %add3A_701 : vector<16xi32>
        %swap3A_703 = arith.constant 1 : i32
        %swap3A_704 = arith.index_cast %swap3A_703 : i32 to index
        %swap3A_705 = arith.constant 96 : index
        %swap3A_706 = tpu.vector_load %arg8[%swap3A_704, %swap3A_705] {strides = array<i32>} : memref<3x112xi32, #tpu.memory_space<vmem>>, vector<1x16xi32>,
        %swap3A_707 = vector.shape_cast %swap3A_706 : vector<1x16xi32> to vector<16xi32>
        %swap3A_708 = vector.shape_cast %add3A_702 : vector<16xi32> to vector<1x16xi32>
        tpu.vector_store %arg8[%swap3A_704, %swap3A_705], %swap3A_708 {strides = array<i32>} : memref<3x112xi32, #tpu.memory_space<vmem>>, vector<1x16xi32>,
        %mul3A_709 = arith.constant 90 : i32
        %mul3A_710 = arith.muli %arg1, %mul3A_709 : i32
        %add3A_711 = arith.addi %mul3A_710, %add3A_596 : i32
        %dma_start3A_712 = arith.constant 1 : i32
        %dma_start3A_713 = arith.constant 0 : i32
        %dma_start3A_714 = tpu.memref_slice %arg9[%dma_start3A_712, %dma_start3A_713] : memref<3x112xi32, #tpu.memory_space<vmem>> -> memref<1x112xi32, #tpu.memory_space<vmem>>
        %dma_start3A_715 = tpu.memref_squeeze %dma_start3A_714 : memref<1x112xi32, #tpu.memory_space<vmem>> -> memref<112xi32, #tpu.memory_space<vmem>>
        %dma_start3A_716 = arith.constant 0 : i32
        %dma_start3A_717 = tpu.memref_slice %arg4[%add3A_711, %dma_start3A_716] : memref<1440x112xi32, #tpu.memory_space<hbm>> -> memref<1x112xi32, #tpu.memory_space<hbm>>
        %dma_start3A_718 = tpu.memref_squeeze %dma_start3A_717 : memref<1x112xi32, #tpu.memory_space<hbm>> -> memref<112xi32, #tpu.memory_space<hbm>>
        %dma_start3A_719 = arith.constant 0 : i32
        %dma_start3A_720 = tpu.memref_slice %arg9[%dma_start3A_712, %dma_start3A_719] : memref<3x112xi32, #tpu.memory_space<vmem>> -> memref<1x112xi32, #tpu.memory_space<vmem>>
        %dma_start3A_721 = tpu.memref_squeeze %dma_start3A_720 : memref<1x112xi32, #tpu.memory_space<vmem>> -> memref<112xi32, #tpu.memory_space<vmem>>
        %dma_start3A_722 = arith.constant 0 : i32
        %dma_start3A_723 = tpu.memref_slice %arg4[%add3A_711, %dma_start3A_722] : memref<1440x112xi32, #tpu.memory_space<hbm>> -> memref<1x112xi32, #tpu.memory_space<hbm>>
        %dma_start3A_724 = tpu.memref_squeeze %dma_start3A_723 : memref<1x112xi32, #tpu.memory_space<hbm>> -> memref<112xi32, #tpu.memory_space<hbm>>
        tpu.enqueue_dma source(%dma_start3A_724 : memref<112xi32, #tpu.memory_space<hbm>>) target(%dma_start3A_721 : memref<112xi32, #tpu.memory_space<vmem>>) target_semaphore(%arg15 : memref<!tpu.dma_semaphore, #tpu.memory_space<semaphore_mem>>)
        %dma_start3A_725 = arith.constant 1 : i32
        %dma_start3A_726 = arith.constant 1 : i32
        %dma_start3A_727 = arith.constant 0 : i32
        %dma_start3A_728 = arith.constant 0 : i32
        %dma_start3A_729 = tpu.memref_slice %arg10[%dma_start3A_726, %dma_start3A_727, %dma_start3A_728] : memref<3x112x128xf32, #tpu.memory_space<vmem>> -> memref<1x112x128xf32, #tpu.memory_space<vmem>>
        %dma_start3A_730 = tpu.memref_squeeze %dma_start3A_729 : memref<1x112x128xf32, #tpu.memory_space<vmem>> -> memref<112x128xf32, #tpu.memory_space<vmem>>
        %dma_start3A_731 = arith.constant 0 : i32
        %dma_start3A_732 = tpu.memref_slice %arg8[%dma_start3A_725, %dma_start3A_731] : memref<3x112xi32, #tpu.memory_space<vmem>> -> memref<1x112xi32, #tpu.memory_space<vmem>>
        %dma_start3A_733 = tpu.memref_squeeze %dma_start3A_732 : memref<1x112xi32, #tpu.memory_space<vmem>> -> memref<112xi32, #tpu.memory_space<vmem>>
        %dma_start3A_734 = arith.constant 0 : i32
        %dma_start3A_735 = arith.constant 0 : i32
        %dma_start3A_736 = tpu.memref_slice %arg2[%dma_start3A_734, %dma_start3A_735] : memref<20000x128xf32, #tpu.memory_space<hbm>> -> memref<20000x128xf32, #tpu.memory_space<hbm>>
        tpu.enqueue_indirect_dma source(%dma_start3A_736 : memref<20000x128xf32, #tpu.memory_space<hbm>>) target(%dma_start3A_730 : memref<112x128xf32, #tpu.memory_space<vmem>>) offsets(%dma_start3A_733 : memref<112xi32, #tpu.memory_space<vmem>>) semaphore(%arg12 : memref<!tpu.dma_semaphore, #tpu.memory_space<semaphore_mem>>)
      } else {
      }
      %mul3A_533 = arith.constant 3 : i32
      %mul3A_534 = arith.muli %scan3A_448, %mul3A_533 : i32
      %add3A_535 = arith.constant 2 : i32
      %add3A_536 = arith.addi %mul3A_534, %add3A_535 : i32
      %dma_wait3A_537 = arith.constant 2 : i32
      %dma_wait3A_538 = arith.constant 2 : i32
      %dma_wait3A_539 = arith.constant 0 : i32
      %dma_wait3A_540 = arith.constant 0 : i32
      %dma_wait3A_541 = tpu.memref_slice %arg10[%dma_wait3A_538, %dma_wait3A_539, %dma_wait3A_540] : memref<3x112x128xf32, #tpu.memory_space<vmem>> -> memref<1x112x128xf32, #tpu.memory_space<vmem>>
      %dma_wait3A_542 = tpu.memref_squeeze %dma_wait3A_541 : memref<1x112x128xf32, #tpu.memory_space<vmem>> -> memref<112x128xf32, #tpu.memory_space<vmem>>
      %dma_wait3A_543 = arith.constant 0 : i32
      %dma_wait3A_544 = tpu.memref_slice %arg8[%dma_wait3A_537, %dma_wait3A_543] : memref<3x112xi32, #tpu.memory_space<vmem>> -> memref<1x112xi32, #tpu.memory_space<vmem>>
      %dma_wait3A_545 = tpu.memref_squeeze %dma_wait3A_544 : memref<1x112xi32, #tpu.memory_space<vmem>> -> memref<112xi32, #tpu.memory_space<vmem>>
      %dma_wait3A_546 = arith.constant 0 : i32
      %dma_wait3A_547 = arith.constant 0 : i32
      %dma_wait3A_548 = tpu.memref_slice %arg2[%dma_wait3A_546, %dma_wait3A_547] : memref<20000x128xf32, #tpu.memory_space<hbm>> -> memref<20000x128xf32, #tpu.memory_space<hbm>>
      tpu.wait_indirect_dma semaphore(%arg13 : memref<!tpu.dma_semaphore, #tpu.memory_space<semaphore_mem>>) src(%dma_wait3A_548 : memref<20000x128xf32, #tpu.memory_space<hbm>>) dst(%dma_wait3A_542 : memref<112x128xf32, #tpu.memory_space<vmem>>)
      %lt3A_549 = arith.constant 29 : i32
      %lt3A_550 = arith.cmpi slt, %scan3A_448, %lt3A_549 : i32
      %convert_element_type3A_551 = arith.extui %lt3A_550 : i1 to i32
      %cond3A_552 = arith.constant 0 : i32
      %cond3A_553 = arith.cmpi ne, %convert_element_type3A_551, %cond3A_552 : i32
      scf.if %cond3A_553 {
        %mul3A_577 = arith.constant 90 : i32
        %mul3A_578 = arith.muli %arg1, %mul3A_577 : i32
        %add3A_579 = arith.addi %mul3A_578, %add3A_536 : i32
        %add3A_580 = arith.constant 3 : i32
        %add3A_581 = arith.addi %add3A_579, %add3A_580 : i32
        %dma_start3A_582 = arith.constant 2 : i32
        %dma_start3A_583 = arith.constant 0 : i32
        %dma_start3A_584 = tpu.memref_slice %arg8[%dma_start3A_582, %dma_start3A_583] : memref<3x112xi32, #tpu.memory_space<vmem>> -> memref<1x112xi32, #tpu.memory_space<vmem>>
        %dma_start3A_585 = tpu.memref_squeeze %dma_start3A_584 : memref<1x112xi32, #tpu.memory_space<vmem>> -> memref<112xi32, #tpu.memory_space<vmem>>
        %dma_start3A_586 = arith.constant 0 : i32
        %dma_start3A_587 = tpu.memref_slice %arg3[%add3A_581, %dma_start3A_586] : memref<1440x112xi32, #tpu.memory_space<hbm>> -> memref<1x112xi32, #tpu.memory_space<hbm>>
        %dma_start3A_588 = tpu.memref_squeeze %dma_start3A_587 : memref<1x112xi32, #tpu.memory_space<hbm>> -> memref<112xi32, #tpu.memory_space<hbm>>
        %dma_start3A_589 = arith.constant 0 : i32
        %dma_start3A_590 = tpu.memref_slice %arg8[%dma_start3A_582, %dma_start3A_589] : memref<3x112xi32, #tpu.memory_space<vmem>> -> memref<1x112xi32, #tpu.memory_space<vmem>>
        %dma_start3A_591 = tpu.memref_squeeze %dma_start3A_590 : memref<1x112xi32, #tpu.memory_space<vmem>> -> memref<112xi32, #tpu.memory_space<vmem>>
        %dma_start3A_592 = arith.constant 0 : i32
        %dma_start3A_593 = tpu.memref_slice %arg3[%add3A_581, %dma_start3A_592] : memref<1440x112xi32, #tpu.memory_space<hbm>> -> memref<1x112xi32, #tpu.memory_space<hbm>>
        %dma_start3A_594 = tpu.memref_squeeze %dma_start3A_593 : memref<1x112xi32, #tpu.memory_space<hbm>> -> memref<112xi32, #tpu.memory_space<hbm>>
        tpu.enqueue_dma source(%dma_start3A_594 : memref<112xi32, #tpu.memory_space<hbm>>) target(%dma_start3A_591 : memref<112xi32, #tpu.memory_space<vmem>>) target_semaphore(%arg19 : memref<!tpu.dma_semaphore, #tpu.memory_space<semaphore_mem>>)
      } else {
      }
      %mul3A_554 = arith.constant 90 : i32
      %mul3A_555 = arith.muli %arg1, %mul3A_554 : i32
      %add3A_556 = arith.addi %mul3A_555, %add3A_536 : i32
      %dma_wait3A_557 = arith.constant 2 : i32
      %dma_wait3A_558 = arith.constant 0 : i32
      %dma_wait3A_559 = tpu.memref_slice %arg9[%dma_wait3A_557, %dma_wait3A_558] : memref<3x112xi32, #tpu.memory_space<vmem>> -> memref<1x112xi32, #tpu.memory_space<vmem>>
      %dma_wait3A_560 = tpu.memref_squeeze %dma_wait3A_559 : memref<1x112xi32, #tpu.memory_space<vmem>> -> memref<112xi32, #tpu.memory_space<vmem>>
      %dma_wait3A_561 = arith.constant 0 : i32
      %dma_wait3A_562 = tpu.memref_slice %arg4[%add3A_556, %dma_wait3A_561] : memref<1440x112xi32, #tpu.memory_space<hbm>> -> memref<1x112xi32, #tpu.memory_space<hbm>>
      %dma_wait3A_563 = tpu.memref_squeeze %dma_wait3A_562 : memref<1x112xi32, #tpu.memory_space<hbm>> -> memref<112xi32, #tpu.memory_space<hbm>>
      %dma_wait3A_564 = arith.constant 0 : i32
      %dma_wait3A_565 = tpu.memref_slice %arg9[%dma_wait3A_557, %dma_wait3A_564] : memref<3x112xi32, #tpu.memory_space<vmem>> -> memref<1x112xi32, #tpu.memory_space<vmem>>
      %dma_wait3A_566 = tpu.memref_squeeze %dma_wait3A_565 : memref<1x112xi32, #tpu.memory_space<vmem>> -> memref<112xi32, #tpu.memory_space<vmem>>
      %dma_wait3A_567 = arith.constant 0 : i32
      %dma_wait3A_568 = tpu.memref_slice %arg4[%add3A_556, %dma_wait3A_567] : memref<1440x112xi32, #tpu.memory_space<hbm>> -> memref<1x112xi32, #tpu.memory_space<hbm>>
      %dma_wait3A_569 = tpu.memref_squeeze %dma_wait3A_568 : memref<1x112xi32, #tpu.memory_space<hbm>> -> memref<112xi32, #tpu.memory_space<hbm>>
      tpu.wait_dma2 semaphore(%arg16 : memref<!tpu.dma_semaphore, #tpu.memory_space<semaphore_mem>>) src(%dma_wait3A_569 : memref<112xi32, #tpu.memory_space<hbm>>) dst(%dma_wait3A_566 : memref<112xi32, #tpu.memory_space<vmem>>)
      %run_scoped3A_570 = arith.constant 2 : i32
      %run_scoped3A_571 = arith.constant 2 : i32
      "tpu.region"() ({
        %run_scoped3A_577 = tpu.sem_alloc : memref<!tpu.dma_semaphore, #tpu.memory_space<semaphore_mem>>
        %dma_start3A_578 = arith.constant 0 : i32
        %dma_start3A_579 = arith.constant 0 : i32
        %dma_start3A_580 = tpu.memref_slice %arg10[%run_scoped3A_570, %dma_start3A_578, %dma_start3A_579] : memref<3x112x128xf32, #tpu.memory_space<vmem>> -> memref<1x112x128xf32, #tpu.memory_space<vmem>>
        %dma_start3A_581 = tpu.memref_squeeze %dma_start3A_580 : memref<1x112x128xf32, #tpu.memory_space<vmem>> -> memref<112x128xf32, #tpu.memory_space<vmem>>
        %dma_start3A_582 = arith.constant 0 : i32
        %dma_start3A_583 = tpu.memref_slice %arg9[%run_scoped3A_571, %dma_start3A_582] : memref<3x112xi32, #tpu.memory_space<vmem>> -> memref<1x112xi32, #tpu.memory_space<vmem>>
        %dma_start3A_584 = tpu.memref_squeeze %dma_start3A_583 : memref<1x112xi32, #tpu.memory_space<vmem>> -> memref<112xi32, #tpu.memory_space<vmem>>
        %dma_start3A_585 = arith.constant 0 : i32
        %dma_start3A_586 = arith.constant 0 : i32
        %dma_start3A_587 = tpu.memref_slice %arg7[%dma_start3A_585, %dma_start3A_586] : memref<10240x128xf32, #tpu.memory_space<vmem_shared>> -> memref<10240x128xf32, #tpu.memory_space<vmem_shared>>
        tpu.enqueue_indirect_dma source(%dma_start3A_581 : memref<112x128xf32, #tpu.memory_space<vmem>>) target(%dma_start3A_587 : memref<10240x128xf32, #tpu.memory_space<vmem_shared>>) offsets(%dma_start3A_584 : memref<112xi32, #tpu.memory_space<vmem>>) semaphore(%run_scoped3A_577 : memref<!tpu.dma_semaphore, #tpu.memory_space<semaphore_mem>>) {add = true}
        %dma_wait3A_588 = arith.constant 0 : i32
        %dma_wait3A_589 = arith.constant 0 : i32
        %dma_wait3A_590 = tpu.memref_slice %arg10[%run_scoped3A_570, %dma_wait3A_588, %dma_wait3A_589] : memref<3x112x128xf32, #tpu.memory_space<vmem>> -> memref<1x112x128xf32, #tpu.memory_space<vmem>>
        %dma_wait3A_591 = tpu.memref_squeeze %dma_wait3A_590 : memref<1x112x128xf32, #tpu.memory_space<vmem>> -> memref<112x128xf32, #tpu.memory_space<vmem>>
        %dma_wait3A_592 = arith.constant 0 : i32
        %dma_wait3A_593 = tpu.memref_slice %arg9[%run_scoped3A_571, %dma_wait3A_592] : memref<3x112xi32, #tpu.memory_space<vmem>> -> memref<1x112xi32, #tpu.memory_space<vmem>>
        %dma_wait3A_594 = tpu.memref_squeeze %dma_wait3A_593 : memref<1x112xi32, #tpu.memory_space<vmem>> -> memref<112xi32, #tpu.memory_space<vmem>>
        %dma_wait3A_595 = arith.constant 0 : i32
        %dma_wait3A_596 = arith.constant 0 : i32
        %dma_wait3A_597 = tpu.memref_slice %arg7[%dma_wait3A_595, %dma_wait3A_596] : memref<10240x128xf32, #tpu.memory_space<vmem_shared>> -> memref<10240x128xf32, #tpu.memory_space<vmem_shared>>
        tpu.wait_indirect_dma semaphore(%run_scoped3A_577 : memref<!tpu.dma_semaphore, #tpu.memory_space<semaphore_mem>>) src(%dma_wait3A_591 : memref<112x128xf32, #tpu.memory_space<vmem>>) dst(%dma_wait3A_597 : memref<10240x128xf32, #tpu.memory_space<vmem_shared>>)
        tpu.yield
      }) : () -> ()
      %lt3A_572 = arith.constant 29 : i32
      %lt3A_573 = arith.cmpi slt, %scan3A_448, %lt3A_572 : i32
      %convert_element_type3A_574 = arith.extui %lt3A_573 : i1 to i32
      %cond3A_575 = arith.constant 0 : i32
      %cond3A_576 = arith.cmpi ne, %convert_element_type3A_574, %cond3A_575 : i32
      scf.if %cond3A_576 {
        %mul3A_577 = arith.constant 90 : i32
        %mul3A_578 = arith.muli %arg1, %mul3A_577 : i32
        %add3A_579 = arith.addi %mul3A_578, %add3A_536 : i32
        %add3A_580 = arith.constant 3 : i32
        %add3A_581 = arith.addi %add3A_579, %add3A_580 : i32
        %dma_wait3A_582 = arith.constant 2 : i32
        %dma_wait3A_583 = arith.constant 0 : i32
        %dma_wait3A_584 = tpu.memref_slice %arg8[%dma_wait3A_582, %dma_wait3A_583] : memref<3x112xi32, #tpu.memory_space<vmem>> -> memref<1x112xi32, #tpu.memory_space<vmem>>
        %dma_wait3A_585 = tpu.memref_squeeze %dma_wait3A_584 : memref<1x112xi32, #tpu.memory_space<vmem>> -> memref<112xi32, #tpu.memory_space<vmem>>
        %dma_wait3A_586 = arith.constant 0 : i32
        %dma_wait3A_587 = tpu.memref_slice %arg3[%add3A_581, %dma_wait3A_586] : memref<1440x112xi32, #tpu.memory_space<hbm>> -> memref<1x112xi32, #tpu.memory_space<hbm>>
        %dma_wait3A_588 = tpu.memref_squeeze %dma_wait3A_587 : memref<1x112xi32, #tpu.memory_space<hbm>> -> memref<112xi32, #tpu.memory_space<hbm>>
        %dma_wait3A_589 = arith.constant 0 : i32
        %dma_wait3A_590 = tpu.memref_slice %arg8[%dma_wait3A_582, %dma_wait3A_589] : memref<3x112xi32, #tpu.memory_space<vmem>> -> memref<1x112xi32, #tpu.memory_space<vmem>>
        %dma_wait3A_591 = tpu.memref_squeeze %dma_wait3A_590 : memref<1x112xi32, #tpu.memory_space<vmem>> -> memref<112xi32, #tpu.memory_space<vmem>>
        %dma_wait3A_592 = arith.constant 0 : i32
        %dma_wait3A_593 = tpu.memref_slice %arg3[%add3A_581, %dma_wait3A_592] : memref<1440x112xi32, #tpu.memory_space<hbm>> -> memref<1x112xi32, #tpu.memory_space<hbm>>
        %dma_wait3A_594 = tpu.memref_squeeze %dma_wait3A_593 : memref<1x112xi32, #tpu.memory_space<hbm>> -> memref<112xi32, #tpu.memory_space<hbm>>
        tpu.wait_dma2 semaphore(%arg19 : memref<!tpu.dma_semaphore, #tpu.memory_space<semaphore_mem>>) src(%dma_wait3A_594 : memref<112xi32, #tpu.memory_space<hbm>>) dst(%dma_wait3A_591 : memref<112xi32, #tpu.memory_space<vmem>>)
        %add3A_595 = arith.constant 3 : i32
        %add3A_596 = arith.addi %add3A_536, %add3A_595 : i32
        %get3A_597 = arith.constant 2 : i32
        %get3A_598 = arith.index_cast %get3A_597 : i32 to index
        %get3A_599 = arith.constant 0 : index
        %get3A_600 = tpu.vector_load %arg8[%get3A_598, %get3A_599] {strides = array<i32>} : memref<3x112xi32, #tpu.memory_space<vmem>>, vector<1x16xi32>,
        %get3A_601 = vector.shape_cast %get3A_600 : vector<1x16xi32> to vector<16xi32>
        %mul3A_602 = arith.constant 2 : i32
        %mul3A_603 = vector.broadcast %mul3A_602 : i32 to vector<16xi32>
        %mul3A_604 = arith.muli %get3A_601, %mul3A_603 : vector<16xi32>
        %add3A_605 = vector.broadcast %add3A_1 : i32 to vector<16xi32>
        %add3A_606 = arith.addi %mul3A_604, %add3A_605 : vector<16xi32>
        %swap3A_607 = arith.constant 2 : i32
        %swap3A_608 = arith.index_cast %swap3A_607 : i32 to index
        %swap3A_609 = arith.constant 0 : index
        %swap3A_610 = tpu.vector_load %arg8[%swap3A_608, %swap3A_609] {strides = array<i32>} : memref<3x112xi32, #tpu.memory_space<vmem>>, vector<1x16xi32>,
        %swap3A_611 = vector.shape_cast %swap3A_610 : vector<1x16xi32> to vector<16xi32>
        %swap3A_612 = vector.shape_cast %add3A_606 : vector<16xi32> to vector<1x16xi32>
        tpu.vector_store %arg8[%swap3A_608, %swap3A_609], %swap3A_612 {strides = array<i32>} : memref<3x112xi32, #tpu.memory_space<vmem>>, vector<1x16xi32>,
        %get3A_613 = arith.constant 2 : i32
        %get3A_614 = arith.index_cast %get3A_613 : i32 to index
        %get3A_615 = arith.constant 16 : index
        %get3A_616 = tpu.vector_load %arg8[%get3A_614, %get3A_615] {strides = array<i32>} : memref<3x112xi32, #tpu.memory_space<vmem>>, vector<1x16xi32>,
        %get3A_617 = vector.shape_cast %get3A_616 : vector<1x16xi32> to vector<16xi32>
        %mul3A_618 = arith.constant 2 : i32
        %mul3A_619 = vector.broadcast %mul3A_618 : i32 to vector<16xi32>
        %mul3A_620 = arith.muli %get3A_617, %mul3A_619 : vector<16xi32>
        %add3A_621 = vector.broadcast %add3A_1 : i32 to vector<16xi32>
        %add3A_622 = arith.addi %mul3A_620, %add3A_621 : vector<16xi32>
        %swap3A_623 = arith.constant 2 : i32
        %swap3A_624 = arith.index_cast %swap3A_623 : i32 to index
        %swap3A_625 = arith.constant 16 : index
        %swap3A_626 = tpu.vector_load %arg8[%swap3A_624, %swap3A_625] {strides = array<i32>} : memref<3x112xi32, #tpu.memory_space<vmem>>, vector<1x16xi32>,
        %swap3A_627 = vector.shape_cast %swap3A_626 : vector<1x16xi32> to vector<16xi32>
        %swap3A_628 = vector.shape_cast %add3A_622 : vector<16xi32> to vector<1x16xi32>
        tpu.vector_store %arg8[%swap3A_624, %swap3A_625], %swap3A_628 {strides = array<i32>} : memref<3x112xi32, #tpu.memory_space<vmem>>, vector<1x16xi32>,
        %get3A_629 = arith.constant 2 : i32
        %get3A_630 = arith.index_cast %get3A_629 : i32 to index
        %get3A_631 = arith.constant 32 : index
        %get3A_632 = tpu.vector_load %arg8[%get3A_630, %get3A_631] {strides = array<i32>} : memref<3x112xi32, #tpu.memory_space<vmem>>, vector<1x16xi32>,
        %get3A_633 = vector.shape_cast %get3A_632 : vector<1x16xi32> to vector<16xi32>
        %mul3A_634 = arith.constant 2 : i32
        %mul3A_635 = vector.broadcast %mul3A_634 : i32 to vector<16xi32>
        %mul3A_636 = arith.muli %get3A_633, %mul3A_635 : vector<16xi32>
        %add3A_637 = vector.broadcast %add3A_1 : i32 to vector<16xi32>
        %add3A_638 = arith.addi %mul3A_636, %add3A_637 : vector<16xi32>
        %swap3A_639 = arith.constant 2 : i32
        %swap3A_640 = arith.index_cast %swap3A_639 : i32 to index
        %swap3A_641 = arith.constant 32 : index
        %swap3A_642 = tpu.vector_load %arg8[%swap3A_640, %swap3A_641] {strides = array<i32>} : memref<3x112xi32, #tpu.memory_space<vmem>>, vector<1x16xi32>,
        %swap3A_643 = vector.shape_cast %swap3A_642 : vector<1x16xi32> to vector<16xi32>
        %swap3A_644 = vector.shape_cast %add3A_638 : vector<16xi32> to vector<1x16xi32>
        tpu.vector_store %arg8[%swap3A_640, %swap3A_641], %swap3A_644 {strides = array<i32>} : memref<3x112xi32, #tpu.memory_space<vmem>>, vector<1x16xi32>,
        %get3A_645 = arith.constant 2 : i32
        %get3A_646 = arith.index_cast %get3A_645 : i32 to index
        %get3A_647 = arith.constant 48 : index
        %get3A_648 = tpu.vector_load %arg8[%get3A_646, %get3A_647] {strides = array<i32>} : memref<3x112xi32, #tpu.memory_space<vmem>>, vector<1x16xi32>,
        %get3A_649 = vector.shape_cast %get3A_648 : vector<1x16xi32> to vector<16xi32>
        %mul3A_650 = arith.constant 2 : i32
        %mul3A_651 = vector.broadcast %mul3A_650 : i32 to vector<16xi32>
        %mul3A_652 = arith.muli %get3A_649, %mul3A_651 : vector<16xi32>
        %add3A_653 = vector.broadcast %add3A_1 : i32 to vector<16xi32>
        %add3A_654 = arith.addi %mul3A_652, %add3A_653 : vector<16xi32>
        %swap3A_655 = arith.constant 2 : i32
        %swap3A_656 = arith.index_cast %swap3A_655 : i32 to index
        %swap3A_657 = arith.constant 48 : index
        %swap3A_658 = tpu.vector_load %arg8[%swap3A_656, %swap3A_657] {strides = array<i32>} : memref<3x112xi32, #tpu.memory_space<vmem>>, vector<1x16xi32>,
        %swap3A_659 = vector.shape_cast %swap3A_658 : vector<1x16xi32> to vector<16xi32>
        %swap3A_660 = vector.shape_cast %add3A_654 : vector<16xi32> to vector<1x16xi32>
        tpu.vector_store %arg8[%swap3A_656, %swap3A_657], %swap3A_660 {strides = array<i32>} : memref<3x112xi32, #tpu.memory_space<vmem>>, vector<1x16xi32>,
        %get3A_661 = arith.constant 2 : i32
        %get3A_662 = arith.index_cast %get3A_661 : i32 to index
        %get3A_663 = arith.constant 64 : index
        %get3A_664 = tpu.vector_load %arg8[%get3A_662, %get3A_663] {strides = array<i32>} : memref<3x112xi32, #tpu.memory_space<vmem>>, vector<1x16xi32>,
        %get3A_665 = vector.shape_cast %get3A_664 : vector<1x16xi32> to vector<16xi32>
        %mul3A_666 = arith.constant 2 : i32
        %mul3A_667 = vector.broadcast %mul3A_666 : i32 to vector<16xi32>
        %mul3A_668 = arith.muli %get3A_665, %mul3A_667 : vector<16xi32>
        %add3A_669 = vector.broadcast %add3A_1 : i32 to vector<16xi32>
        %add3A_670 = arith.addi %mul3A_668, %add3A_669 : vector<16xi32>
        %swap3A_671 = arith.constant 2 : i32
        %swap3A_672 = arith.index_cast %swap3A_671 : i32 to index
        %swap3A_673 = arith.constant 64 : index
        %swap3A_674 = tpu.vector_load %arg8[%swap3A_672, %swap3A_673] {strides = array<i32>} : memref<3x112xi32, #tpu.memory_space<vmem>>, vector<1x16xi32>,
        %swap3A_675 = vector.shape_cast %swap3A_674 : vector<1x16xi32> to vector<16xi32>
        %swap3A_676 = vector.shape_cast %add3A_670 : vector<16xi32> to vector<1x16xi32>
        tpu.vector_store %arg8[%swap3A_672, %swap3A_673], %swap3A_676 {strides = array<i32>} : memref<3x112xi32, #tpu.memory_space<vmem>>, vector<1x16xi32>,
        %get3A_677 = arith.constant 2 : i32
        %get3A_678 = arith.index_cast %get3A_677 : i32 to index
        %get3A_679 = arith.constant 80 : index
        %get3A_680 = tpu.vector_load %arg8[%get3A_678, %get3A_679] {strides = array<i32>} : memref<3x112xi32, #tpu.memory_space<vmem>>, vector<1x16xi32>,
        %get3A_681 = vector.shape_cast %get3A_680 : vector<1x16xi32> to vector<16xi32>
        %mul3A_682 = arith.constant 2 : i32
        %mul3A_683 = vector.broadcast %mul3A_682 : i32 to vector<16xi32>
        %mul3A_684 = arith.muli %get3A_681, %mul3A_683 : vector<16xi32>
        %add3A_685 = vector.broadcast %add3A_1 : i32 to vector<16xi32>
        %add3A_686 = arith.addi %mul3A_684, %add3A_685 : vector<16xi32>
        %swap3A_687 = arith.constant 2 : i32
        %swap3A_688 = arith.index_cast %swap3A_687 : i32 to index
        %swap3A_689 = arith.constant 80 : index
        %swap3A_690 = tpu.vector_load %arg8[%swap3A_688, %swap3A_689] {strides = array<i32>} : memref<3x112xi32, #tpu.memory_space<vmem>>, vector<1x16xi32>,
        %swap3A_691 = vector.shape_cast %swap3A_690 : vector<1x16xi32> to vector<16xi32>
        %swap3A_692 = vector.shape_cast %add3A_686 : vector<16xi32> to vector<1x16xi32>
        tpu.vector_store %arg8[%swap3A_688, %swap3A_689], %swap3A_692 {strides = array<i32>} : memref<3x112xi32, #tpu.memory_space<vmem>>, vector<1x16xi32>,
        %get3A_693 = arith.constant 2 : i32
        %get3A_694 = arith.index_cast %get3A_693 : i32 to index
        %get3A_695 = arith.constant 96 : index
        %get3A_696 = tpu.vector_load %arg8[%get3A_694, %get3A_695] {strides = array<i32>} : memref<3x112xi32, #tpu.memory_space<vmem>>, vector<1x16xi32>,
        %get3A_697 = vector.shape_cast %get3A_696 : vector<1x16xi32> to vector<16xi32>
        %mul3A_698 = arith.constant 2 : i32
        %mul3A_699 = vector.broadcast %mul3A_698 : i32 to vector<16xi32>
        %mul3A_700 = arith.muli %get3A_697, %mul3A_699 : vector<16xi32>
        %add3A_701 = vector.broadcast %add3A_1 : i32 to vector<16xi32>
        %add3A_702 = arith.addi %mul3A_700, %add3A_701 : vector<16xi32>
        %swap3A_703 = arith.constant 2 : i32
        %swap3A_704 = arith.index_cast %swap3A_703 : i32 to index
        %swap3A_705 = arith.constant 96 : index
        %swap3A_706 = tpu.vector_load %arg8[%swap3A_704, %swap3A_705] {strides = array<i32>} : memref<3x112xi32, #tpu.memory_space<vmem>>, vector<1x16xi32>,
        %swap3A_707 = vector.shape_cast %swap3A_706 : vector<1x16xi32> to vector<16xi32>
        %swap3A_708 = vector.shape_cast %add3A_702 : vector<16xi32> to vector<1x16xi32>
        tpu.vector_store %arg8[%swap3A_704, %swap3A_705], %swap3A_708 {strides = array<i32>} : memref<3x112xi32, #tpu.memory_space<vmem>>, vector<1x16xi32>,
        %mul3A_709 = arith.constant 90 : i32
        %mul3A_710 = arith.muli %arg1, %mul3A_709 : i32
        %add3A_711 = arith.addi %mul3A_710, %add3A_596 : i32
        %dma_start3A_712 = arith.constant 2 : i32
        %dma_start3A_713 = arith.constant 0 : i32
        %dma_start3A_714 = tpu.memref_slice %arg9[%dma_start3A_712, %dma_start3A_713] : memref<3x112xi32, #tpu.memory_space<vmem>> -> memref<1x112xi32, #tpu.memory_space<vmem>>
        %dma_start3A_715 = tpu.memref_squeeze %dma_start3A_714 : memref<1x112xi32, #tpu.memory_space<vmem>> -> memref<112xi32, #tpu.memory_space<vmem>>
        %dma_start3A_716 = arith.constant 0 : i32
        %dma_start3A_717 = tpu.memref_slice %arg4[%add3A_711, %dma_start3A_716] : memref<1440x112xi32, #tpu.memory_space<hbm>> -> memref<1x112xi32, #tpu.memory_space<hbm>>
        %dma_start3A_718 = tpu.memref_squeeze %dma_start3A_717 : memref<1x112xi32, #tpu.memory_space<hbm>> -> memref<112xi32, #tpu.memory_space<hbm>>
        %dma_start3A_719 = arith.constant 0 : i32
        %dma_start3A_720 = tpu.memref_slice %arg9[%dma_start3A_712, %dma_start3A_719] : memref<3x112xi32, #tpu.memory_space<vmem>> -> memref<1x112xi32, #tpu.memory_space<vmem>>
        %dma_start3A_721 = tpu.memref_squeeze %dma_start3A_720 : memref<1x112xi32, #tpu.memory_space<vmem>> -> memref<112xi32, #tpu.memory_space<vmem>>
        %dma_start3A_722 = arith.constant 0 : i32
        %dma_start3A_723 = tpu.memref_slice %arg4[%add3A_711, %dma_start3A_722] : memref<1440x112xi32, #tpu.memory_space<hbm>> -> memref<1x112xi32, #tpu.memory_space<hbm>>
        %dma_start3A_724 = tpu.memref_squeeze %dma_start3A_723 : memref<1x112xi32, #tpu.memory_space<hbm>> -> memref<112xi32, #tpu.memory_space<hbm>>
        tpu.enqueue_dma source(%dma_start3A_724 : memref<112xi32, #tpu.memory_space<hbm>>) target(%dma_start3A_721 : memref<112xi32, #tpu.memory_space<vmem>>) target_semaphore(%arg16 : memref<!tpu.dma_semaphore, #tpu.memory_space<semaphore_mem>>)
        %dma_start3A_725 = arith.constant 2 : i32
        %dma_start3A_726 = arith.constant 2 : i32
        %dma_start3A_727 = arith.constant 0 : i32
        %dma_start3A_728 = arith.constant 0 : i32
        %dma_start3A_729 = tpu.memref_slice %arg10[%dma_start3A_726, %dma_start3A_727, %dma_start3A_728] : memref<3x112x128xf32, #tpu.memory_space<vmem>> -> memref<1x112x128xf32, #tpu.memory_space<vmem>>
        %dma_start3A_730 = tpu.memref_squeeze %dma_start3A_729 : memref<1x112x128xf32, #tpu.memory_space<vmem>> -> memref<112x128xf32, #tpu.memory_space<vmem>>
        %dma_start3A_731 = arith.constant 0 : i32
        %dma_start3A_732 = tpu.memref_slice %arg8[%dma_start3A_725, %dma_start3A_731] : memref<3x112xi32, #tpu.memory_space<vmem>> -> memref<1x112xi32, #tpu.memory_space<vmem>>
        %dma_start3A_733 = tpu.memref_squeeze %dma_start3A_732 : memref<1x112xi32, #tpu.memory_space<vmem>> -> memref<112xi32, #tpu.memory_space<vmem>>
        %dma_start3A_734 = arith.constant 0 : i32
        %dma_start3A_735 = arith.constant 0 : i32
        %dma_start3A_736 = tpu.memref_slice %arg2[%dma_start3A_734, %dma_start3A_735] : memref<20000x128xf32, #tpu.memory_space<hbm>> -> memref<20000x128xf32, #tpu.memory_space<hbm>>
        tpu.enqueue_indirect_dma source(%dma_start3A_736 : memref<20000x128xf32, #tpu.memory_space<hbm>>) target(%dma_start3A_730 : memref<112x128xf32, #tpu.memory_space<vmem>>) offsets(%dma_start3A_733 : memref<112xi32, #tpu.memory_space<vmem>>) semaphore(%arg13 : memref<!tpu.dma_semaphore, #tpu.memory_space<semaphore_mem>>)
      } else {
      }
    }
    %scan3A_442 = arith.constant 30 : i32
    %barrier3A_443 = arith.constant 0 : index
    tpu.barrier barrier_id(%barrier3A_443)
    %mul3A_444 = arith.constant 640 : i32
    %mul3A_445 = arith.muli %arg1, %mul3A_444 : i32
    %mul3A_446 = arith.constant 640 : i32
    %mul3A_447 = arith.muli %arg1, %mul3A_446 : i32
    "tpu.region"() ({
      %run_scoped3A_448 = tpu.sem_alloc : memref<!tpu.dma_semaphore, #tpu.memory_space<semaphore_mem>>
      %dma_start3A_449 = arith.constant 0 : i32
      %dma_start3A_450 = tpu.memref_slice %arg6[%add3A_1, %mul3A_447, %dma_start3A_449] : memref<2x10240x128xf32, #tpu.memory_space<hbm>> -> memref<1x640x128xf32, #tpu.memory_space<hbm>>
      %dma_start3A_451 = tpu.memref_squeeze %dma_start3A_450 : memref<1x640x128xf32, #tpu.memory_space<hbm>> -> memref<640x128xf32, #tpu.memory_space<hbm>>
      %dma_start3A_452 = arith.constant 0 : i32
      %dma_start3A_453 = tpu.memref_slice %arg7[%mul3A_445, %dma_start3A_452] : memref<10240x128xf32, #tpu.memory_space<vmem_shared>> -> memref<640x128xf32, #tpu.memory_space<vmem_shared>>
      tpu.enqueue_dma source(%dma_start3A_453 : memref<640x128xf32, #tpu.memory_space<vmem_shared>>) target(%dma_start3A_451 : memref<640x128xf32, #tpu.memory_space<hbm>>) target_semaphore(%run_scoped3A_448 : memref<!tpu.dma_semaphore, #tpu.memory_space<semaphore_mem>>)
      %dma_wait3A = arith.constant 0 : i32
      %dma_wait3A_454 = tpu.memref_slice %arg6[%add3A_1, %mul3A_447, %dma_wait3A] : memref<2x10240x128xf32, #tpu.memory_space<hbm>> -> memref<1x640x128xf32, #tpu.memory_space<hbm>>
      %dma_wait3A_455 = tpu.memref_squeeze %dma_wait3A_454 : memref<1x640x128xf32, #tpu.memory_space<hbm>> -> memref<640x128xf32, #tpu.memory_space<hbm>>
      %dma_wait3A_456 = arith.constant 0 : i32
      %dma_wait3A_457 = tpu.memref_slice %arg7[%mul3A_445, %dma_wait3A_456] : memref<10240x128xf32, #tpu.memory_space<vmem_shared>> -> memref<640x128xf32, #tpu.memory_space<vmem_shared>>
      tpu.wait_dma2 semaphore(%run_scoped3A_448 : memref<!tpu.dma_semaphore, #tpu.memory_space<semaphore_mem>>) src(%dma_wait3A_457 : memref<640x128xf32, #tpu.memory_space<vmem_shared>>) dst(%dma_wait3A_455 : memref<640x128xf32, #tpu.memory_space<hbm>>)
      tpu.yield
    }) : () -> ()
    return
  }
}

#map = affine_map<(d0, d1) -> (0, 0)>
#map1 = affine_map<(d0, d1) -> (0, 0, 0)>
module attributes {stable_mosaic.version = 14 : i64} {
  func.func @_deg_body(%arg0: i32, %arg1: i32, %arg2: memref<1440x112xi32, #tpu.memory_space<hbm>>, %arg3: memref<640x128xf32, #tpu.memory_space<hbm>>, %arg4: memref<112x128xf32, #tpu.memory_space<hbm>>, %arg5: memref<2x10240x128xf32, #tpu.memory_space<hbm>>, %arg6: memref<10240x128xf32, #tpu.memory_space<vmem_shared>>, %arg7: memref<3x112xi32, #tpu.memory_space<vmem>>, %arg8: memref<112x128xf32, #tpu.memory_space<vmem>>, %arg9: memref<!tpu.dma_semaphore, #tpu.memory_space<semaphore_mem>>, %arg10: memref<!tpu.dma_semaphore, #tpu.memory_space<semaphore_mem>>, %arg11: memref<!tpu.dma_semaphore, #tpu.memory_space<semaphore_mem>>) attributes {dimension_semantics = [#tpu.dimension_semantics<core_parallel>, #tpu.dimension_semantics<subcore_parallel>], iteration_bounds = array<i64: 2, 16>, scalar_prefetch = 0 : i64, scratch_operands = 6 : i64, tpu.core_type = #tpu.core_type<sc_vector_subcore>, window_params = [{transform_indices = #map}, {transform_indices = #map}, {transform_indices = #map}, {transform_indices = #map1}]} {
    %mul3A = arith.constant 640 : i32
    %mul3A_0 = arith.muli %arg1, %mul3A : i32
    "tpu.region"() ({
      %run_scoped3A = tpu.sem_alloc : memref<!tpu.dma_semaphore, #tpu.memory_space<semaphore_mem>>
      %dma_start3A_63 = arith.constant 0 : i32
      %dma_start3A_64 = tpu.memref_slice %arg6[%mul3A_0, %dma_start3A_63] : memref<10240x128xf32, #tpu.memory_space<vmem_shared>> -> memref<640x128xf32, #tpu.memory_space<vmem_shared>>
      tpu.enqueue_dma source(%arg3 : memref<640x128xf32, #tpu.memory_space<hbm>>) target(%dma_start3A_64 : memref<640x128xf32, #tpu.memory_space<vmem_shared>>) target_semaphore(%run_scoped3A : memref<!tpu.dma_semaphore, #tpu.memory_space<semaphore_mem>>)
      %dma_wait3A = arith.constant 0 : i32
      %dma_wait3A_65 = tpu.memref_slice %arg6[%mul3A_0, %dma_wait3A] : memref<10240x128xf32, #tpu.memory_space<vmem_shared>> -> memref<640x128xf32, #tpu.memory_space<vmem_shared>>
      tpu.wait_dma2 semaphore(%run_scoped3A : memref<!tpu.dma_semaphore, #tpu.memory_space<semaphore_mem>>) src(%arg3 : memref<640x128xf32, #tpu.memory_space<hbm>>) dst(%dma_wait3A_65 : memref<640x128xf32, #tpu.memory_space<vmem_shared>>)
      tpu.yield
    }) : () -> ()
    "tpu.region"() ({
      %run_scoped3A = tpu.sem_alloc : memref<!tpu.dma_semaphore, #tpu.memory_space<semaphore_mem>>
      tpu.enqueue_dma source(%arg4 : memref<112x128xf32, #tpu.memory_space<hbm>>) target(%arg8 : memref<112x128xf32, #tpu.memory_space<vmem>>) target_semaphore(%run_scoped3A : memref<!tpu.dma_semaphore, #tpu.memory_space<semaphore_mem>>)
      tpu.wait_dma2 semaphore(%run_scoped3A : memref<!tpu.dma_semaphore, #tpu.memory_space<semaphore_mem>>) src(%arg4 : memref<112x128xf32, #tpu.memory_space<hbm>>) dst(%arg8 : memref<112x128xf32, #tpu.memory_space<vmem>>)
      tpu.yield
    }) : () -> ()
    %barrier3A = arith.constant 0 : index
    tpu.barrier barrier_id(%barrier3A)
    %mul3A_1 = arith.constant 16 : i32
    %mul3A_2 = arith.muli %arg0, %mul3A_1 : i32
    %add3A = arith.addi %mul3A_2, %arg1 : i32
    %mul3A_3 = arith.constant 45 : i32
    %mul3A_4 = arith.muli %add3A, %mul3A_3 : i32
    %add3A_5 = arith.constant 0 : i32
    %add3A_6 = arith.addi %mul3A_4, %add3A_5 : i32
    %dma_start3A = arith.constant 0 : i32
    %dma_start3A_7 = arith.constant 0 : i32
    %dma_start3A_8 = tpu.memref_slice %arg7[%dma_start3A, %dma_start3A_7] : memref<3x112xi32, #tpu.memory_space<vmem>> -> memref<1x112xi32, #tpu.memory_space<vmem>>
    %dma_start3A_9 = tpu.memref_squeeze %dma_start3A_8 : memref<1x112xi32, #tpu.memory_space<vmem>> -> memref<112xi32, #tpu.memory_space<vmem>>
    %dma_start3A_10 = arith.constant 0 : i32
    %dma_start3A_11 = tpu.memref_slice %arg2[%add3A_6, %dma_start3A_10] : memref<1440x112xi32, #tpu.memory_space<hbm>> -> memref<1x112xi32, #tpu.memory_space<hbm>>
    %dma_start3A_12 = tpu.memref_squeeze %dma_start3A_11 : memref<1x112xi32, #tpu.memory_space<hbm>> -> memref<112xi32, #tpu.memory_space<hbm>>
    %dma_start3A_13 = arith.constant 0 : i32
    %dma_start3A_14 = tpu.memref_slice %arg7[%dma_start3A, %dma_start3A_13] : memref<3x112xi32, #tpu.memory_space<vmem>> -> memref<1x112xi32, #tpu.memory_space<vmem>>
    %dma_start3A_15 = tpu.memref_squeeze %dma_start3A_14 : memref<1x112xi32, #tpu.memory_space<vmem>> -> memref<112xi32, #tpu.memory_space<vmem>>
    %dma_start3A_16 = arith.constant 0 : i32
    %dma_start3A_17 = tpu.memref_slice %arg2[%add3A_6, %dma_start3A_16] : memref<1440x112xi32, #tpu.memory_space<hbm>> -> memref<1x112xi32, #tpu.memory_space<hbm>>
    %dma_start3A_18 = tpu.memref_squeeze %dma_start3A_17 : memref<1x112xi32, #tpu.memory_space<hbm>> -> memref<112xi32, #tpu.memory_space<hbm>>
    tpu.enqueue_dma source(%dma_start3A_18 : memref<112xi32, #tpu.memory_space<hbm>>) target(%dma_start3A_15 : memref<112xi32, #tpu.memory_space<vmem>>) target_semaphore(%arg9 : memref<!tpu.dma_semaphore, #tpu.memory_space<semaphore_mem>>)
    %mul3A_19 = arith.constant 45 : i32
    %mul3A_20 = arith.muli %add3A, %mul3A_19 : i32
    %add3A_21 = arith.constant 1 : i32
    %add3A_22 = arith.addi %mul3A_20, %add3A_21 : i32
    %dma_start3A_23 = arith.constant 1 : i32
    %dma_start3A_24 = arith.constant 0 : i32
    %dma_start3A_25 = tpu.memref_slice %arg7[%dma_start3A_23, %dma_start3A_24] : memref<3x112xi32, #tpu.memory_space<vmem>> -> memref<1x112xi32, #tpu.memory_space<vmem>>
    %dma_start3A_26 = tpu.memref_squeeze %dma_start3A_25 : memref<1x112xi32, #tpu.memory_space<vmem>> -> memref<112xi32, #tpu.memory_space<vmem>>
    %dma_start3A_27 = arith.constant 0 : i32
    %dma_start3A_28 = tpu.memref_slice %arg2[%add3A_22, %dma_start3A_27] : memref<1440x112xi32, #tpu.memory_space<hbm>> -> memref<1x112xi32, #tpu.memory_space<hbm>>
    %dma_start3A_29 = tpu.memref_squeeze %dma_start3A_28 : memref<1x112xi32, #tpu.memory_space<hbm>> -> memref<112xi32, #tpu.memory_space<hbm>>
    %dma_start3A_30 = arith.constant 0 : i32
    %dma_start3A_31 = tpu.memref_slice %arg7[%dma_start3A_23, %dma_start3A_30] : memref<3x112xi32, #tpu.memory_space<vmem>> -> memref<1x112xi32, #tpu.memory_space<vmem>>
    %dma_start3A_32 = tpu.memref_squeeze %dma_start3A_31 : memref<1x112xi32, #tpu.memory_space<vmem>> -> memref<112xi32, #tpu.memory_space<vmem>>
    %dma_start3A_33 = arith.constant 0 : i32
    %dma_start3A_34 = tpu.memref_slice %arg2[%add3A_22, %dma_start3A_33] : memref<1440x112xi32, #tpu.memory_space<hbm>> -> memref<1x112xi32, #tpu.memory_space<hbm>>
    %dma_start3A_35 = tpu.memref_squeeze %dma_start3A_34 : memref<1x112xi32, #tpu.memory_space<hbm>> -> memref<112xi32, #tpu.memory_space<hbm>>
    tpu.enqueue_dma source(%dma_start3A_35 : memref<112xi32, #tpu.memory_space<hbm>>) target(%dma_start3A_32 : memref<112xi32, #tpu.memory_space<vmem>>) target_semaphore(%arg10 : memref<!tpu.dma_semaphore, #tpu.memory_space<semaphore_mem>>)
    %mul3A_36 = arith.constant 45 : i32
    %mul3A_37 = arith.muli %add3A, %mul3A_36 : i32
    %add3A_38 = arith.constant 2 : i32
    %add3A_39 = arith.addi %mul3A_37, %add3A_38 : i32
    %dma_start3A_40 = arith.constant 2 : i32
    %dma_start3A_41 = arith.constant 0 : i32
    %dma_start3A_42 = tpu.memref_slice %arg7[%dma_start3A_40, %dma_start3A_41] : memref<3x112xi32, #tpu.memory_space<vmem>> -> memref<1x112xi32, #tpu.memory_space<vmem>>
    %dma_start3A_43 = tpu.memref_squeeze %dma_start3A_42 : memref<1x112xi32, #tpu.memory_space<vmem>> -> memref<112xi32, #tpu.memory_space<vmem>>
    %dma_start3A_44 = arith.constant 0 : i32
    %dma_start3A_45 = tpu.memref_slice %arg2[%add3A_39, %dma_start3A_44] : memref<1440x112xi32, #tpu.memory_space<hbm>> -> memref<1x112xi32, #tpu.memory_space<hbm>>
    %dma_start3A_46 = tpu.memref_squeeze %dma_start3A_45 : memref<1x112xi32, #tpu.memory_space<hbm>> -> memref<112xi32, #tpu.memory_space<hbm>>
    %dma_start3A_47 = arith.constant 0 : i32
    %dma_start3A_48 = tpu.memref_slice %arg7[%dma_start3A_40, %dma_start3A_47] : memref<3x112xi32, #tpu.memory_space<vmem>> -> memref<1x112xi32, #tpu.memory_space<vmem>>
    %dma_start3A_49 = tpu.memref_squeeze %dma_start3A_48 : memref<1x112xi32, #tpu.memory_space<vmem>> -> memref<112xi32, #tpu.memory_space<vmem>>
    %dma_start3A_50 = arith.constant 0 : i32
    %dma_start3A_51 = tpu.memref_slice %arg2[%add3A_39, %dma_start3A_50] : memref<1440x112xi32, #tpu.memory_space<hbm>> -> memref<1x112xi32, #tpu.memory_space<hbm>>
    %dma_start3A_52 = tpu.memref_squeeze %dma_start3A_51 : memref<1x112xi32, #tpu.memory_space<hbm>> -> memref<112xi32, #tpu.memory_space<hbm>>
    tpu.enqueue_dma source(%dma_start3A_52 : memref<112xi32, #tpu.memory_space<hbm>>) target(%dma_start3A_49 : memref<112xi32, #tpu.memory_space<vmem>>) target_semaphore(%arg11 : memref<!tpu.dma_semaphore, #tpu.memory_space<semaphore_mem>>)
    %scan3A = arith.constant 0 : i32
    %scan3A_53 = arith.constant 0 : i32
    %scan3A_54 = arith.constant 15 : i32
    %scan3A_55 = arith.addi %scan3A_53, %scan3A_54 : i32
    %scan3A_56 = arith.constant 1 : i32
    scf.for %scan3A_63 = %scan3A_53 to %scan3A_55 step %scan3A_56  : i32 {
      %mul3A_64 = arith.constant 3 : i32
      %mul3A_65 = arith.muli %scan3A_63, %mul3A_64 : i32
      %add3A_66 = arith.constant 0 : i32
      %add3A_67 = arith.addi %mul3A_65, %add3A_66 : i32
      %mul3A_68 = arith.constant 45 : i32
      %mul3A_69 = arith.muli %add3A, %mul3A_68 : i32
      %add3A_70 = arith.addi %mul3A_69, %add3A_67 : i32
      %dma_wait3A = arith.constant 0 : i32
      %dma_wait3A_71 = arith.constant 0 : i32
      %dma_wait3A_72 = tpu.memref_slice %arg7[%dma_wait3A, %dma_wait3A_71] : memref<3x112xi32, #tpu.memory_space<vmem>> -> memref<1x112xi32, #tpu.memory_space<vmem>>
      %dma_wait3A_73 = tpu.memref_squeeze %dma_wait3A_72 : memref<1x112xi32, #tpu.memory_space<vmem>> -> memref<112xi32, #tpu.memory_space<vmem>>
      %dma_wait3A_74 = arith.constant 0 : i32
      %dma_wait3A_75 = tpu.memref_slice %arg2[%add3A_70, %dma_wait3A_74] : memref<1440x112xi32, #tpu.memory_space<hbm>> -> memref<1x112xi32, #tpu.memory_space<hbm>>
      %dma_wait3A_76 = tpu.memref_squeeze %dma_wait3A_75 : memref<1x112xi32, #tpu.memory_space<hbm>> -> memref<112xi32, #tpu.memory_space<hbm>>
      %dma_wait3A_77 = arith.constant 0 : i32
      %dma_wait3A_78 = tpu.memref_slice %arg7[%dma_wait3A, %dma_wait3A_77] : memref<3x112xi32, #tpu.memory_space<vmem>> -> memref<1x112xi32, #tpu.memory_space<vmem>>
      %dma_wait3A_79 = tpu.memref_squeeze %dma_wait3A_78 : memref<1x112xi32, #tpu.memory_space<vmem>> -> memref<112xi32, #tpu.memory_space<vmem>>
      %dma_wait3A_80 = arith.constant 0 : i32
      %dma_wait3A_81 = tpu.memref_slice %arg2[%add3A_70, %dma_wait3A_80] : memref<1440x112xi32, #tpu.memory_space<hbm>> -> memref<1x112xi32, #tpu.memory_space<hbm>>
      %dma_wait3A_82 = tpu.memref_squeeze %dma_wait3A_81 : memref<1x112xi32, #tpu.memory_space<hbm>> -> memref<112xi32, #tpu.memory_space<hbm>>
      tpu.wait_dma2 semaphore(%arg9 : memref<!tpu.dma_semaphore, #tpu.memory_space<semaphore_mem>>) src(%dma_wait3A_82 : memref<112xi32, #tpu.memory_space<hbm>>) dst(%dma_wait3A_79 : memref<112xi32, #tpu.memory_space<vmem>>)
      %run_scoped3A = arith.constant 0 : i32
      "tpu.region"() ({
        %run_scoped3A_137 = tpu.sem_alloc : memref<!tpu.dma_semaphore, #tpu.memory_space<semaphore_mem>>
        %dma_start3A_138 = arith.constant 0 : i32
        %dma_start3A_139 = tpu.memref_slice %arg7[%run_scoped3A, %dma_start3A_138] : memref<3x112xi32, #tpu.memory_space<vmem>> -> memref<1x112xi32, #tpu.memory_space<vmem>>
        %dma_start3A_140 = tpu.memref_squeeze %dma_start3A_139 : memref<1x112xi32, #tpu.memory_space<vmem>> -> memref<112xi32, #tpu.memory_space<vmem>>
        %dma_start3A_141 = arith.constant 0 : i32
        %dma_start3A_142 = arith.constant 0 : i32
        %dma_start3A_143 = tpu.memref_slice %arg6[%dma_start3A_141, %dma_start3A_142] : memref<10240x128xf32, #tpu.memory_space<vmem_shared>> -> memref<10240x128xf32, #tpu.memory_space<vmem_shared>>
        tpu.enqueue_indirect_dma source(%arg8 : memref<112x128xf32, #tpu.memory_space<vmem>>) target(%dma_start3A_143 : memref<10240x128xf32, #tpu.memory_space<vmem_shared>>) offsets(%dma_start3A_140 : memref<112xi32, #tpu.memory_space<vmem>>) semaphore(%run_scoped3A_137 : memref<!tpu.dma_semaphore, #tpu.memory_space<semaphore_mem>>) {add = true}
        %dma_wait3A_144 = arith.constant 0 : i32
        %dma_wait3A_145 = tpu.memref_slice %arg7[%run_scoped3A, %dma_wait3A_144] : memref<3x112xi32, #tpu.memory_space<vmem>> -> memref<1x112xi32, #tpu.memory_space<vmem>>
        %dma_wait3A_146 = tpu.memref_squeeze %dma_wait3A_145 : memref<1x112xi32, #tpu.memory_space<vmem>> -> memref<112xi32, #tpu.memory_space<vmem>>
        %dma_wait3A_147 = arith.constant 0 : i32
        %dma_wait3A_148 = arith.constant 0 : i32
        %dma_wait3A_149 = tpu.memref_slice %arg6[%dma_wait3A_147, %dma_wait3A_148] : memref<10240x128xf32, #tpu.memory_space<vmem_shared>> -> memref<10240x128xf32, #tpu.memory_space<vmem_shared>>
        tpu.wait_indirect_dma semaphore(%run_scoped3A_137 : memref<!tpu.dma_semaphore, #tpu.memory_space<semaphore_mem>>) src(%arg8 : memref<112x128xf32, #tpu.memory_space<vmem>>) dst(%dma_wait3A_149 : memref<10240x128xf32, #tpu.memory_space<vmem_shared>>)
        tpu.yield
      }) : () -> ()
      %lt3A = arith.constant 14 : i32
      %lt3A_83 = arith.cmpi slt, %scan3A_63, %lt3A : i32
      %convert_element_type3A = arith.extui %lt3A_83 : i1 to i32
      %cond3A = arith.constant 0 : i32
      %cond3A_84 = arith.cmpi ne, %convert_element_type3A, %cond3A : i32
      scf.if %cond3A_84 {
        %mul3A_137 = arith.constant 45 : i32
        %mul3A_138 = arith.muli %add3A, %mul3A_137 : i32
        %add3A_139 = arith.addi %mul3A_138, %add3A_67 : i32
        %add3A_140 = arith.constant 3 : i32
        %add3A_141 = arith.addi %add3A_139, %add3A_140 : i32
        %dma_start3A_142 = arith.constant 0 : i32
        %dma_start3A_143 = arith.constant 0 : i32
        %dma_start3A_144 = tpu.memref_slice %arg7[%dma_start3A_142, %dma_start3A_143] : memref<3x112xi32, #tpu.memory_space<vmem>> -> memref<1x112xi32, #tpu.memory_space<vmem>>
        %dma_start3A_145 = tpu.memref_squeeze %dma_start3A_144 : memref<1x112xi32, #tpu.memory_space<vmem>> -> memref<112xi32, #tpu.memory_space<vmem>>
        %dma_start3A_146 = arith.constant 0 : i32
        %dma_start3A_147 = tpu.memref_slice %arg2[%add3A_141, %dma_start3A_146] : memref<1440x112xi32, #tpu.memory_space<hbm>> -> memref<1x112xi32, #tpu.memory_space<hbm>>
        %dma_start3A_148 = tpu.memref_squeeze %dma_start3A_147 : memref<1x112xi32, #tpu.memory_space<hbm>> -> memref<112xi32, #tpu.memory_space<hbm>>
        %dma_start3A_149 = arith.constant 0 : i32
        %dma_start3A_150 = tpu.memref_slice %arg7[%dma_start3A_142, %dma_start3A_149] : memref<3x112xi32, #tpu.memory_space<vmem>> -> memref<1x112xi32, #tpu.memory_space<vmem>>
        %dma_start3A_151 = tpu.memref_squeeze %dma_start3A_150 : memref<1x112xi32, #tpu.memory_space<vmem>> -> memref<112xi32, #tpu.memory_space<vmem>>
        %dma_start3A_152 = arith.constant 0 : i32
        %dma_start3A_153 = tpu.memref_slice %arg2[%add3A_141, %dma_start3A_152] : memref<1440x112xi32, #tpu.memory_space<hbm>> -> memref<1x112xi32, #tpu.memory_space<hbm>>
        %dma_start3A_154 = tpu.memref_squeeze %dma_start3A_153 : memref<1x112xi32, #tpu.memory_space<hbm>> -> memref<112xi32, #tpu.memory_space<hbm>>
        tpu.enqueue_dma source(%dma_start3A_154 : memref<112xi32, #tpu.memory_space<hbm>>) target(%dma_start3A_151 : memref<112xi32, #tpu.memory_space<vmem>>) target_semaphore(%arg9 : memref<!tpu.dma_semaphore, #tpu.memory_space<semaphore_mem>>)
      } else {
      }
      %mul3A_85 = arith.constant 3 : i32
      %mul3A_86 = arith.muli %scan3A_63, %mul3A_85 : i32
      %add3A_87 = arith.constant 1 : i32
      %add3A_88 = arith.addi %mul3A_86, %add3A_87 : i32
      %mul3A_89 = arith.constant 45 : i32
      %mul3A_90 = arith.muli %add3A, %mul3A_89 : i32
      %add3A_91 = arith.addi %mul3A_90, %add3A_88 : i32
      %dma_wait3A_92 = arith.constant 1 : i32
      %dma_wait3A_93 = arith.constant 0 : i32
      %dma_wait3A_94 = tpu.memref_slice %arg7[%dma_wait3A_92, %dma_wait3A_93] : memref<3x112xi32, #tpu.memory_space<vmem>> -> memref<1x112xi32, #tpu.memory_space<vmem>>
      %dma_wait3A_95 = tpu.memref_squeeze %dma_wait3A_94 : memref<1x112xi32, #tpu.memory_space<vmem>> -> memref<112xi32, #tpu.memory_space<vmem>>
      %dma_wait3A_96 = arith.constant 0 : i32
      %dma_wait3A_97 = tpu.memref_slice %arg2[%add3A_91, %dma_wait3A_96] : memref<1440x112xi32, #tpu.memory_space<hbm>> -> memref<1x112xi32, #tpu.memory_space<hbm>>
      %dma_wait3A_98 = tpu.memref_squeeze %dma_wait3A_97 : memref<1x112xi32, #tpu.memory_space<hbm>> -> memref<112xi32, #tpu.memory_space<hbm>>
      %dma_wait3A_99 = arith.constant 0 : i32
      %dma_wait3A_100 = tpu.memref_slice %arg7[%dma_wait3A_92, %dma_wait3A_99] : memref<3x112xi32, #tpu.memory_space<vmem>> -> memref<1x112xi32, #tpu.memory_space<vmem>>
      %dma_wait3A_101 = tpu.memref_squeeze %dma_wait3A_100 : memref<1x112xi32, #tpu.memory_space<vmem>> -> memref<112xi32, #tpu.memory_space<vmem>>
      %dma_wait3A_102 = arith.constant 0 : i32
      %dma_wait3A_103 = tpu.memref_slice %arg2[%add3A_91, %dma_wait3A_102] : memref<1440x112xi32, #tpu.memory_space<hbm>> -> memref<1x112xi32, #tpu.memory_space<hbm>>
      %dma_wait3A_104 = tpu.memref_squeeze %dma_wait3A_103 : memref<1x112xi32, #tpu.memory_space<hbm>> -> memref<112xi32, #tpu.memory_space<hbm>>
      tpu.wait_dma2 semaphore(%arg10 : memref<!tpu.dma_semaphore, #tpu.memory_space<semaphore_mem>>) src(%dma_wait3A_104 : memref<112xi32, #tpu.memory_space<hbm>>) dst(%dma_wait3A_101 : memref<112xi32, #tpu.memory_space<vmem>>)
      %run_scoped3A_105 = arith.constant 1 : i32
      "tpu.region"() ({
        %run_scoped3A_137 = tpu.sem_alloc : memref<!tpu.dma_semaphore, #tpu.memory_space<semaphore_mem>>
        %dma_start3A_138 = arith.constant 0 : i32
        %dma_start3A_139 = tpu.memref_slice %arg7[%run_scoped3A_105, %dma_start3A_138] : memref<3x112xi32, #tpu.memory_space<vmem>> -> memref<1x112xi32, #tpu.memory_space<vmem>>
        %dma_start3A_140 = tpu.memref_squeeze %dma_start3A_139 : memref<1x112xi32, #tpu.memory_space<vmem>> -> memref<112xi32, #tpu.memory_space<vmem>>
        %dma_start3A_141 = arith.constant 0 : i32
        %dma_start3A_142 = arith.constant 0 : i32
        %dma_start3A_143 = tpu.memref_slice %arg6[%dma_start3A_141, %dma_start3A_142] : memref<10240x128xf32, #tpu.memory_space<vmem_shared>> -> memref<10240x128xf32, #tpu.memory_space<vmem_shared>>
        tpu.enqueue_indirect_dma source(%arg8 : memref<112x128xf32, #tpu.memory_space<vmem>>) target(%dma_start3A_143 : memref<10240x128xf32, #tpu.memory_space<vmem_shared>>) offsets(%dma_start3A_140 : memref<112xi32, #tpu.memory_space<vmem>>) semaphore(%run_scoped3A_137 : memref<!tpu.dma_semaphore, #tpu.memory_space<semaphore_mem>>) {add = true}
        %dma_wait3A_144 = arith.constant 0 : i32
        %dma_wait3A_145 = tpu.memref_slice %arg7[%run_scoped3A_105, %dma_wait3A_144] : memref<3x112xi32, #tpu.memory_space<vmem>> -> memref<1x112xi32, #tpu.memory_space<vmem>>
        %dma_wait3A_146 = tpu.memref_squeeze %dma_wait3A_145 : memref<1x112xi32, #tpu.memory_space<vmem>> -> memref<112xi32, #tpu.memory_space<vmem>>
        %dma_wait3A_147 = arith.constant 0 : i32
        %dma_wait3A_148 = arith.constant 0 : i32
        %dma_wait3A_149 = tpu.memref_slice %arg6[%dma_wait3A_147, %dma_wait3A_148] : memref<10240x128xf32, #tpu.memory_space<vmem_shared>> -> memref<10240x128xf32, #tpu.memory_space<vmem_shared>>
        tpu.wait_indirect_dma semaphore(%run_scoped3A_137 : memref<!tpu.dma_semaphore, #tpu.memory_space<semaphore_mem>>) src(%arg8 : memref<112x128xf32, #tpu.memory_space<vmem>>) dst(%dma_wait3A_149 : memref<10240x128xf32, #tpu.memory_space<vmem_shared>>)
        tpu.yield
      }) : () -> ()
      %lt3A_106 = arith.constant 14 : i32
      %lt3A_107 = arith.cmpi slt, %scan3A_63, %lt3A_106 : i32
      %convert_element_type3A_108 = arith.extui %lt3A_107 : i1 to i32
      %cond3A_109 = arith.constant 0 : i32
      %cond3A_110 = arith.cmpi ne, %convert_element_type3A_108, %cond3A_109 : i32
      scf.if %cond3A_110 {
        %mul3A_137 = arith.constant 45 : i32
        %mul3A_138 = arith.muli %add3A, %mul3A_137 : i32
        %add3A_139 = arith.addi %mul3A_138, %add3A_88 : i32
        %add3A_140 = arith.constant 3 : i32
        %add3A_141 = arith.addi %add3A_139, %add3A_140 : i32
        %dma_start3A_142 = arith.constant 1 : i32
        %dma_start3A_143 = arith.constant 0 : i32
        %dma_start3A_144 = tpu.memref_slice %arg7[%dma_start3A_142, %dma_start3A_143] : memref<3x112xi32, #tpu.memory_space<vmem>> -> memref<1x112xi32, #tpu.memory_space<vmem>>
        %dma_start3A_145 = tpu.memref_squeeze %dma_start3A_144 : memref<1x112xi32, #tpu.memory_space<vmem>> -> memref<112xi32, #tpu.memory_space<vmem>>
        %dma_start3A_146 = arith.constant 0 : i32
        %dma_start3A_147 = tpu.memref_slice %arg2[%add3A_141, %dma_start3A_146] : memref<1440x112xi32, #tpu.memory_space<hbm>> -> memref<1x112xi32, #tpu.memory_space<hbm>>
        %dma_start3A_148 = tpu.memref_squeeze %dma_start3A_147 : memref<1x112xi32, #tpu.memory_space<hbm>> -> memref<112xi32, #tpu.memory_space<hbm>>
        %dma_start3A_149 = arith.constant 0 : i32
        %dma_start3A_150 = tpu.memref_slice %arg7[%dma_start3A_142, %dma_start3A_149] : memref<3x112xi32, #tpu.memory_space<vmem>> -> memref<1x112xi32, #tpu.memory_space<vmem>>
        %dma_start3A_151 = tpu.memref_squeeze %dma_start3A_150 : memref<1x112xi32, #tpu.memory_space<vmem>> -> memref<112xi32, #tpu.memory_space<vmem>>
        %dma_start3A_152 = arith.constant 0 : i32
        %dma_start3A_153 = tpu.memref_slice %arg2[%add3A_141, %dma_start3A_152] : memref<1440x112xi32, #tpu.memory_space<hbm>> -> memref<1x112xi32, #tpu.memory_space<hbm>>
        %dma_start3A_154 = tpu.memref_squeeze %dma_start3A_153 : memref<1x112xi32, #tpu.memory_space<hbm>> -> memref<112xi32, #tpu.memory_space<hbm>>
        tpu.enqueue_dma source(%dma_start3A_154 : memref<112xi32, #tpu.memory_space<hbm>>) target(%dma_start3A_151 : memref<112xi32, #tpu.memory_space<vmem>>) target_semaphore(%arg10 : memref<!tpu.dma_semaphore, #tpu.memory_space<semaphore_mem>>)
      } else {
      }
      %mul3A_111 = arith.constant 3 : i32
      %mul3A_112 = arith.muli %scan3A_63, %mul3A_111 : i32
      %add3A_113 = arith.constant 2 : i32
      %add3A_114 = arith.addi %mul3A_112, %add3A_113 : i32
      %mul3A_115 = arith.constant 45 : i32
      %mul3A_116 = arith.muli %add3A, %mul3A_115 : i32
      %add3A_117 = arith.addi %mul3A_116, %add3A_114 : i32
      %dma_wait3A_118 = arith.constant 2 : i32
      %dma_wait3A_119 = arith.constant 0 : i32
      %dma_wait3A_120 = tpu.memref_slice %arg7[%dma_wait3A_118, %dma_wait3A_119] : memref<3x112xi32, #tpu.memory_space<vmem>> -> memref<1x112xi32, #tpu.memory_space<vmem>>
      %dma_wait3A_121 = tpu.memref_squeeze %dma_wait3A_120 : memref<1x112xi32, #tpu.memory_space<vmem>> -> memref<112xi32, #tpu.memory_space<vmem>>
      %dma_wait3A_122 = arith.constant 0 : i32
      %dma_wait3A_123 = tpu.memref_slice %arg2[%add3A_117, %dma_wait3A_122] : memref<1440x112xi32, #tpu.memory_space<hbm>> -> memref<1x112xi32, #tpu.memory_space<hbm>>
      %dma_wait3A_124 = tpu.memref_squeeze %dma_wait3A_123 : memref<1x112xi32, #tpu.memory_space<hbm>> -> memref<112xi32, #tpu.memory_space<hbm>>
      %dma_wait3A_125 = arith.constant 0 : i32
      %dma_wait3A_126 = tpu.memref_slice %arg7[%dma_wait3A_118, %dma_wait3A_125] : memref<3x112xi32, #tpu.memory_space<vmem>> -> memref<1x112xi32, #tpu.memory_space<vmem>>
      %dma_wait3A_127 = tpu.memref_squeeze %dma_wait3A_126 : memref<1x112xi32, #tpu.memory_space<vmem>> -> memref<112xi32, #tpu.memory_space<vmem>>
      %dma_wait3A_128 = arith.constant 0 : i32
      %dma_wait3A_129 = tpu.memref_slice %arg2[%add3A_117, %dma_wait3A_128] : memref<1440x112xi32, #tpu.memory_space<hbm>> -> memref<1x112xi32, #tpu.memory_space<hbm>>
      %dma_wait3A_130 = tpu.memref_squeeze %dma_wait3A_129 : memref<1x112xi32, #tpu.memory_space<hbm>> -> memref<112xi32, #tpu.memory_space<hbm>>
      tpu.wait_dma2 semaphore(%arg11 : memref<!tpu.dma_semaphore, #tpu.memory_space<semaphore_mem>>) src(%dma_wait3A_130 : memref<112xi32, #tpu.memory_space<hbm>>) dst(%dma_wait3A_127 : memref<112xi32, #tpu.memory_space<vmem>>)
      %run_scoped3A_131 = arith.constant 2 : i32
      "tpu.region"() ({
        %run_scoped3A_137 = tpu.sem_alloc : memref<!tpu.dma_semaphore, #tpu.memory_space<semaphore_mem>>
        %dma_start3A_138 = arith.constant 0 : i32
        %dma_start3A_139 = tpu.memref_slice %arg7[%run_scoped3A_131, %dma_start3A_138] : memref<3x112xi32, #tpu.memory_space<vmem>> -> memref<1x112xi32, #tpu.memory_space<vmem>>
        %dma_start3A_140 = tpu.memref_squeeze %dma_start3A_139 : memref<1x112xi32, #tpu.memory_space<vmem>> -> memref<112xi32, #tpu.memory_space<vmem>>
        %dma_start3A_141 = arith.constant 0 : i32
        %dma_start3A_142 = arith.constant 0 : i32
        %dma_start3A_143 = tpu.memref_slice %arg6[%dma_start3A_141, %dma_start3A_142] : memref<10240x128xf32, #tpu.memory_space<vmem_shared>> -> memref<10240x128xf32, #tpu.memory_space<vmem_shared>>
        tpu.enqueue_indirect_dma source(%arg8 : memref<112x128xf32, #tpu.memory_space<vmem>>) target(%dma_start3A_143 : memref<10240x128xf32, #tpu.memory_space<vmem_shared>>) offsets(%dma_start3A_140 : memref<112xi32, #tpu.memory_space<vmem>>) semaphore(%run_scoped3A_137 : memref<!tpu.dma_semaphore, #tpu.memory_space<semaphore_mem>>) {add = true}
        %dma_wait3A_144 = arith.constant 0 : i32
        %dma_wait3A_145 = tpu.memref_slice %arg7[%run_scoped3A_131, %dma_wait3A_144] : memref<3x112xi32, #tpu.memory_space<vmem>> -> memref<1x112xi32, #tpu.memory_space<vmem>>
        %dma_wait3A_146 = tpu.memref_squeeze %dma_wait3A_145 : memref<1x112xi32, #tpu.memory_space<vmem>> -> memref<112xi32, #tpu.memory_space<vmem>>
        %dma_wait3A_147 = arith.constant 0 : i32
        %dma_wait3A_148 = arith.constant 0 : i32
        %dma_wait3A_149 = tpu.memref_slice %arg6[%dma_wait3A_147, %dma_wait3A_148] : memref<10240x128xf32, #tpu.memory_space<vmem_shared>> -> memref<10240x128xf32, #tpu.memory_space<vmem_shared>>
        tpu.wait_indirect_dma semaphore(%run_scoped3A_137 : memref<!tpu.dma_semaphore, #tpu.memory_space<semaphore_mem>>) src(%arg8 : memref<112x128xf32, #tpu.memory_space<vmem>>) dst(%dma_wait3A_149 : memref<10240x128xf32, #tpu.memory_space<vmem_shared>>)
        tpu.yield
      }) : () -> ()
      %lt3A_132 = arith.constant 14 : i32
      %lt3A_133 = arith.cmpi slt, %scan3A_63, %lt3A_132 : i32
      %convert_element_type3A_134 = arith.extui %lt3A_133 : i1 to i32
      %cond3A_135 = arith.constant 0 : i32
      %cond3A_136 = arith.cmpi ne, %convert_element_type3A_134, %cond3A_135 : i32
      scf.if %cond3A_136 {
        %mul3A_137 = arith.constant 45 : i32
        %mul3A_138 = arith.muli %add3A, %mul3A_137 : i32
        %add3A_139 = arith.addi %mul3A_138, %add3A_114 : i32
        %add3A_140 = arith.constant 3 : i32
        %add3A_141 = arith.addi %add3A_139, %add3A_140 : i32
        %dma_start3A_142 = arith.constant 2 : i32
        %dma_start3A_143 = arith.constant 0 : i32
        %dma_start3A_144 = tpu.memref_slice %arg7[%dma_start3A_142, %dma_start3A_143] : memref<3x112xi32, #tpu.memory_space<vmem>> -> memref<1x112xi32, #tpu.memory_space<vmem>>
        %dma_start3A_145 = tpu.memref_squeeze %dma_start3A_144 : memref<1x112xi32, #tpu.memory_space<vmem>> -> memref<112xi32, #tpu.memory_space<vmem>>
        %dma_start3A_146 = arith.constant 0 : i32
        %dma_start3A_147 = tpu.memref_slice %arg2[%add3A_141, %dma_start3A_146] : memref<1440x112xi32, #tpu.memory_space<hbm>> -> memref<1x112xi32, #tpu.memory_space<hbm>>
        %dma_start3A_148 = tpu.memref_squeeze %dma_start3A_147 : memref<1x112xi32, #tpu.memory_space<hbm>> -> memref<112xi32, #tpu.memory_space<hbm>>
        %dma_start3A_149 = arith.constant 0 : i32
        %dma_start3A_150 = tpu.memref_slice %arg7[%dma_start3A_142, %dma_start3A_149] : memref<3x112xi32, #tpu.memory_space<vmem>> -> memref<1x112xi32, #tpu.memory_space<vmem>>
        %dma_start3A_151 = tpu.memref_squeeze %dma_start3A_150 : memref<1x112xi32, #tpu.memory_space<vmem>> -> memref<112xi32, #tpu.memory_space<vmem>>
        %dma_start3A_152 = arith.constant 0 : i32
        %dma_start3A_153 = tpu.memref_slice %arg2[%add3A_141, %dma_start3A_152] : memref<1440x112xi32, #tpu.memory_space<hbm>> -> memref<1x112xi32, #tpu.memory_space<hbm>>
        %dma_start3A_154 = tpu.memref_squeeze %dma_start3A_153 : memref<1x112xi32, #tpu.memory_space<hbm>> -> memref<112xi32, #tpu.memory_space<hbm>>
        tpu.enqueue_dma source(%dma_start3A_154 : memref<112xi32, #tpu.memory_space<hbm>>) target(%dma_start3A_151 : memref<112xi32, #tpu.memory_space<vmem>>) target_semaphore(%arg11 : memref<!tpu.dma_semaphore, #tpu.memory_space<semaphore_mem>>)
      } else {
      }
    }
    %scan3A_57 = arith.constant 15 : i32
    %barrier3A_58 = arith.constant 0 : index
    tpu.barrier barrier_id(%barrier3A_58)
    %mul3A_59 = arith.constant 640 : i32
    %mul3A_60 = arith.muli %arg1, %mul3A_59 : i32
    %mul3A_61 = arith.constant 640 : i32
    %mul3A_62 = arith.muli %arg1, %mul3A_61 : i32
    "tpu.region"() ({
      %run_scoped3A = tpu.sem_alloc : memref<!tpu.dma_semaphore, #tpu.memory_space<semaphore_mem>>
      %dma_start3A_63 = arith.constant 0 : i32
      %dma_start3A_64 = tpu.memref_slice %arg5[%arg0, %mul3A_62, %dma_start3A_63] : memref<2x10240x128xf32, #tpu.memory_space<hbm>> -> memref<1x640x128xf32, #tpu.memory_space<hbm>>
      %dma_start3A_65 = tpu.memref_squeeze %dma_start3A_64 : memref<1x640x128xf32, #tpu.memory_space<hbm>> -> memref<640x128xf32, #tpu.memory_space<hbm>>
      %dma_start3A_66 = arith.constant 0 : i32
      %dma_start3A_67 = tpu.memref_slice %arg6[%mul3A_60, %dma_start3A_66] : memref<10240x128xf32, #tpu.memory_space<vmem_shared>> -> memref<640x128xf32, #tpu.memory_space<vmem_shared>>
      tpu.enqueue_dma source(%dma_start3A_67 : memref<640x128xf32, #tpu.memory_space<vmem_shared>>) target(%dma_start3A_65 : memref<640x128xf32, #tpu.memory_space<hbm>>) target_semaphore(%run_scoped3A : memref<!tpu.dma_semaphore, #tpu.memory_space<semaphore_mem>>)
      %dma_wait3A = arith.constant 0 : i32
      %dma_wait3A_68 = tpu.memref_slice %arg5[%arg0, %mul3A_62, %dma_wait3A] : memref<2x10240x128xf32, #tpu.memory_space<hbm>> -> memref<1x640x128xf32, #tpu.memory_space<hbm>>
      %dma_wait3A_69 = tpu.memref_squeeze %dma_wait3A_68 : memref<1x640x128xf32, #tpu.memory_space<hbm>> -> memref<640x128xf32, #tpu.memory_space<hbm>>
      %dma_wait3A_70 = arith.constant 0 : i32
      %dma_wait3A_71 = tpu.memref_slice %arg6[%mul3A_60, %dma_wait3A_70] : memref<10240x128xf32, #tpu.memory_space<vmem_shared>> -> memref<640x128xf32, #tpu.memory_space<vmem_shared>>
      tpu.wait_dma2 semaphore(%run_scoped3A : memref<!tpu.dma_semaphore, #tpu.memory_space<semaphore_mem>>) src(%dma_wait3A_71 : memref<640x128xf32, #tpu.memory_space<vmem_shared>>) dst(%dma_wait3A_69 : memref<640x128xf32, #tpu.memory_space<hbm>>)
      tpu.yield
    }) : () -> ()
    return
  }
}

#map = affine_map<(d0, d1) -> (0, 0)>
#map1 = affine_map<(d0, d1) -> (0, 0, 0)>
module attributes {stable_mosaic.version = 14 : i64} {
  func.func @_agg_body(%arg0: i32, %arg1: i32, %arg2: memref<40000x128xf32, #tpu.memory_space<hbm>>, %arg3: memref<1440x112xi32, #tpu.memory_space<hbm>>, %arg4: memref<1440x112xi32, #tpu.memory_space<hbm>>, %arg5: memref<640x128xf32, #tpu.memory_space<hbm>>, %arg6: memref<4x10240x128xf32, #tpu.memory_space<hbm>>, %arg7: memref<10240x128xf32, #tpu.memory_space<vmem_shared>>, %arg8: memref<3x112xi32, #tpu.memory_space<vmem>>, %arg9: memref<3x112xi32, #tpu.memory_space<vmem>>, %arg10: memref<3x112x128xf32, #tpu.memory_space<vmem>>, %arg11: memref<!tpu.dma_semaphore, #tpu.memory_space<semaphore_mem>>, %arg12: memref<!tpu.dma_semaphore, #tpu.memory_space<semaphore_mem>>, %arg13: memref<!tpu.dma_semaphore, #tpu.memory_space<semaphore_mem>>, %arg14: memref<!tpu.dma_semaphore, #tpu.memory_space<semaphore_mem>>, %arg15: memref<!tpu.dma_semaphore, #tpu.memory_space<semaphore_mem>>, %arg16: memref<!tpu.dma_semaphore, #tpu.memory_space<semaphore_mem>>, %arg17: memref<!tpu.dma_semaphore, #tpu.memory_space<semaphore_mem>>, %arg18: memref<!tpu.dma_semaphore, #tpu.memory_space<semaphore_mem>>, %arg19: memref<!tpu.dma_semaphore, #tpu.memory_space<semaphore_mem>>) attributes {dimension_semantics = [#tpu.dimension_semantics<core_parallel>, #tpu.dimension_semantics<subcore_parallel>], iteration_bounds = array<i64: 2, 16>, scalar_prefetch = 0 : i64, scratch_operands = 13 : i64, tpu.core_type = #tpu.core_type<sc_vector_subcore>, window_params = [{transform_indices = #map}, {transform_indices = #map}, {transform_indices = #map}, {transform_indices = #map}, {transform_indices = #map1}]} {
    %mul3A = arith.constant 2 : i32
    %mul3A_0 = arith.muli %arg0, %mul3A : i32
    %add3A = arith.constant 0 : i32
    %add3A_1 = arith.addi %mul3A_0, %add3A : i32
    %mul3A_2 = arith.constant 640 : i32
    %mul3A_3 = arith.muli %arg1, %mul3A_2 : i32
    "tpu.region"() ({
      %run_scoped3A_905 = tpu.sem_alloc : memref<!tpu.dma_semaphore, #tpu.memory_space<semaphore_mem>>
      %dma_start3A_906 = arith.constant 0 : i32
      %dma_start3A_907 = tpu.memref_slice %arg7[%mul3A_3, %dma_start3A_906] : memref<10240x128xf32, #tpu.memory_space<vmem_shared>> -> memref<640x128xf32, #tpu.memory_space<vmem_shared>>
      tpu.enqueue_dma source(%arg5 : memref<640x128xf32, #tpu.memory_space<hbm>>) target(%dma_start3A_907 : memref<640x128xf32, #tpu.memory_space<vmem_shared>>) target_semaphore(%run_scoped3A_905 : memref<!tpu.dma_semaphore, #tpu.memory_space<semaphore_mem>>)
      %dma_wait3A = arith.constant 0 : i32
      %dma_wait3A_908 = tpu.memref_slice %arg7[%mul3A_3, %dma_wait3A] : memref<10240x128xf32, #tpu.memory_space<vmem_shared>> -> memref<640x128xf32, #tpu.memory_space<vmem_shared>>
      tpu.wait_dma2 semaphore(%run_scoped3A_905 : memref<!tpu.dma_semaphore, #tpu.memory_space<semaphore_mem>>) src(%arg5 : memref<640x128xf32, #tpu.memory_space<hbm>>) dst(%dma_wait3A_908 : memref<640x128xf32, #tpu.memory_space<vmem_shared>>)
      tpu.yield
    }) : () -> ()
    %barrier3A = arith.constant 0 : index
    tpu.barrier barrier_id(%barrier3A)
    %mul3A_4 = arith.constant 90 : i32
    %mul3A_5 = arith.muli %arg1, %mul3A_4 : i32
    %add3A_6 = arith.constant 0 : i32
    %add3A_7 = arith.addi %mul3A_5, %add3A_6 : i32
    %run_scoped3A = arith.constant 0 : i32
    "tpu.region"() ({
      %run_scoped3A_905 = tpu.sem_alloc : memref<!tpu.dma_semaphore, #tpu.memory_space<semaphore_mem>>
      %dma_start3A_906 = arith.constant 0 : i32
      %dma_start3A_907 = tpu.memref_slice %arg8[%run_scoped3A, %dma_start3A_906] : memref<3x112xi32, #tpu.memory_space<vmem>> -> memref<1x112xi32, #tpu.memory_space<vmem>>
      %dma_start3A_908 = tpu.memref_squeeze %dma_start3A_907 : memref<1x112xi32, #tpu.memory_space<vmem>> -> memref<112xi32, #tpu.memory_space<vmem>>
      %dma_start3A_909 = arith.constant 0 : i32
      %dma_start3A_910 = tpu.memref_slice %arg3[%add3A_7, %dma_start3A_909] : memref<1440x112xi32, #tpu.memory_space<hbm>> -> memref<1x112xi32, #tpu.memory_space<hbm>>
      %dma_start3A_911 = tpu.memref_squeeze %dma_start3A_910 : memref<1x112xi32, #tpu.memory_space<hbm>> -> memref<112xi32, #tpu.memory_space<hbm>>
      %dma_start3A_912 = arith.constant 0 : i32
      %dma_start3A_913 = tpu.memref_slice %arg8[%run_scoped3A, %dma_start3A_912] : memref<3x112xi32, #tpu.memory_space<vmem>> -> memref<1x112xi32, #tpu.memory_space<vmem>>
      %dma_start3A_914 = tpu.memref_squeeze %dma_start3A_913 : memref<1x112xi32, #tpu.memory_space<vmem>> -> memref<112xi32, #tpu.memory_space<vmem>>
      %dma_start3A_915 = arith.constant 0 : i32
      %dma_start3A_916 = tpu.memref_slice %arg3[%add3A_7, %dma_start3A_915] : memref<1440x112xi32, #tpu.memory_space<hbm>> -> memref<1x112xi32, #tpu.memory_space<hbm>>
      %dma_start3A_917 = tpu.memref_squeeze %dma_start3A_916 : memref<1x112xi32, #tpu.memory_space<hbm>> -> memref<112xi32, #tpu.memory_space<hbm>>
      tpu.enqueue_dma source(%dma_start3A_917 : memref<112xi32, #tpu.memory_space<hbm>>) target(%dma_start3A_914 : memref<112xi32, #tpu.memory_space<vmem>>) target_semaphore(%run_scoped3A_905 : memref<!tpu.dma_semaphore, #tpu.memory_space<semaphore_mem>>)
      %dma_wait3A = arith.constant 0 : i32
      %dma_wait3A_918 = tpu.memref_slice %arg8[%run_scoped3A, %dma_wait3A] : memref<3x112xi32, #tpu.memory_space<vmem>> -> memref<1x112xi32, #tpu.memory_space<vmem>>
      %dma_wait3A_919 = tpu.memref_squeeze %dma_wait3A_918 : memref<1x112xi32, #tpu.memory_space<vmem>> -> memref<112xi32, #tpu.memory_space<vmem>>
      %dma_wait3A_920 = arith.constant 0 : i32
      %dma_wait3A_921 = tpu.memref_slice %arg3[%add3A_7, %dma_wait3A_920] : memref<1440x112xi32, #tpu.memory_space<hbm>> -> memref<1x112xi32, #tpu.memory_space<hbm>>
      %dma_wait3A_922 = tpu.memref_squeeze %dma_wait3A_921 : memref<1x112xi32, #tpu.memory_space<hbm>> -> memref<112xi32, #tpu.memory_space<hbm>>
      %dma_wait3A_923 = arith.constant 0 : i32
      %dma_wait3A_924 = tpu.memref_slice %arg8[%run_scoped3A, %dma_wait3A_923] : memref<3x112xi32, #tpu.memory_space<vmem>> -> memref<1x112xi32, #tpu.memory_space<vmem>>
      %dma_wait3A_925 = tpu.memref_squeeze %dma_wait3A_924 : memref<1x112xi32, #tpu.memory_space<vmem>> -> memref<112xi32, #tpu.memory_space<vmem>>
      %dma_wait3A_926 = arith.constant 0 : i32
      %dma_wait3A_927 = tpu.memref_slice %arg3[%add3A_7, %dma_wait3A_926] : memref<1440x112xi32, #tpu.memory_space<hbm>> -> memref<1x112xi32, #tpu.memory_space<hbm>>
      %dma_wait3A_928 = tpu.memref_squeeze %dma_wait3A_927 : memref<1x112xi32, #tpu.memory_space<hbm>> -> memref<112xi32, #tpu.memory_space<hbm>>
      tpu.wait_dma2 semaphore(%run_scoped3A_905 : memref<!tpu.dma_semaphore, #tpu.memory_space<semaphore_mem>>) src(%dma_wait3A_928 : memref<112xi32, #tpu.memory_space<hbm>>) dst(%dma_wait3A_925 : memref<112xi32, #tpu.memory_space<vmem>>)
      tpu.yield
    }) : () -> ()
    %get3A = arith.constant 0 : i32
    %get3A_8 = arith.index_cast %get3A : i32 to index
    %get3A_9 = arith.constant 0 : index
    %get3A_10 = tpu.vector_load %arg8[%get3A_8, %get3A_9] {strides = array<i32>} : memref<3x112xi32, #tpu.memory_space<vmem>>, vector<1x16xi32>,
    %get3A_11 = vector.shape_cast %get3A_10 : vector<1x16xi32> to vector<16xi32>
    %mul3A_12 = arith.constant 4 : i32
    %mul3A_13 = vector.broadcast %mul3A_12 : i32 to vector<16xi32>
    %mul3A_14 = arith.muli %get3A_11, %mul3A_13 : vector<16xi32>
    %add3A_15 = vector.broadcast %add3A_1 : i32 to vector<16xi32>
    %add3A_16 = arith.addi %mul3A_14, %add3A_15 : vector<16xi32>
    %swap3A = arith.constant 0 : i32
    %swap3A_17 = arith.index_cast %swap3A : i32 to index
    %swap3A_18 = arith.constant 0 : index
    %swap3A_19 = tpu.vector_load %arg8[%swap3A_17, %swap3A_18] {strides = array<i32>} : memref<3x112xi32, #tpu.memory_space<vmem>>, vector<1x16xi32>,
    %swap3A_20 = vector.shape_cast %swap3A_19 : vector<1x16xi32> to vector<16xi32>
    %swap3A_21 = vector.shape_cast %add3A_16 : vector<16xi32> to vector<1x16xi32>
    tpu.vector_store %arg8[%swap3A_17, %swap3A_18], %swap3A_21 {strides = array<i32>} : memref<3x112xi32, #tpu.memory_space<vmem>>, vector<1x16xi32>,
    %get3A_22 = arith.constant 0 : i32
    %get3A_23 = arith.index_cast %get3A_22 : i32 to index
    %get3A_24 = arith.constant 16 : index
    %get3A_25 = tpu.vector_load %arg8[%get3A_23, %get3A_24] {strides = array<i32>} : memref<3x112xi32, #tpu.memory_space<vmem>>, vector<1x16xi32>,
    %get3A_26 = vector.shape_cast %get3A_25 : vector<1x16xi32> to vector<16xi32>
    %mul3A_27 = arith.constant 4 : i32
    %mul3A_28 = vector.broadcast %mul3A_27 : i32 to vector<16xi32>
    %mul3A_29 = arith.muli %get3A_26, %mul3A_28 : vector<16xi32>
    %add3A_30 = vector.broadcast %add3A_1 : i32 to vector<16xi32>
    %add3A_31 = arith.addi %mul3A_29, %add3A_30 : vector<16xi32>
    %swap3A_32 = arith.constant 0 : i32
    %swap3A_33 = arith.index_cast %swap3A_32 : i32 to index
    %swap3A_34 = arith.constant 16 : index
    %swap3A_35 = tpu.vector_load %arg8[%swap3A_33, %swap3A_34] {strides = array<i32>} : memref<3x112xi32, #tpu.memory_space<vmem>>, vector<1x16xi32>,
    %swap3A_36 = vector.shape_cast %swap3A_35 : vector<1x16xi32> to vector<16xi32>
    %swap3A_37 = vector.shape_cast %add3A_31 : vector<16xi32> to vector<1x16xi32>
    tpu.vector_store %arg8[%swap3A_33, %swap3A_34], %swap3A_37 {strides = array<i32>} : memref<3x112xi32, #tpu.memory_space<vmem>>, vector<1x16xi32>,
    %get3A_38 = arith.constant 0 : i32
    %get3A_39 = arith.index_cast %get3A_38 : i32 to index
    %get3A_40 = arith.constant 32 : index
    %get3A_41 = tpu.vector_load %arg8[%get3A_39, %get3A_40] {strides = array<i32>} : memref<3x112xi32, #tpu.memory_space<vmem>>, vector<1x16xi32>,
    %get3A_42 = vector.shape_cast %get3A_41 : vector<1x16xi32> to vector<16xi32>
    %mul3A_43 = arith.constant 4 : i32
    %mul3A_44 = vector.broadcast %mul3A_43 : i32 to vector<16xi32>
    %mul3A_45 = arith.muli %get3A_42, %mul3A_44 : vector<16xi32>
    %add3A_46 = vector.broadcast %add3A_1 : i32 to vector<16xi32>
    %add3A_47 = arith.addi %mul3A_45, %add3A_46 : vector<16xi32>
    %swap3A_48 = arith.constant 0 : i32
    %swap3A_49 = arith.index_cast %swap3A_48 : i32 to index
    %swap3A_50 = arith.constant 32 : index
    %swap3A_51 = tpu.vector_load %arg8[%swap3A_49, %swap3A_50] {strides = array<i32>} : memref<3x112xi32, #tpu.memory_space<vmem>>, vector<1x16xi32>,
    %swap3A_52 = vector.shape_cast %swap3A_51 : vector<1x16xi32> to vector<16xi32>
    %swap3A_53 = vector.shape_cast %add3A_47 : vector<16xi32> to vector<1x16xi32>
    tpu.vector_store %arg8[%swap3A_49, %swap3A_50], %swap3A_53 {strides = array<i32>} : memref<3x112xi32, #tpu.memory_space<vmem>>, vector<1x16xi32>,
    %get3A_54 = arith.constant 0 : i32
    %get3A_55 = arith.index_cast %get3A_54 : i32 to index
    %get3A_56 = arith.constant 48 : index
    %get3A_57 = tpu.vector_load %arg8[%get3A_55, %get3A_56] {strides = array<i32>} : memref<3x112xi32, #tpu.memory_space<vmem>>, vector<1x16xi32>,
    %get3A_58 = vector.shape_cast %get3A_57 : vector<1x16xi32> to vector<16xi32>
    %mul3A_59 = arith.constant 4 : i32
    %mul3A_60 = vector.broadcast %mul3A_59 : i32 to vector<16xi32>
    %mul3A_61 = arith.muli %get3A_58, %mul3A_60 : vector<16xi32>
    %add3A_62 = vector.broadcast %add3A_1 : i32 to vector<16xi32>
    %add3A_63 = arith.addi %mul3A_61, %add3A_62 : vector<16xi32>
    %swap3A_64 = arith.constant 0 : i32
    %swap3A_65 = arith.index_cast %swap3A_64 : i32 to index
    %swap3A_66 = arith.constant 48 : index
    %swap3A_67 = tpu.vector_load %arg8[%swap3A_65, %swap3A_66] {strides = array<i32>} : memref<3x112xi32, #tpu.memory_space<vmem>>, vector<1x16xi32>,
    %swap3A_68 = vector.shape_cast %swap3A_67 : vector<1x16xi32> to vector<16xi32>
    %swap3A_69 = vector.shape_cast %add3A_63 : vector<16xi32> to vector<1x16xi32>
    tpu.vector_store %arg8[%swap3A_65, %swap3A_66], %swap3A_69 {strides = array<i32>} : memref<3x112xi32, #tpu.memory_space<vmem>>, vector<1x16xi32>,
    %get3A_70 = arith.constant 0 : i32
    %get3A_71 = arith.index_cast %get3A_70 : i32 to index
    %get3A_72 = arith.constant 64 : index
    %get3A_73 = tpu.vector_load %arg8[%get3A_71, %get3A_72] {strides = array<i32>} : memref<3x112xi32, #tpu.memory_space<vmem>>, vector<1x16xi32>,
    %get3A_74 = vector.shape_cast %get3A_73 : vector<1x16xi32> to vector<16xi32>
    %mul3A_75 = arith.constant 4 : i32
    %mul3A_76 = vector.broadcast %mul3A_75 : i32 to vector<16xi32>
    %mul3A_77 = arith.muli %get3A_74, %mul3A_76 : vector<16xi32>
    %add3A_78 = vector.broadcast %add3A_1 : i32 to vector<16xi32>
    %add3A_79 = arith.addi %mul3A_77, %add3A_78 : vector<16xi32>
    %swap3A_80 = arith.constant 0 : i32
    %swap3A_81 = arith.index_cast %swap3A_80 : i32 to index
    %swap3A_82 = arith.constant 64 : index
    %swap3A_83 = tpu.vector_load %arg8[%swap3A_81, %swap3A_82] {strides = array<i32>} : memref<3x112xi32, #tpu.memory_space<vmem>>, vector<1x16xi32>,
    %swap3A_84 = vector.shape_cast %swap3A_83 : vector<1x16xi32> to vector<16xi32>
    %swap3A_85 = vector.shape_cast %add3A_79 : vector<16xi32> to vector<1x16xi32>
    tpu.vector_store %arg8[%swap3A_81, %swap3A_82], %swap3A_85 {strides = array<i32>} : memref<3x112xi32, #tpu.memory_space<vmem>>, vector<1x16xi32>,
    %get3A_86 = arith.constant 0 : i32
    %get3A_87 = arith.index_cast %get3A_86 : i32 to index
    %get3A_88 = arith.constant 80 : index
    %get3A_89 = tpu.vector_load %arg8[%get3A_87, %get3A_88] {strides = array<i32>} : memref<3x112xi32, #tpu.memory_space<vmem>>, vector<1x16xi32>,
    %get3A_90 = vector.shape_cast %get3A_89 : vector<1x16xi32> to vector<16xi32>
    %mul3A_91 = arith.constant 4 : i32
    %mul3A_92 = vector.broadcast %mul3A_91 : i32 to vector<16xi32>
    %mul3A_93 = arith.muli %get3A_90, %mul3A_92 : vector<16xi32>
    %add3A_94 = vector.broadcast %add3A_1 : i32 to vector<16xi32>
    %add3A_95 = arith.addi %mul3A_93, %add3A_94 : vector<16xi32>
    %swap3A_96 = arith.constant 0 : i32
    %swap3A_97 = arith.index_cast %swap3A_96 : i32 to index
    %swap3A_98 = arith.constant 80 : index
    %swap3A_99 = tpu.vector_load %arg8[%swap3A_97, %swap3A_98] {strides = array<i32>} : memref<3x112xi32, #tpu.memory_space<vmem>>, vector<1x16xi32>,
    %swap3A_100 = vector.shape_cast %swap3A_99 : vector<1x16xi32> to vector<16xi32>
    %swap3A_101 = vector.shape_cast %add3A_95 : vector<16xi32> to vector<1x16xi32>
    tpu.vector_store %arg8[%swap3A_97, %swap3A_98], %swap3A_101 {strides = array<i32>} : memref<3x112xi32, #tpu.memory_space<vmem>>, vector<1x16xi32>,
    %get3A_102 = arith.constant 0 : i32
    %get3A_103 = arith.index_cast %get3A_102 : i32 to index
    %get3A_104 = arith.constant 96 : index
    %get3A_105 = tpu.vector_load %arg8[%get3A_103, %get3A_104] {strides = array<i32>} : memref<3x112xi32, #tpu.memory_space<vmem>>, vector<1x16xi32>,
    %get3A_106 = vector.shape_cast %get3A_105 : vector<1x16xi32> to vector<16xi32>
    %mul3A_107 = arith.constant 4 : i32
    %mul3A_108 = vector.broadcast %mul3A_107 : i32 to vector<16xi32>
    %mul3A_109 = arith.muli %get3A_106, %mul3A_108 : vector<16xi32>
    %add3A_110 = vector.broadcast %add3A_1 : i32 to vector<16xi32>
    %add3A_111 = arith.addi %mul3A_109, %add3A_110 : vector<16xi32>
    %swap3A_112 = arith.constant 0 : i32
    %swap3A_113 = arith.index_cast %swap3A_112 : i32 to index
    %swap3A_114 = arith.constant 96 : index
    %swap3A_115 = tpu.vector_load %arg8[%swap3A_113, %swap3A_114] {strides = array<i32>} : memref<3x112xi32, #tpu.memory_space<vmem>>, vector<1x16xi32>,
    %swap3A_116 = vector.shape_cast %swap3A_115 : vector<1x16xi32> to vector<16xi32>
    %swap3A_117 = vector.shape_cast %add3A_111 : vector<16xi32> to vector<1x16xi32>
    tpu.vector_store %arg8[%swap3A_113, %swap3A_114], %swap3A_117 {strides = array<i32>} : memref<3x112xi32, #tpu.memory_space<vmem>>, vector<1x16xi32>,
    %mul3A_118 = arith.constant 90 : i32
    %mul3A_119 = arith.muli %arg1, %mul3A_118 : i32
    %add3A_120 = arith.constant 0 : i32
    %add3A_121 = arith.addi %mul3A_119, %add3A_120 : i32
    %dma_start3A = arith.constant 0 : i32
    %dma_start3A_122 = arith.constant 0 : i32
    %dma_start3A_123 = tpu.memref_slice %arg9[%dma_start3A, %dma_start3A_122] : memref<3x112xi32, #tpu.memory_space<vmem>> -> memref<1x112xi32, #tpu.memory_space<vmem>>
    %dma_start3A_124 = tpu.memref_squeeze %dma_start3A_123 : memref<1x112xi32, #tpu.memory_space<vmem>> -> memref<112xi32, #tpu.memory_space<vmem>>
    %dma_start3A_125 = arith.constant 0 : i32
    %dma_start3A_126 = tpu.memref_slice %arg4[%add3A_121, %dma_start3A_125] : memref<1440x112xi32, #tpu.memory_space<hbm>> -> memref<1x112xi32, #tpu.memory_space<hbm>>
    %dma_start3A_127 = tpu.memref_squeeze %dma_start3A_126 : memref<1x112xi32, #tpu.memory_space<hbm>> -> memref<112xi32, #tpu.memory_space<hbm>>
    %dma_start3A_128 = arith.constant 0 : i32
    %dma_start3A_129 = tpu.memref_slice %arg9[%dma_start3A, %dma_start3A_128] : memref<3x112xi32, #tpu.memory_space<vmem>> -> memref<1x112xi32, #tpu.memory_space<vmem>>
    %dma_start3A_130 = tpu.memref_squeeze %dma_start3A_129 : memref<1x112xi32, #tpu.memory_space<vmem>> -> memref<112xi32, #tpu.memory_space<vmem>>
    %dma_start3A_131 = arith.constant 0 : i32
    %dma_start3A_132 = tpu.memref_slice %arg4[%add3A_121, %dma_start3A_131] : memref<1440x112xi32, #tpu.memory_space<hbm>> -> memref<1x112xi32, #tpu.memory_space<hbm>>
    %dma_start3A_133 = tpu.memref_squeeze %dma_start3A_132 : memref<1x112xi32, #tpu.memory_space<hbm>> -> memref<112xi32, #tpu.memory_space<hbm>>
    tpu.enqueue_dma source(%dma_start3A_133 : memref<112xi32, #tpu.memory_space<hbm>>) target(%dma_start3A_130 : memref<112xi32, #tpu.memory_space<vmem>>) target_semaphore(%arg14 : memref<!tpu.dma_semaphore, #tpu.memory_space<semaphore_mem>>)
    %dma_start3A_134 = arith.constant 0 : i32
    %dma_start3A_135 = arith.constant 0 : i32
    %dma_start3A_136 = arith.constant 0 : i32
    %dma_start3A_137 = arith.constant 0 : i32
    %dma_start3A_138 = tpu.memref_slice %arg10[%dma_start3A_135, %dma_start3A_136, %dma_start3A_137] : memref<3x112x128xf32, #tpu.memory_space<vmem>> -> memref<1x112x128xf32, #tpu.memory_space<vmem>>
    %dma_start3A_139 = tpu.memref_squeeze %dma_start3A_138 : memref<1x112x128xf32, #tpu.memory_space<vmem>> -> memref<112x128xf32, #tpu.memory_space<vmem>>
    %dma_start3A_140 = arith.constant 0 : i32
    %dma_start3A_141 = tpu.memref_slice %arg8[%dma_start3A_134, %dma_start3A_140] : memref<3x112xi32, #tpu.memory_space<vmem>> -> memref<1x112xi32, #tpu.memory_space<vmem>>
    %dma_start3A_142 = tpu.memref_squeeze %dma_start3A_141 : memref<1x112xi32, #tpu.memory_space<vmem>> -> memref<112xi32, #tpu.memory_space<vmem>>
    %dma_start3A_143 = arith.constant 0 : i32
    %dma_start3A_144 = arith.constant 0 : i32
    %dma_start3A_145 = tpu.memref_slice %arg2[%dma_start3A_143, %dma_start3A_144] : memref<40000x128xf32, #tpu.memory_space<hbm>> -> memref<40000x128xf32, #tpu.memory_space<hbm>>
    tpu.enqueue_indirect_dma source(%dma_start3A_145 : memref<40000x128xf32, #tpu.memory_space<hbm>>) target(%dma_start3A_139 : memref<112x128xf32, #tpu.memory_space<vmem>>) offsets(%dma_start3A_142 : memref<112xi32, #tpu.memory_space<vmem>>) semaphore(%arg11 : memref<!tpu.dma_semaphore, #tpu.memory_space<semaphore_mem>>)
    %mul3A_146 = arith.constant 90 : i32
    %mul3A_147 = arith.muli %arg1, %mul3A_146 : i32
    %add3A_148 = arith.constant 1 : i32
    %add3A_149 = arith.addi %mul3A_147, %add3A_148 : i32
    %run_scoped3A_150 = arith.constant 1 : i32
    "tpu.region"() ({
      %run_scoped3A_905 = tpu.sem_alloc : memref<!tpu.dma_semaphore, #tpu.memory_space<semaphore_mem>>
      %dma_start3A_906 = arith.constant 0 : i32
      %dma_start3A_907 = tpu.memref_slice %arg8[%run_scoped3A_150, %dma_start3A_906] : memref<3x112xi32, #tpu.memory_space<vmem>> -> memref<1x112xi32, #tpu.memory_space<vmem>>
      %dma_start3A_908 = tpu.memref_squeeze %dma_start3A_907 : memref<1x112xi32, #tpu.memory_space<vmem>> -> memref<112xi32, #tpu.memory_space<vmem>>
      %dma_start3A_909 = arith.constant 0 : i32
      %dma_start3A_910 = tpu.memref_slice %arg3[%add3A_149, %dma_start3A_909] : memref<1440x112xi32, #tpu.memory_space<hbm>> -> memref<1x112xi32, #tpu.memory_space<hbm>>
      %dma_start3A_911 = tpu.memref_squeeze %dma_start3A_910 : memref<1x112xi32, #tpu.memory_space<hbm>> -> memref<112xi32, #tpu.memory_space<hbm>>
      %dma_start3A_912 = arith.constant 0 : i32
      %dma_start3A_913 = tpu.memref_slice %arg8[%run_scoped3A_150, %dma_start3A_912] : memref<3x112xi32, #tpu.memory_space<vmem>> -> memref<1x112xi32, #tpu.memory_space<vmem>>
      %dma_start3A_914 = tpu.memref_squeeze %dma_start3A_913 : memref<1x112xi32, #tpu.memory_space<vmem>> -> memref<112xi32, #tpu.memory_space<vmem>>
      %dma_start3A_915 = arith.constant 0 : i32
      %dma_start3A_916 = tpu.memref_slice %arg3[%add3A_149, %dma_start3A_915] : memref<1440x112xi32, #tpu.memory_space<hbm>> -> memref<1x112xi32, #tpu.memory_space<hbm>>
      %dma_start3A_917 = tpu.memref_squeeze %dma_start3A_916 : memref<1x112xi32, #tpu.memory_space<hbm>> -> memref<112xi32, #tpu.memory_space<hbm>>
      tpu.enqueue_dma source(%dma_start3A_917 : memref<112xi32, #tpu.memory_space<hbm>>) target(%dma_start3A_914 : memref<112xi32, #tpu.memory_space<vmem>>) target_semaphore(%run_scoped3A_905 : memref<!tpu.dma_semaphore, #tpu.memory_space<semaphore_mem>>)
      %dma_wait3A = arith.constant 0 : i32
      %dma_wait3A_918 = tpu.memref_slice %arg8[%run_scoped3A_150, %dma_wait3A] : memref<3x112xi32, #tpu.memory_space<vmem>> -> memref<1x112xi32, #tpu.memory_space<vmem>>
      %dma_wait3A_919 = tpu.memref_squeeze %dma_wait3A_918 : memref<1x112xi32, #tpu.memory_space<vmem>> -> memref<112xi32, #tpu.memory_space<vmem>>
      %dma_wait3A_920 = arith.constant 0 : i32
      %dma_wait3A_921 = tpu.memref_slice %arg3[%add3A_149, %dma_wait3A_920] : memref<1440x112xi32, #tpu.memory_space<hbm>> -> memref<1x112xi32, #tpu.memory_space<hbm>>
      %dma_wait3A_922 = tpu.memref_squeeze %dma_wait3A_921 : memref<1x112xi32, #tpu.memory_space<hbm>> -> memref<112xi32, #tpu.memory_space<hbm>>
      %dma_wait3A_923 = arith.constant 0 : i32
      %dma_wait3A_924 = tpu.memref_slice %arg8[%run_scoped3A_150, %dma_wait3A_923] : memref<3x112xi32, #tpu.memory_space<vmem>> -> memref<1x112xi32, #tpu.memory_space<vmem>>
      %dma_wait3A_925 = tpu.memref_squeeze %dma_wait3A_924 : memref<1x112xi32, #tpu.memory_space<vmem>> -> memref<112xi32, #tpu.memory_space<vmem>>
      %dma_wait3A_926 = arith.constant 0 : i32
      %dma_wait3A_927 = tpu.memref_slice %arg3[%add3A_149, %dma_wait3A_926] : memref<1440x112xi32, #tpu.memory_space<hbm>> -> memref<1x112xi32, #tpu.memory_space<hbm>>
      %dma_wait3A_928 = tpu.memref_squeeze %dma_wait3A_927 : memref<1x112xi32, #tpu.memory_space<hbm>> -> memref<112xi32, #tpu.memory_space<hbm>>
      tpu.wait_dma2 semaphore(%run_scoped3A_905 : memref<!tpu.dma_semaphore, #tpu.memory_space<semaphore_mem>>) src(%dma_wait3A_928 : memref<112xi32, #tpu.memory_space<hbm>>) dst(%dma_wait3A_925 : memref<112xi32, #tpu.memory_space<vmem>>)
      tpu.yield
    }) : () -> ()
    %get3A_151 = arith.constant 1 : i32
    %get3A_152 = arith.index_cast %get3A_151 : i32 to index
    %get3A_153 = arith.constant 0 : index
    %get3A_154 = tpu.vector_load %arg8[%get3A_152, %get3A_153] {strides = array<i32>} : memref<3x112xi32, #tpu.memory_space<vmem>>, vector<1x16xi32>,
    %get3A_155 = vector.shape_cast %get3A_154 : vector<1x16xi32> to vector<16xi32>
    %mul3A_156 = arith.constant 4 : i32
    %mul3A_157 = vector.broadcast %mul3A_156 : i32 to vector<16xi32>
    %mul3A_158 = arith.muli %get3A_155, %mul3A_157 : vector<16xi32>
    %add3A_159 = vector.broadcast %add3A_1 : i32 to vector<16xi32>
    %add3A_160 = arith.addi %mul3A_158, %add3A_159 : vector<16xi32>
    %swap3A_161 = arith.constant 1 : i32
    %swap3A_162 = arith.index_cast %swap3A_161 : i32 to index
    %swap3A_163 = arith.constant 0 : index
    %swap3A_164 = tpu.vector_load %arg8[%swap3A_162, %swap3A_163] {strides = array<i32>} : memref<3x112xi32, #tpu.memory_space<vmem>>, vector<1x16xi32>,
    %swap3A_165 = vector.shape_cast %swap3A_164 : vector<1x16xi32> to vector<16xi32>
    %swap3A_166 = vector.shape_cast %add3A_160 : vector<16xi32> to vector<1x16xi32>
    tpu.vector_store %arg8[%swap3A_162, %swap3A_163], %swap3A_166 {strides = array<i32>} : memref<3x112xi32, #tpu.memory_space<vmem>>, vector<1x16xi32>,
    %get3A_167 = arith.constant 1 : i32
    %get3A_168 = arith.index_cast %get3A_167 : i32 to index
    %get3A_169 = arith.constant 16 : index
    %get3A_170 = tpu.vector_load %arg8[%get3A_168, %get3A_169] {strides = array<i32>} : memref<3x112xi32, #tpu.memory_space<vmem>>, vector<1x16xi32>,
    %get3A_171 = vector.shape_cast %get3A_170 : vector<1x16xi32> to vector<16xi32>
    %mul3A_172 = arith.constant 4 : i32
    %mul3A_173 = vector.broadcast %mul3A_172 : i32 to vector<16xi32>
    %mul3A_174 = arith.muli %get3A_171, %mul3A_173 : vector<16xi32>
    %add3A_175 = vector.broadcast %add3A_1 : i32 to vector<16xi32>
    %add3A_176 = arith.addi %mul3A_174, %add3A_175 : vector<16xi32>
    %swap3A_177 = arith.constant 1 : i32
    %swap3A_178 = arith.index_cast %swap3A_177 : i32 to index
    %swap3A_179 = arith.constant 16 : index
    %swap3A_180 = tpu.vector_load %arg8[%swap3A_178, %swap3A_179] {strides = array<i32>} : memref<3x112xi32, #tpu.memory_space<vmem>>, vector<1x16xi32>,
    %swap3A_181 = vector.shape_cast %swap3A_180 : vector<1x16xi32> to vector<16xi32>
    %swap3A_182 = vector.shape_cast %add3A_176 : vector<16xi32> to vector<1x16xi32>
    tpu.vector_store %arg8[%swap3A_178, %swap3A_179], %swap3A_182 {strides = array<i32>} : memref<3x112xi32, #tpu.memory_space<vmem>>, vector<1x16xi32>,
    %get3A_183 = arith.constant 1 : i32
    %get3A_184 = arith.index_cast %get3A_183 : i32 to index
    %get3A_185 = arith.constant 32 : index
    %get3A_186 = tpu.vector_load %arg8[%get3A_184, %get3A_185] {strides = array<i32>} : memref<3x112xi32, #tpu.memory_space<vmem>>, vector<1x16xi32>,
    %get3A_187 = vector.shape_cast %get3A_186 : vector<1x16xi32> to vector<16xi32>
    %mul3A_188 = arith.constant 4 : i32
    %mul3A_189 = vector.broadcast %mul3A_188 : i32 to vector<16xi32>
    %mul3A_190 = arith.muli %get3A_187, %mul3A_189 : vector<16xi32>
    %add3A_191 = vector.broadcast %add3A_1 : i32 to vector<16xi32>
    %add3A_192 = arith.addi %mul3A_190, %add3A_191 : vector<16xi32>
    %swap3A_193 = arith.constant 1 : i32
    %swap3A_194 = arith.index_cast %swap3A_193 : i32 to index
    %swap3A_195 = arith.constant 32 : index
    %swap3A_196 = tpu.vector_load %arg8[%swap3A_194, %swap3A_195] {strides = array<i32>} : memref<3x112xi32, #tpu.memory_space<vmem>>, vector<1x16xi32>,
    %swap3A_197 = vector.shape_cast %swap3A_196 : vector<1x16xi32> to vector<16xi32>
    %swap3A_198 = vector.shape_cast %add3A_192 : vector<16xi32> to vector<1x16xi32>
    tpu.vector_store %arg8[%swap3A_194, %swap3A_195], %swap3A_198 {strides = array<i32>} : memref<3x112xi32, #tpu.memory_space<vmem>>, vector<1x16xi32>,
    %get3A_199 = arith.constant 1 : i32
    %get3A_200 = arith.index_cast %get3A_199 : i32 to index
    %get3A_201 = arith.constant 48 : index
    %get3A_202 = tpu.vector_load %arg8[%get3A_200, %get3A_201] {strides = array<i32>} : memref<3x112xi32, #tpu.memory_space<vmem>>, vector<1x16xi32>,
    %get3A_203 = vector.shape_cast %get3A_202 : vector<1x16xi32> to vector<16xi32>
    %mul3A_204 = arith.constant 4 : i32
    %mul3A_205 = vector.broadcast %mul3A_204 : i32 to vector<16xi32>
    %mul3A_206 = arith.muli %get3A_203, %mul3A_205 : vector<16xi32>
    %add3A_207 = vector.broadcast %add3A_1 : i32 to vector<16xi32>
    %add3A_208 = arith.addi %mul3A_206, %add3A_207 : vector<16xi32>
    %swap3A_209 = arith.constant 1 : i32
    %swap3A_210 = arith.index_cast %swap3A_209 : i32 to index
    %swap3A_211 = arith.constant 48 : index
    %swap3A_212 = tpu.vector_load %arg8[%swap3A_210, %swap3A_211] {strides = array<i32>} : memref<3x112xi32, #tpu.memory_space<vmem>>, vector<1x16xi32>,
    %swap3A_213 = vector.shape_cast %swap3A_212 : vector<1x16xi32> to vector<16xi32>
    %swap3A_214 = vector.shape_cast %add3A_208 : vector<16xi32> to vector<1x16xi32>
    tpu.vector_store %arg8[%swap3A_210, %swap3A_211], %swap3A_214 {strides = array<i32>} : memref<3x112xi32, #tpu.memory_space<vmem>>, vector<1x16xi32>,
    %get3A_215 = arith.constant 1 : i32
    %get3A_216 = arith.index_cast %get3A_215 : i32 to index
    %get3A_217 = arith.constant 64 : index
    %get3A_218 = tpu.vector_load %arg8[%get3A_216, %get3A_217] {strides = array<i32>} : memref<3x112xi32, #tpu.memory_space<vmem>>, vector<1x16xi32>,
    %get3A_219 = vector.shape_cast %get3A_218 : vector<1x16xi32> to vector<16xi32>
    %mul3A_220 = arith.constant 4 : i32
    %mul3A_221 = vector.broadcast %mul3A_220 : i32 to vector<16xi32>
    %mul3A_222 = arith.muli %get3A_219, %mul3A_221 : vector<16xi32>
    %add3A_223 = vector.broadcast %add3A_1 : i32 to vector<16xi32>
    %add3A_224 = arith.addi %mul3A_222, %add3A_223 : vector<16xi32>
    %swap3A_225 = arith.constant 1 : i32
    %swap3A_226 = arith.index_cast %swap3A_225 : i32 to index
    %swap3A_227 = arith.constant 64 : index
    %swap3A_228 = tpu.vector_load %arg8[%swap3A_226, %swap3A_227] {strides = array<i32>} : memref<3x112xi32, #tpu.memory_space<vmem>>, vector<1x16xi32>,
    %swap3A_229 = vector.shape_cast %swap3A_228 : vector<1x16xi32> to vector<16xi32>
    %swap3A_230 = vector.shape_cast %add3A_224 : vector<16xi32> to vector<1x16xi32>
    tpu.vector_store %arg8[%swap3A_226, %swap3A_227], %swap3A_230 {strides = array<i32>} : memref<3x112xi32, #tpu.memory_space<vmem>>, vector<1x16xi32>,
    %get3A_231 = arith.constant 1 : i32
    %get3A_232 = arith.index_cast %get3A_231 : i32 to index
    %get3A_233 = arith.constant 80 : index
    %get3A_234 = tpu.vector_load %arg8[%get3A_232, %get3A_233] {strides = array<i32>} : memref<3x112xi32, #tpu.memory_space<vmem>>, vector<1x16xi32>,
    %get3A_235 = vector.shape_cast %get3A_234 : vector<1x16xi32> to vector<16xi32>
    %mul3A_236 = arith.constant 4 : i32
    %mul3A_237 = vector.broadcast %mul3A_236 : i32 to vector<16xi32>
    %mul3A_238 = arith.muli %get3A_235, %mul3A_237 : vector<16xi32>
    %add3A_239 = vector.broadcast %add3A_1 : i32 to vector<16xi32>
    %add3A_240 = arith.addi %mul3A_238, %add3A_239 : vector<16xi32>
    %swap3A_241 = arith.constant 1 : i32
    %swap3A_242 = arith.index_cast %swap3A_241 : i32 to index
    %swap3A_243 = arith.constant 80 : index
    %swap3A_244 = tpu.vector_load %arg8[%swap3A_242, %swap3A_243] {strides = array<i32>} : memref<3x112xi32, #tpu.memory_space<vmem>>, vector<1x16xi32>,
    %swap3A_245 = vector.shape_cast %swap3A_244 : vector<1x16xi32> to vector<16xi32>
    %swap3A_246 = vector.shape_cast %add3A_240 : vector<16xi32> to vector<1x16xi32>
    tpu.vector_store %arg8[%swap3A_242, %swap3A_243], %swap3A_246 {strides = array<i32>} : memref<3x112xi32, #tpu.memory_space<vmem>>, vector<1x16xi32>,
    %get3A_247 = arith.constant 1 : i32
    %get3A_248 = arith.index_cast %get3A_247 : i32 to index
    %get3A_249 = arith.constant 96 : index
    %get3A_250 = tpu.vector_load %arg8[%get3A_248, %get3A_249] {strides = array<i32>} : memref<3x112xi32, #tpu.memory_space<vmem>>, vector<1x16xi32>,
    %get3A_251 = vector.shape_cast %get3A_250 : vector<1x16xi32> to vector<16xi32>
    %mul3A_252 = arith.constant 4 : i32
    %mul3A_253 = vector.broadcast %mul3A_252 : i32 to vector<16xi32>
    %mul3A_254 = arith.muli %get3A_251, %mul3A_253 : vector<16xi32>
    %add3A_255 = vector.broadcast %add3A_1 : i32 to vector<16xi32>
    %add3A_256 = arith.addi %mul3A_254, %add3A_255 : vector<16xi32>
    %swap3A_257 = arith.constant 1 : i32
    %swap3A_258 = arith.index_cast %swap3A_257 : i32 to index
    %swap3A_259 = arith.constant 96 : index
    %swap3A_260 = tpu.vector_load %arg8[%swap3A_258, %swap3A_259] {strides = array<i32>} : memref<3x112xi32, #tpu.memory_space<vmem>>, vector<1x16xi32>,
    %swap3A_261 = vector.shape_cast %swap3A_260 : vector<1x16xi32> to vector<16xi32>
    %swap3A_262 = vector.shape_cast %add3A_256 : vector<16xi32> to vector<1x16xi32>
    tpu.vector_store %arg8[%swap3A_258, %swap3A_259], %swap3A_262 {strides = array<i32>} : memref<3x112xi32, #tpu.memory_space<vmem>>, vector<1x16xi32>,
    %mul3A_263 = arith.constant 90 : i32
    %mul3A_264 = arith.muli %arg1, %mul3A_263 : i32
    %add3A_265 = arith.constant 1 : i32
    %add3A_266 = arith.addi %mul3A_264, %add3A_265 : i32
    %dma_start3A_267 = arith.constant 1 : i32
    %dma_start3A_268 = arith.constant 0 : i32
    %dma_start3A_269 = tpu.memref_slice %arg9[%dma_start3A_267, %dma_start3A_268] : memref<3x112xi32, #tpu.memory_space<vmem>> -> memref<1x112xi32, #tpu.memory_space<vmem>>
    %dma_start3A_270 = tpu.memref_squeeze %dma_start3A_269 : memref<1x112xi32, #tpu.memory_space<vmem>> -> memref<112xi32, #tpu.memory_space<vmem>>
    %dma_start3A_271 = arith.constant 0 : i32
    %dma_start3A_272 = tpu.memref_slice %arg4[%add3A_266, %dma_start3A_271] : memref<1440x112xi32, #tpu.memory_space<hbm>> -> memref<1x112xi32, #tpu.memory_space<hbm>>
    %dma_start3A_273 = tpu.memref_squeeze %dma_start3A_272 : memref<1x112xi32, #tpu.memory_space<hbm>> -> memref<112xi32, #tpu.memory_space<hbm>>
    %dma_start3A_274 = arith.constant 0 : i32
    %dma_start3A_275 = tpu.memref_slice %arg9[%dma_start3A_267, %dma_start3A_274] : memref<3x112xi32, #tpu.memory_space<vmem>> -> memref<1x112xi32, #tpu.memory_space<vmem>>
    %dma_start3A_276 = tpu.memref_squeeze %dma_start3A_275 : memref<1x112xi32, #tpu.memory_space<vmem>> -> memref<112xi32, #tpu.memory_space<vmem>>
    %dma_start3A_277 = arith.constant 0 : i32
    %dma_start3A_278 = tpu.memref_slice %arg4[%add3A_266, %dma_start3A_277] : memref<1440x112xi32, #tpu.memory_space<hbm>> -> memref<1x112xi32, #tpu.memory_space<hbm>>
    %dma_start3A_279 = tpu.memref_squeeze %dma_start3A_278 : memref<1x112xi32, #tpu.memory_space<hbm>> -> memref<112xi32, #tpu.memory_space<hbm>>
    tpu.enqueue_dma source(%dma_start3A_279 : memref<112xi32, #tpu.memory_space<hbm>>) target(%dma_start3A_276 : memref<112xi32, #tpu.memory_space<vmem>>) target_semaphore(%arg15 : memref<!tpu.dma_semaphore, #tpu.memory_space<semaphore_mem>>)
    %dma_start3A_280 = arith.constant 1 : i32
    %dma_start3A_281 = arith.constant 1 : i32
    %dma_start3A_282 = arith.constant 0 : i32
    %dma_start3A_283 = arith.constant 0 : i32
    %dma_start3A_284 = tpu.memref_slice %arg10[%dma_start3A_281, %dma_start3A_282, %dma_start3A_283] : memref<3x112x128xf32, #tpu.memory_space<vmem>> -> memref<1x112x128xf32, #tpu.memory_space<vmem>>
    %dma_start3A_285 = tpu.memref_squeeze %dma_start3A_284 : memref<1x112x128xf32, #tpu.memory_space<vmem>> -> memref<112x128xf32, #tpu.memory_space<vmem>>
    %dma_start3A_286 = arith.constant 0 : i32
    %dma_start3A_287 = tpu.memref_slice %arg8[%dma_start3A_280, %dma_start3A_286] : memref<3x112xi32, #tpu.memory_space<vmem>> -> memref<1x112xi32, #tpu.memory_space<vmem>>
    %dma_start3A_288 = tpu.memref_squeeze %dma_start3A_287 : memref<1x112xi32, #tpu.memory_space<vmem>> -> memref<112xi32, #tpu.memory_space<vmem>>
    %dma_start3A_289 = arith.constant 0 : i32
    %dma_start3A_290 = arith.constant 0 : i32
    %dma_start3A_291 = tpu.memref_slice %arg2[%dma_start3A_289, %dma_start3A_290] : memref<40000x128xf32, #tpu.memory_space<hbm>> -> memref<40000x128xf32, #tpu.memory_space<hbm>>
    tpu.enqueue_indirect_dma source(%dma_start3A_291 : memref<40000x128xf32, #tpu.memory_space<hbm>>) target(%dma_start3A_285 : memref<112x128xf32, #tpu.memory_space<vmem>>) offsets(%dma_start3A_288 : memref<112xi32, #tpu.memory_space<vmem>>) semaphore(%arg12 : memref<!tpu.dma_semaphore, #tpu.memory_space<semaphore_mem>>)
    %mul3A_292 = arith.constant 90 : i32
    %mul3A_293 = arith.muli %arg1, %mul3A_292 : i32
    %add3A_294 = arith.constant 2 : i32
    %add3A_295 = arith.addi %mul3A_293, %add3A_294 : i32
    %run_scoped3A_296 = arith.constant 2 : i32
    "tpu.region"() ({
      %run_scoped3A_905 = tpu.sem_alloc : memref<!tpu.dma_semaphore, #tpu.memory_space<semaphore_mem>>
      %dma_start3A_906 = arith.constant 0 : i32
      %dma_start3A_907 = tpu.memref_slice %arg8[%run_scoped3A_296, %dma_start3A_906] : memref<3x112xi32, #tpu.memory_space<vmem>> -> memref<1x112xi32, #tpu.memory_space<vmem>>
      %dma_start3A_908 = tpu.memref_squeeze %dma_start3A_907 : memref<1x112xi32, #tpu.memory_space<vmem>> -> memref<112xi32, #tpu.memory_space<vmem>>
      %dma_start3A_909 = arith.constant 0 : i32
      %dma_start3A_910 = tpu.memref_slice %arg3[%add3A_295, %dma_start3A_909] : memref<1440x112xi32, #tpu.memory_space<hbm>> -> memref<1x112xi32, #tpu.memory_space<hbm>>
      %dma_start3A_911 = tpu.memref_squeeze %dma_start3A_910 : memref<1x112xi32, #tpu.memory_space<hbm>> -> memref<112xi32, #tpu.memory_space<hbm>>
      %dma_start3A_912 = arith.constant 0 : i32
      %dma_start3A_913 = tpu.memref_slice %arg8[%run_scoped3A_296, %dma_start3A_912] : memref<3x112xi32, #tpu.memory_space<vmem>> -> memref<1x112xi32, #tpu.memory_space<vmem>>
      %dma_start3A_914 = tpu.memref_squeeze %dma_start3A_913 : memref<1x112xi32, #tpu.memory_space<vmem>> -> memref<112xi32, #tpu.memory_space<vmem>>
      %dma_start3A_915 = arith.constant 0 : i32
      %dma_start3A_916 = tpu.memref_slice %arg3[%add3A_295, %dma_start3A_915] : memref<1440x112xi32, #tpu.memory_space<hbm>> -> memref<1x112xi32, #tpu.memory_space<hbm>>
      %dma_start3A_917 = tpu.memref_squeeze %dma_start3A_916 : memref<1x112xi32, #tpu.memory_space<hbm>> -> memref<112xi32, #tpu.memory_space<hbm>>
      tpu.enqueue_dma source(%dma_start3A_917 : memref<112xi32, #tpu.memory_space<hbm>>) target(%dma_start3A_914 : memref<112xi32, #tpu.memory_space<vmem>>) target_semaphore(%run_scoped3A_905 : memref<!tpu.dma_semaphore, #tpu.memory_space<semaphore_mem>>)
      %dma_wait3A = arith.constant 0 : i32
      %dma_wait3A_918 = tpu.memref_slice %arg8[%run_scoped3A_296, %dma_wait3A] : memref<3x112xi32, #tpu.memory_space<vmem>> -> memref<1x112xi32, #tpu.memory_space<vmem>>
      %dma_wait3A_919 = tpu.memref_squeeze %dma_wait3A_918 : memref<1x112xi32, #tpu.memory_space<vmem>> -> memref<112xi32, #tpu.memory_space<vmem>>
      %dma_wait3A_920 = arith.constant 0 : i32
      %dma_wait3A_921 = tpu.memref_slice %arg3[%add3A_295, %dma_wait3A_920] : memref<1440x112xi32, #tpu.memory_space<hbm>> -> memref<1x112xi32, #tpu.memory_space<hbm>>
      %dma_wait3A_922 = tpu.memref_squeeze %dma_wait3A_921 : memref<1x112xi32, #tpu.memory_space<hbm>> -> memref<112xi32, #tpu.memory_space<hbm>>
      %dma_wait3A_923 = arith.constant 0 : i32
      %dma_wait3A_924 = tpu.memref_slice %arg8[%run_scoped3A_296, %dma_wait3A_923] : memref<3x112xi32, #tpu.memory_space<vmem>> -> memref<1x112xi32, #tpu.memory_space<vmem>>
      %dma_wait3A_925 = tpu.memref_squeeze %dma_wait3A_924 : memref<1x112xi32, #tpu.memory_space<vmem>> -> memref<112xi32, #tpu.memory_space<vmem>>
      %dma_wait3A_926 = arith.constant 0 : i32
      %dma_wait3A_927 = tpu.memref_slice %arg3[%add3A_295, %dma_wait3A_926] : memref<1440x112xi32, #tpu.memory_space<hbm>> -> memref<1x112xi32, #tpu.memory_space<hbm>>
      %dma_wait3A_928 = tpu.memref_squeeze %dma_wait3A_927 : memref<1x112xi32, #tpu.memory_space<hbm>> -> memref<112xi32, #tpu.memory_space<hbm>>
      tpu.wait_dma2 semaphore(%run_scoped3A_905 : memref<!tpu.dma_semaphore, #tpu.memory_space<semaphore_mem>>) src(%dma_wait3A_928 : memref<112xi32, #tpu.memory_space<hbm>>) dst(%dma_wait3A_925 : memref<112xi32, #tpu.memory_space<vmem>>)
      tpu.yield
    }) : () -> ()
    %get3A_297 = arith.constant 2 : i32
    %get3A_298 = arith.index_cast %get3A_297 : i32 to index
    %get3A_299 = arith.constant 0 : index
    %get3A_300 = tpu.vector_load %arg8[%get3A_298, %get3A_299] {strides = array<i32>} : memref<3x112xi32, #tpu.memory_space<vmem>>, vector<1x16xi32>,
    %get3A_301 = vector.shape_cast %get3A_300 : vector<1x16xi32> to vector<16xi32>
    %mul3A_302 = arith.constant 4 : i32
    %mul3A_303 = vector.broadcast %mul3A_302 : i32 to vector<16xi32>
    %mul3A_304 = arith.muli %get3A_301, %mul3A_303 : vector<16xi32>
    %add3A_305 = vector.broadcast %add3A_1 : i32 to vector<16xi32>
    %add3A_306 = arith.addi %mul3A_304, %add3A_305 : vector<16xi32>
    %swap3A_307 = arith.constant 2 : i32
    %swap3A_308 = arith.index_cast %swap3A_307 : i32 to index
    %swap3A_309 = arith.constant 0 : index
    %swap3A_310 = tpu.vector_load %arg8[%swap3A_308, %swap3A_309] {strides = array<i32>} : memref<3x112xi32, #tpu.memory_space<vmem>>, vector<1x16xi32>,
    %swap3A_311 = vector.shape_cast %swap3A_310 : vector<1x16xi32> to vector<16xi32>
    %swap3A_312 = vector.shape_cast %add3A_306 : vector<16xi32> to vector<1x16xi32>
    tpu.vector_store %arg8[%swap3A_308, %swap3A_309], %swap3A_312 {strides = array<i32>} : memref<3x112xi32, #tpu.memory_space<vmem>>, vector<1x16xi32>,
    %get3A_313 = arith.constant 2 : i32
    %get3A_314 = arith.index_cast %get3A_313 : i32 to index
    %get3A_315 = arith.constant 16 : index
    %get3A_316 = tpu.vector_load %arg8[%get3A_314, %get3A_315] {strides = array<i32>} : memref<3x112xi32, #tpu.memory_space<vmem>>, vector<1x16xi32>,
    %get3A_317 = vector.shape_cast %get3A_316 : vector<1x16xi32> to vector<16xi32>
    %mul3A_318 = arith.constant 4 : i32
    %mul3A_319 = vector.broadcast %mul3A_318 : i32 to vector<16xi32>
    %mul3A_320 = arith.muli %get3A_317, %mul3A_319 : vector<16xi32>
    %add3A_321 = vector.broadcast %add3A_1 : i32 to vector<16xi32>
    %add3A_322 = arith.addi %mul3A_320, %add3A_321 : vector<16xi32>
    %swap3A_323 = arith.constant 2 : i32
    %swap3A_324 = arith.index_cast %swap3A_323 : i32 to index
    %swap3A_325 = arith.constant 16 : index
    %swap3A_326 = tpu.vector_load %arg8[%swap3A_324, %swap3A_325] {strides = array<i32>} : memref<3x112xi32, #tpu.memory_space<vmem>>, vector<1x16xi32>,
    %swap3A_327 = vector.shape_cast %swap3A_326 : vector<1x16xi32> to vector<16xi32>
    %swap3A_328 = vector.shape_cast %add3A_322 : vector<16xi32> to vector<1x16xi32>
    tpu.vector_store %arg8[%swap3A_324, %swap3A_325], %swap3A_328 {strides = array<i32>} : memref<3x112xi32, #tpu.memory_space<vmem>>, vector<1x16xi32>,
    %get3A_329 = arith.constant 2 : i32
    %get3A_330 = arith.index_cast %get3A_329 : i32 to index
    %get3A_331 = arith.constant 32 : index
    %get3A_332 = tpu.vector_load %arg8[%get3A_330, %get3A_331] {strides = array<i32>} : memref<3x112xi32, #tpu.memory_space<vmem>>, vector<1x16xi32>,
    %get3A_333 = vector.shape_cast %get3A_332 : vector<1x16xi32> to vector<16xi32>
    %mul3A_334 = arith.constant 4 : i32
    %mul3A_335 = vector.broadcast %mul3A_334 : i32 to vector<16xi32>
    %mul3A_336 = arith.muli %get3A_333, %mul3A_335 : vector<16xi32>
    %add3A_337 = vector.broadcast %add3A_1 : i32 to vector<16xi32>
    %add3A_338 = arith.addi %mul3A_336, %add3A_337 : vector<16xi32>
    %swap3A_339 = arith.constant 2 : i32
    %swap3A_340 = arith.index_cast %swap3A_339 : i32 to index
    %swap3A_341 = arith.constant 32 : index
    %swap3A_342 = tpu.vector_load %arg8[%swap3A_340, %swap3A_341] {strides = array<i32>} : memref<3x112xi32, #tpu.memory_space<vmem>>, vector<1x16xi32>,
    %swap3A_343 = vector.shape_cast %swap3A_342 : vector<1x16xi32> to vector<16xi32>
    %swap3A_344 = vector.shape_cast %add3A_338 : vector<16xi32> to vector<1x16xi32>
    tpu.vector_store %arg8[%swap3A_340, %swap3A_341], %swap3A_344 {strides = array<i32>} : memref<3x112xi32, #tpu.memory_space<vmem>>, vector<1x16xi32>,
    %get3A_345 = arith.constant 2 : i32
    %get3A_346 = arith.index_cast %get3A_345 : i32 to index
    %get3A_347 = arith.constant 48 : index
    %get3A_348 = tpu.vector_load %arg8[%get3A_346, %get3A_347] {strides = array<i32>} : memref<3x112xi32, #tpu.memory_space<vmem>>, vector<1x16xi32>,
    %get3A_349 = vector.shape_cast %get3A_348 : vector<1x16xi32> to vector<16xi32>
    %mul3A_350 = arith.constant 4 : i32
    %mul3A_351 = vector.broadcast %mul3A_350 : i32 to vector<16xi32>
    %mul3A_352 = arith.muli %get3A_349, %mul3A_351 : vector<16xi32>
    %add3A_353 = vector.broadcast %add3A_1 : i32 to vector<16xi32>
    %add3A_354 = arith.addi %mul3A_352, %add3A_353 : vector<16xi32>
    %swap3A_355 = arith.constant 2 : i32
    %swap3A_356 = arith.index_cast %swap3A_355 : i32 to index
    %swap3A_357 = arith.constant 48 : index
    %swap3A_358 = tpu.vector_load %arg8[%swap3A_356, %swap3A_357] {strides = array<i32>} : memref<3x112xi32, #tpu.memory_space<vmem>>, vector<1x16xi32>,
    %swap3A_359 = vector.shape_cast %swap3A_358 : vector<1x16xi32> to vector<16xi32>
    %swap3A_360 = vector.shape_cast %add3A_354 : vector<16xi32> to vector<1x16xi32>
    tpu.vector_store %arg8[%swap3A_356, %swap3A_357], %swap3A_360 {strides = array<i32>} : memref<3x112xi32, #tpu.memory_space<vmem>>, vector<1x16xi32>,
    %get3A_361 = arith.constant 2 : i32
    %get3A_362 = arith.index_cast %get3A_361 : i32 to index
    %get3A_363 = arith.constant 64 : index
    %get3A_364 = tpu.vector_load %arg8[%get3A_362, %get3A_363] {strides = array<i32>} : memref<3x112xi32, #tpu.memory_space<vmem>>, vector<1x16xi32>,
    %get3A_365 = vector.shape_cast %get3A_364 : vector<1x16xi32> to vector<16xi32>
    %mul3A_366 = arith.constant 4 : i32
    %mul3A_367 = vector.broadcast %mul3A_366 : i32 to vector<16xi32>
    %mul3A_368 = arith.muli %get3A_365, %mul3A_367 : vector<16xi32>
    %add3A_369 = vector.broadcast %add3A_1 : i32 to vector<16xi32>
    %add3A_370 = arith.addi %mul3A_368, %add3A_369 : vector<16xi32>
    %swap3A_371 = arith.constant 2 : i32
    %swap3A_372 = arith.index_cast %swap3A_371 : i32 to index
    %swap3A_373 = arith.constant 64 : index
    %swap3A_374 = tpu.vector_load %arg8[%swap3A_372, %swap3A_373] {strides = array<i32>} : memref<3x112xi32, #tpu.memory_space<vmem>>, vector<1x16xi32>,
    %swap3A_375 = vector.shape_cast %swap3A_374 : vector<1x16xi32> to vector<16xi32>
    %swap3A_376 = vector.shape_cast %add3A_370 : vector<16xi32> to vector<1x16xi32>
    tpu.vector_store %arg8[%swap3A_372, %swap3A_373], %swap3A_376 {strides = array<i32>} : memref<3x112xi32, #tpu.memory_space<vmem>>, vector<1x16xi32>,
    %get3A_377 = arith.constant 2 : i32
    %get3A_378 = arith.index_cast %get3A_377 : i32 to index
    %get3A_379 = arith.constant 80 : index
    %get3A_380 = tpu.vector_load %arg8[%get3A_378, %get3A_379] {strides = array<i32>} : memref<3x112xi32, #tpu.memory_space<vmem>>, vector<1x16xi32>,
    %get3A_381 = vector.shape_cast %get3A_380 : vector<1x16xi32> to vector<16xi32>
    %mul3A_382 = arith.constant 4 : i32
    %mul3A_383 = vector.broadcast %mul3A_382 : i32 to vector<16xi32>
    %mul3A_384 = arith.muli %get3A_381, %mul3A_383 : vector<16xi32>
    %add3A_385 = vector.broadcast %add3A_1 : i32 to vector<16xi32>
    %add3A_386 = arith.addi %mul3A_384, %add3A_385 : vector<16xi32>
    %swap3A_387 = arith.constant 2 : i32
    %swap3A_388 = arith.index_cast %swap3A_387 : i32 to index
    %swap3A_389 = arith.constant 80 : index
    %swap3A_390 = tpu.vector_load %arg8[%swap3A_388, %swap3A_389] {strides = array<i32>} : memref<3x112xi32, #tpu.memory_space<vmem>>, vector<1x16xi32>,
    %swap3A_391 = vector.shape_cast %swap3A_390 : vector<1x16xi32> to vector<16xi32>
    %swap3A_392 = vector.shape_cast %add3A_386 : vector<16xi32> to vector<1x16xi32>
    tpu.vector_store %arg8[%swap3A_388, %swap3A_389], %swap3A_392 {strides = array<i32>} : memref<3x112xi32, #tpu.memory_space<vmem>>, vector<1x16xi32>,
    %get3A_393 = arith.constant 2 : i32
    %get3A_394 = arith.index_cast %get3A_393 : i32 to index
    %get3A_395 = arith.constant 96 : index
    %get3A_396 = tpu.vector_load %arg8[%get3A_394, %get3A_395] {strides = array<i32>} : memref<3x112xi32, #tpu.memory_space<vmem>>, vector<1x16xi32>,
    %get3A_397 = vector.shape_cast %get3A_396 : vector<1x16xi32> to vector<16xi32>
    %mul3A_398 = arith.constant 4 : i32
    %mul3A_399 = vector.broadcast %mul3A_398 : i32 to vector<16xi32>
    %mul3A_400 = arith.muli %get3A_397, %mul3A_399 : vector<16xi32>
    %add3A_401 = vector.broadcast %add3A_1 : i32 to vector<16xi32>
    %add3A_402 = arith.addi %mul3A_400, %add3A_401 : vector<16xi32>
    %swap3A_403 = arith.constant 2 : i32
    %swap3A_404 = arith.index_cast %swap3A_403 : i32 to index
    %swap3A_405 = arith.constant 96 : index
    %swap3A_406 = tpu.vector_load %arg8[%swap3A_404, %swap3A_405] {strides = array<i32>} : memref<3x112xi32, #tpu.memory_space<vmem>>, vector<1x16xi32>,
    %swap3A_407 = vector.shape_cast %swap3A_406 : vector<1x16xi32> to vector<16xi32>
    %swap3A_408 = vector.shape_cast %add3A_402 : vector<16xi32> to vector<1x16xi32>
    tpu.vector_store %arg8[%swap3A_404, %swap3A_405], %swap3A_408 {strides = array<i32>} : memref<3x112xi32, #tpu.memory_space<vmem>>, vector<1x16xi32>,
    %mul3A_409 = arith.constant 90 : i32
    %mul3A_410 = arith.muli %arg1, %mul3A_409 : i32
    %add3A_411 = arith.constant 2 : i32
    %add3A_412 = arith.addi %mul3A_410, %add3A_411 : i32
    %dma_start3A_413 = arith.constant 2 : i32
    %dma_start3A_414 = arith.constant 0 : i32
    %dma_start3A_415 = tpu.memref_slice %arg9[%dma_start3A_413, %dma_start3A_414] : memref<3x112xi32, #tpu.memory_space<vmem>> -> memref<1x112xi32, #tpu.memory_space<vmem>>
    %dma_start3A_416 = tpu.memref_squeeze %dma_start3A_415 : memref<1x112xi32, #tpu.memory_space<vmem>> -> memref<112xi32, #tpu.memory_space<vmem>>
    %dma_start3A_417 = arith.constant 0 : i32
    %dma_start3A_418 = tpu.memref_slice %arg4[%add3A_412, %dma_start3A_417] : memref<1440x112xi32, #tpu.memory_space<hbm>> -> memref<1x112xi32, #tpu.memory_space<hbm>>
    %dma_start3A_419 = tpu.memref_squeeze %dma_start3A_418 : memref<1x112xi32, #tpu.memory_space<hbm>> -> memref<112xi32, #tpu.memory_space<hbm>>
    %dma_start3A_420 = arith.constant 0 : i32
    %dma_start3A_421 = tpu.memref_slice %arg9[%dma_start3A_413, %dma_start3A_420] : memref<3x112xi32, #tpu.memory_space<vmem>> -> memref<1x112xi32, #tpu.memory_space<vmem>>
    %dma_start3A_422 = tpu.memref_squeeze %dma_start3A_421 : memref<1x112xi32, #tpu.memory_space<vmem>> -> memref<112xi32, #tpu.memory_space<vmem>>
    %dma_start3A_423 = arith.constant 0 : i32
    %dma_start3A_424 = tpu.memref_slice %arg4[%add3A_412, %dma_start3A_423] : memref<1440x112xi32, #tpu.memory_space<hbm>> -> memref<1x112xi32, #tpu.memory_space<hbm>>
    %dma_start3A_425 = tpu.memref_squeeze %dma_start3A_424 : memref<1x112xi32, #tpu.memory_space<hbm>> -> memref<112xi32, #tpu.memory_space<hbm>>
    tpu.enqueue_dma source(%dma_start3A_425 : memref<112xi32, #tpu.memory_space<hbm>>) target(%dma_start3A_422 : memref<112xi32, #tpu.memory_space<vmem>>) target_semaphore(%arg16 : memref<!tpu.dma_semaphore, #tpu.memory_space<semaphore_mem>>)
    %dma_start3A_426 = arith.constant 2 : i32
    %dma_start3A_427 = arith.constant 2 : i32
    %dma_start3A_428 = arith.constant 0 : i32
    %dma_start3A_429 = arith.constant 0 : i32
    %dma_start3A_430 = tpu.memref_slice %arg10[%dma_start3A_427, %dma_start3A_428, %dma_start3A_429] : memref<3x112x128xf32, #tpu.memory_space<vmem>> -> memref<1x112x128xf32, #tpu.memory_space<vmem>>
    %dma_start3A_431 = tpu.memref_squeeze %dma_start3A_430 : memref<1x112x128xf32, #tpu.memory_space<vmem>> -> memref<112x128xf32, #tpu.memory_space<vmem>>
    %dma_start3A_432 = arith.constant 0 : i32
    %dma_start3A_433 = tpu.memref_slice %arg8[%dma_start3A_426, %dma_start3A_432] : memref<3x112xi32, #tpu.memory_space<vmem>> -> memref<1x112xi32, #tpu.memory_space<vmem>>
    %dma_start3A_434 = tpu.memref_squeeze %dma_start3A_433 : memref<1x112xi32, #tpu.memory_space<vmem>> -> memref<112xi32, #tpu.memory_space<vmem>>
    %dma_start3A_435 = arith.constant 0 : i32
    %dma_start3A_436 = arith.constant 0 : i32
    %dma_start3A_437 = tpu.memref_slice %arg2[%dma_start3A_435, %dma_start3A_436] : memref<40000x128xf32, #tpu.memory_space<hbm>> -> memref<40000x128xf32, #tpu.memory_space<hbm>>
    tpu.enqueue_indirect_dma source(%dma_start3A_437 : memref<40000x128xf32, #tpu.memory_space<hbm>>) target(%dma_start3A_431 : memref<112x128xf32, #tpu.memory_space<vmem>>) offsets(%dma_start3A_434 : memref<112xi32, #tpu.memory_space<vmem>>) semaphore(%arg13 : memref<!tpu.dma_semaphore, #tpu.memory_space<semaphore_mem>>)
    %scan3A = arith.constant 0 : i32
    %scan3A_438 = arith.constant 0 : i32
    %scan3A_439 = arith.constant 30 : i32
    %scan3A_440 = arith.addi %scan3A_438, %scan3A_439 : i32
    %scan3A_441 = arith.constant 1 : i32
    scf.for %scan3A_905 = %scan3A_438 to %scan3A_440 step %scan3A_441  : i32 {
      %mul3A_906 = arith.constant 3 : i32
      %mul3A_907 = arith.muli %scan3A_905, %mul3A_906 : i32
      %add3A_908 = arith.constant 0 : i32
      %add3A_909 = arith.addi %mul3A_907, %add3A_908 : i32
      %dma_wait3A = arith.constant 0 : i32
      %dma_wait3A_910 = arith.constant 0 : i32
      %dma_wait3A_911 = arith.constant 0 : i32
      %dma_wait3A_912 = arith.constant 0 : i32
      %dma_wait3A_913 = tpu.memref_slice %arg10[%dma_wait3A_910, %dma_wait3A_911, %dma_wait3A_912] : memref<3x112x128xf32, #tpu.memory_space<vmem>> -> memref<1x112x128xf32, #tpu.memory_space<vmem>>
      %dma_wait3A_914 = tpu.memref_squeeze %dma_wait3A_913 : memref<1x112x128xf32, #tpu.memory_space<vmem>> -> memref<112x128xf32, #tpu.memory_space<vmem>>
      %dma_wait3A_915 = arith.constant 0 : i32
      %dma_wait3A_916 = tpu.memref_slice %arg8[%dma_wait3A, %dma_wait3A_915] : memref<3x112xi32, #tpu.memory_space<vmem>> -> memref<1x112xi32, #tpu.memory_space<vmem>>
      %dma_wait3A_917 = tpu.memref_squeeze %dma_wait3A_916 : memref<1x112xi32, #tpu.memory_space<vmem>> -> memref<112xi32, #tpu.memory_space<vmem>>
      %dma_wait3A_918 = arith.constant 0 : i32
      %dma_wait3A_919 = arith.constant 0 : i32
      %dma_wait3A_920 = tpu.memref_slice %arg2[%dma_wait3A_918, %dma_wait3A_919] : memref<40000x128xf32, #tpu.memory_space<hbm>> -> memref<40000x128xf32, #tpu.memory_space<hbm>>
      tpu.wait_indirect_dma semaphore(%arg11 : memref<!tpu.dma_semaphore, #tpu.memory_space<semaphore_mem>>) src(%dma_wait3A_920 : memref<40000x128xf32, #tpu.memory_space<hbm>>) dst(%dma_wait3A_914 : memref<112x128xf32, #tpu.memory_space<vmem>>)
      %lt3A = arith.constant 29 : i32
      %lt3A_921 = arith.cmpi slt, %scan3A_905, %lt3A : i32
      %convert_element_type3A = arith.extui %lt3A_921 : i1 to i32
      %cond3A = arith.constant 0 : i32
      %cond3A_922 = arith.cmpi ne, %convert_element_type3A, %cond3A : i32
      scf.if %cond3A_922 {
        %mul3A_1034 = arith.constant 90 : i32
        %mul3A_1035 = arith.muli %arg1, %mul3A_1034 : i32
        %add3A_1036 = arith.addi %mul3A_1035, %add3A_909 : i32
        %add3A_1037 = arith.constant 3 : i32
        %add3A_1038 = arith.addi %add3A_1036, %add3A_1037 : i32
        %dma_start3A_1039 = arith.constant 0 : i32
        %dma_start3A_1040 = arith.constant 0 : i32
        %dma_start3A_1041 = tpu.memref_slice %arg8[%dma_start3A_1039, %dma_start3A_1040] : memref<3x112xi32, #tpu.memory_space<vmem>> -> memref<1x112xi32, #tpu.memory_space<vmem>>
        %dma_start3A_1042 = tpu.memref_squeeze %dma_start3A_1041 : memref<1x112xi32, #tpu.memory_space<vmem>> -> memref<112xi32, #tpu.memory_space<vmem>>
        %dma_start3A_1043 = arith.constant 0 : i32
        %dma_start3A_1044 = tpu.memref_slice %arg3[%add3A_1038, %dma_start3A_1043] : memref<1440x112xi32, #tpu.memory_space<hbm>> -> memref<1x112xi32, #tpu.memory_space<hbm>>
        %dma_start3A_1045 = tpu.memref_squeeze %dma_start3A_1044 : memref<1x112xi32, #tpu.memory_space<hbm>> -> memref<112xi32, #tpu.memory_space<hbm>>
        %dma_start3A_1046 = arith.constant 0 : i32
        %dma_start3A_1047 = tpu.memref_slice %arg8[%dma_start3A_1039, %dma_start3A_1046] : memref<3x112xi32, #tpu.memory_space<vmem>> -> memref<1x112xi32, #tpu.memory_space<vmem>>
        %dma_start3A_1048 = tpu.memref_squeeze %dma_start3A_1047 : memref<1x112xi32, #tpu.memory_space<vmem>> -> memref<112xi32, #tpu.memory_space<vmem>>
        %dma_start3A_1049 = arith.constant 0 : i32
        %dma_start3A_1050 = tpu.memref_slice %arg3[%add3A_1038, %dma_start3A_1049] : memref<1440x112xi32, #tpu.memory_space<hbm>> -> memref<1x112xi32, #tpu.memory_space<hbm>>
        %dma_start3A_1051 = tpu.memref_squeeze %dma_start3A_1050 : memref<1x112xi32, #tpu.memory_space<hbm>> -> memref<112xi32, #tpu.memory_space<hbm>>
        tpu.enqueue_dma source(%dma_start3A_1051 : memref<112xi32, #tpu.memory_space<hbm>>) target(%dma_start3A_1048 : memref<112xi32, #tpu.memory_space<vmem>>) target_semaphore(%arg17 : memref<!tpu.dma_semaphore, #tpu.memory_space<semaphore_mem>>)
      } else {
      }
      %mul3A_923 = arith.constant 90 : i32
      %mul3A_924 = arith.muli %arg1, %mul3A_923 : i32
      %add3A_925 = arith.addi %mul3A_924, %add3A_909 : i32
      %dma_wait3A_926 = arith.constant 0 : i32
      %dma_wait3A_927 = arith.constant 0 : i32
      %dma_wait3A_928 = tpu.memref_slice %arg9[%dma_wait3A_926, %dma_wait3A_927] : memref<3x112xi32, #tpu.memory_space<vmem>> -> memref<1x112xi32, #tpu.memory_space<vmem>>
      %dma_wait3A_929 = tpu.memref_squeeze %dma_wait3A_928 : memref<1x112xi32, #tpu.memory_space<vmem>> -> memref<112xi32, #tpu.memory_space<vmem>>
      %dma_wait3A_930 = arith.constant 0 : i32
      %dma_wait3A_931 = tpu.memref_slice %arg4[%add3A_925, %dma_wait3A_930] : memref<1440x112xi32, #tpu.memory_space<hbm>> -> memref<1x112xi32, #tpu.memory_space<hbm>>
      %dma_wait3A_932 = tpu.memref_squeeze %dma_wait3A_931 : memref<1x112xi32, #tpu.memory_space<hbm>> -> memref<112xi32, #tpu.memory_space<hbm>>
      %dma_wait3A_933 = arith.constant 0 : i32
      %dma_wait3A_934 = tpu.memref_slice %arg9[%dma_wait3A_926, %dma_wait3A_933] : memref<3x112xi32, #tpu.memory_space<vmem>> -> memref<1x112xi32, #tpu.memory_space<vmem>>
      %dma_wait3A_935 = tpu.memref_squeeze %dma_wait3A_934 : memref<1x112xi32, #tpu.memory_space<vmem>> -> memref<112xi32, #tpu.memory_space<vmem>>
      %dma_wait3A_936 = arith.constant 0 : i32
      %dma_wait3A_937 = tpu.memref_slice %arg4[%add3A_925, %dma_wait3A_936] : memref<1440x112xi32, #tpu.memory_space<hbm>> -> memref<1x112xi32, #tpu.memory_space<hbm>>
      %dma_wait3A_938 = tpu.memref_squeeze %dma_wait3A_937 : memref<1x112xi32, #tpu.memory_space<hbm>> -> memref<112xi32, #tpu.memory_space<hbm>>
      tpu.wait_dma2 semaphore(%arg14 : memref<!tpu.dma_semaphore, #tpu.memory_space<semaphore_mem>>) src(%dma_wait3A_938 : memref<112xi32, #tpu.memory_space<hbm>>) dst(%dma_wait3A_935 : memref<112xi32, #tpu.memory_space<vmem>>)
      %run_scoped3A_939 = arith.constant 0 : i32
      %run_scoped3A_940 = arith.constant 0 : i32
      "tpu.region"() ({
        %run_scoped3A_1034 = tpu.sem_alloc : memref<!tpu.dma_semaphore, #tpu.memory_space<semaphore_mem>>
        %dma_start3A_1035 = arith.constant 0 : i32
        %dma_start3A_1036 = arith.constant 0 : i32
        %dma_start3A_1037 = tpu.memref_slice %arg10[%run_scoped3A_939, %dma_start3A_1035, %dma_start3A_1036] : memref<3x112x128xf32, #tpu.memory_space<vmem>> -> memref<1x112x128xf32, #tpu.memory_space<vmem>>
        %dma_start3A_1038 = tpu.memref_squeeze %dma_start3A_1037 : memref<1x112x128xf32, #tpu.memory_space<vmem>> -> memref<112x128xf32, #tpu.memory_space<vmem>>
        %dma_start3A_1039 = arith.constant 0 : i32
        %dma_start3A_1040 = tpu.memref_slice %arg9[%run_scoped3A_940, %dma_start3A_1039] : memref<3x112xi32, #tpu.memory_space<vmem>> -> memref<1x112xi32, #tpu.memory_space<vmem>>
        %dma_start3A_1041 = tpu.memref_squeeze %dma_start3A_1040 : memref<1x112xi32, #tpu.memory_space<vmem>> -> memref<112xi32, #tpu.memory_space<vmem>>
        %dma_start3A_1042 = arith.constant 0 : i32
        %dma_start3A_1043 = arith.constant 0 : i32
        %dma_start3A_1044 = tpu.memref_slice %arg7[%dma_start3A_1042, %dma_start3A_1043] : memref<10240x128xf32, #tpu.memory_space<vmem_shared>> -> memref<10240x128xf32, #tpu.memory_space<vmem_shared>>
        tpu.enqueue_indirect_dma source(%dma_start3A_1038 : memref<112x128xf32, #tpu.memory_space<vmem>>) target(%dma_start3A_1044 : memref<10240x128xf32, #tpu.memory_space<vmem_shared>>) offsets(%dma_start3A_1041 : memref<112xi32, #tpu.memory_space<vmem>>) semaphore(%run_scoped3A_1034 : memref<!tpu.dma_semaphore, #tpu.memory_space<semaphore_mem>>) {add = true}
        %dma_wait3A_1045 = arith.constant 0 : i32
        %dma_wait3A_1046 = arith.constant 0 : i32
        %dma_wait3A_1047 = tpu.memref_slice %arg10[%run_scoped3A_939, %dma_wait3A_1045, %dma_wait3A_1046] : memref<3x112x128xf32, #tpu.memory_space<vmem>> -> memref<1x112x128xf32, #tpu.memory_space<vmem>>
        %dma_wait3A_1048 = tpu.memref_squeeze %dma_wait3A_1047 : memref<1x112x128xf32, #tpu.memory_space<vmem>> -> memref<112x128xf32, #tpu.memory_space<vmem>>
        %dma_wait3A_1049 = arith.constant 0 : i32
        %dma_wait3A_1050 = tpu.memref_slice %arg9[%run_scoped3A_940, %dma_wait3A_1049] : memref<3x112xi32, #tpu.memory_space<vmem>> -> memref<1x112xi32, #tpu.memory_space<vmem>>
        %dma_wait3A_1051 = tpu.memref_squeeze %dma_wait3A_1050 : memref<1x112xi32, #tpu.memory_space<vmem>> -> memref<112xi32, #tpu.memory_space<vmem>>
        %dma_wait3A_1052 = arith.constant 0 : i32
        %dma_wait3A_1053 = arith.constant 0 : i32
        %dma_wait3A_1054 = tpu.memref_slice %arg7[%dma_wait3A_1052, %dma_wait3A_1053] : memref<10240x128xf32, #tpu.memory_space<vmem_shared>> -> memref<10240x128xf32, #tpu.memory_space<vmem_shared>>
        tpu.wait_indirect_dma semaphore(%run_scoped3A_1034 : memref<!tpu.dma_semaphore, #tpu.memory_space<semaphore_mem>>) src(%dma_wait3A_1048 : memref<112x128xf32, #tpu.memory_space<vmem>>) dst(%dma_wait3A_1054 : memref<10240x128xf32, #tpu.memory_space<vmem_shared>>)
        tpu.yield
      }) : () -> ()
      %lt3A_941 = arith.constant 29 : i32
      %lt3A_942 = arith.cmpi slt, %scan3A_905, %lt3A_941 : i32
      %convert_element_type3A_943 = arith.extui %lt3A_942 : i1 to i32
      %cond3A_944 = arith.constant 0 : i32
      %cond3A_945 = arith.cmpi ne, %convert_element_type3A_943, %cond3A_944 : i32
      scf.if %cond3A_945 {
        %mul3A_1034 = arith.constant 90 : i32
        %mul3A_1035 = arith.muli %arg1, %mul3A_1034 : i32
        %add3A_1036 = arith.addi %mul3A_1035, %add3A_909 : i32
        %add3A_1037 = arith.constant 3 : i32
        %add3A_1038 = arith.addi %add3A_1036, %add3A_1037 : i32
        %dma_wait3A_1039 = arith.constant 0 : i32
        %dma_wait3A_1040 = arith.constant 0 : i32
        %dma_wait3A_1041 = tpu.memref_slice %arg8[%dma_wait3A_1039, %dma_wait3A_1040] : memref<3x112xi32, #tpu.memory_space<vmem>> -> memref<1x112xi32, #tpu.memory_space<vmem>>
        %dma_wait3A_1042 = tpu.memref_squeeze %dma_wait3A_1041 : memref<1x112xi32, #tpu.memory_space<vmem>> -> memref<112xi32, #tpu.memory_space<vmem>>
        %dma_wait3A_1043 = arith.constant 0 : i32
        %dma_wait3A_1044 = tpu.memref_slice %arg3[%add3A_1038, %dma_wait3A_1043] : memref<1440x112xi32, #tpu.memory_space<hbm>> -> memref<1x112xi32, #tpu.memory_space<hbm>>
        %dma_wait3A_1045 = tpu.memref_squeeze %dma_wait3A_1044 : memref<1x112xi32, #tpu.memory_space<hbm>> -> memref<112xi32, #tpu.memory_space<hbm>>
        %dma_wait3A_1046 = arith.constant 0 : i32
        %dma_wait3A_1047 = tpu.memref_slice %arg8[%dma_wait3A_1039, %dma_wait3A_1046] : memref<3x112xi32, #tpu.memory_space<vmem>> -> memref<1x112xi32, #tpu.memory_space<vmem>>
        %dma_wait3A_1048 = tpu.memref_squeeze %dma_wait3A_1047 : memref<1x112xi32, #tpu.memory_space<vmem>> -> memref<112xi32, #tpu.memory_space<vmem>>
        %dma_wait3A_1049 = arith.constant 0 : i32
        %dma_wait3A_1050 = tpu.memref_slice %arg3[%add3A_1038, %dma_wait3A_1049] : memref<1440x112xi32, #tpu.memory_space<hbm>> -> memref<1x112xi32, #tpu.memory_space<hbm>>
        %dma_wait3A_1051 = tpu.memref_squeeze %dma_wait3A_1050 : memref<1x112xi32, #tpu.memory_space<hbm>> -> memref<112xi32, #tpu.memory_space<hbm>>
        tpu.wait_dma2 semaphore(%arg17 : memref<!tpu.dma_semaphore, #tpu.memory_space<semaphore_mem>>) src(%dma_wait3A_1051 : memref<112xi32, #tpu.memory_space<hbm>>) dst(%dma_wait3A_1048 : memref<112xi32, #tpu.memory_space<vmem>>)
        %add3A_1052 = arith.constant 3 : i32
        %add3A_1053 = arith.addi %add3A_909, %add3A_1052 : i32
        %get3A_1054 = arith.constant 0 : i32
        %get3A_1055 = arith.index_cast %get3A_1054 : i32 to index
        %get3A_1056 = arith.constant 0 : index
        %get3A_1057 = tpu.vector_load %arg8[%get3A_1055, %get3A_1056] {strides = array<i32>} : memref<3x112xi32, #tpu.memory_space<vmem>>, vector<1x16xi32>,
        %get3A_1058 = vector.shape_cast %get3A_1057 : vector<1x16xi32> to vector<16xi32>
        %mul3A_1059 = arith.constant 4 : i32
        %mul3A_1060 = vector.broadcast %mul3A_1059 : i32 to vector<16xi32>
        %mul3A_1061 = arith.muli %get3A_1058, %mul3A_1060 : vector<16xi32>
        %add3A_1062 = vector.broadcast %add3A_1 : i32 to vector<16xi32>
        %add3A_1063 = arith.addi %mul3A_1061, %add3A_1062 : vector<16xi32>
        %swap3A_1064 = arith.constant 0 : i32
        %swap3A_1065 = arith.index_cast %swap3A_1064 : i32 to index
        %swap3A_1066 = arith.constant 0 : index
        %swap3A_1067 = tpu.vector_load %arg8[%swap3A_1065, %swap3A_1066] {strides = array<i32>} : memref<3x112xi32, #tpu.memory_space<vmem>>, vector<1x16xi32>,
        %swap3A_1068 = vector.shape_cast %swap3A_1067 : vector<1x16xi32> to vector<16xi32>
        %swap3A_1069 = vector.shape_cast %add3A_1063 : vector<16xi32> to vector<1x16xi32>
        tpu.vector_store %arg8[%swap3A_1065, %swap3A_1066], %swap3A_1069 {strides = array<i32>} : memref<3x112xi32, #tpu.memory_space<vmem>>, vector<1x16xi32>,
        %get3A_1070 = arith.constant 0 : i32
        %get3A_1071 = arith.index_cast %get3A_1070 : i32 to index
        %get3A_1072 = arith.constant 16 : index
        %get3A_1073 = tpu.vector_load %arg8[%get3A_1071, %get3A_1072] {strides = array<i32>} : memref<3x112xi32, #tpu.memory_space<vmem>>, vector<1x16xi32>,
        %get3A_1074 = vector.shape_cast %get3A_1073 : vector<1x16xi32> to vector<16xi32>
        %mul3A_1075 = arith.constant 4 : i32
        %mul3A_1076 = vector.broadcast %mul3A_1075 : i32 to vector<16xi32>
        %mul3A_1077 = arith.muli %get3A_1074, %mul3A_1076 : vector<16xi32>
        %add3A_1078 = vector.broadcast %add3A_1 : i32 to vector<16xi32>
        %add3A_1079 = arith.addi %mul3A_1077, %add3A_1078 : vector<16xi32>
        %swap3A_1080 = arith.constant 0 : i32
        %swap3A_1081 = arith.index_cast %swap3A_1080 : i32 to index
        %swap3A_1082 = arith.constant 16 : index
        %swap3A_1083 = tpu.vector_load %arg8[%swap3A_1081, %swap3A_1082] {strides = array<i32>} : memref<3x112xi32, #tpu.memory_space<vmem>>, vector<1x16xi32>,
        %swap3A_1084 = vector.shape_cast %swap3A_1083 : vector<1x16xi32> to vector<16xi32>
        %swap3A_1085 = vector.shape_cast %add3A_1079 : vector<16xi32> to vector<1x16xi32>
        tpu.vector_store %arg8[%swap3A_1081, %swap3A_1082], %swap3A_1085 {strides = array<i32>} : memref<3x112xi32, #tpu.memory_space<vmem>>, vector<1x16xi32>,
        %get3A_1086 = arith.constant 0 : i32
        %get3A_1087 = arith.index_cast %get3A_1086 : i32 to index
        %get3A_1088 = arith.constant 32 : index
        %get3A_1089 = tpu.vector_load %arg8[%get3A_1087, %get3A_1088] {strides = array<i32>} : memref<3x112xi32, #tpu.memory_space<vmem>>, vector<1x16xi32>,
        %get3A_1090 = vector.shape_cast %get3A_1089 : vector<1x16xi32> to vector<16xi32>
        %mul3A_1091 = arith.constant 4 : i32
        %mul3A_1092 = vector.broadcast %mul3A_1091 : i32 to vector<16xi32>
        %mul3A_1093 = arith.muli %get3A_1090, %mul3A_1092 : vector<16xi32>
        %add3A_1094 = vector.broadcast %add3A_1 : i32 to vector<16xi32>
        %add3A_1095 = arith.addi %mul3A_1093, %add3A_1094 : vector<16xi32>
        %swap3A_1096 = arith.constant 0 : i32
        %swap3A_1097 = arith.index_cast %swap3A_1096 : i32 to index
        %swap3A_1098 = arith.constant 32 : index
        %swap3A_1099 = tpu.vector_load %arg8[%swap3A_1097, %swap3A_1098] {strides = array<i32>} : memref<3x112xi32, #tpu.memory_space<vmem>>, vector<1x16xi32>,
        %swap3A_1100 = vector.shape_cast %swap3A_1099 : vector<1x16xi32> to vector<16xi32>
        %swap3A_1101 = vector.shape_cast %add3A_1095 : vector<16xi32> to vector<1x16xi32>
        tpu.vector_store %arg8[%swap3A_1097, %swap3A_1098], %swap3A_1101 {strides = array<i32>} : memref<3x112xi32, #tpu.memory_space<vmem>>, vector<1x16xi32>,
        %get3A_1102 = arith.constant 0 : i32
        %get3A_1103 = arith.index_cast %get3A_1102 : i32 to index
        %get3A_1104 = arith.constant 48 : index
        %get3A_1105 = tpu.vector_load %arg8[%get3A_1103, %get3A_1104] {strides = array<i32>} : memref<3x112xi32, #tpu.memory_space<vmem>>, vector<1x16xi32>,
        %get3A_1106 = vector.shape_cast %get3A_1105 : vector<1x16xi32> to vector<16xi32>
        %mul3A_1107 = arith.constant 4 : i32
        %mul3A_1108 = vector.broadcast %mul3A_1107 : i32 to vector<16xi32>
        %mul3A_1109 = arith.muli %get3A_1106, %mul3A_1108 : vector<16xi32>
        %add3A_1110 = vector.broadcast %add3A_1 : i32 to vector<16xi32>
        %add3A_1111 = arith.addi %mul3A_1109, %add3A_1110 : vector<16xi32>
        %swap3A_1112 = arith.constant 0 : i32
        %swap3A_1113 = arith.index_cast %swap3A_1112 : i32 to index
        %swap3A_1114 = arith.constant 48 : index
        %swap3A_1115 = tpu.vector_load %arg8[%swap3A_1113, %swap3A_1114] {strides = array<i32>} : memref<3x112xi32, #tpu.memory_space<vmem>>, vector<1x16xi32>,
        %swap3A_1116 = vector.shape_cast %swap3A_1115 : vector<1x16xi32> to vector<16xi32>
        %swap3A_1117 = vector.shape_cast %add3A_1111 : vector<16xi32> to vector<1x16xi32>
        tpu.vector_store %arg8[%swap3A_1113, %swap3A_1114], %swap3A_1117 {strides = array<i32>} : memref<3x112xi32, #tpu.memory_space<vmem>>, vector<1x16xi32>,
        %get3A_1118 = arith.constant 0 : i32
        %get3A_1119 = arith.index_cast %get3A_1118 : i32 to index
        %get3A_1120 = arith.constant 64 : index
        %get3A_1121 = tpu.vector_load %arg8[%get3A_1119, %get3A_1120] {strides = array<i32>} : memref<3x112xi32, #tpu.memory_space<vmem>>, vector<1x16xi32>,
        %get3A_1122 = vector.shape_cast %get3A_1121 : vector<1x16xi32> to vector<16xi32>
        %mul3A_1123 = arith.constant 4 : i32
        %mul3A_1124 = vector.broadcast %mul3A_1123 : i32 to vector<16xi32>
        %mul3A_1125 = arith.muli %get3A_1122, %mul3A_1124 : vector<16xi32>
        %add3A_1126 = vector.broadcast %add3A_1 : i32 to vector<16xi32>
        %add3A_1127 = arith.addi %mul3A_1125, %add3A_1126 : vector<16xi32>
        %swap3A_1128 = arith.constant 0 : i32
        %swap3A_1129 = arith.index_cast %swap3A_1128 : i32 to index
        %swap3A_1130 = arith.constant 64 : index
        %swap3A_1131 = tpu.vector_load %arg8[%swap3A_1129, %swap3A_1130] {strides = array<i32>} : memref<3x112xi32, #tpu.memory_space<vmem>>, vector<1x16xi32>,
        %swap3A_1132 = vector.shape_cast %swap3A_1131 : vector<1x16xi32> to vector<16xi32>
        %swap3A_1133 = vector.shape_cast %add3A_1127 : vector<16xi32> to vector<1x16xi32>
        tpu.vector_store %arg8[%swap3A_1129, %swap3A_1130], %swap3A_1133 {strides = array<i32>} : memref<3x112xi32, #tpu.memory_space<vmem>>, vector<1x16xi32>,
        %get3A_1134 = arith.constant 0 : i32
        %get3A_1135 = arith.index_cast %get3A_1134 : i32 to index
        %get3A_1136 = arith.constant 80 : index
        %get3A_1137 = tpu.vector_load %arg8[%get3A_1135, %get3A_1136] {strides = array<i32>} : memref<3x112xi32, #tpu.memory_space<vmem>>, vector<1x16xi32>,
        %get3A_1138 = vector.shape_cast %get3A_1137 : vector<1x16xi32> to vector<16xi32>
        %mul3A_1139 = arith.constant 4 : i32
        %mul3A_1140 = vector.broadcast %mul3A_1139 : i32 to vector<16xi32>
        %mul3A_1141 = arith.muli %get3A_1138, %mul3A_1140 : vector<16xi32>
        %add3A_1142 = vector.broadcast %add3A_1 : i32 to vector<16xi32>
        %add3A_1143 = arith.addi %mul3A_1141, %add3A_1142 : vector<16xi32>
        %swap3A_1144 = arith.constant 0 : i32
        %swap3A_1145 = arith.index_cast %swap3A_1144 : i32 to index
        %swap3A_1146 = arith.constant 80 : index
        %swap3A_1147 = tpu.vector_load %arg8[%swap3A_1145, %swap3A_1146] {strides = array<i32>} : memref<3x112xi32, #tpu.memory_space<vmem>>, vector<1x16xi32>,
        %swap3A_1148 = vector.shape_cast %swap3A_1147 : vector<1x16xi32> to vector<16xi32>
        %swap3A_1149 = vector.shape_cast %add3A_1143 : vector<16xi32> to vector<1x16xi32>
        tpu.vector_store %arg8[%swap3A_1145, %swap3A_1146], %swap3A_1149 {strides = array<i32>} : memref<3x112xi32, #tpu.memory_space<vmem>>, vector<1x16xi32>,
        %get3A_1150 = arith.constant 0 : i32
        %get3A_1151 = arith.index_cast %get3A_1150 : i32 to index
        %get3A_1152 = arith.constant 96 : index
        %get3A_1153 = tpu.vector_load %arg8[%get3A_1151, %get3A_1152] {strides = array<i32>} : memref<3x112xi32, #tpu.memory_space<vmem>>, vector<1x16xi32>,
        %get3A_1154 = vector.shape_cast %get3A_1153 : vector<1x16xi32> to vector<16xi32>
        %mul3A_1155 = arith.constant 4 : i32
        %mul3A_1156 = vector.broadcast %mul3A_1155 : i32 to vector<16xi32>
        %mul3A_1157 = arith.muli %get3A_1154, %mul3A_1156 : vector<16xi32>
        %add3A_1158 = vector.broadcast %add3A_1 : i32 to vector<16xi32>
        %add3A_1159 = arith.addi %mul3A_1157, %add3A_1158 : vector<16xi32>
        %swap3A_1160 = arith.constant 0 : i32
        %swap3A_1161 = arith.index_cast %swap3A_1160 : i32 to index
        %swap3A_1162 = arith.constant 96 : index
        %swap3A_1163 = tpu.vector_load %arg8[%swap3A_1161, %swap3A_1162] {strides = array<i32>} : memref<3x112xi32, #tpu.memory_space<vmem>>, vector<1x16xi32>,
        %swap3A_1164 = vector.shape_cast %swap3A_1163 : vector<1x16xi32> to vector<16xi32>
        %swap3A_1165 = vector.shape_cast %add3A_1159 : vector<16xi32> to vector<1x16xi32>
        tpu.vector_store %arg8[%swap3A_1161, %swap3A_1162], %swap3A_1165 {strides = array<i32>} : memref<3x112xi32, #tpu.memory_space<vmem>>, vector<1x16xi32>,
        %mul3A_1166 = arith.constant 90 : i32
        %mul3A_1167 = arith.muli %arg1, %mul3A_1166 : i32
        %add3A_1168 = arith.addi %mul3A_1167, %add3A_1053 : i32
        %dma_start3A_1169 = arith.constant 0 : i32
        %dma_start3A_1170 = arith.constant 0 : i32
        %dma_start3A_1171 = tpu.memref_slice %arg9[%dma_start3A_1169, %dma_start3A_1170] : memref<3x112xi32, #tpu.memory_space<vmem>> -> memref<1x112xi32, #tpu.memory_space<vmem>>
        %dma_start3A_1172 = tpu.memref_squeeze %dma_start3A_1171 : memref<1x112xi32, #tpu.memory_space<vmem>> -> memref<112xi32, #tpu.memory_space<vmem>>
        %dma_start3A_1173 = arith.constant 0 : i32
        %dma_start3A_1174 = tpu.memref_slice %arg4[%add3A_1168, %dma_start3A_1173] : memref<1440x112xi32, #tpu.memory_space<hbm>> -> memref<1x112xi32, #tpu.memory_space<hbm>>
        %dma_start3A_1175 = tpu.memref_squeeze %dma_start3A_1174 : memref<1x112xi32, #tpu.memory_space<hbm>> -> memref<112xi32, #tpu.memory_space<hbm>>
        %dma_start3A_1176 = arith.constant 0 : i32
        %dma_start3A_1177 = tpu.memref_slice %arg9[%dma_start3A_1169, %dma_start3A_1176] : memref<3x112xi32, #tpu.memory_space<vmem>> -> memref<1x112xi32, #tpu.memory_space<vmem>>
        %dma_start3A_1178 = tpu.memref_squeeze %dma_start3A_1177 : memref<1x112xi32, #tpu.memory_space<vmem>> -> memref<112xi32, #tpu.memory_space<vmem>>
        %dma_start3A_1179 = arith.constant 0 : i32
        %dma_start3A_1180 = tpu.memref_slice %arg4[%add3A_1168, %dma_start3A_1179] : memref<1440x112xi32, #tpu.memory_space<hbm>> -> memref<1x112xi32, #tpu.memory_space<hbm>>
        %dma_start3A_1181 = tpu.memref_squeeze %dma_start3A_1180 : memref<1x112xi32, #tpu.memory_space<hbm>> -> memref<112xi32, #tpu.memory_space<hbm>>
        tpu.enqueue_dma source(%dma_start3A_1181 : memref<112xi32, #tpu.memory_space<hbm>>) target(%dma_start3A_1178 : memref<112xi32, #tpu.memory_space<vmem>>) target_semaphore(%arg14 : memref<!tpu.dma_semaphore, #tpu.memory_space<semaphore_mem>>)
        %dma_start3A_1182 = arith.constant 0 : i32
        %dma_start3A_1183 = arith.constant 0 : i32
        %dma_start3A_1184 = arith.constant 0 : i32
        %dma_start3A_1185 = arith.constant 0 : i32
        %dma_start3A_1186 = tpu.memref_slice %arg10[%dma_start3A_1183, %dma_start3A_1184, %dma_start3A_1185] : memref<3x112x128xf32, #tpu.memory_space<vmem>> -> memref<1x112x128xf32, #tpu.memory_space<vmem>>
        %dma_start3A_1187 = tpu.memref_squeeze %dma_start3A_1186 : memref<1x112x128xf32, #tpu.memory_space<vmem>> -> memref<112x128xf32, #tpu.memory_space<vmem>>
        %dma_start3A_1188 = arith.constant 0 : i32
        %dma_start3A_1189 = tpu.memref_slice %arg8[%dma_start3A_1182, %dma_start3A_1188] : memref<3x112xi32, #tpu.memory_space<vmem>> -> memref<1x112xi32, #tpu.memory_space<vmem>>
        %dma_start3A_1190 = tpu.memref_squeeze %dma_start3A_1189 : memref<1x112xi32, #tpu.memory_space<vmem>> -> memref<112xi32, #tpu.memory_space<vmem>>
        %dma_start3A_1191 = arith.constant 0 : i32
        %dma_start3A_1192 = arith.constant 0 : i32
        %dma_start3A_1193 = tpu.memref_slice %arg2[%dma_start3A_1191, %dma_start3A_1192] : memref<40000x128xf32, #tpu.memory_space<hbm>> -> memref<40000x128xf32, #tpu.memory_space<hbm>>
        tpu.enqueue_indirect_dma source(%dma_start3A_1193 : memref<40000x128xf32, #tpu.memory_space<hbm>>) target(%dma_start3A_1187 : memref<112x128xf32, #tpu.memory_space<vmem>>) offsets(%dma_start3A_1190 : memref<112xi32, #tpu.memory_space<vmem>>) semaphore(%arg11 : memref<!tpu.dma_semaphore, #tpu.memory_space<semaphore_mem>>)
      } else {
      }
      %mul3A_946 = arith.constant 3 : i32
      %mul3A_947 = arith.muli %scan3A_905, %mul3A_946 : i32
      %add3A_948 = arith.constant 1 : i32
      %add3A_949 = arith.addi %mul3A_947, %add3A_948 : i32
      %dma_wait3A_950 = arith.constant 1 : i32
      %dma_wait3A_951 = arith.constant 1 : i32
      %dma_wait3A_952 = arith.constant 0 : i32
      %dma_wait3A_953 = arith.constant 0 : i32
      %dma_wait3A_954 = tpu.memref_slice %arg10[%dma_wait3A_951, %dma_wait3A_952, %dma_wait3A_953] : memref<3x112x128xf32, #tpu.memory_space<vmem>> -> memref<1x112x128xf32, #tpu.memory_space<vmem>>
      %dma_wait3A_955 = tpu.memref_squeeze %dma_wait3A_954 : memref<1x112x128xf32, #tpu.memory_space<vmem>> -> memref<112x128xf32, #tpu.memory_space<vmem>>
      %dma_wait3A_956 = arith.constant 0 : i32
      %dma_wait3A_957 = tpu.memref_slice %arg8[%dma_wait3A_950, %dma_wait3A_956] : memref<3x112xi32, #tpu.memory_space<vmem>> -> memref<1x112xi32, #tpu.memory_space<vmem>>
      %dma_wait3A_958 = tpu.memref_squeeze %dma_wait3A_957 : memref<1x112xi32, #tpu.memory_space<vmem>> -> memref<112xi32, #tpu.memory_space<vmem>>
      %dma_wait3A_959 = arith.constant 0 : i32
      %dma_wait3A_960 = arith.constant 0 : i32
      %dma_wait3A_961 = tpu.memref_slice %arg2[%dma_wait3A_959, %dma_wait3A_960] : memref<40000x128xf32, #tpu.memory_space<hbm>> -> memref<40000x128xf32, #tpu.memory_space<hbm>>
      tpu.wait_indirect_dma semaphore(%arg12 : memref<!tpu.dma_semaphore, #tpu.memory_space<semaphore_mem>>) src(%dma_wait3A_961 : memref<40000x128xf32, #tpu.memory_space<hbm>>) dst(%dma_wait3A_955 : memref<112x128xf32, #tpu.memory_space<vmem>>)
      %lt3A_962 = arith.constant 29 : i32
      %lt3A_963 = arith.cmpi slt, %scan3A_905, %lt3A_962 : i32
      %convert_element_type3A_964 = arith.extui %lt3A_963 : i1 to i32
      %cond3A_965 = arith.constant 0 : i32
      %cond3A_966 = arith.cmpi ne, %convert_element_type3A_964, %cond3A_965 : i32
      scf.if %cond3A_966 {
        %mul3A_1034 = arith.constant 90 : i32
        %mul3A_1035 = arith.muli %arg1, %mul3A_1034 : i32
        %add3A_1036 = arith.addi %mul3A_1035, %add3A_949 : i32
        %add3A_1037 = arith.constant 3 : i32
        %add3A_1038 = arith.addi %add3A_1036, %add3A_1037 : i32
        %dma_start3A_1039 = arith.constant 1 : i32
        %dma_start3A_1040 = arith.constant 0 : i32
        %dma_start3A_1041 = tpu.memref_slice %arg8[%dma_start3A_1039, %dma_start3A_1040] : memref<3x112xi32, #tpu.memory_space<vmem>> -> memref<1x112xi32, #tpu.memory_space<vmem>>
        %dma_start3A_1042 = tpu.memref_squeeze %dma_start3A_1041 : memref<1x112xi32, #tpu.memory_space<vmem>> -> memref<112xi32, #tpu.memory_space<vmem>>
        %dma_start3A_1043 = arith.constant 0 : i32
        %dma_start3A_1044 = tpu.memref_slice %arg3[%add3A_1038, %dma_start3A_1043] : memref<1440x112xi32, #tpu.memory_space<hbm>> -> memref<1x112xi32, #tpu.memory_space<hbm>>
        %dma_start3A_1045 = tpu.memref_squeeze %dma_start3A_1044 : memref<1x112xi32, #tpu.memory_space<hbm>> -> memref<112xi32, #tpu.memory_space<hbm>>
        %dma_start3A_1046 = arith.constant 0 : i32
        %dma_start3A_1047 = tpu.memref_slice %arg8[%dma_start3A_1039, %dma_start3A_1046] : memref<3x112xi32, #tpu.memory_space<vmem>> -> memref<1x112xi32, #tpu.memory_space<vmem>>
        %dma_start3A_1048 = tpu.memref_squeeze %dma_start3A_1047 : memref<1x112xi32, #tpu.memory_space<vmem>> -> memref<112xi32, #tpu.memory_space<vmem>>
        %dma_start3A_1049 = arith.constant 0 : i32
        %dma_start3A_1050 = tpu.memref_slice %arg3[%add3A_1038, %dma_start3A_1049] : memref<1440x112xi32, #tpu.memory_space<hbm>> -> memref<1x112xi32, #tpu.memory_space<hbm>>
        %dma_start3A_1051 = tpu.memref_squeeze %dma_start3A_1050 : memref<1x112xi32, #tpu.memory_space<hbm>> -> memref<112xi32, #tpu.memory_space<hbm>>
        tpu.enqueue_dma source(%dma_start3A_1051 : memref<112xi32, #tpu.memory_space<hbm>>) target(%dma_start3A_1048 : memref<112xi32, #tpu.memory_space<vmem>>) target_semaphore(%arg18 : memref<!tpu.dma_semaphore, #tpu.memory_space<semaphore_mem>>)
      } else {
      }
      %mul3A_967 = arith.constant 90 : i32
      %mul3A_968 = arith.muli %arg1, %mul3A_967 : i32
      %add3A_969 = arith.addi %mul3A_968, %add3A_949 : i32
      %dma_wait3A_970 = arith.constant 1 : i32
      %dma_wait3A_971 = arith.constant 0 : i32
      %dma_wait3A_972 = tpu.memref_slice %arg9[%dma_wait3A_970, %dma_wait3A_971] : memref<3x112xi32, #tpu.memory_space<vmem>> -> memref<1x112xi32, #tpu.memory_space<vmem>>
      %dma_wait3A_973 = tpu.memref_squeeze %dma_wait3A_972 : memref<1x112xi32, #tpu.memory_space<vmem>> -> memref<112xi32, #tpu.memory_space<vmem>>
      %dma_wait3A_974 = arith.constant 0 : i32
      %dma_wait3A_975 = tpu.memref_slice %arg4[%add3A_969, %dma_wait3A_974] : memref<1440x112xi32, #tpu.memory_space<hbm>> -> memref<1x112xi32, #tpu.memory_space<hbm>>
      %dma_wait3A_976 = tpu.memref_squeeze %dma_wait3A_975 : memref<1x112xi32, #tpu.memory_space<hbm>> -> memref<112xi32, #tpu.memory_space<hbm>>
      %dma_wait3A_977 = arith.constant 0 : i32
      %dma_wait3A_978 = tpu.memref_slice %arg9[%dma_wait3A_970, %dma_wait3A_977] : memref<3x112xi32, #tpu.memory_space<vmem>> -> memref<1x112xi32, #tpu.memory_space<vmem>>
      %dma_wait3A_979 = tpu.memref_squeeze %dma_wait3A_978 : memref<1x112xi32, #tpu.memory_space<vmem>> -> memref<112xi32, #tpu.memory_space<vmem>>
      %dma_wait3A_980 = arith.constant 0 : i32
      %dma_wait3A_981 = tpu.memref_slice %arg4[%add3A_969, %dma_wait3A_980] : memref<1440x112xi32, #tpu.memory_space<hbm>> -> memref<1x112xi32, #tpu.memory_space<hbm>>
      %dma_wait3A_982 = tpu.memref_squeeze %dma_wait3A_981 : memref<1x112xi32, #tpu.memory_space<hbm>> -> memref<112xi32, #tpu.memory_space<hbm>>
      tpu.wait_dma2 semaphore(%arg15 : memref<!tpu.dma_semaphore, #tpu.memory_space<semaphore_mem>>) src(%dma_wait3A_982 : memref<112xi32, #tpu.memory_space<hbm>>) dst(%dma_wait3A_979 : memref<112xi32, #tpu.memory_space<vmem>>)
      %run_scoped3A_983 = arith.constant 1 : i32
      %run_scoped3A_984 = arith.constant 1 : i32
      "tpu.region"() ({
        %run_scoped3A_1034 = tpu.sem_alloc : memref<!tpu.dma_semaphore, #tpu.memory_space<semaphore_mem>>
        %dma_start3A_1035 = arith.constant 0 : i32
        %dma_start3A_1036 = arith.constant 0 : i32
        %dma_start3A_1037 = tpu.memref_slice %arg10[%run_scoped3A_983, %dma_start3A_1035, %dma_start3A_1036] : memref<3x112x128xf32, #tpu.memory_space<vmem>> -> memref<1x112x128xf32, #tpu.memory_space<vmem>>
        %dma_start3A_1038 = tpu.memref_squeeze %dma_start3A_1037 : memref<1x112x128xf32, #tpu.memory_space<vmem>> -> memref<112x128xf32, #tpu.memory_space<vmem>>
        %dma_start3A_1039 = arith.constant 0 : i32
        %dma_start3A_1040 = tpu.memref_slice %arg9[%run_scoped3A_984, %dma_start3A_1039] : memref<3x112xi32, #tpu.memory_space<vmem>> -> memref<1x112xi32, #tpu.memory_space<vmem>>
        %dma_start3A_1041 = tpu.memref_squeeze %dma_start3A_1040 : memref<1x112xi32, #tpu.memory_space<vmem>> -> memref<112xi32, #tpu.memory_space<vmem>>
        %dma_start3A_1042 = arith.constant 0 : i32
        %dma_start3A_1043 = arith.constant 0 : i32
        %dma_start3A_1044 = tpu.memref_slice %arg7[%dma_start3A_1042, %dma_start3A_1043] : memref<10240x128xf32, #tpu.memory_space<vmem_shared>> -> memref<10240x128xf32, #tpu.memory_space<vmem_shared>>
        tpu.enqueue_indirect_dma source(%dma_start3A_1038 : memref<112x128xf32, #tpu.memory_space<vmem>>) target(%dma_start3A_1044 : memref<10240x128xf32, #tpu.memory_space<vmem_shared>>) offsets(%dma_start3A_1041 : memref<112xi32, #tpu.memory_space<vmem>>) semaphore(%run_scoped3A_1034 : memref<!tpu.dma_semaphore, #tpu.memory_space<semaphore_mem>>) {add = true}
        %dma_wait3A_1045 = arith.constant 0 : i32
        %dma_wait3A_1046 = arith.constant 0 : i32
        %dma_wait3A_1047 = tpu.memref_slice %arg10[%run_scoped3A_983, %dma_wait3A_1045, %dma_wait3A_1046] : memref<3x112x128xf32, #tpu.memory_space<vmem>> -> memref<1x112x128xf32, #tpu.memory_space<vmem>>
        %dma_wait3A_1048 = tpu.memref_squeeze %dma_wait3A_1047 : memref<1x112x128xf32, #tpu.memory_space<vmem>> -> memref<112x128xf32, #tpu.memory_space<vmem>>
        %dma_wait3A_1049 = arith.constant 0 : i32
        %dma_wait3A_1050 = tpu.memref_slice %arg9[%run_scoped3A_984, %dma_wait3A_1049] : memref<3x112xi32, #tpu.memory_space<vmem>> -> memref<1x112xi32, #tpu.memory_space<vmem>>
        %dma_wait3A_1051 = tpu.memref_squeeze %dma_wait3A_1050 : memref<1x112xi32, #tpu.memory_space<vmem>> -> memref<112xi32, #tpu.memory_space<vmem>>
        %dma_wait3A_1052 = arith.constant 0 : i32
        %dma_wait3A_1053 = arith.constant 0 : i32
        %dma_wait3A_1054 = tpu.memref_slice %arg7[%dma_wait3A_1052, %dma_wait3A_1053] : memref<10240x128xf32, #tpu.memory_space<vmem_shared>> -> memref<10240x128xf32, #tpu.memory_space<vmem_shared>>
        tpu.wait_indirect_dma semaphore(%run_scoped3A_1034 : memref<!tpu.dma_semaphore, #tpu.memory_space<semaphore_mem>>) src(%dma_wait3A_1048 : memref<112x128xf32, #tpu.memory_space<vmem>>) dst(%dma_wait3A_1054 : memref<10240x128xf32, #tpu.memory_space<vmem_shared>>)
        tpu.yield
      }) : () -> ()
      %lt3A_985 = arith.constant 29 : i32
      %lt3A_986 = arith.cmpi slt, %scan3A_905, %lt3A_985 : i32
      %convert_element_type3A_987 = arith.extui %lt3A_986 : i1 to i32
      %cond3A_988 = arith.constant 0 : i32
      %cond3A_989 = arith.cmpi ne, %convert_element_type3A_987, %cond3A_988 : i32
      scf.if %cond3A_989 {
        %mul3A_1034 = arith.constant 90 : i32
        %mul3A_1035 = arith.muli %arg1, %mul3A_1034 : i32
        %add3A_1036 = arith.addi %mul3A_1035, %add3A_949 : i32
        %add3A_1037 = arith.constant 3 : i32
        %add3A_1038 = arith.addi %add3A_1036, %add3A_1037 : i32
        %dma_wait3A_1039 = arith.constant 1 : i32
        %dma_wait3A_1040 = arith.constant 0 : i32
        %dma_wait3A_1041 = tpu.memref_slice %arg8[%dma_wait3A_1039, %dma_wait3A_1040] : memref<3x112xi32, #tpu.memory_space<vmem>> -> memref<1x112xi32, #tpu.memory_space<vmem>>
        %dma_wait3A_1042 = tpu.memref_squeeze %dma_wait3A_1041 : memref<1x112xi32, #tpu.memory_space<vmem>> -> memref<112xi32, #tpu.memory_space<vmem>>
        %dma_wait3A_1043 = arith.constant 0 : i32
        %dma_wait3A_1044 = tpu.memref_slice %arg3[%add3A_1038, %dma_wait3A_1043] : memref<1440x112xi32, #tpu.memory_space<hbm>> -> memref<1x112xi32, #tpu.memory_space<hbm>>
        %dma_wait3A_1045 = tpu.memref_squeeze %dma_wait3A_1044 : memref<1x112xi32, #tpu.memory_space<hbm>> -> memref<112xi32, #tpu.memory_space<hbm>>
        %dma_wait3A_1046 = arith.constant 0 : i32
        %dma_wait3A_1047 = tpu.memref_slice %arg8[%dma_wait3A_1039, %dma_wait3A_1046] : memref<3x112xi32, #tpu.memory_space<vmem>> -> memref<1x112xi32, #tpu.memory_space<vmem>>
        %dma_wait3A_1048 = tpu.memref_squeeze %dma_wait3A_1047 : memref<1x112xi32, #tpu.memory_space<vmem>> -> memref<112xi32, #tpu.memory_space<vmem>>
        %dma_wait3A_1049 = arith.constant 0 : i32
        %dma_wait3A_1050 = tpu.memref_slice %arg3[%add3A_1038, %dma_wait3A_1049] : memref<1440x112xi32, #tpu.memory_space<hbm>> -> memref<1x112xi32, #tpu.memory_space<hbm>>
        %dma_wait3A_1051 = tpu.memref_squeeze %dma_wait3A_1050 : memref<1x112xi32, #tpu.memory_space<hbm>> -> memref<112xi32, #tpu.memory_space<hbm>>
        tpu.wait_dma2 semaphore(%arg18 : memref<!tpu.dma_semaphore, #tpu.memory_space<semaphore_mem>>) src(%dma_wait3A_1051 : memref<112xi32, #tpu.memory_space<hbm>>) dst(%dma_wait3A_1048 : memref<112xi32, #tpu.memory_space<vmem>>)
        %add3A_1052 = arith.constant 3 : i32
        %add3A_1053 = arith.addi %add3A_949, %add3A_1052 : i32
        %get3A_1054 = arith.constant 1 : i32
        %get3A_1055 = arith.index_cast %get3A_1054 : i32 to index
        %get3A_1056 = arith.constant 0 : index
        %get3A_1057 = tpu.vector_load %arg8[%get3A_1055, %get3A_1056] {strides = array<i32>} : memref<3x112xi32, #tpu.memory_space<vmem>>, vector<1x16xi32>,
        %get3A_1058 = vector.shape_cast %get3A_1057 : vector<1x16xi32> to vector<16xi32>
        %mul3A_1059 = arith.constant 4 : i32
        %mul3A_1060 = vector.broadcast %mul3A_1059 : i32 to vector<16xi32>
        %mul3A_1061 = arith.muli %get3A_1058, %mul3A_1060 : vector<16xi32>
        %add3A_1062 = vector.broadcast %add3A_1 : i32 to vector<16xi32>
        %add3A_1063 = arith.addi %mul3A_1061, %add3A_1062 : vector<16xi32>
        %swap3A_1064 = arith.constant 1 : i32
        %swap3A_1065 = arith.index_cast %swap3A_1064 : i32 to index
        %swap3A_1066 = arith.constant 0 : index
        %swap3A_1067 = tpu.vector_load %arg8[%swap3A_1065, %swap3A_1066] {strides = array<i32>} : memref<3x112xi32, #tpu.memory_space<vmem>>, vector<1x16xi32>,
        %swap3A_1068 = vector.shape_cast %swap3A_1067 : vector<1x16xi32> to vector<16xi32>
        %swap3A_1069 = vector.shape_cast %add3A_1063 : vector<16xi32> to vector<1x16xi32>
        tpu.vector_store %arg8[%swap3A_1065, %swap3A_1066], %swap3A_1069 {strides = array<i32>} : memref<3x112xi32, #tpu.memory_space<vmem>>, vector<1x16xi32>,
        %get3A_1070 = arith.constant 1 : i32
        %get3A_1071 = arith.index_cast %get3A_1070 : i32 to index
        %get3A_1072 = arith.constant 16 : index
        %get3A_1073 = tpu.vector_load %arg8[%get3A_1071, %get3A_1072] {strides = array<i32>} : memref<3x112xi32, #tpu.memory_space<vmem>>, vector<1x16xi32>,
        %get3A_1074 = vector.shape_cast %get3A_1073 : vector<1x16xi32> to vector<16xi32>
        %mul3A_1075 = arith.constant 4 : i32
        %mul3A_1076 = vector.broadcast %mul3A_1075 : i32 to vector<16xi32>
        %mul3A_1077 = arith.muli %get3A_1074, %mul3A_1076 : vector<16xi32>
        %add3A_1078 = vector.broadcast %add3A_1 : i32 to vector<16xi32>
        %add3A_1079 = arith.addi %mul3A_1077, %add3A_1078 : vector<16xi32>
        %swap3A_1080 = arith.constant 1 : i32
        %swap3A_1081 = arith.index_cast %swap3A_1080 : i32 to index
        %swap3A_1082 = arith.constant 16 : index
        %swap3A_1083 = tpu.vector_load %arg8[%swap3A_1081, %swap3A_1082] {strides = array<i32>} : memref<3x112xi32, #tpu.memory_space<vmem>>, vector<1x16xi32>,
        %swap3A_1084 = vector.shape_cast %swap3A_1083 : vector<1x16xi32> to vector<16xi32>
        %swap3A_1085 = vector.shape_cast %add3A_1079 : vector<16xi32> to vector<1x16xi32>
        tpu.vector_store %arg8[%swap3A_1081, %swap3A_1082], %swap3A_1085 {strides = array<i32>} : memref<3x112xi32, #tpu.memory_space<vmem>>, vector<1x16xi32>,
        %get3A_1086 = arith.constant 1 : i32
        %get3A_1087 = arith.index_cast %get3A_1086 : i32 to index
        %get3A_1088 = arith.constant 32 : index
        %get3A_1089 = tpu.vector_load %arg8[%get3A_1087, %get3A_1088] {strides = array<i32>} : memref<3x112xi32, #tpu.memory_space<vmem>>, vector<1x16xi32>,
        %get3A_1090 = vector.shape_cast %get3A_1089 : vector<1x16xi32> to vector<16xi32>
        %mul3A_1091 = arith.constant 4 : i32
        %mul3A_1092 = vector.broadcast %mul3A_1091 : i32 to vector<16xi32>
        %mul3A_1093 = arith.muli %get3A_1090, %mul3A_1092 : vector<16xi32>
        %add3A_1094 = vector.broadcast %add3A_1 : i32 to vector<16xi32>
        %add3A_1095 = arith.addi %mul3A_1093, %add3A_1094 : vector<16xi32>
        %swap3A_1096 = arith.constant 1 : i32
        %swap3A_1097 = arith.index_cast %swap3A_1096 : i32 to index
        %swap3A_1098 = arith.constant 32 : index
        %swap3A_1099 = tpu.vector_load %arg8[%swap3A_1097, %swap3A_1098] {strides = array<i32>} : memref<3x112xi32, #tpu.memory_space<vmem>>, vector<1x16xi32>,
        %swap3A_1100 = vector.shape_cast %swap3A_1099 : vector<1x16xi32> to vector<16xi32>
        %swap3A_1101 = vector.shape_cast %add3A_1095 : vector<16xi32> to vector<1x16xi32>
        tpu.vector_store %arg8[%swap3A_1097, %swap3A_1098], %swap3A_1101 {strides = array<i32>} : memref<3x112xi32, #tpu.memory_space<vmem>>, vector<1x16xi32>,
        %get3A_1102 = arith.constant 1 : i32
        %get3A_1103 = arith.index_cast %get3A_1102 : i32 to index
        %get3A_1104 = arith.constant 48 : index
        %get3A_1105 = tpu.vector_load %arg8[%get3A_1103, %get3A_1104] {strides = array<i32>} : memref<3x112xi32, #tpu.memory_space<vmem>>, vector<1x16xi32>,
        %get3A_1106 = vector.shape_cast %get3A_1105 : vector<1x16xi32> to vector<16xi32>
        %mul3A_1107 = arith.constant 4 : i32
        %mul3A_1108 = vector.broadcast %mul3A_1107 : i32 to vector<16xi32>
        %mul3A_1109 = arith.muli %get3A_1106, %mul3A_1108 : vector<16xi32>
        %add3A_1110 = vector.broadcast %add3A_1 : i32 to vector<16xi32>
        %add3A_1111 = arith.addi %mul3A_1109, %add3A_1110 : vector<16xi32>
        %swap3A_1112 = arith.constant 1 : i32
        %swap3A_1113 = arith.index_cast %swap3A_1112 : i32 to index
        %swap3A_1114 = arith.constant 48 : index
        %swap3A_1115 = tpu.vector_load %arg8[%swap3A_1113, %swap3A_1114] {strides = array<i32>} : memref<3x112xi32, #tpu.memory_space<vmem>>, vector<1x16xi32>,
        %swap3A_1116 = vector.shape_cast %swap3A_1115 : vector<1x16xi32> to vector<16xi32>
        %swap3A_1117 = vector.shape_cast %add3A_1111 : vector<16xi32> to vector<1x16xi32>
        tpu.vector_store %arg8[%swap3A_1113, %swap3A_1114], %swap3A_1117 {strides = array<i32>} : memref<3x112xi32, #tpu.memory_space<vmem>>, vector<1x16xi32>,
        %get3A_1118 = arith.constant 1 : i32
        %get3A_1119 = arith.index_cast %get3A_1118 : i32 to index
        %get3A_1120 = arith.constant 64 : index
        %get3A_1121 = tpu.vector_load %arg8[%get3A_1119, %get3A_1120] {strides = array<i32>} : memref<3x112xi32, #tpu.memory_space<vmem>>, vector<1x16xi32>,
        %get3A_1122 = vector.shape_cast %get3A_1121 : vector<1x16xi32> to vector<16xi32>
        %mul3A_1123 = arith.constant 4 : i32
        %mul3A_1124 = vector.broadcast %mul3A_1123 : i32 to vector<16xi32>
        %mul3A_1125 = arith.muli %get3A_1122, %mul3A_1124 : vector<16xi32>
        %add3A_1126 = vector.broadcast %add3A_1 : i32 to vector<16xi32>
        %add3A_1127 = arith.addi %mul3A_1125, %add3A_1126 : vector<16xi32>
        %swap3A_1128 = arith.constant 1 : i32
        %swap3A_1129 = arith.index_cast %swap3A_1128 : i32 to index
        %swap3A_1130 = arith.constant 64 : index
        %swap3A_1131 = tpu.vector_load %arg8[%swap3A_1129, %swap3A_1130] {strides = array<i32>} : memref<3x112xi32, #tpu.memory_space<vmem>>, vector<1x16xi32>,
        %swap3A_1132 = vector.shape_cast %swap3A_1131 : vector<1x16xi32> to vector<16xi32>
        %swap3A_1133 = vector.shape_cast %add3A_1127 : vector<16xi32> to vector<1x16xi32>
        tpu.vector_store %arg8[%swap3A_1129, %swap3A_1130], %swap3A_1133 {strides = array<i32>} : memref<3x112xi32, #tpu.memory_space<vmem>>, vector<1x16xi32>,
        %get3A_1134 = arith.constant 1 : i32
        %get3A_1135 = arith.index_cast %get3A_1134 : i32 to index
        %get3A_1136 = arith.constant 80 : index
        %get3A_1137 = tpu.vector_load %arg8[%get3A_1135, %get3A_1136] {strides = array<i32>} : memref<3x112xi32, #tpu.memory_space<vmem>>, vector<1x16xi32>,
        %get3A_1138 = vector.shape_cast %get3A_1137 : vector<1x16xi32> to vector<16xi32>
        %mul3A_1139 = arith.constant 4 : i32
        %mul3A_1140 = vector.broadcast %mul3A_1139 : i32 to vector<16xi32>
        %mul3A_1141 = arith.muli %get3A_1138, %mul3A_1140 : vector<16xi32>
        %add3A_1142 = vector.broadcast %add3A_1 : i32 to vector<16xi32>
        %add3A_1143 = arith.addi %mul3A_1141, %add3A_1142 : vector<16xi32>
        %swap3A_1144 = arith.constant 1 : i32
        %swap3A_1145 = arith.index_cast %swap3A_1144 : i32 to index
        %swap3A_1146 = arith.constant 80 : index
        %swap3A_1147 = tpu.vector_load %arg8[%swap3A_1145, %swap3A_1146] {strides = array<i32>} : memref<3x112xi32, #tpu.memory_space<vmem>>, vector<1x16xi32>,
        %swap3A_1148 = vector.shape_cast %swap3A_1147 : vector<1x16xi32> to vector<16xi32>
        %swap3A_1149 = vector.shape_cast %add3A_1143 : vector<16xi32> to vector<1x16xi32>
        tpu.vector_store %arg8[%swap3A_1145, %swap3A_1146], %swap3A_1149 {strides = array<i32>} : memref<3x112xi32, #tpu.memory_space<vmem>>, vector<1x16xi32>,
        %get3A_1150 = arith.constant 1 : i32
        %get3A_1151 = arith.index_cast %get3A_1150 : i32 to index
        %get3A_1152 = arith.constant 96 : index
        %get3A_1153 = tpu.vector_load %arg8[%get3A_1151, %get3A_1152] {strides = array<i32>} : memref<3x112xi32, #tpu.memory_space<vmem>>, vector<1x16xi32>,
        %get3A_1154 = vector.shape_cast %get3A_1153 : vector<1x16xi32> to vector<16xi32>
        %mul3A_1155 = arith.constant 4 : i32
        %mul3A_1156 = vector.broadcast %mul3A_1155 : i32 to vector<16xi32>
        %mul3A_1157 = arith.muli %get3A_1154, %mul3A_1156 : vector<16xi32>
        %add3A_1158 = vector.broadcast %add3A_1 : i32 to vector<16xi32>
        %add3A_1159 = arith.addi %mul3A_1157, %add3A_1158 : vector<16xi32>
        %swap3A_1160 = arith.constant 1 : i32
        %swap3A_1161 = arith.index_cast %swap3A_1160 : i32 to index
        %swap3A_1162 = arith.constant 96 : index
        %swap3A_1163 = tpu.vector_load %arg8[%swap3A_1161, %swap3A_1162] {strides = array<i32>} : memref<3x112xi32, #tpu.memory_space<vmem>>, vector<1x16xi32>,
        %swap3A_1164 = vector.shape_cast %swap3A_1163 : vector<1x16xi32> to vector<16xi32>
        %swap3A_1165 = vector.shape_cast %add3A_1159 : vector<16xi32> to vector<1x16xi32>
        tpu.vector_store %arg8[%swap3A_1161, %swap3A_1162], %swap3A_1165 {strides = array<i32>} : memref<3x112xi32, #tpu.memory_space<vmem>>, vector<1x16xi32>,
        %mul3A_1166 = arith.constant 90 : i32
        %mul3A_1167 = arith.muli %arg1, %mul3A_1166 : i32
        %add3A_1168 = arith.addi %mul3A_1167, %add3A_1053 : i32
        %dma_start3A_1169 = arith.constant 1 : i32
        %dma_start3A_1170 = arith.constant 0 : i32
        %dma_start3A_1171 = tpu.memref_slice %arg9[%dma_start3A_1169, %dma_start3A_1170] : memref<3x112xi32, #tpu.memory_space<vmem>> -> memref<1x112xi32, #tpu.memory_space<vmem>>
        %dma_start3A_1172 = tpu.memref_squeeze %dma_start3A_1171 : memref<1x112xi32, #tpu.memory_space<vmem>> -> memref<112xi32, #tpu.memory_space<vmem>>
        %dma_start3A_1173 = arith.constant 0 : i32
        %dma_start3A_1174 = tpu.memref_slice %arg4[%add3A_1168, %dma_start3A_1173] : memref<1440x112xi32, #tpu.memory_space<hbm>> -> memref<1x112xi32, #tpu.memory_space<hbm>>
        %dma_start3A_1175 = tpu.memref_squeeze %dma_start3A_1174 : memref<1x112xi32, #tpu.memory_space<hbm>> -> memref<112xi32, #tpu.memory_space<hbm>>
        %dma_start3A_1176 = arith.constant 0 : i32
        %dma_start3A_1177 = tpu.memref_slice %arg9[%dma_start3A_1169, %dma_start3A_1176] : memref<3x112xi32, #tpu.memory_space<vmem>> -> memref<1x112xi32, #tpu.memory_space<vmem>>
        %dma_start3A_1178 = tpu.memref_squeeze %dma_start3A_1177 : memref<1x112xi32, #tpu.memory_space<vmem>> -> memref<112xi32, #tpu.memory_space<vmem>>
        %dma_start3A_1179 = arith.constant 0 : i32
        %dma_start3A_1180 = tpu.memref_slice %arg4[%add3A_1168, %dma_start3A_1179] : memref<1440x112xi32, #tpu.memory_space<hbm>> -> memref<1x112xi32, #tpu.memory_space<hbm>>
        %dma_start3A_1181 = tpu.memref_squeeze %dma_start3A_1180 : memref<1x112xi32, #tpu.memory_space<hbm>> -> memref<112xi32, #tpu.memory_space<hbm>>
        tpu.enqueue_dma source(%dma_start3A_1181 : memref<112xi32, #tpu.memory_space<hbm>>) target(%dma_start3A_1178 : memref<112xi32, #tpu.memory_space<vmem>>) target_semaphore(%arg15 : memref<!tpu.dma_semaphore, #tpu.memory_space<semaphore_mem>>)
        %dma_start3A_1182 = arith.constant 1 : i32
        %dma_start3A_1183 = arith.constant 1 : i32
        %dma_start3A_1184 = arith.constant 0 : i32
        %dma_start3A_1185 = arith.constant 0 : i32
        %dma_start3A_1186 = tpu.memref_slice %arg10[%dma_start3A_1183, %dma_start3A_1184, %dma_start3A_1185] : memref<3x112x128xf32, #tpu.memory_space<vmem>> -> memref<1x112x128xf32, #tpu.memory_space<vmem>>
        %dma_start3A_1187 = tpu.memref_squeeze %dma_start3A_1186 : memref<1x112x128xf32, #tpu.memory_space<vmem>> -> memref<112x128xf32, #tpu.memory_space<vmem>>
        %dma_start3A_1188 = arith.constant 0 : i32
        %dma_start3A_1189 = tpu.memref_slice %arg8[%dma_start3A_1182, %dma_start3A_1188] : memref<3x112xi32, #tpu.memory_space<vmem>> -> memref<1x112xi32, #tpu.memory_space<vmem>>
        %dma_start3A_1190 = tpu.memref_squeeze %dma_start3A_1189 : memref<1x112xi32, #tpu.memory_space<vmem>> -> memref<112xi32, #tpu.memory_space<vmem>>
        %dma_start3A_1191 = arith.constant 0 : i32
        %dma_start3A_1192 = arith.constant 0 : i32
        %dma_start3A_1193 = tpu.memref_slice %arg2[%dma_start3A_1191, %dma_start3A_1192] : memref<40000x128xf32, #tpu.memory_space<hbm>> -> memref<40000x128xf32, #tpu.memory_space<hbm>>
        tpu.enqueue_indirect_dma source(%dma_start3A_1193 : memref<40000x128xf32, #tpu.memory_space<hbm>>) target(%dma_start3A_1187 : memref<112x128xf32, #tpu.memory_space<vmem>>) offsets(%dma_start3A_1190 : memref<112xi32, #tpu.memory_space<vmem>>) semaphore(%arg12 : memref<!tpu.dma_semaphore, #tpu.memory_space<semaphore_mem>>)
      } else {
      }
      %mul3A_990 = arith.constant 3 : i32
      %mul3A_991 = arith.muli %scan3A_905, %mul3A_990 : i32
      %add3A_992 = arith.constant 2 : i32
      %add3A_993 = arith.addi %mul3A_991, %add3A_992 : i32
      %dma_wait3A_994 = arith.constant 2 : i32
      %dma_wait3A_995 = arith.constant 2 : i32
      %dma_wait3A_996 = arith.constant 0 : i32
      %dma_wait3A_997 = arith.constant 0 : i32
      %dma_wait3A_998 = tpu.memref_slice %arg10[%dma_wait3A_995, %dma_wait3A_996, %dma_wait3A_997] : memref<3x112x128xf32, #tpu.memory_space<vmem>> -> memref<1x112x128xf32, #tpu.memory_space<vmem>>
      %dma_wait3A_999 = tpu.memref_squeeze %dma_wait3A_998 : memref<1x112x128xf32, #tpu.memory_space<vmem>> -> memref<112x128xf32, #tpu.memory_space<vmem>>
      %dma_wait3A_1000 = arith.constant 0 : i32
      %dma_wait3A_1001 = tpu.memref_slice %arg8[%dma_wait3A_994, %dma_wait3A_1000] : memref<3x112xi32, #tpu.memory_space<vmem>> -> memref<1x112xi32, #tpu.memory_space<vmem>>
      %dma_wait3A_1002 = tpu.memref_squeeze %dma_wait3A_1001 : memref<1x112xi32, #tpu.memory_space<vmem>> -> memref<112xi32, #tpu.memory_space<vmem>>
      %dma_wait3A_1003 = arith.constant 0 : i32
      %dma_wait3A_1004 = arith.constant 0 : i32
      %dma_wait3A_1005 = tpu.memref_slice %arg2[%dma_wait3A_1003, %dma_wait3A_1004] : memref<40000x128xf32, #tpu.memory_space<hbm>> -> memref<40000x128xf32, #tpu.memory_space<hbm>>
      tpu.wait_indirect_dma semaphore(%arg13 : memref<!tpu.dma_semaphore, #tpu.memory_space<semaphore_mem>>) src(%dma_wait3A_1005 : memref<40000x128xf32, #tpu.memory_space<hbm>>) dst(%dma_wait3A_999 : memref<112x128xf32, #tpu.memory_space<vmem>>)
      %lt3A_1006 = arith.constant 29 : i32
      %lt3A_1007 = arith.cmpi slt, %scan3A_905, %lt3A_1006 : i32
      %convert_element_type3A_1008 = arith.extui %lt3A_1007 : i1 to i32
      %cond3A_1009 = arith.constant 0 : i32
      %cond3A_1010 = arith.cmpi ne, %convert_element_type3A_1008, %cond3A_1009 : i32
      scf.if %cond3A_1010 {
        %mul3A_1034 = arith.constant 90 : i32
        %mul3A_1035 = arith.muli %arg1, %mul3A_1034 : i32
        %add3A_1036 = arith.addi %mul3A_1035, %add3A_993 : i32
        %add3A_1037 = arith.constant 3 : i32
        %add3A_1038 = arith.addi %add3A_1036, %add3A_1037 : i32
        %dma_start3A_1039 = arith.constant 2 : i32
        %dma_start3A_1040 = arith.constant 0 : i32
        %dma_start3A_1041 = tpu.memref_slice %arg8[%dma_start3A_1039, %dma_start3A_1040] : memref<3x112xi32, #tpu.memory_space<vmem>> -> memref<1x112xi32, #tpu.memory_space<vmem>>
        %dma_start3A_1042 = tpu.memref_squeeze %dma_start3A_1041 : memref<1x112xi32, #tpu.memory_space<vmem>> -> memref<112xi32, #tpu.memory_space<vmem>>
        %dma_start3A_1043 = arith.constant 0 : i32
        %dma_start3A_1044 = tpu.memref_slice %arg3[%add3A_1038, %dma_start3A_1043] : memref<1440x112xi32, #tpu.memory_space<hbm>> -> memref<1x112xi32, #tpu.memory_space<hbm>>
        %dma_start3A_1045 = tpu.memref_squeeze %dma_start3A_1044 : memref<1x112xi32, #tpu.memory_space<hbm>> -> memref<112xi32, #tpu.memory_space<hbm>>
        %dma_start3A_1046 = arith.constant 0 : i32
        %dma_start3A_1047 = tpu.memref_slice %arg8[%dma_start3A_1039, %dma_start3A_1046] : memref<3x112xi32, #tpu.memory_space<vmem>> -> memref<1x112xi32, #tpu.memory_space<vmem>>
        %dma_start3A_1048 = tpu.memref_squeeze %dma_start3A_1047 : memref<1x112xi32, #tpu.memory_space<vmem>> -> memref<112xi32, #tpu.memory_space<vmem>>
        %dma_start3A_1049 = arith.constant 0 : i32
        %dma_start3A_1050 = tpu.memref_slice %arg3[%add3A_1038, %dma_start3A_1049] : memref<1440x112xi32, #tpu.memory_space<hbm>> -> memref<1x112xi32, #tpu.memory_space<hbm>>
        %dma_start3A_1051 = tpu.memref_squeeze %dma_start3A_1050 : memref<1x112xi32, #tpu.memory_space<hbm>> -> memref<112xi32, #tpu.memory_space<hbm>>
        tpu.enqueue_dma source(%dma_start3A_1051 : memref<112xi32, #tpu.memory_space<hbm>>) target(%dma_start3A_1048 : memref<112xi32, #tpu.memory_space<vmem>>) target_semaphore(%arg19 : memref<!tpu.dma_semaphore, #tpu.memory_space<semaphore_mem>>)
      } else {
      }
      %mul3A_1011 = arith.constant 90 : i32
      %mul3A_1012 = arith.muli %arg1, %mul3A_1011 : i32
      %add3A_1013 = arith.addi %mul3A_1012, %add3A_993 : i32
      %dma_wait3A_1014 = arith.constant 2 : i32
      %dma_wait3A_1015 = arith.constant 0 : i32
      %dma_wait3A_1016 = tpu.memref_slice %arg9[%dma_wait3A_1014, %dma_wait3A_1015] : memref<3x112xi32, #tpu.memory_space<vmem>> -> memref<1x112xi32, #tpu.memory_space<vmem>>
      %dma_wait3A_1017 = tpu.memref_squeeze %dma_wait3A_1016 : memref<1x112xi32, #tpu.memory_space<vmem>> -> memref<112xi32, #tpu.memory_space<vmem>>
      %dma_wait3A_1018 = arith.constant 0 : i32
      %dma_wait3A_1019 = tpu.memref_slice %arg4[%add3A_1013, %dma_wait3A_1018] : memref<1440x112xi32, #tpu.memory_space<hbm>> -> memref<1x112xi32, #tpu.memory_space<hbm>>
      %dma_wait3A_1020 = tpu.memref_squeeze %dma_wait3A_1019 : memref<1x112xi32, #tpu.memory_space<hbm>> -> memref<112xi32, #tpu.memory_space<hbm>>
      %dma_wait3A_1021 = arith.constant 0 : i32
      %dma_wait3A_1022 = tpu.memref_slice %arg9[%dma_wait3A_1014, %dma_wait3A_1021] : memref<3x112xi32, #tpu.memory_space<vmem>> -> memref<1x112xi32, #tpu.memory_space<vmem>>
      %dma_wait3A_1023 = tpu.memref_squeeze %dma_wait3A_1022 : memref<1x112xi32, #tpu.memory_space<vmem>> -> memref<112xi32, #tpu.memory_space<vmem>>
      %dma_wait3A_1024 = arith.constant 0 : i32
      %dma_wait3A_1025 = tpu.memref_slice %arg4[%add3A_1013, %dma_wait3A_1024] : memref<1440x112xi32, #tpu.memory_space<hbm>> -> memref<1x112xi32, #tpu.memory_space<hbm>>
      %dma_wait3A_1026 = tpu.memref_squeeze %dma_wait3A_1025 : memref<1x112xi32, #tpu.memory_space<hbm>> -> memref<112xi32, #tpu.memory_space<hbm>>
      tpu.wait_dma2 semaphore(%arg16 : memref<!tpu.dma_semaphore, #tpu.memory_space<semaphore_mem>>) src(%dma_wait3A_1026 : memref<112xi32, #tpu.memory_space<hbm>>) dst(%dma_wait3A_1023 : memref<112xi32, #tpu.memory_space<vmem>>)
      %run_scoped3A_1027 = arith.constant 2 : i32
      %run_scoped3A_1028 = arith.constant 2 : i32
      "tpu.region"() ({
        %run_scoped3A_1034 = tpu.sem_alloc : memref<!tpu.dma_semaphore, #tpu.memory_space<semaphore_mem>>
        %dma_start3A_1035 = arith.constant 0 : i32
        %dma_start3A_1036 = arith.constant 0 : i32
        %dma_start3A_1037 = tpu.memref_slice %arg10[%run_scoped3A_1027, %dma_start3A_1035, %dma_start3A_1036] : memref<3x112x128xf32, #tpu.memory_space<vmem>> -> memref<1x112x128xf32, #tpu.memory_space<vmem>>
        %dma_start3A_1038 = tpu.memref_squeeze %dma_start3A_1037 : memref<1x112x128xf32, #tpu.memory_space<vmem>> -> memref<112x128xf32, #tpu.memory_space<vmem>>
        %dma_start3A_1039 = arith.constant 0 : i32
        %dma_start3A_1040 = tpu.memref_slice %arg9[%run_scoped3A_1028, %dma_start3A_1039] : memref<3x112xi32, #tpu.memory_space<vmem>> -> memref<1x112xi32, #tpu.memory_space<vmem>>
        %dma_start3A_1041 = tpu.memref_squeeze %dma_start3A_1040 : memref<1x112xi32, #tpu.memory_space<vmem>> -> memref<112xi32, #tpu.memory_space<vmem>>
        %dma_start3A_1042 = arith.constant 0 : i32
        %dma_start3A_1043 = arith.constant 0 : i32
        %dma_start3A_1044 = tpu.memref_slice %arg7[%dma_start3A_1042, %dma_start3A_1043] : memref<10240x128xf32, #tpu.memory_space<vmem_shared>> -> memref<10240x128xf32, #tpu.memory_space<vmem_shared>>
        tpu.enqueue_indirect_dma source(%dma_start3A_1038 : memref<112x128xf32, #tpu.memory_space<vmem>>) target(%dma_start3A_1044 : memref<10240x128xf32, #tpu.memory_space<vmem_shared>>) offsets(%dma_start3A_1041 : memref<112xi32, #tpu.memory_space<vmem>>) semaphore(%run_scoped3A_1034 : memref<!tpu.dma_semaphore, #tpu.memory_space<semaphore_mem>>) {add = true}
        %dma_wait3A_1045 = arith.constant 0 : i32
        %dma_wait3A_1046 = arith.constant 0 : i32
        %dma_wait3A_1047 = tpu.memref_slice %arg10[%run_scoped3A_1027, %dma_wait3A_1045, %dma_wait3A_1046] : memref<3x112x128xf32, #tpu.memory_space<vmem>> -> memref<1x112x128xf32, #tpu.memory_space<vmem>>
        %dma_wait3A_1048 = tpu.memref_squeeze %dma_wait3A_1047 : memref<1x112x128xf32, #tpu.memory_space<vmem>> -> memref<112x128xf32, #tpu.memory_space<vmem>>
        %dma_wait3A_1049 = arith.constant 0 : i32
        %dma_wait3A_1050 = tpu.memref_slice %arg9[%run_scoped3A_1028, %dma_wait3A_1049] : memref<3x112xi32, #tpu.memory_space<vmem>> -> memref<1x112xi32, #tpu.memory_space<vmem>>
        %dma_wait3A_1051 = tpu.memref_squeeze %dma_wait3A_1050 : memref<1x112xi32, #tpu.memory_space<vmem>> -> memref<112xi32, #tpu.memory_space<vmem>>
        %dma_wait3A_1052 = arith.constant 0 : i32
        %dma_wait3A_1053 = arith.constant 0 : i32
        %dma_wait3A_1054 = tpu.memref_slice %arg7[%dma_wait3A_1052, %dma_wait3A_1053] : memref<10240x128xf32, #tpu.memory_space<vmem_shared>> -> memref<10240x128xf32, #tpu.memory_space<vmem_shared>>
        tpu.wait_indirect_dma semaphore(%run_scoped3A_1034 : memref<!tpu.dma_semaphore, #tpu.memory_space<semaphore_mem>>) src(%dma_wait3A_1048 : memref<112x128xf32, #tpu.memory_space<vmem>>) dst(%dma_wait3A_1054 : memref<10240x128xf32, #tpu.memory_space<vmem_shared>>)
        tpu.yield
      }) : () -> ()
      %lt3A_1029 = arith.constant 29 : i32
      %lt3A_1030 = arith.cmpi slt, %scan3A_905, %lt3A_1029 : i32
      %convert_element_type3A_1031 = arith.extui %lt3A_1030 : i1 to i32
      %cond3A_1032 = arith.constant 0 : i32
      %cond3A_1033 = arith.cmpi ne, %convert_element_type3A_1031, %cond3A_1032 : i32
      scf.if %cond3A_1033 {
        %mul3A_1034 = arith.constant 90 : i32
        %mul3A_1035 = arith.muli %arg1, %mul3A_1034 : i32
        %add3A_1036 = arith.addi %mul3A_1035, %add3A_993 : i32
        %add3A_1037 = arith.constant 3 : i32
        %add3A_1038 = arith.addi %add3A_1036, %add3A_1037 : i32
        %dma_wait3A_1039 = arith.constant 2 : i32
        %dma_wait3A_1040 = arith.constant 0 : i32
        %dma_wait3A_1041 = tpu.memref_slice %arg8[%dma_wait3A_1039, %dma_wait3A_1040] : memref<3x112xi32, #tpu.memory_space<vmem>> -> memref<1x112xi32, #tpu.memory_space<vmem>>
        %dma_wait3A_1042 = tpu.memref_squeeze %dma_wait3A_1041 : memref<1x112xi32, #tpu.memory_space<vmem>> -> memref<112xi32, #tpu.memory_space<vmem>>
        %dma_wait3A_1043 = arith.constant 0 : i32
        %dma_wait3A_1044 = tpu.memref_slice %arg3[%add3A_1038, %dma_wait3A_1043] : memref<1440x112xi32, #tpu.memory_space<hbm>> -> memref<1x112xi32, #tpu.memory_space<hbm>>
        %dma_wait3A_1045 = tpu.memref_squeeze %dma_wait3A_1044 : memref<1x112xi32, #tpu.memory_space<hbm>> -> memref<112xi32, #tpu.memory_space<hbm>>
        %dma_wait3A_1046 = arith.constant 0 : i32
        %dma_wait3A_1047 = tpu.memref_slice %arg8[%dma_wait3A_1039, %dma_wait3A_1046] : memref<3x112xi32, #tpu.memory_space<vmem>> -> memref<1x112xi32, #tpu.memory_space<vmem>>
        %dma_wait3A_1048 = tpu.memref_squeeze %dma_wait3A_1047 : memref<1x112xi32, #tpu.memory_space<vmem>> -> memref<112xi32, #tpu.memory_space<vmem>>
        %dma_wait3A_1049 = arith.constant 0 : i32
        %dma_wait3A_1050 = tpu.memref_slice %arg3[%add3A_1038, %dma_wait3A_1049] : memref<1440x112xi32, #tpu.memory_space<hbm>> -> memref<1x112xi32, #tpu.memory_space<hbm>>
        %dma_wait3A_1051 = tpu.memref_squeeze %dma_wait3A_1050 : memref<1x112xi32, #tpu.memory_space<hbm>> -> memref<112xi32, #tpu.memory_space<hbm>>
        tpu.wait_dma2 semaphore(%arg19 : memref<!tpu.dma_semaphore, #tpu.memory_space<semaphore_mem>>) src(%dma_wait3A_1051 : memref<112xi32, #tpu.memory_space<hbm>>) dst(%dma_wait3A_1048 : memref<112xi32, #tpu.memory_space<vmem>>)
        %add3A_1052 = arith.constant 3 : i32
        %add3A_1053 = arith.addi %add3A_993, %add3A_1052 : i32
        %get3A_1054 = arith.constant 2 : i32
        %get3A_1055 = arith.index_cast %get3A_1054 : i32 to index
        %get3A_1056 = arith.constant 0 : index
        %get3A_1057 = tpu.vector_load %arg8[%get3A_1055, %get3A_1056] {strides = array<i32>} : memref<3x112xi32, #tpu.memory_space<vmem>>, vector<1x16xi32>,
        %get3A_1058 = vector.shape_cast %get3A_1057 : vector<1x16xi32> to vector<16xi32>
        %mul3A_1059 = arith.constant 4 : i32
        %mul3A_1060 = vector.broadcast %mul3A_1059 : i32 to vector<16xi32>
        %mul3A_1061 = arith.muli %get3A_1058, %mul3A_1060 : vector<16xi32>
        %add3A_1062 = vector.broadcast %add3A_1 : i32 to vector<16xi32>
        %add3A_1063 = arith.addi %mul3A_1061, %add3A_1062 : vector<16xi32>
        %swap3A_1064 = arith.constant 2 : i32
        %swap3A_1065 = arith.index_cast %swap3A_1064 : i32 to index
        %swap3A_1066 = arith.constant 0 : index
        %swap3A_1067 = tpu.vector_load %arg8[%swap3A_1065, %swap3A_1066] {strides = array<i32>} : memref<3x112xi32, #tpu.memory_space<vmem>>, vector<1x16xi32>,
        %swap3A_1068 = vector.shape_cast %swap3A_1067 : vector<1x16xi32> to vector<16xi32>
        %swap3A_1069 = vector.shape_cast %add3A_1063 : vector<16xi32> to vector<1x16xi32>
        tpu.vector_store %arg8[%swap3A_1065, %swap3A_1066], %swap3A_1069 {strides = array<i32>} : memref<3x112xi32, #tpu.memory_space<vmem>>, vector<1x16xi32>,
        %get3A_1070 = arith.constant 2 : i32
        %get3A_1071 = arith.index_cast %get3A_1070 : i32 to index
        %get3A_1072 = arith.constant 16 : index
        %get3A_1073 = tpu.vector_load %arg8[%get3A_1071, %get3A_1072] {strides = array<i32>} : memref<3x112xi32, #tpu.memory_space<vmem>>, vector<1x16xi32>,
        %get3A_1074 = vector.shape_cast %get3A_1073 : vector<1x16xi32> to vector<16xi32>
        %mul3A_1075 = arith.constant 4 : i32
        %mul3A_1076 = vector.broadcast %mul3A_1075 : i32 to vector<16xi32>
        %mul3A_1077 = arith.muli %get3A_1074, %mul3A_1076 : vector<16xi32>
        %add3A_1078 = vector.broadcast %add3A_1 : i32 to vector<16xi32>
        %add3A_1079 = arith.addi %mul3A_1077, %add3A_1078 : vector<16xi32>
        %swap3A_1080 = arith.constant 2 : i32
        %swap3A_1081 = arith.index_cast %swap3A_1080 : i32 to index
        %swap3A_1082 = arith.constant 16 : index
        %swap3A_1083 = tpu.vector_load %arg8[%swap3A_1081, %swap3A_1082] {strides = array<i32>} : memref<3x112xi32, #tpu.memory_space<vmem>>, vector<1x16xi32>,
        %swap3A_1084 = vector.shape_cast %swap3A_1083 : vector<1x16xi32> to vector<16xi32>
        %swap3A_1085 = vector.shape_cast %add3A_1079 : vector<16xi32> to vector<1x16xi32>
        tpu.vector_store %arg8[%swap3A_1081, %swap3A_1082], %swap3A_1085 {strides = array<i32>} : memref<3x112xi32, #tpu.memory_space<vmem>>, vector<1x16xi32>,
        %get3A_1086 = arith.constant 2 : i32
        %get3A_1087 = arith.index_cast %get3A_1086 : i32 to index
        %get3A_1088 = arith.constant 32 : index
        %get3A_1089 = tpu.vector_load %arg8[%get3A_1087, %get3A_1088] {strides = array<i32>} : memref<3x112xi32, #tpu.memory_space<vmem>>, vector<1x16xi32>,
        %get3A_1090 = vector.shape_cast %get3A_1089 : vector<1x16xi32> to vector<16xi32>
        %mul3A_1091 = arith.constant 4 : i32
        %mul3A_1092 = vector.broadcast %mul3A_1091 : i32 to vector<16xi32>
        %mul3A_1093 = arith.muli %get3A_1090, %mul3A_1092 : vector<16xi32>
        %add3A_1094 = vector.broadcast %add3A_1 : i32 to vector<16xi32>
        %add3A_1095 = arith.addi %mul3A_1093, %add3A_1094 : vector<16xi32>
        %swap3A_1096 = arith.constant 2 : i32
        %swap3A_1097 = arith.index_cast %swap3A_1096 : i32 to index
        %swap3A_1098 = arith.constant 32 : index
        %swap3A_1099 = tpu.vector_load %arg8[%swap3A_1097, %swap3A_1098] {strides = array<i32>} : memref<3x112xi32, #tpu.memory_space<vmem>>, vector<1x16xi32>,
        %swap3A_1100 = vector.shape_cast %swap3A_1099 : vector<1x16xi32> to vector<16xi32>
        %swap3A_1101 = vector.shape_cast %add3A_1095 : vector<16xi32> to vector<1x16xi32>
        tpu.vector_store %arg8[%swap3A_1097, %swap3A_1098], %swap3A_1101 {strides = array<i32>} : memref<3x112xi32, #tpu.memory_space<vmem>>, vector<1x16xi32>,
        %get3A_1102 = arith.constant 2 : i32
        %get3A_1103 = arith.index_cast %get3A_1102 : i32 to index
        %get3A_1104 = arith.constant 48 : index
        %get3A_1105 = tpu.vector_load %arg8[%get3A_1103, %get3A_1104] {strides = array<i32>} : memref<3x112xi32, #tpu.memory_space<vmem>>, vector<1x16xi32>,
        %get3A_1106 = vector.shape_cast %get3A_1105 : vector<1x16xi32> to vector<16xi32>
        %mul3A_1107 = arith.constant 4 : i32
        %mul3A_1108 = vector.broadcast %mul3A_1107 : i32 to vector<16xi32>
        %mul3A_1109 = arith.muli %get3A_1106, %mul3A_1108 : vector<16xi32>
        %add3A_1110 = vector.broadcast %add3A_1 : i32 to vector<16xi32>
        %add3A_1111 = arith.addi %mul3A_1109, %add3A_1110 : vector<16xi32>
        %swap3A_1112 = arith.constant 2 : i32
        %swap3A_1113 = arith.index_cast %swap3A_1112 : i32 to index
        %swap3A_1114 = arith.constant 48 : index
        %swap3A_1115 = tpu.vector_load %arg8[%swap3A_1113, %swap3A_1114] {strides = array<i32>} : memref<3x112xi32, #tpu.memory_space<vmem>>, vector<1x16xi32>,
        %swap3A_1116 = vector.shape_cast %swap3A_1115 : vector<1x16xi32> to vector<16xi32>
        %swap3A_1117 = vector.shape_cast %add3A_1111 : vector<16xi32> to vector<1x16xi32>
        tpu.vector_store %arg8[%swap3A_1113, %swap3A_1114], %swap3A_1117 {strides = array<i32>} : memref<3x112xi32, #tpu.memory_space<vmem>>, vector<1x16xi32>,
        %get3A_1118 = arith.constant 2 : i32
        %get3A_1119 = arith.index_cast %get3A_1118 : i32 to index
        %get3A_1120 = arith.constant 64 : index
        %get3A_1121 = tpu.vector_load %arg8[%get3A_1119, %get3A_1120] {strides = array<i32>} : memref<3x112xi32, #tpu.memory_space<vmem>>, vector<1x16xi32>,
        %get3A_1122 = vector.shape_cast %get3A_1121 : vector<1x16xi32> to vector<16xi32>
        %mul3A_1123 = arith.constant 4 : i32
        %mul3A_1124 = vector.broadcast %mul3A_1123 : i32 to vector<16xi32>
        %mul3A_1125 = arith.muli %get3A_1122, %mul3A_1124 : vector<16xi32>
        %add3A_1126 = vector.broadcast %add3A_1 : i32 to vector<16xi32>
        %add3A_1127 = arith.addi %mul3A_1125, %add3A_1126 : vector<16xi32>
        %swap3A_1128 = arith.constant 2 : i32
        %swap3A_1129 = arith.index_cast %swap3A_1128 : i32 to index
        %swap3A_1130 = arith.constant 64 : index
        %swap3A_1131 = tpu.vector_load %arg8[%swap3A_1129, %swap3A_1130] {strides = array<i32>} : memref<3x112xi32, #tpu.memory_space<vmem>>, vector<1x16xi32>,
        %swap3A_1132 = vector.shape_cast %swap3A_1131 : vector<1x16xi32> to vector<16xi32>
        %swap3A_1133 = vector.shape_cast %add3A_1127 : vector<16xi32> to vector<1x16xi32>
        tpu.vector_store %arg8[%swap3A_1129, %swap3A_1130], %swap3A_1133 {strides = array<i32>} : memref<3x112xi32, #tpu.memory_space<vmem>>, vector<1x16xi32>,
        %get3A_1134 = arith.constant 2 : i32
        %get3A_1135 = arith.index_cast %get3A_1134 : i32 to index
        %get3A_1136 = arith.constant 80 : index
        %get3A_1137 = tpu.vector_load %arg8[%get3A_1135, %get3A_1136] {strides = array<i32>} : memref<3x112xi32, #tpu.memory_space<vmem>>, vector<1x16xi32>,
        %get3A_1138 = vector.shape_cast %get3A_1137 : vector<1x16xi32> to vector<16xi32>
        %mul3A_1139 = arith.constant 4 : i32
        %mul3A_1140 = vector.broadcast %mul3A_1139 : i32 to vector<16xi32>
        %mul3A_1141 = arith.muli %get3A_1138, %mul3A_1140 : vector<16xi32>
        %add3A_1142 = vector.broadcast %add3A_1 : i32 to vector<16xi32>
        %add3A_1143 = arith.addi %mul3A_1141, %add3A_1142 : vector<16xi32>
        %swap3A_1144 = arith.constant 2 : i32
        %swap3A_1145 = arith.index_cast %swap3A_1144 : i32 to index
        %swap3A_1146 = arith.constant 80 : index
        %swap3A_1147 = tpu.vector_load %arg8[%swap3A_1145, %swap3A_1146] {strides = array<i32>} : memref<3x112xi32, #tpu.memory_space<vmem>>, vector<1x16xi32>,
        %swap3A_1148 = vector.shape_cast %swap3A_1147 : vector<1x16xi32> to vector<16xi32>
        %swap3A_1149 = vector.shape_cast %add3A_1143 : vector<16xi32> to vector<1x16xi32>
        tpu.vector_store %arg8[%swap3A_1145, %swap3A_1146], %swap3A_1149 {strides = array<i32>} : memref<3x112xi32, #tpu.memory_space<vmem>>, vector<1x16xi32>,
        %get3A_1150 = arith.constant 2 : i32
        %get3A_1151 = arith.index_cast %get3A_1150 : i32 to index
        %get3A_1152 = arith.constant 96 : index
        %get3A_1153 = tpu.vector_load %arg8[%get3A_1151, %get3A_1152] {strides = array<i32>} : memref<3x112xi32, #tpu.memory_space<vmem>>, vector<1x16xi32>,
        %get3A_1154 = vector.shape_cast %get3A_1153 : vector<1x16xi32> to vector<16xi32>
        %mul3A_1155 = arith.constant 4 : i32
        %mul3A_1156 = vector.broadcast %mul3A_1155 : i32 to vector<16xi32>
        %mul3A_1157 = arith.muli %get3A_1154, %mul3A_1156 : vector<16xi32>
        %add3A_1158 = vector.broadcast %add3A_1 : i32 to vector<16xi32>
        %add3A_1159 = arith.addi %mul3A_1157, %add3A_1158 : vector<16xi32>
        %swap3A_1160 = arith.constant 2 : i32
        %swap3A_1161 = arith.index_cast %swap3A_1160 : i32 to index
        %swap3A_1162 = arith.constant 96 : index
        %swap3A_1163 = tpu.vector_load %arg8[%swap3A_1161, %swap3A_1162] {strides = array<i32>} : memref<3x112xi32, #tpu.memory_space<vmem>>, vector<1x16xi32>,
        %swap3A_1164 = vector.shape_cast %swap3A_1163 : vector<1x16xi32> to vector<16xi32>
        %swap3A_1165 = vector.shape_cast %add3A_1159 : vector<16xi32> to vector<1x16xi32>
        tpu.vector_store %arg8[%swap3A_1161, %swap3A_1162], %swap3A_1165 {strides = array<i32>} : memref<3x112xi32, #tpu.memory_space<vmem>>, vector<1x16xi32>,
        %mul3A_1166 = arith.constant 90 : i32
        %mul3A_1167 = arith.muli %arg1, %mul3A_1166 : i32
        %add3A_1168 = arith.addi %mul3A_1167, %add3A_1053 : i32
        %dma_start3A_1169 = arith.constant 2 : i32
        %dma_start3A_1170 = arith.constant 0 : i32
        %dma_start3A_1171 = tpu.memref_slice %arg9[%dma_start3A_1169, %dma_start3A_1170] : memref<3x112xi32, #tpu.memory_space<vmem>> -> memref<1x112xi32, #tpu.memory_space<vmem>>
        %dma_start3A_1172 = tpu.memref_squeeze %dma_start3A_1171 : memref<1x112xi32, #tpu.memory_space<vmem>> -> memref<112xi32, #tpu.memory_space<vmem>>
        %dma_start3A_1173 = arith.constant 0 : i32
        %dma_start3A_1174 = tpu.memref_slice %arg4[%add3A_1168, %dma_start3A_1173] : memref<1440x112xi32, #tpu.memory_space<hbm>> -> memref<1x112xi32, #tpu.memory_space<hbm>>
        %dma_start3A_1175 = tpu.memref_squeeze %dma_start3A_1174 : memref<1x112xi32, #tpu.memory_space<hbm>> -> memref<112xi32, #tpu.memory_space<hbm>>
        %dma_start3A_1176 = arith.constant 0 : i32
        %dma_start3A_1177 = tpu.memref_slice %arg9[%dma_start3A_1169, %dma_start3A_1176] : memref<3x112xi32, #tpu.memory_space<vmem>> -> memref<1x112xi32, #tpu.memory_space<vmem>>
        %dma_start3A_1178 = tpu.memref_squeeze %dma_start3A_1177 : memref<1x112xi32, #tpu.memory_space<vmem>> -> memref<112xi32, #tpu.memory_space<vmem>>
        %dma_start3A_1179 = arith.constant 0 : i32
        %dma_start3A_1180 = tpu.memref_slice %arg4[%add3A_1168, %dma_start3A_1179] : memref<1440x112xi32, #tpu.memory_space<hbm>> -> memref<1x112xi32, #tpu.memory_space<hbm>>
        %dma_start3A_1181 = tpu.memref_squeeze %dma_start3A_1180 : memref<1x112xi32, #tpu.memory_space<hbm>> -> memref<112xi32, #tpu.memory_space<hbm>>
        tpu.enqueue_dma source(%dma_start3A_1181 : memref<112xi32, #tpu.memory_space<hbm>>) target(%dma_start3A_1178 : memref<112xi32, #tpu.memory_space<vmem>>) target_semaphore(%arg16 : memref<!tpu.dma_semaphore, #tpu.memory_space<semaphore_mem>>)
        %dma_start3A_1182 = arith.constant 2 : i32
        %dma_start3A_1183 = arith.constant 2 : i32
        %dma_start3A_1184 = arith.constant 0 : i32
        %dma_start3A_1185 = arith.constant 0 : i32
        %dma_start3A_1186 = tpu.memref_slice %arg10[%dma_start3A_1183, %dma_start3A_1184, %dma_start3A_1185] : memref<3x112x128xf32, #tpu.memory_space<vmem>> -> memref<1x112x128xf32, #tpu.memory_space<vmem>>
        %dma_start3A_1187 = tpu.memref_squeeze %dma_start3A_1186 : memref<1x112x128xf32, #tpu.memory_space<vmem>> -> memref<112x128xf32, #tpu.memory_space<vmem>>
        %dma_start3A_1188 = arith.constant 0 : i32
        %dma_start3A_1189 = tpu.memref_slice %arg8[%dma_start3A_1182, %dma_start3A_1188] : memref<3x112xi32, #tpu.memory_space<vmem>> -> memref<1x112xi32, #tpu.memory_space<vmem>>
        %dma_start3A_1190 = tpu.memref_squeeze %dma_start3A_1189 : memref<1x112xi32, #tpu.memory_space<vmem>> -> memref<112xi32, #tpu.memory_space<vmem>>
        %dma_start3A_1191 = arith.constant 0 : i32
        %dma_start3A_1192 = arith.constant 0 : i32
        %dma_start3A_1193 = tpu.memref_slice %arg2[%dma_start3A_1191, %dma_start3A_1192] : memref<40000x128xf32, #tpu.memory_space<hbm>> -> memref<40000x128xf32, #tpu.memory_space<hbm>>
        tpu.enqueue_indirect_dma source(%dma_start3A_1193 : memref<40000x128xf32, #tpu.memory_space<hbm>>) target(%dma_start3A_1187 : memref<112x128xf32, #tpu.memory_space<vmem>>) offsets(%dma_start3A_1190 : memref<112xi32, #tpu.memory_space<vmem>>) semaphore(%arg13 : memref<!tpu.dma_semaphore, #tpu.memory_space<semaphore_mem>>)
      } else {
      }
    }
    %scan3A_442 = arith.constant 30 : i32
    %barrier3A_443 = arith.constant 0 : index
    tpu.barrier barrier_id(%barrier3A_443)
    %mul3A_444 = arith.constant 640 : i32
    %mul3A_445 = arith.muli %arg1, %mul3A_444 : i32
    %mul3A_446 = arith.constant 640 : i32
    %mul3A_447 = arith.muli %arg1, %mul3A_446 : i32
    "tpu.region"() ({
      %run_scoped3A_905 = tpu.sem_alloc : memref<!tpu.dma_semaphore, #tpu.memory_space<semaphore_mem>>
      %dma_start3A_906 = arith.constant 0 : i32
      %dma_start3A_907 = tpu.memref_slice %arg6[%add3A_1, %mul3A_447, %dma_start3A_906] : memref<4x10240x128xf32, #tpu.memory_space<hbm>> -> memref<1x640x128xf32, #tpu.memory_space<hbm>>
      %dma_start3A_908 = tpu.memref_squeeze %dma_start3A_907 : memref<1x640x128xf32, #tpu.memory_space<hbm>> -> memref<640x128xf32, #tpu.memory_space<hbm>>
      %dma_start3A_909 = arith.constant 0 : i32
      %dma_start3A_910 = tpu.memref_slice %arg7[%mul3A_445, %dma_start3A_909] : memref<10240x128xf32, #tpu.memory_space<vmem_shared>> -> memref<640x128xf32, #tpu.memory_space<vmem_shared>>
      tpu.enqueue_dma source(%dma_start3A_910 : memref<640x128xf32, #tpu.memory_space<vmem_shared>>) target(%dma_start3A_908 : memref<640x128xf32, #tpu.memory_space<hbm>>) target_semaphore(%run_scoped3A_905 : memref<!tpu.dma_semaphore, #tpu.memory_space<semaphore_mem>>)
      %dma_wait3A = arith.constant 0 : i32
      %dma_wait3A_911 = tpu.memref_slice %arg6[%add3A_1, %mul3A_447, %dma_wait3A] : memref<4x10240x128xf32, #tpu.memory_space<hbm>> -> memref<1x640x128xf32, #tpu.memory_space<hbm>>
      %dma_wait3A_912 = tpu.memref_squeeze %dma_wait3A_911 : memref<1x640x128xf32, #tpu.memory_space<hbm>> -> memref<640x128xf32, #tpu.memory_space<hbm>>
      %dma_wait3A_913 = arith.constant 0 : i32
      %dma_wait3A_914 = tpu.memref_slice %arg7[%mul3A_445, %dma_wait3A_913] : memref<10240x128xf32, #tpu.memory_space<vmem_shared>> -> memref<640x128xf32, #tpu.memory_space<vmem_shared>>
      tpu.wait_dma2 semaphore(%run_scoped3A_905 : memref<!tpu.dma_semaphore, #tpu.memory_space<semaphore_mem>>) src(%dma_wait3A_914 : memref<640x128xf32, #tpu.memory_space<vmem_shared>>) dst(%dma_wait3A_912 : memref<640x128xf32, #tpu.memory_space<hbm>>)
      tpu.yield
    }) : () -> ()
    %barrier3A_448 = arith.constant 0 : index
    tpu.barrier barrier_id(%barrier3A_448)
    %mul3A_449 = arith.constant 2 : i32
    %mul3A_450 = arith.muli %arg0, %mul3A_449 : i32
    %add3A_451 = arith.constant 1 : i32
    %add3A_452 = arith.addi %mul3A_450, %add3A_451 : i32
    %mul3A_453 = arith.constant 640 : i32
    %mul3A_454 = arith.muli %arg1, %mul3A_453 : i32
    "tpu.region"() ({
      %run_scoped3A_905 = tpu.sem_alloc : memref<!tpu.dma_semaphore, #tpu.memory_space<semaphore_mem>>
      %dma_start3A_906 = arith.constant 0 : i32
      %dma_start3A_907 = tpu.memref_slice %arg7[%mul3A_454, %dma_start3A_906] : memref<10240x128xf32, #tpu.memory_space<vmem_shared>> -> memref<640x128xf32, #tpu.memory_space<vmem_shared>>
      tpu.enqueue_dma source(%arg5 : memref<640x128xf32, #tpu.memory_space<hbm>>) target(%dma_start3A_907 : memref<640x128xf32, #tpu.memory_space<vmem_shared>>) target_semaphore(%run_scoped3A_905 : memref<!tpu.dma_semaphore, #tpu.memory_space<semaphore_mem>>)
      %dma_wait3A = arith.constant 0 : i32
      %dma_wait3A_908 = tpu.memref_slice %arg7[%mul3A_454, %dma_wait3A] : memref<10240x128xf32, #tpu.memory_space<vmem_shared>> -> memref<640x128xf32, #tpu.memory_space<vmem_shared>>
      tpu.wait_dma2 semaphore(%run_scoped3A_905 : memref<!tpu.dma_semaphore, #tpu.memory_space<semaphore_mem>>) src(%arg5 : memref<640x128xf32, #tpu.memory_space<hbm>>) dst(%dma_wait3A_908 : memref<640x128xf32, #tpu.memory_space<vmem_shared>>)
      tpu.yield
    }) : () -> ()
    %barrier3A_455 = arith.constant 0 : index
    tpu.barrier barrier_id(%barrier3A_455)
    %mul3A_456 = arith.constant 90 : i32
    %mul3A_457 = arith.muli %arg1, %mul3A_456 : i32
    %add3A_458 = arith.constant 0 : i32
    %add3A_459 = arith.addi %mul3A_457, %add3A_458 : i32
    %run_scoped3A_460 = arith.constant 0 : i32
    "tpu.region"() ({
      %run_scoped3A_905 = tpu.sem_alloc : memref<!tpu.dma_semaphore, #tpu.memory_space<semaphore_mem>>
      %dma_start3A_906 = arith.constant 0 : i32
      %dma_start3A_907 = tpu.memref_slice %arg8[%run_scoped3A_460, %dma_start3A_906] : memref<3x112xi32, #tpu.memory_space<vmem>> -> memref<1x112xi32, #tpu.memory_space<vmem>>
      %dma_start3A_908 = tpu.memref_squeeze %dma_start3A_907 : memref<1x112xi32, #tpu.memory_space<vmem>> -> memref<112xi32, #tpu.memory_space<vmem>>
      %dma_start3A_909 = arith.constant 0 : i32
      %dma_start3A_910 = tpu.memref_slice %arg3[%add3A_459, %dma_start3A_909] : memref<1440x112xi32, #tpu.memory_space<hbm>> -> memref<1x112xi32, #tpu.memory_space<hbm>>
      %dma_start3A_911 = tpu.memref_squeeze %dma_start3A_910 : memref<1x112xi32, #tpu.memory_space<hbm>> -> memref<112xi32, #tpu.memory_space<hbm>>
      %dma_start3A_912 = arith.constant 0 : i32
      %dma_start3A_913 = tpu.memref_slice %arg8[%run_scoped3A_460, %dma_start3A_912] : memref<3x112xi32, #tpu.memory_space<vmem>> -> memref<1x112xi32, #tpu.memory_space<vmem>>
      %dma_start3A_914 = tpu.memref_squeeze %dma_start3A_913 : memref<1x112xi32, #tpu.memory_space<vmem>> -> memref<112xi32, #tpu.memory_space<vmem>>
      %dma_start3A_915 = arith.constant 0 : i32
      %dma_start3A_916 = tpu.memref_slice %arg3[%add3A_459, %dma_start3A_915] : memref<1440x112xi32, #tpu.memory_space<hbm>> -> memref<1x112xi32, #tpu.memory_space<hbm>>
      %dma_start3A_917 = tpu.memref_squeeze %dma_start3A_916 : memref<1x112xi32, #tpu.memory_space<hbm>> -> memref<112xi32, #tpu.memory_space<hbm>>
      tpu.enqueue_dma source(%dma_start3A_917 : memref<112xi32, #tpu.memory_space<hbm>>) target(%dma_start3A_914 : memref<112xi32, #tpu.memory_space<vmem>>) target_semaphore(%run_scoped3A_905 : memref<!tpu.dma_semaphore, #tpu.memory_space<semaphore_mem>>)
      %dma_wait3A = arith.constant 0 : i32
      %dma_wait3A_918 = tpu.memref_slice %arg8[%run_scoped3A_460, %dma_wait3A] : memref<3x112xi32, #tpu.memory_space<vmem>> -> memref<1x112xi32, #tpu.memory_space<vmem>>
      %dma_wait3A_919 = tpu.memref_squeeze %dma_wait3A_918 : memref<1x112xi32, #tpu.memory_space<vmem>> -> memref<112xi32, #tpu.memory_space<vmem>>
      %dma_wait3A_920 = arith.constant 0 : i32
      %dma_wait3A_921 = tpu.memref_slice %arg3[%add3A_459, %dma_wait3A_920] : memref<1440x112xi32, #tpu.memory_space<hbm>> -> memref<1x112xi32, #tpu.memory_space<hbm>>
      %dma_wait3A_922 = tpu.memref_squeeze %dma_wait3A_921 : memref<1x112xi32, #tpu.memory_space<hbm>> -> memref<112xi32, #tpu.memory_space<hbm>>
      %dma_wait3A_923 = arith.constant 0 : i32
      %dma_wait3A_924 = tpu.memref_slice %arg8[%run_scoped3A_460, %dma_wait3A_923] : memref<3x112xi32, #tpu.memory_space<vmem>> -> memref<1x112xi32, #tpu.memory_space<vmem>>
      %dma_wait3A_925 = tpu.memref_squeeze %dma_wait3A_924 : memref<1x112xi32, #tpu.memory_space<vmem>> -> memref<112xi32, #tpu.memory_space<vmem>>
      %dma_wait3A_926 = arith.constant 0 : i32
      %dma_wait3A_927 = tpu.memref_slice %arg3[%add3A_459, %dma_wait3A_926] : memref<1440x112xi32, #tpu.memory_space<hbm>> -> memref<1x112xi32, #tpu.memory_space<hbm>>
      %dma_wait3A_928 = tpu.memref_squeeze %dma_wait3A_927 : memref<1x112xi32, #tpu.memory_space<hbm>> -> memref<112xi32, #tpu.memory_space<hbm>>
      tpu.wait_dma2 semaphore(%run_scoped3A_905 : memref<!tpu.dma_semaphore, #tpu.memory_space<semaphore_mem>>) src(%dma_wait3A_928 : memref<112xi32, #tpu.memory_space<hbm>>) dst(%dma_wait3A_925 : memref<112xi32, #tpu.memory_space<vmem>>)
      tpu.yield
    }) : () -> ()
    %get3A_461 = arith.constant 0 : i32
    %get3A_462 = arith.index_cast %get3A_461 : i32 to index
    %get3A_463 = arith.constant 0 : index
    %get3A_464 = tpu.vector_load %arg8[%get3A_462, %get3A_463] {strides = array<i32>} : memref<3x112xi32, #tpu.memory_space<vmem>>, vector<1x16xi32>,
    %get3A_465 = vector.shape_cast %get3A_464 : vector<1x16xi32> to vector<16xi32>
    %mul3A_466 = arith.constant 4 : i32
    %mul3A_467 = vector.broadcast %mul3A_466 : i32 to vector<16xi32>
    %mul3A_468 = arith.muli %get3A_465, %mul3A_467 : vector<16xi32>
    %add3A_469 = vector.broadcast %add3A_452 : i32 to vector<16xi32>
    %add3A_470 = arith.addi %mul3A_468, %add3A_469 : vector<16xi32>
    %swap3A_471 = arith.constant 0 : i32
    %swap3A_472 = arith.index_cast %swap3A_471 : i32 to index
    %swap3A_473 = arith.constant 0 : index
    %swap3A_474 = tpu.vector_load %arg8[%swap3A_472, %swap3A_473] {strides = array<i32>} : memref<3x112xi32, #tpu.memory_space<vmem>>, vector<1x16xi32>,
    %swap3A_475 = vector.shape_cast %swap3A_474 : vector<1x16xi32> to vector<16xi32>
    %swap3A_476 = vector.shape_cast %add3A_470 : vector<16xi32> to vector<1x16xi32>
    tpu.vector_store %arg8[%swap3A_472, %swap3A_473], %swap3A_476 {strides = array<i32>} : memref<3x112xi32, #tpu.memory_space<vmem>>, vector<1x16xi32>,
    %get3A_477 = arith.constant 0 : i32
    %get3A_478 = arith.index_cast %get3A_477 : i32 to index
    %get3A_479 = arith.constant 16 : index
    %get3A_480 = tpu.vector_load %arg8[%get3A_478, %get3A_479] {strides = array<i32>} : memref<3x112xi32, #tpu.memory_space<vmem>>, vector<1x16xi32>,
    %get3A_481 = vector.shape_cast %get3A_480 : vector<1x16xi32> to vector<16xi32>
    %mul3A_482 = arith.constant 4 : i32
    %mul3A_483 = vector.broadcast %mul3A_482 : i32 to vector<16xi32>
    %mul3A_484 = arith.muli %get3A_481, %mul3A_483 : vector<16xi32>
    %add3A_485 = vector.broadcast %add3A_452 : i32 to vector<16xi32>
    %add3A_486 = arith.addi %mul3A_484, %add3A_485 : vector<16xi32>
    %swap3A_487 = arith.constant 0 : i32
    %swap3A_488 = arith.index_cast %swap3A_487 : i32 to index
    %swap3A_489 = arith.constant 16 : index
    %swap3A_490 = tpu.vector_load %arg8[%swap3A_488, %swap3A_489] {strides = array<i32>} : memref<3x112xi32, #tpu.memory_space<vmem>>, vector<1x16xi32>,
    %swap3A_491 = vector.shape_cast %swap3A_490 : vector<1x16xi32> to vector<16xi32>
    %swap3A_492 = vector.shape_cast %add3A_486 : vector<16xi32> to vector<1x16xi32>
    tpu.vector_store %arg8[%swap3A_488, %swap3A_489], %swap3A_492 {strides = array<i32>} : memref<3x112xi32, #tpu.memory_space<vmem>>, vector<1x16xi32>,
    %get3A_493 = arith.constant 0 : i32
    %get3A_494 = arith.index_cast %get3A_493 : i32 to index
    %get3A_495 = arith.constant 32 : index
    %get3A_496 = tpu.vector_load %arg8[%get3A_494, %get3A_495] {strides = array<i32>} : memref<3x112xi32, #tpu.memory_space<vmem>>, vector<1x16xi32>,
    %get3A_497 = vector.shape_cast %get3A_496 : vector<1x16xi32> to vector<16xi32>
    %mul3A_498 = arith.constant 4 : i32
    %mul3A_499 = vector.broadcast %mul3A_498 : i32 to vector<16xi32>
    %mul3A_500 = arith.muli %get3A_497, %mul3A_499 : vector<16xi32>
    %add3A_501 = vector.broadcast %add3A_452 : i32 to vector<16xi32>
    %add3A_502 = arith.addi %mul3A_500, %add3A_501 : vector<16xi32>
    %swap3A_503 = arith.constant 0 : i32
    %swap3A_504 = arith.index_cast %swap3A_503 : i32 to index
    %swap3A_505 = arith.constant 32 : index
    %swap3A_506 = tpu.vector_load %arg8[%swap3A_504, %swap3A_505] {strides = array<i32>} : memref<3x112xi32, #tpu.memory_space<vmem>>, vector<1x16xi32>,
    %swap3A_507 = vector.shape_cast %swap3A_506 : vector<1x16xi32> to vector<16xi32>
    %swap3A_508 = vector.shape_cast %add3A_502 : vector<16xi32> to vector<1x16xi32>
    tpu.vector_store %arg8[%swap3A_504, %swap3A_505], %swap3A_508 {strides = array<i32>} : memref<3x112xi32, #tpu.memory_space<vmem>>, vector<1x16xi32>,
    %get3A_509 = arith.constant 0 : i32
    %get3A_510 = arith.index_cast %get3A_509 : i32 to index
    %get3A_511 = arith.constant 48 : index
    %get3A_512 = tpu.vector_load %arg8[%get3A_510, %get3A_511] {strides = array<i32>} : memref<3x112xi32, #tpu.memory_space<vmem>>, vector<1x16xi32>,
    %get3A_513 = vector.shape_cast %get3A_512 : vector<1x16xi32> to vector<16xi32>
    %mul3A_514 = arith.constant 4 : i32
    %mul3A_515 = vector.broadcast %mul3A_514 : i32 to vector<16xi32>
    %mul3A_516 = arith.muli %get3A_513, %mul3A_515 : vector<16xi32>
    %add3A_517 = vector.broadcast %add3A_452 : i32 to vector<16xi32>
    %add3A_518 = arith.addi %mul3A_516, %add3A_517 : vector<16xi32>
    %swap3A_519 = arith.constant 0 : i32
    %swap3A_520 = arith.index_cast %swap3A_519 : i32 to index
    %swap3A_521 = arith.constant 48 : index
    %swap3A_522 = tpu.vector_load %arg8[%swap3A_520, %swap3A_521] {strides = array<i32>} : memref<3x112xi32, #tpu.memory_space<vmem>>, vector<1x16xi32>,
    %swap3A_523 = vector.shape_cast %swap3A_522 : vector<1x16xi32> to vector<16xi32>
    %swap3A_524 = vector.shape_cast %add3A_518 : vector<16xi32> to vector<1x16xi32>
    tpu.vector_store %arg8[%swap3A_520, %swap3A_521], %swap3A_524 {strides = array<i32>} : memref<3x112xi32, #tpu.memory_space<vmem>>, vector<1x16xi32>,
    %get3A_525 = arith.constant 0 : i32
    %get3A_526 = arith.index_cast %get3A_525 : i32 to index
    %get3A_527 = arith.constant 64 : index
    %get3A_528 = tpu.vector_load %arg8[%get3A_526, %get3A_527] {strides = array<i32>} : memref<3x112xi32, #tpu.memory_space<vmem>>, vector<1x16xi32>,
    %get3A_529 = vector.shape_cast %get3A_528 : vector<1x16xi32> to vector<16xi32>
    %mul3A_530 = arith.constant 4 : i32
    %mul3A_531 = vector.broadcast %mul3A_530 : i32 to vector<16xi32>
    %mul3A_532 = arith.muli %get3A_529, %mul3A_531 : vector<16xi32>
    %add3A_533 = vector.broadcast %add3A_452 : i32 to vector<16xi32>
    %add3A_534 = arith.addi %mul3A_532, %add3A_533 : vector<16xi32>
    %swap3A_535 = arith.constant 0 : i32
    %swap3A_536 = arith.index_cast %swap3A_535 : i32 to index
    %swap3A_537 = arith.constant 64 : index
    %swap3A_538 = tpu.vector_load %arg8[%swap3A_536, %swap3A_537] {strides = array<i32>} : memref<3x112xi32, #tpu.memory_space<vmem>>, vector<1x16xi32>,
    %swap3A_539 = vector.shape_cast %swap3A_538 : vector<1x16xi32> to vector<16xi32>
    %swap3A_540 = vector.shape_cast %add3A_534 : vector<16xi32> to vector<1x16xi32>
    tpu.vector_store %arg8[%swap3A_536, %swap3A_537], %swap3A_540 {strides = array<i32>} : memref<3x112xi32, #tpu.memory_space<vmem>>, vector<1x16xi32>,
    %get3A_541 = arith.constant 0 : i32
    %get3A_542 = arith.index_cast %get3A_541 : i32 to index
    %get3A_543 = arith.constant 80 : index
    %get3A_544 = tpu.vector_load %arg8[%get3A_542, %get3A_543] {strides = array<i32>} : memref<3x112xi32, #tpu.memory_space<vmem>>, vector<1x16xi32>,
    %get3A_545 = vector.shape_cast %get3A_544 : vector<1x16xi32> to vector<16xi32>
    %mul3A_546 = arith.constant 4 : i32
    %mul3A_547 = vector.broadcast %mul3A_546 : i32 to vector<16xi32>
    %mul3A_548 = arith.muli %get3A_545, %mul3A_547 : vector<16xi32>
    %add3A_549 = vector.broadcast %add3A_452 : i32 to vector<16xi32>
    %add3A_550 = arith.addi %mul3A_548, %add3A_549 : vector<16xi32>
    %swap3A_551 = arith.constant 0 : i32
    %swap3A_552 = arith.index_cast %swap3A_551 : i32 to index
    %swap3A_553 = arith.constant 80 : index
    %swap3A_554 = tpu.vector_load %arg8[%swap3A_552, %swap3A_553] {strides = array<i32>} : memref<3x112xi32, #tpu.memory_space<vmem>>, vector<1x16xi32>,
    %swap3A_555 = vector.shape_cast %swap3A_554 : vector<1x16xi32> to vector<16xi32>
    %swap3A_556 = vector.shape_cast %add3A_550 : vector<16xi32> to vector<1x16xi32>
    tpu.vector_store %arg8[%swap3A_552, %swap3A_553], %swap3A_556 {strides = array<i32>} : memref<3x112xi32, #tpu.memory_space<vmem>>, vector<1x16xi32>,
    %get3A_557 = arith.constant 0 : i32
    %get3A_558 = arith.index_cast %get3A_557 : i32 to index
    %get3A_559 = arith.constant 96 : index
    %get3A_560 = tpu.vector_load %arg8[%get3A_558, %get3A_559] {strides = array<i32>} : memref<3x112xi32, #tpu.memory_space<vmem>>, vector<1x16xi32>,
    %get3A_561 = vector.shape_cast %get3A_560 : vector<1x16xi32> to vector<16xi32>
    %mul3A_562 = arith.constant 4 : i32
    %mul3A_563 = vector.broadcast %mul3A_562 : i32 to vector<16xi32>
    %mul3A_564 = arith.muli %get3A_561, %mul3A_563 : vector<16xi32>
    %add3A_565 = vector.broadcast %add3A_452 : i32 to vector<16xi32>
    %add3A_566 = arith.addi %mul3A_564, %add3A_565 : vector<16xi32>
    %swap3A_567 = arith.constant 0 : i32
    %swap3A_568 = arith.index_cast %swap3A_567 : i32 to index
    %swap3A_569 = arith.constant 96 : index
    %swap3A_570 = tpu.vector_load %arg8[%swap3A_568, %swap3A_569] {strides = array<i32>} : memref<3x112xi32, #tpu.memory_space<vmem>>, vector<1x16xi32>,
    %swap3A_571 = vector.shape_cast %swap3A_570 : vector<1x16xi32> to vector<16xi32>
    %swap3A_572 = vector.shape_cast %add3A_566 : vector<16xi32> to vector<1x16xi32>
    tpu.vector_store %arg8[%swap3A_568, %swap3A_569], %swap3A_572 {strides = array<i32>} : memref<3x112xi32, #tpu.memory_space<vmem>>, vector<1x16xi32>,
    %mul3A_573 = arith.constant 90 : i32
    %mul3A_574 = arith.muli %arg1, %mul3A_573 : i32
    %add3A_575 = arith.constant 0 : i32
    %add3A_576 = arith.addi %mul3A_574, %add3A_575 : i32
    %dma_start3A_577 = arith.constant 0 : i32
    %dma_start3A_578 = arith.constant 0 : i32
    %dma_start3A_579 = tpu.memref_slice %arg9[%dma_start3A_577, %dma_start3A_578] : memref<3x112xi32, #tpu.memory_space<vmem>> -> memref<1x112xi32, #tpu.memory_space<vmem>>
    %dma_start3A_580 = tpu.memref_squeeze %dma_start3A_579 : memref<1x112xi32, #tpu.memory_space<vmem>> -> memref<112xi32, #tpu.memory_space<vmem>>
    %dma_start3A_581 = arith.constant 0 : i32
    %dma_start3A_582 = tpu.memref_slice %arg4[%add3A_576, %dma_start3A_581] : memref<1440x112xi32, #tpu.memory_space<hbm>> -> memref<1x112xi32, #tpu.memory_space<hbm>>
    %dma_start3A_583 = tpu.memref_squeeze %dma_start3A_582 : memref<1x112xi32, #tpu.memory_space<hbm>> -> memref<112xi32, #tpu.memory_space<hbm>>
    %dma_start3A_584 = arith.constant 0 : i32
    %dma_start3A_585 = tpu.memref_slice %arg9[%dma_start3A_577, %dma_start3A_584] : memref<3x112xi32, #tpu.memory_space<vmem>> -> memref<1x112xi32, #tpu.memory_space<vmem>>
    %dma_start3A_586 = tpu.memref_squeeze %dma_start3A_585 : memref<1x112xi32, #tpu.memory_space<vmem>> -> memref<112xi32, #tpu.memory_space<vmem>>
    %dma_start3A_587 = arith.constant 0 : i32
    %dma_start3A_588 = tpu.memref_slice %arg4[%add3A_576, %dma_start3A_587] : memref<1440x112xi32, #tpu.memory_space<hbm>> -> memref<1x112xi32, #tpu.memory_space<hbm>>
    %dma_start3A_589 = tpu.memref_squeeze %dma_start3A_588 : memref<1x112xi32, #tpu.memory_space<hbm>> -> memref<112xi32, #tpu.memory_space<hbm>>
    tpu.enqueue_dma source(%dma_start3A_589 : memref<112xi32, #tpu.memory_space<hbm>>) target(%dma_start3A_586 : memref<112xi32, #tpu.memory_space<vmem>>) target_semaphore(%arg14 : memref<!tpu.dma_semaphore, #tpu.memory_space<semaphore_mem>>)
    %dma_start3A_590 = arith.constant 0 : i32
    %dma_start3A_591 = arith.constant 0 : i32
    %dma_start3A_592 = arith.constant 0 : i32
    %dma_start3A_593 = arith.constant 0 : i32
    %dma_start3A_594 = tpu.memref_slice %arg10[%dma_start3A_591, %dma_start3A_592, %dma_start3A_593] : memref<3x112x128xf32, #tpu.memory_space<vmem>> -> memref<1x112x128xf32, #tpu.memory_space<vmem>>
    %dma_start3A_595 = tpu.memref_squeeze %dma_start3A_594 : memref<1x112x128xf32, #tpu.memory_space<vmem>> -> memref<112x128xf32, #tpu.memory_space<vmem>>
    %dma_start3A_596 = arith.constant 0 : i32
    %dma_start3A_597 = tpu.memref_slice %arg8[%dma_start3A_590, %dma_start3A_596] : memref<3x112xi32, #tpu.memory_space<vmem>> -> memref<1x112xi32, #tpu.memory_space<vmem>>
    %dma_start3A_598 = tpu.memref_squeeze %dma_start3A_597 : memref<1x112xi32, #tpu.memory_space<vmem>> -> memref<112xi32, #tpu.memory_space<vmem>>
    %dma_start3A_599 = arith.constant 0 : i32
    %dma_start3A_600 = arith.constant 0 : i32
    %dma_start3A_601 = tpu.memref_slice %arg2[%dma_start3A_599, %dma_start3A_600] : memref<40000x128xf32, #tpu.memory_space<hbm>> -> memref<40000x128xf32, #tpu.memory_space<hbm>>
    tpu.enqueue_indirect_dma source(%dma_start3A_601 : memref<40000x128xf32, #tpu.memory_space<hbm>>) target(%dma_start3A_595 : memref<112x128xf32, #tpu.memory_space<vmem>>) offsets(%dma_start3A_598 : memref<112xi32, #tpu.memory_space<vmem>>) semaphore(%arg11 : memref<!tpu.dma_semaphore, #tpu.memory_space<semaphore_mem>>)
    %mul3A_602 = arith.constant 90 : i32
    %mul3A_603 = arith.muli %arg1, %mul3A_602 : i32
    %add3A_604 = arith.constant 1 : i32
    %add3A_605 = arith.addi %mul3A_603, %add3A_604 : i32
    %run_scoped3A_606 = arith.constant 1 : i32
    "tpu.region"() ({
      %run_scoped3A_905 = tpu.sem_alloc : memref<!tpu.dma_semaphore, #tpu.memory_space<semaphore_mem>>
      %dma_start3A_906 = arith.constant 0 : i32
      %dma_start3A_907 = tpu.memref_slice %arg8[%run_scoped3A_606, %dma_start3A_906] : memref<3x112xi32, #tpu.memory_space<vmem>> -> memref<1x112xi32, #tpu.memory_space<vmem>>
      %dma_start3A_908 = tpu.memref_squeeze %dma_start3A_907 : memref<1x112xi32, #tpu.memory_space<vmem>> -> memref<112xi32, #tpu.memory_space<vmem>>
      %dma_start3A_909 = arith.constant 0 : i32
      %dma_start3A_910 = tpu.memref_slice %arg3[%add3A_605, %dma_start3A_909] : memref<1440x112xi32, #tpu.memory_space<hbm>> -> memref<1x112xi32, #tpu.memory_space<hbm>>
      %dma_start3A_911 = tpu.memref_squeeze %dma_start3A_910 : memref<1x112xi32, #tpu.memory_space<hbm>> -> memref<112xi32, #tpu.memory_space<hbm>>
      %dma_start3A_912 = arith.constant 0 : i32
      %dma_start3A_913 = tpu.memref_slice %arg8[%run_scoped3A_606, %dma_start3A_912] : memref<3x112xi32, #tpu.memory_space<vmem>> -> memref<1x112xi32, #tpu.memory_space<vmem>>
      %dma_start3A_914 = tpu.memref_squeeze %dma_start3A_913 : memref<1x112xi32, #tpu.memory_space<vmem>> -> memref<112xi32, #tpu.memory_space<vmem>>
      %dma_start3A_915 = arith.constant 0 : i32
      %dma_start3A_916 = tpu.memref_slice %arg3[%add3A_605, %dma_start3A_915] : memref<1440x112xi32, #tpu.memory_space<hbm>> -> memref<1x112xi32, #tpu.memory_space<hbm>>
      %dma_start3A_917 = tpu.memref_squeeze %dma_start3A_916 : memref<1x112xi32, #tpu.memory_space<hbm>> -> memref<112xi32, #tpu.memory_space<hbm>>
      tpu.enqueue_dma source(%dma_start3A_917 : memref<112xi32, #tpu.memory_space<hbm>>) target(%dma_start3A_914 : memref<112xi32, #tpu.memory_space<vmem>>) target_semaphore(%run_scoped3A_905 : memref<!tpu.dma_semaphore, #tpu.memory_space<semaphore_mem>>)
      %dma_wait3A = arith.constant 0 : i32
      %dma_wait3A_918 = tpu.memref_slice %arg8[%run_scoped3A_606, %dma_wait3A] : memref<3x112xi32, #tpu.memory_space<vmem>> -> memref<1x112xi32, #tpu.memory_space<vmem>>
      %dma_wait3A_919 = tpu.memref_squeeze %dma_wait3A_918 : memref<1x112xi32, #tpu.memory_space<vmem>> -> memref<112xi32, #tpu.memory_space<vmem>>
      %dma_wait3A_920 = arith.constant 0 : i32
      %dma_wait3A_921 = tpu.memref_slice %arg3[%add3A_605, %dma_wait3A_920] : memref<1440x112xi32, #tpu.memory_space<hbm>> -> memref<1x112xi32, #tpu.memory_space<hbm>>
      %dma_wait3A_922 = tpu.memref_squeeze %dma_wait3A_921 : memref<1x112xi32, #tpu.memory_space<hbm>> -> memref<112xi32, #tpu.memory_space<hbm>>
      %dma_wait3A_923 = arith.constant 0 : i32
      %dma_wait3A_924 = tpu.memref_slice %arg8[%run_scoped3A_606, %dma_wait3A_923] : memref<3x112xi32, #tpu.memory_space<vmem>> -> memref<1x112xi32, #tpu.memory_space<vmem>>
      %dma_wait3A_925 = tpu.memref_squeeze %dma_wait3A_924 : memref<1x112xi32, #tpu.memory_space<vmem>> -> memref<112xi32, #tpu.memory_space<vmem>>
      %dma_wait3A_926 = arith.constant 0 : i32
      %dma_wait3A_927 = tpu.memref_slice %arg3[%add3A_605, %dma_wait3A_926] : memref<1440x112xi32, #tpu.memory_space<hbm>> -> memref<1x112xi32, #tpu.memory_space<hbm>>
      %dma_wait3A_928 = tpu.memref_squeeze %dma_wait3A_927 : memref<1x112xi32, #tpu.memory_space<hbm>> -> memref<112xi32, #tpu.memory_space<hbm>>
      tpu.wait_dma2 semaphore(%run_scoped3A_905 : memref<!tpu.dma_semaphore, #tpu.memory_space<semaphore_mem>>) src(%dma_wait3A_928 : memref<112xi32, #tpu.memory_space<hbm>>) dst(%dma_wait3A_925 : memref<112xi32, #tpu.memory_space<vmem>>)
      tpu.yield
    }) : () -> ()
    %get3A_607 = arith.constant 1 : i32
    %get3A_608 = arith.index_cast %get3A_607 : i32 to index
    %get3A_609 = arith.constant 0 : index
    %get3A_610 = tpu.vector_load %arg8[%get3A_608, %get3A_609] {strides = array<i32>} : memref<3x112xi32, #tpu.memory_space<vmem>>, vector<1x16xi32>,
    %get3A_611 = vector.shape_cast %get3A_610 : vector<1x16xi32> to vector<16xi32>
    %mul3A_612 = arith.constant 4 : i32
    %mul3A_613 = vector.broadcast %mul3A_612 : i32 to vector<16xi32>
    %mul3A_614 = arith.muli %get3A_611, %mul3A_613 : vector<16xi32>
    %add3A_615 = vector.broadcast %add3A_452 : i32 to vector<16xi32>
    %add3A_616 = arith.addi %mul3A_614, %add3A_615 : vector<16xi32>
    %swap3A_617 = arith.constant 1 : i32
    %swap3A_618 = arith.index_cast %swap3A_617 : i32 to index
    %swap3A_619 = arith.constant 0 : index
    %swap3A_620 = tpu.vector_load %arg8[%swap3A_618, %swap3A_619] {strides = array<i32>} : memref<3x112xi32, #tpu.memory_space<vmem>>, vector<1x16xi32>,
    %swap3A_621 = vector.shape_cast %swap3A_620 : vector<1x16xi32> to vector<16xi32>
    %swap3A_622 = vector.shape_cast %add3A_616 : vector<16xi32> to vector<1x16xi32>
    tpu.vector_store %arg8[%swap3A_618, %swap3A_619], %swap3A_622 {strides = array<i32>} : memref<3x112xi32, #tpu.memory_space<vmem>>, vector<1x16xi32>,
    %get3A_623 = arith.constant 1 : i32
    %get3A_624 = arith.index_cast %get3A_623 : i32 to index
    %get3A_625 = arith.constant 16 : index
    %get3A_626 = tpu.vector_load %arg8[%get3A_624, %get3A_625] {strides = array<i32>} : memref<3x112xi32, #tpu.memory_space<vmem>>, vector<1x16xi32>,
    %get3A_627 = vector.shape_cast %get3A_626 : vector<1x16xi32> to vector<16xi32>
    %mul3A_628 = arith.constant 4 : i32
    %mul3A_629 = vector.broadcast %mul3A_628 : i32 to vector<16xi32>
    %mul3A_630 = arith.muli %get3A_627, %mul3A_629 : vector<16xi32>
    %add3A_631 = vector.broadcast %add3A_452 : i32 to vector<16xi32>
    %add3A_632 = arith.addi %mul3A_630, %add3A_631 : vector<16xi32>
    %swap3A_633 = arith.constant 1 : i32
    %swap3A_634 = arith.index_cast %swap3A_633 : i32 to index
    %swap3A_635 = arith.constant 16 : index
    %swap3A_636 = tpu.vector_load %arg8[%swap3A_634, %swap3A_635] {strides = array<i32>} : memref<3x112xi32, #tpu.memory_space<vmem>>, vector<1x16xi32>,
    %swap3A_637 = vector.shape_cast %swap3A_636 : vector<1x16xi32> to vector<16xi32>
    %swap3A_638 = vector.shape_cast %add3A_632 : vector<16xi32> to vector<1x16xi32>
    tpu.vector_store %arg8[%swap3A_634, %swap3A_635], %swap3A_638 {strides = array<i32>} : memref<3x112xi32, #tpu.memory_space<vmem>>, vector<1x16xi32>,
    %get3A_639 = arith.constant 1 : i32
    %get3A_640 = arith.index_cast %get3A_639 : i32 to index
    %get3A_641 = arith.constant 32 : index
    %get3A_642 = tpu.vector_load %arg8[%get3A_640, %get3A_641] {strides = array<i32>} : memref<3x112xi32, #tpu.memory_space<vmem>>, vector<1x16xi32>,
    %get3A_643 = vector.shape_cast %get3A_642 : vector<1x16xi32> to vector<16xi32>
    %mul3A_644 = arith.constant 4 : i32
    %mul3A_645 = vector.broadcast %mul3A_644 : i32 to vector<16xi32>
    %mul3A_646 = arith.muli %get3A_643, %mul3A_645 : vector<16xi32>
    %add3A_647 = vector.broadcast %add3A_452 : i32 to vector<16xi32>
    %add3A_648 = arith.addi %mul3A_646, %add3A_647 : vector<16xi32>
    %swap3A_649 = arith.constant 1 : i32
    %swap3A_650 = arith.index_cast %swap3A_649 : i32 to index
    %swap3A_651 = arith.constant 32 : index
    %swap3A_652 = tpu.vector_load %arg8[%swap3A_650, %swap3A_651] {strides = array<i32>} : memref<3x112xi32, #tpu.memory_space<vmem>>, vector<1x16xi32>,
    %swap3A_653 = vector.shape_cast %swap3A_652 : vector<1x16xi32> to vector<16xi32>
    %swap3A_654 = vector.shape_cast %add3A_648 : vector<16xi32> to vector<1x16xi32>
    tpu.vector_store %arg8[%swap3A_650, %swap3A_651], %swap3A_654 {strides = array<i32>} : memref<3x112xi32, #tpu.memory_space<vmem>>, vector<1x16xi32>,
    %get3A_655 = arith.constant 1 : i32
    %get3A_656 = arith.index_cast %get3A_655 : i32 to index
    %get3A_657 = arith.constant 48 : index
    %get3A_658 = tpu.vector_load %arg8[%get3A_656, %get3A_657] {strides = array<i32>} : memref<3x112xi32, #tpu.memory_space<vmem>>, vector<1x16xi32>,
    %get3A_659 = vector.shape_cast %get3A_658 : vector<1x16xi32> to vector<16xi32>
    %mul3A_660 = arith.constant 4 : i32
    %mul3A_661 = vector.broadcast %mul3A_660 : i32 to vector<16xi32>
    %mul3A_662 = arith.muli %get3A_659, %mul3A_661 : vector<16xi32>
    %add3A_663 = vector.broadcast %add3A_452 : i32 to vector<16xi32>
    %add3A_664 = arith.addi %mul3A_662, %add3A_663 : vector<16xi32>
    %swap3A_665 = arith.constant 1 : i32
    %swap3A_666 = arith.index_cast %swap3A_665 : i32 to index
    %swap3A_667 = arith.constant 48 : index
    %swap3A_668 = tpu.vector_load %arg8[%swap3A_666, %swap3A_667] {strides = array<i32>} : memref<3x112xi32, #tpu.memory_space<vmem>>, vector<1x16xi32>,
    %swap3A_669 = vector.shape_cast %swap3A_668 : vector<1x16xi32> to vector<16xi32>
    %swap3A_670 = vector.shape_cast %add3A_664 : vector<16xi32> to vector<1x16xi32>
    tpu.vector_store %arg8[%swap3A_666, %swap3A_667], %swap3A_670 {strides = array<i32>} : memref<3x112xi32, #tpu.memory_space<vmem>>, vector<1x16xi32>,
    %get3A_671 = arith.constant 1 : i32
    %get3A_672 = arith.index_cast %get3A_671 : i32 to index
    %get3A_673 = arith.constant 64 : index
    %get3A_674 = tpu.vector_load %arg8[%get3A_672, %get3A_673] {strides = array<i32>} : memref<3x112xi32, #tpu.memory_space<vmem>>, vector<1x16xi32>,
    %get3A_675 = vector.shape_cast %get3A_674 : vector<1x16xi32> to vector<16xi32>
    %mul3A_676 = arith.constant 4 : i32
    %mul3A_677 = vector.broadcast %mul3A_676 : i32 to vector<16xi32>
    %mul3A_678 = arith.muli %get3A_675, %mul3A_677 : vector<16xi32>
    %add3A_679 = vector.broadcast %add3A_452 : i32 to vector<16xi32>
    %add3A_680 = arith.addi %mul3A_678, %add3A_679 : vector<16xi32>
    %swap3A_681 = arith.constant 1 : i32
    %swap3A_682 = arith.index_cast %swap3A_681 : i32 to index
    %swap3A_683 = arith.constant 64 : index
    %swap3A_684 = tpu.vector_load %arg8[%swap3A_682, %swap3A_683] {strides = array<i32>} : memref<3x112xi32, #tpu.memory_space<vmem>>, vector<1x16xi32>,
    %swap3A_685 = vector.shape_cast %swap3A_684 : vector<1x16xi32> to vector<16xi32>
    %swap3A_686 = vector.shape_cast %add3A_680 : vector<16xi32> to vector<1x16xi32>
    tpu.vector_store %arg8[%swap3A_682, %swap3A_683], %swap3A_686 {strides = array<i32>} : memref<3x112xi32, #tpu.memory_space<vmem>>, vector<1x16xi32>,
    %get3A_687 = arith.constant 1 : i32
    %get3A_688 = arith.index_cast %get3A_687 : i32 to index
    %get3A_689 = arith.constant 80 : index
    %get3A_690 = tpu.vector_load %arg8[%get3A_688, %get3A_689] {strides = array<i32>} : memref<3x112xi32, #tpu.memory_space<vmem>>, vector<1x16xi32>,
    %get3A_691 = vector.shape_cast %get3A_690 : vector<1x16xi32> to vector<16xi32>
    %mul3A_692 = arith.constant 4 : i32
    %mul3A_693 = vector.broadcast %mul3A_692 : i32 to vector<16xi32>
    %mul3A_694 = arith.muli %get3A_691, %mul3A_693 : vector<16xi32>
    %add3A_695 = vector.broadcast %add3A_452 : i32 to vector<16xi32>
    %add3A_696 = arith.addi %mul3A_694, %add3A_695 : vector<16xi32>
    %swap3A_697 = arith.constant 1 : i32
    %swap3A_698 = arith.index_cast %swap3A_697 : i32 to index
    %swap3A_699 = arith.constant 80 : index
    %swap3A_700 = tpu.vector_load %arg8[%swap3A_698, %swap3A_699] {strides = array<i32>} : memref<3x112xi32, #tpu.memory_space<vmem>>, vector<1x16xi32>,
    %swap3A_701 = vector.shape_cast %swap3A_700 : vector<1x16xi32> to vector<16xi32>
    %swap3A_702 = vector.shape_cast %add3A_696 : vector<16xi32> to vector<1x16xi32>
    tpu.vector_store %arg8[%swap3A_698, %swap3A_699], %swap3A_702 {strides = array<i32>} : memref<3x112xi32, #tpu.memory_space<vmem>>, vector<1x16xi32>,
    %get3A_703 = arith.constant 1 : i32
    %get3A_704 = arith.index_cast %get3A_703 : i32 to index
    %get3A_705 = arith.constant 96 : index
    %get3A_706 = tpu.vector_load %arg8[%get3A_704, %get3A_705] {strides = array<i32>} : memref<3x112xi32, #tpu.memory_space<vmem>>, vector<1x16xi32>,
    %get3A_707 = vector.shape_cast %get3A_706 : vector<1x16xi32> to vector<16xi32>
    %mul3A_708 = arith.constant 4 : i32
    %mul3A_709 = vector.broadcast %mul3A_708 : i32 to vector<16xi32>
    %mul3A_710 = arith.muli %get3A_707, %mul3A_709 : vector<16xi32>
    %add3A_711 = vector.broadcast %add3A_452 : i32 to vector<16xi32>
    %add3A_712 = arith.addi %mul3A_710, %add3A_711 : vector<16xi32>
    %swap3A_713 = arith.constant 1 : i32
    %swap3A_714 = arith.index_cast %swap3A_713 : i32 to index
    %swap3A_715 = arith.constant 96 : index
    %swap3A_716 = tpu.vector_load %arg8[%swap3A_714, %swap3A_715] {strides = array<i32>} : memref<3x112xi32, #tpu.memory_space<vmem>>, vector<1x16xi32>,
    %swap3A_717 = vector.shape_cast %swap3A_716 : vector<1x16xi32> to vector<16xi32>
    %swap3A_718 = vector.shape_cast %add3A_712 : vector<16xi32> to vector<1x16xi32>
    tpu.vector_store %arg8[%swap3A_714, %swap3A_715], %swap3A_718 {strides = array<i32>} : memref<3x112xi32, #tpu.memory_space<vmem>>, vector<1x16xi32>,
    %mul3A_719 = arith.constant 90 : i32
    %mul3A_720 = arith.muli %arg1, %mul3A_719 : i32
    %add3A_721 = arith.constant 1 : i32
    %add3A_722 = arith.addi %mul3A_720, %add3A_721 : i32
    %dma_start3A_723 = arith.constant 1 : i32
    %dma_start3A_724 = arith.constant 0 : i32
    %dma_start3A_725 = tpu.memref_slice %arg9[%dma_start3A_723, %dma_start3A_724] : memref<3x112xi32, #tpu.memory_space<vmem>> -> memref<1x112xi32, #tpu.memory_space<vmem>>
    %dma_start3A_726 = tpu.memref_squeeze %dma_start3A_725 : memref<1x112xi32, #tpu.memory_space<vmem>> -> memref<112xi32, #tpu.memory_space<vmem>>
    %dma_start3A_727 = arith.constant 0 : i32
    %dma_start3A_728 = tpu.memref_slice %arg4[%add3A_722, %dma_start3A_727] : memref<1440x112xi32, #tpu.memory_space<hbm>> -> memref<1x112xi32, #tpu.memory_space<hbm>>
    %dma_start3A_729 = tpu.memref_squeeze %dma_start3A_728 : memref<1x112xi32, #tpu.memory_space<hbm>> -> memref<112xi32, #tpu.memory_space<hbm>>
    %dma_start3A_730 = arith.constant 0 : i32
    %dma_start3A_731 = tpu.memref_slice %arg9[%dma_start3A_723, %dma_start3A_730] : memref<3x112xi32, #tpu.memory_space<vmem>> -> memref<1x112xi32, #tpu.memory_space<vmem>>
    %dma_start3A_732 = tpu.memref_squeeze %dma_start3A_731 : memref<1x112xi32, #tpu.memory_space<vmem>> -> memref<112xi32, #tpu.memory_space<vmem>>
    %dma_start3A_733 = arith.constant 0 : i32
    %dma_start3A_734 = tpu.memref_slice %arg4[%add3A_722, %dma_start3A_733] : memref<1440x112xi32, #tpu.memory_space<hbm>> -> memref<1x112xi32, #tpu.memory_space<hbm>>
    %dma_start3A_735 = tpu.memref_squeeze %dma_start3A_734 : memref<1x112xi32, #tpu.memory_space<hbm>> -> memref<112xi32, #tpu.memory_space<hbm>>
    tpu.enqueue_dma source(%dma_start3A_735 : memref<112xi32, #tpu.memory_space<hbm>>) target(%dma_start3A_732 : memref<112xi32, #tpu.memory_space<vmem>>) target_semaphore(%arg15 : memref<!tpu.dma_semaphore, #tpu.memory_space<semaphore_mem>>)
    %dma_start3A_736 = arith.constant 1 : i32
    %dma_start3A_737 = arith.constant 1 : i32
    %dma_start3A_738 = arith.constant 0 : i32
    %dma_start3A_739 = arith.constant 0 : i32
    %dma_start3A_740 = tpu.memref_slice %arg10[%dma_start3A_737, %dma_start3A_738, %dma_start3A_739] : memref<3x112x128xf32, #tpu.memory_space<vmem>> -> memref<1x112x128xf32, #tpu.memory_space<vmem>>
    %dma_start3A_741 = tpu.memref_squeeze %dma_start3A_740 : memref<1x112x128xf32, #tpu.memory_space<vmem>> -> memref<112x128xf32, #tpu.memory_space<vmem>>
    %dma_start3A_742 = arith.constant 0 : i32
    %dma_start3A_743 = tpu.memref_slice %arg8[%dma_start3A_736, %dma_start3A_742] : memref<3x112xi32, #tpu.memory_space<vmem>> -> memref<1x112xi32, #tpu.memory_space<vmem>>
    %dma_start3A_744 = tpu.memref_squeeze %dma_start3A_743 : memref<1x112xi32, #tpu.memory_space<vmem>> -> memref<112xi32, #tpu.memory_space<vmem>>
    %dma_start3A_745 = arith.constant 0 : i32
    %dma_start3A_746 = arith.constant 0 : i32
    %dma_start3A_747 = tpu.memref_slice %arg2[%dma_start3A_745, %dma_start3A_746] : memref<40000x128xf32, #tpu.memory_space<hbm>> -> memref<40000x128xf32, #tpu.memory_space<hbm>>
    tpu.enqueue_indirect_dma source(%dma_start3A_747 : memref<40000x128xf32, #tpu.memory_space<hbm>>) target(%dma_start3A_741 : memref<112x128xf32, #tpu.memory_space<vmem>>) offsets(%dma_start3A_744 : memref<112xi32, #tpu.memory_space<vmem>>) semaphore(%arg12 : memref<!tpu.dma_semaphore, #tpu.memory_space<semaphore_mem>>)
    %mul3A_748 = arith.constant 90 : i32
    %mul3A_749 = arith.muli %arg1, %mul3A_748 : i32
    %add3A_750 = arith.constant 2 : i32
    %add3A_751 = arith.addi %mul3A_749, %add3A_750 : i32
    %run_scoped3A_752 = arith.constant 2 : i32
    "tpu.region"() ({
      %run_scoped3A_905 = tpu.sem_alloc : memref<!tpu.dma_semaphore, #tpu.memory_space<semaphore_mem>>
      %dma_start3A_906 = arith.constant 0 : i32
      %dma_start3A_907 = tpu.memref_slice %arg8[%run_scoped3A_752, %dma_start3A_906] : memref<3x112xi32, #tpu.memory_space<vmem>> -> memref<1x112xi32, #tpu.memory_space<vmem>>
      %dma_start3A_908 = tpu.memref_squeeze %dma_start3A_907 : memref<1x112xi32, #tpu.memory_space<vmem>> -> memref<112xi32, #tpu.memory_space<vmem>>
      %dma_start3A_909 = arith.constant 0 : i32
      %dma_start3A_910 = tpu.memref_slice %arg3[%add3A_751, %dma_start3A_909] : memref<1440x112xi32, #tpu.memory_space<hbm>> -> memref<1x112xi32, #tpu.memory_space<hbm>>
      %dma_start3A_911 = tpu.memref_squeeze %dma_start3A_910 : memref<1x112xi32, #tpu.memory_space<hbm>> -> memref<112xi32, #tpu.memory_space<hbm>>
      %dma_start3A_912 = arith.constant 0 : i32
      %dma_start3A_913 = tpu.memref_slice %arg8[%run_scoped3A_752, %dma_start3A_912] : memref<3x112xi32, #tpu.memory_space<vmem>> -> memref<1x112xi32, #tpu.memory_space<vmem>>
      %dma_start3A_914 = tpu.memref_squeeze %dma_start3A_913 : memref<1x112xi32, #tpu.memory_space<vmem>> -> memref<112xi32, #tpu.memory_space<vmem>>
      %dma_start3A_915 = arith.constant 0 : i32
      %dma_start3A_916 = tpu.memref_slice %arg3[%add3A_751, %dma_start3A_915] : memref<1440x112xi32, #tpu.memory_space<hbm>> -> memref<1x112xi32, #tpu.memory_space<hbm>>
      %dma_start3A_917 = tpu.memref_squeeze %dma_start3A_916 : memref<1x112xi32, #tpu.memory_space<hbm>> -> memref<112xi32, #tpu.memory_space<hbm>>
      tpu.enqueue_dma source(%dma_start3A_917 : memref<112xi32, #tpu.memory_space<hbm>>) target(%dma_start3A_914 : memref<112xi32, #tpu.memory_space<vmem>>) target_semaphore(%run_scoped3A_905 : memref<!tpu.dma_semaphore, #tpu.memory_space<semaphore_mem>>)
      %dma_wait3A = arith.constant 0 : i32
      %dma_wait3A_918 = tpu.memref_slice %arg8[%run_scoped3A_752, %dma_wait3A] : memref<3x112xi32, #tpu.memory_space<vmem>> -> memref<1x112xi32, #tpu.memory_space<vmem>>
      %dma_wait3A_919 = tpu.memref_squeeze %dma_wait3A_918 : memref<1x112xi32, #tpu.memory_space<vmem>> -> memref<112xi32, #tpu.memory_space<vmem>>
      %dma_wait3A_920 = arith.constant 0 : i32
      %dma_wait3A_921 = tpu.memref_slice %arg3[%add3A_751, %dma_wait3A_920] : memref<1440x112xi32, #tpu.memory_space<hbm>> -> memref<1x112xi32, #tpu.memory_space<hbm>>
      %dma_wait3A_922 = tpu.memref_squeeze %dma_wait3A_921 : memref<1x112xi32, #tpu.memory_space<hbm>> -> memref<112xi32, #tpu.memory_space<hbm>>
      %dma_wait3A_923 = arith.constant 0 : i32
      %dma_wait3A_924 = tpu.memref_slice %arg8[%run_scoped3A_752, %dma_wait3A_923] : memref<3x112xi32, #tpu.memory_space<vmem>> -> memref<1x112xi32, #tpu.memory_space<vmem>>
      %dma_wait3A_925 = tpu.memref_squeeze %dma_wait3A_924 : memref<1x112xi32, #tpu.memory_space<vmem>> -> memref<112xi32, #tpu.memory_space<vmem>>
      %dma_wait3A_926 = arith.constant 0 : i32
      %dma_wait3A_927 = tpu.memref_slice %arg3[%add3A_751, %dma_wait3A_926] : memref<1440x112xi32, #tpu.memory_space<hbm>> -> memref<1x112xi32, #tpu.memory_space<hbm>>
      %dma_wait3A_928 = tpu.memref_squeeze %dma_wait3A_927 : memref<1x112xi32, #tpu.memory_space<hbm>> -> memref<112xi32, #tpu.memory_space<hbm>>
      tpu.wait_dma2 semaphore(%run_scoped3A_905 : memref<!tpu.dma_semaphore, #tpu.memory_space<semaphore_mem>>) src(%dma_wait3A_928 : memref<112xi32, #tpu.memory_space<hbm>>) dst(%dma_wait3A_925 : memref<112xi32, #tpu.memory_space<vmem>>)
      tpu.yield
    }) : () -> ()
    %get3A_753 = arith.constant 2 : i32
    %get3A_754 = arith.index_cast %get3A_753 : i32 to index
    %get3A_755 = arith.constant 0 : index
    %get3A_756 = tpu.vector_load %arg8[%get3A_754, %get3A_755] {strides = array<i32>} : memref<3x112xi32, #tpu.memory_space<vmem>>, vector<1x16xi32>,
    %get3A_757 = vector.shape_cast %get3A_756 : vector<1x16xi32> to vector<16xi32>
    %mul3A_758 = arith.constant 4 : i32
    %mul3A_759 = vector.broadcast %mul3A_758 : i32 to vector<16xi32>
    %mul3A_760 = arith.muli %get3A_757, %mul3A_759 : vector<16xi32>
    %add3A_761 = vector.broadcast %add3A_452 : i32 to vector<16xi32>
    %add3A_762 = arith.addi %mul3A_760, %add3A_761 : vector<16xi32>
    %swap3A_763 = arith.constant 2 : i32
    %swap3A_764 = arith.index_cast %swap3A_763 : i32 to index
    %swap3A_765 = arith.constant 0 : index
    %swap3A_766 = tpu.vector_load %arg8[%swap3A_764, %swap3A_765] {strides = array<i32>} : memref<3x112xi32, #tpu.memory_space<vmem>>, vector<1x16xi32>,
    %swap3A_767 = vector.shape_cast %swap3A_766 : vector<1x16xi32> to vector<16xi32>
    %swap3A_768 = vector.shape_cast %add3A_762 : vector<16xi32> to vector<1x16xi32>
    tpu.vector_store %arg8[%swap3A_764, %swap3A_765], %swap3A_768 {strides = array<i32>} : memref<3x112xi32, #tpu.memory_space<vmem>>, vector<1x16xi32>,
    %get3A_769 = arith.constant 2 : i32
    %get3A_770 = arith.index_cast %get3A_769 : i32 to index
    %get3A_771 = arith.constant 16 : index
    %get3A_772 = tpu.vector_load %arg8[%get3A_770, %get3A_771] {strides = array<i32>} : memref<3x112xi32, #tpu.memory_space<vmem>>, vector<1x16xi32>,
    %get3A_773 = vector.shape_cast %get3A_772 : vector<1x16xi32> to vector<16xi32>
    %mul3A_774 = arith.constant 4 : i32
    %mul3A_775 = vector.broadcast %mul3A_774 : i32 to vector<16xi32>
    %mul3A_776 = arith.muli %get3A_773, %mul3A_775 : vector<16xi32>
    %add3A_777 = vector.broadcast %add3A_452 : i32 to vector<16xi32>
    %add3A_778 = arith.addi %mul3A_776, %add3A_777 : vector<16xi32>
    %swap3A_779 = arith.constant 2 : i32
    %swap3A_780 = arith.index_cast %swap3A_779 : i32 to index
    %swap3A_781 = arith.constant 16 : index
    %swap3A_782 = tpu.vector_load %arg8[%swap3A_780, %swap3A_781] {strides = array<i32>} : memref<3x112xi32, #tpu.memory_space<vmem>>, vector<1x16xi32>,
    %swap3A_783 = vector.shape_cast %swap3A_782 : vector<1x16xi32> to vector<16xi32>
    %swap3A_784 = vector.shape_cast %add3A_778 : vector<16xi32> to vector<1x16xi32>
    tpu.vector_store %arg8[%swap3A_780, %swap3A_781], %swap3A_784 {strides = array<i32>} : memref<3x112xi32, #tpu.memory_space<vmem>>, vector<1x16xi32>,
    %get3A_785 = arith.constant 2 : i32
    %get3A_786 = arith.index_cast %get3A_785 : i32 to index
    %get3A_787 = arith.constant 32 : index
    %get3A_788 = tpu.vector_load %arg8[%get3A_786, %get3A_787] {strides = array<i32>} : memref<3x112xi32, #tpu.memory_space<vmem>>, vector<1x16xi32>,
    %get3A_789 = vector.shape_cast %get3A_788 : vector<1x16xi32> to vector<16xi32>
    %mul3A_790 = arith.constant 4 : i32
    %mul3A_791 = vector.broadcast %mul3A_790 : i32 to vector<16xi32>
    %mul3A_792 = arith.muli %get3A_789, %mul3A_791 : vector<16xi32>
    %add3A_793 = vector.broadcast %add3A_452 : i32 to vector<16xi32>
    %add3A_794 = arith.addi %mul3A_792, %add3A_793 : vector<16xi32>
    %swap3A_795 = arith.constant 2 : i32
    %swap3A_796 = arith.index_cast %swap3A_795 : i32 to index
    %swap3A_797 = arith.constant 32 : index
    %swap3A_798 = tpu.vector_load %arg8[%swap3A_796, %swap3A_797] {strides = array<i32>} : memref<3x112xi32, #tpu.memory_space<vmem>>, vector<1x16xi32>,
    %swap3A_799 = vector.shape_cast %swap3A_798 : vector<1x16xi32> to vector<16xi32>
    %swap3A_800 = vector.shape_cast %add3A_794 : vector<16xi32> to vector<1x16xi32>
    tpu.vector_store %arg8[%swap3A_796, %swap3A_797], %swap3A_800 {strides = array<i32>} : memref<3x112xi32, #tpu.memory_space<vmem>>, vector<1x16xi32>,
    %get3A_801 = arith.constant 2 : i32
    %get3A_802 = arith.index_cast %get3A_801 : i32 to index
    %get3A_803 = arith.constant 48 : index
    %get3A_804 = tpu.vector_load %arg8[%get3A_802, %get3A_803] {strides = array<i32>} : memref<3x112xi32, #tpu.memory_space<vmem>>, vector<1x16xi32>,
    %get3A_805 = vector.shape_cast %get3A_804 : vector<1x16xi32> to vector<16xi32>
    %mul3A_806 = arith.constant 4 : i32
    %mul3A_807 = vector.broadcast %mul3A_806 : i32 to vector<16xi32>
    %mul3A_808 = arith.muli %get3A_805, %mul3A_807 : vector<16xi32>
    %add3A_809 = vector.broadcast %add3A_452 : i32 to vector<16xi32>
    %add3A_810 = arith.addi %mul3A_808, %add3A_809 : vector<16xi32>
    %swap3A_811 = arith.constant 2 : i32
    %swap3A_812 = arith.index_cast %swap3A_811 : i32 to index
    %swap3A_813 = arith.constant 48 : index
    %swap3A_814 = tpu.vector_load %arg8[%swap3A_812, %swap3A_813] {strides = array<i32>} : memref<3x112xi32, #tpu.memory_space<vmem>>, vector<1x16xi32>,
    %swap3A_815 = vector.shape_cast %swap3A_814 : vector<1x16xi32> to vector<16xi32>
    %swap3A_816 = vector.shape_cast %add3A_810 : vector<16xi32> to vector<1x16xi32>
    tpu.vector_store %arg8[%swap3A_812, %swap3A_813], %swap3A_816 {strides = array<i32>} : memref<3x112xi32, #tpu.memory_space<vmem>>, vector<1x16xi32>,
    %get3A_817 = arith.constant 2 : i32
    %get3A_818 = arith.index_cast %get3A_817 : i32 to index
    %get3A_819 = arith.constant 64 : index
    %get3A_820 = tpu.vector_load %arg8[%get3A_818, %get3A_819] {strides = array<i32>} : memref<3x112xi32, #tpu.memory_space<vmem>>, vector<1x16xi32>,
    %get3A_821 = vector.shape_cast %get3A_820 : vector<1x16xi32> to vector<16xi32>
    %mul3A_822 = arith.constant 4 : i32
    %mul3A_823 = vector.broadcast %mul3A_822 : i32 to vector<16xi32>
    %mul3A_824 = arith.muli %get3A_821, %mul3A_823 : vector<16xi32>
    %add3A_825 = vector.broadcast %add3A_452 : i32 to vector<16xi32>
    %add3A_826 = arith.addi %mul3A_824, %add3A_825 : vector<16xi32>
    %swap3A_827 = arith.constant 2 : i32
    %swap3A_828 = arith.index_cast %swap3A_827 : i32 to index
    %swap3A_829 = arith.constant 64 : index
    %swap3A_830 = tpu.vector_load %arg8[%swap3A_828, %swap3A_829] {strides = array<i32>} : memref<3x112xi32, #tpu.memory_space<vmem>>, vector<1x16xi32>,
    %swap3A_831 = vector.shape_cast %swap3A_830 : vector<1x16xi32> to vector<16xi32>
    %swap3A_832 = vector.shape_cast %add3A_826 : vector<16xi32> to vector<1x16xi32>
    tpu.vector_store %arg8[%swap3A_828, %swap3A_829], %swap3A_832 {strides = array<i32>} : memref<3x112xi32, #tpu.memory_space<vmem>>, vector<1x16xi32>,
    %get3A_833 = arith.constant 2 : i32
    %get3A_834 = arith.index_cast %get3A_833 : i32 to index
    %get3A_835 = arith.constant 80 : index
    %get3A_836 = tpu.vector_load %arg8[%get3A_834, %get3A_835] {strides = array<i32>} : memref<3x112xi32, #tpu.memory_space<vmem>>, vector<1x16xi32>,
    %get3A_837 = vector.shape_cast %get3A_836 : vector<1x16xi32> to vector<16xi32>
    %mul3A_838 = arith.constant 4 : i32
    %mul3A_839 = vector.broadcast %mul3A_838 : i32 to vector<16xi32>
    %mul3A_840 = arith.muli %get3A_837, %mul3A_839 : vector<16xi32>
    %add3A_841 = vector.broadcast %add3A_452 : i32 to vector<16xi32>
    %add3A_842 = arith.addi %mul3A_840, %add3A_841 : vector<16xi32>
    %swap3A_843 = arith.constant 2 : i32
    %swap3A_844 = arith.index_cast %swap3A_843 : i32 to index
    %swap3A_845 = arith.constant 80 : index
    %swap3A_846 = tpu.vector_load %arg8[%swap3A_844, %swap3A_845] {strides = array<i32>} : memref<3x112xi32, #tpu.memory_space<vmem>>, vector<1x16xi32>,
    %swap3A_847 = vector.shape_cast %swap3A_846 : vector<1x16xi32> to vector<16xi32>
    %swap3A_848 = vector.shape_cast %add3A_842 : vector<16xi32> to vector<1x16xi32>
    tpu.vector_store %arg8[%swap3A_844, %swap3A_845], %swap3A_848 {strides = array<i32>} : memref<3x112xi32, #tpu.memory_space<vmem>>, vector<1x16xi32>,
    %get3A_849 = arith.constant 2 : i32
    %get3A_850 = arith.index_cast %get3A_849 : i32 to index
    %get3A_851 = arith.constant 96 : index
    %get3A_852 = tpu.vector_load %arg8[%get3A_850, %get3A_851] {strides = array<i32>} : memref<3x112xi32, #tpu.memory_space<vmem>>, vector<1x16xi32>,
    %get3A_853 = vector.shape_cast %get3A_852 : vector<1x16xi32> to vector<16xi32>
    %mul3A_854 = arith.constant 4 : i32
    %mul3A_855 = vector.broadcast %mul3A_854 : i32 to vector<16xi32>
    %mul3A_856 = arith.muli %get3A_853, %mul3A_855 : vector<16xi32>
    %add3A_857 = vector.broadcast %add3A_452 : i32 to vector<16xi32>
    %add3A_858 = arith.addi %mul3A_856, %add3A_857 : vector<16xi32>
    %swap3A_859 = arith.constant 2 : i32
    %swap3A_860 = arith.index_cast %swap3A_859 : i32 to index
    %swap3A_861 = arith.constant 96 : index
    %swap3A_862 = tpu.vector_load %arg8[%swap3A_860, %swap3A_861] {strides = array<i32>} : memref<3x112xi32, #tpu.memory_space<vmem>>, vector<1x16xi32>,
    %swap3A_863 = vector.shape_cast %swap3A_862 : vector<1x16xi32> to vector<16xi32>
    %swap3A_864 = vector.shape_cast %add3A_858 : vector<16xi32> to vector<1x16xi32>
    tpu.vector_store %arg8[%swap3A_860, %swap3A_861], %swap3A_864 {strides = array<i32>} : memref<3x112xi32, #tpu.memory_space<vmem>>, vector<1x16xi32>,
    %mul3A_865 = arith.constant 90 : i32
    %mul3A_866 = arith.muli %arg1, %mul3A_865 : i32
    %add3A_867 = arith.constant 2 : i32
    %add3A_868 = arith.addi %mul3A_866, %add3A_867 : i32
    %dma_start3A_869 = arith.constant 2 : i32
    %dma_start3A_870 = arith.constant 0 : i32
    %dma_start3A_871 = tpu.memref_slice %arg9[%dma_start3A_869, %dma_start3A_870] : memref<3x112xi32, #tpu.memory_space<vmem>> -> memref<1x112xi32, #tpu.memory_space<vmem>>
    %dma_start3A_872 = tpu.memref_squeeze %dma_start3A_871 : memref<1x112xi32, #tpu.memory_space<vmem>> -> memref<112xi32, #tpu.memory_space<vmem>>
    %dma_start3A_873 = arith.constant 0 : i32
    %dma_start3A_874 = tpu.memref_slice %arg4[%add3A_868, %dma_start3A_873] : memref<1440x112xi32, #tpu.memory_space<hbm>> -> memref<1x112xi32, #tpu.memory_space<hbm>>
    %dma_start3A_875 = tpu.memref_squeeze %dma_start3A_874 : memref<1x112xi32, #tpu.memory_space<hbm>> -> memref<112xi32, #tpu.memory_space<hbm>>
    %dma_start3A_876 = arith.constant 0 : i32
    %dma_start3A_877 = tpu.memref_slice %arg9[%dma_start3A_869, %dma_start3A_876] : memref<3x112xi32, #tpu.memory_space<vmem>> -> memref<1x112xi32, #tpu.memory_space<vmem>>
    %dma_start3A_878 = tpu.memref_squeeze %dma_start3A_877 : memref<1x112xi32, #tpu.memory_space<vmem>> -> memref<112xi32, #tpu.memory_space<vmem>>
    %dma_start3A_879 = arith.constant 0 : i32
    %dma_start3A_880 = tpu.memref_slice %arg4[%add3A_868, %dma_start3A_879] : memref<1440x112xi32, #tpu.memory_space<hbm>> -> memref<1x112xi32, #tpu.memory_space<hbm>>
    %dma_start3A_881 = tpu.memref_squeeze %dma_start3A_880 : memref<1x112xi32, #tpu.memory_space<hbm>> -> memref<112xi32, #tpu.memory_space<hbm>>
    tpu.enqueue_dma source(%dma_start3A_881 : memref<112xi32, #tpu.memory_space<hbm>>) target(%dma_start3A_878 : memref<112xi32, #tpu.memory_space<vmem>>) target_semaphore(%arg16 : memref<!tpu.dma_semaphore, #tpu.memory_space<semaphore_mem>>)
    %dma_start3A_882 = arith.constant 2 : i32
    %dma_start3A_883 = arith.constant 2 : i32
    %dma_start3A_884 = arith.constant 0 : i32
    %dma_start3A_885 = arith.constant 0 : i32
    %dma_start3A_886 = tpu.memref_slice %arg10[%dma_start3A_883, %dma_start3A_884, %dma_start3A_885] : memref<3x112x128xf32, #tpu.memory_space<vmem>> -> memref<1x112x128xf32, #tpu.memory_space<vmem>>
    %dma_start3A_887 = tpu.memref_squeeze %dma_start3A_886 : memref<1x112x128xf32, #tpu.memory_space<vmem>> -> memref<112x128xf32, #tpu.memory_space<vmem>>
    %dma_start3A_888 = arith.constant 0 : i32
    %dma_start3A_889 = tpu.memref_slice %arg8[%dma_start3A_882, %dma_start3A_888] : memref<3x112xi32, #tpu.memory_space<vmem>> -> memref<1x112xi32, #tpu.memory_space<vmem>>
    %dma_start3A_890 = tpu.memref_squeeze %dma_start3A_889 : memref<1x112xi32, #tpu.memory_space<vmem>> -> memref<112xi32, #tpu.memory_space<vmem>>
    %dma_start3A_891 = arith.constant 0 : i32
    %dma_start3A_892 = arith.constant 0 : i32
    %dma_start3A_893 = tpu.memref_slice %arg2[%dma_start3A_891, %dma_start3A_892] : memref<40000x128xf32, #tpu.memory_space<hbm>> -> memref<40000x128xf32, #tpu.memory_space<hbm>>
    tpu.enqueue_indirect_dma source(%dma_start3A_893 : memref<40000x128xf32, #tpu.memory_space<hbm>>) target(%dma_start3A_887 : memref<112x128xf32, #tpu.memory_space<vmem>>) offsets(%dma_start3A_890 : memref<112xi32, #tpu.memory_space<vmem>>) semaphore(%arg13 : memref<!tpu.dma_semaphore, #tpu.memory_space<semaphore_mem>>)
    %scan3A_894 = arith.constant 0 : i32
    %scan3A_895 = arith.constant 0 : i32
    %scan3A_896 = arith.constant 30 : i32
    %scan3A_897 = arith.addi %scan3A_895, %scan3A_896 : i32
    %scan3A_898 = arith.constant 1 : i32
    scf.for %scan3A_905 = %scan3A_895 to %scan3A_897 step %scan3A_898  : i32 {
      %mul3A_906 = arith.constant 3 : i32
      %mul3A_907 = arith.muli %scan3A_905, %mul3A_906 : i32
      %add3A_908 = arith.constant 0 : i32
      %add3A_909 = arith.addi %mul3A_907, %add3A_908 : i32
      %dma_wait3A = arith.constant 0 : i32
      %dma_wait3A_910 = arith.constant 0 : i32
      %dma_wait3A_911 = arith.constant 0 : i32
      %dma_wait3A_912 = arith.constant 0 : i32
      %dma_wait3A_913 = tpu.memref_slice %arg10[%dma_wait3A_910, %dma_wait3A_911, %dma_wait3A_912] : memref<3x112x128xf32, #tpu.memory_space<vmem>> -> memref<1x112x128xf32, #tpu.memory_space<vmem>>
      %dma_wait3A_914 = tpu.memref_squeeze %dma_wait3A_913 : memref<1x112x128xf32, #tpu.memory_space<vmem>> -> memref<112x128xf32, #tpu.memory_space<vmem>>
      %dma_wait3A_915 = arith.constant 0 : i32
      %dma_wait3A_916 = tpu.memref_slice %arg8[%dma_wait3A, %dma_wait3A_915] : memref<3x112xi32, #tpu.memory_space<vmem>> -> memref<1x112xi32, #tpu.memory_space<vmem>>
      %dma_wait3A_917 = tpu.memref_squeeze %dma_wait3A_916 : memref<1x112xi32, #tpu.memory_space<vmem>> -> memref<112xi32, #tpu.memory_space<vmem>>
      %dma_wait3A_918 = arith.constant 0 : i32
      %dma_wait3A_919 = arith.constant 0 : i32
      %dma_wait3A_920 = tpu.memref_slice %arg2[%dma_wait3A_918, %dma_wait3A_919] : memref<40000x128xf32, #tpu.memory_space<hbm>> -> memref<40000x128xf32, #tpu.memory_space<hbm>>
      tpu.wait_indirect_dma semaphore(%arg11 : memref<!tpu.dma_semaphore, #tpu.memory_space<semaphore_mem>>) src(%dma_wait3A_920 : memref<40000x128xf32, #tpu.memory_space<hbm>>) dst(%dma_wait3A_914 : memref<112x128xf32, #tpu.memory_space<vmem>>)
      %lt3A = arith.constant 29 : i32
      %lt3A_921 = arith.cmpi slt, %scan3A_905, %lt3A : i32
      %convert_element_type3A = arith.extui %lt3A_921 : i1 to i32
      %cond3A = arith.constant 0 : i32
      %cond3A_922 = arith.cmpi ne, %convert_element_type3A, %cond3A : i32
      scf.if %cond3A_922 {
        %mul3A_1034 = arith.constant 90 : i32
        %mul3A_1035 = arith.muli %arg1, %mul3A_1034 : i32
        %add3A_1036 = arith.addi %mul3A_1035, %add3A_909 : i32
        %add3A_1037 = arith.constant 3 : i32
        %add3A_1038 = arith.addi %add3A_1036, %add3A_1037 : i32
        %dma_start3A_1039 = arith.constant 0 : i32
        %dma_start3A_1040 = arith.constant 0 : i32
        %dma_start3A_1041 = tpu.memref_slice %arg8[%dma_start3A_1039, %dma_start3A_1040] : memref<3x112xi32, #tpu.memory_space<vmem>> -> memref<1x112xi32, #tpu.memory_space<vmem>>
        %dma_start3A_1042 = tpu.memref_squeeze %dma_start3A_1041 : memref<1x112xi32, #tpu.memory_space<vmem>> -> memref<112xi32, #tpu.memory_space<vmem>>
        %dma_start3A_1043 = arith.constant 0 : i32
        %dma_start3A_1044 = tpu.memref_slice %arg3[%add3A_1038, %dma_start3A_1043] : memref<1440x112xi32, #tpu.memory_space<hbm>> -> memref<1x112xi32, #tpu.memory_space<hbm>>
        %dma_start3A_1045 = tpu.memref_squeeze %dma_start3A_1044 : memref<1x112xi32, #tpu.memory_space<hbm>> -> memref<112xi32, #tpu.memory_space<hbm>>
        %dma_start3A_1046 = arith.constant 0 : i32
        %dma_start3A_1047 = tpu.memref_slice %arg8[%dma_start3A_1039, %dma_start3A_1046] : memref<3x112xi32, #tpu.memory_space<vmem>> -> memref<1x112xi32, #tpu.memory_space<vmem>>
        %dma_start3A_1048 = tpu.memref_squeeze %dma_start3A_1047 : memref<1x112xi32, #tpu.memory_space<vmem>> -> memref<112xi32, #tpu.memory_space<vmem>>
        %dma_start3A_1049 = arith.constant 0 : i32
        %dma_start3A_1050 = tpu.memref_slice %arg3[%add3A_1038, %dma_start3A_1049] : memref<1440x112xi32, #tpu.memory_space<hbm>> -> memref<1x112xi32, #tpu.memory_space<hbm>>
        %dma_start3A_1051 = tpu.memref_squeeze %dma_start3A_1050 : memref<1x112xi32, #tpu.memory_space<hbm>> -> memref<112xi32, #tpu.memory_space<hbm>>
        tpu.enqueue_dma source(%dma_start3A_1051 : memref<112xi32, #tpu.memory_space<hbm>>) target(%dma_start3A_1048 : memref<112xi32, #tpu.memory_space<vmem>>) target_semaphore(%arg17 : memref<!tpu.dma_semaphore, #tpu.memory_space<semaphore_mem>>)
      } else {
      }
      %mul3A_923 = arith.constant 90 : i32
      %mul3A_924 = arith.muli %arg1, %mul3A_923 : i32
      %add3A_925 = arith.addi %mul3A_924, %add3A_909 : i32
      %dma_wait3A_926 = arith.constant 0 : i32
      %dma_wait3A_927 = arith.constant 0 : i32
      %dma_wait3A_928 = tpu.memref_slice %arg9[%dma_wait3A_926, %dma_wait3A_927] : memref<3x112xi32, #tpu.memory_space<vmem>> -> memref<1x112xi32, #tpu.memory_space<vmem>>
      %dma_wait3A_929 = tpu.memref_squeeze %dma_wait3A_928 : memref<1x112xi32, #tpu.memory_space<vmem>> -> memref<112xi32, #tpu.memory_space<vmem>>
      %dma_wait3A_930 = arith.constant 0 : i32
      %dma_wait3A_931 = tpu.memref_slice %arg4[%add3A_925, %dma_wait3A_930] : memref<1440x112xi32, #tpu.memory_space<hbm>> -> memref<1x112xi32, #tpu.memory_space<hbm>>
      %dma_wait3A_932 = tpu.memref_squeeze %dma_wait3A_931 : memref<1x112xi32, #tpu.memory_space<hbm>> -> memref<112xi32, #tpu.memory_space<hbm>>
      %dma_wait3A_933 = arith.constant 0 : i32
      %dma_wait3A_934 = tpu.memref_slice %arg9[%dma_wait3A_926, %dma_wait3A_933] : memref<3x112xi32, #tpu.memory_space<vmem>> -> memref<1x112xi32, #tpu.memory_space<vmem>>
      %dma_wait3A_935 = tpu.memref_squeeze %dma_wait3A_934 : memref<1x112xi32, #tpu.memory_space<vmem>> -> memref<112xi32, #tpu.memory_space<vmem>>
      %dma_wait3A_936 = arith.constant 0 : i32
      %dma_wait3A_937 = tpu.memref_slice %arg4[%add3A_925, %dma_wait3A_936] : memref<1440x112xi32, #tpu.memory_space<hbm>> -> memref<1x112xi32, #tpu.memory_space<hbm>>
      %dma_wait3A_938 = tpu.memref_squeeze %dma_wait3A_937 : memref<1x112xi32, #tpu.memory_space<hbm>> -> memref<112xi32, #tpu.memory_space<hbm>>
      tpu.wait_dma2 semaphore(%arg14 : memref<!tpu.dma_semaphore, #tpu.memory_space<semaphore_mem>>) src(%dma_wait3A_938 : memref<112xi32, #tpu.memory_space<hbm>>) dst(%dma_wait3A_935 : memref<112xi32, #tpu.memory_space<vmem>>)
      %run_scoped3A_939 = arith.constant 0 : i32
      %run_scoped3A_940 = arith.constant 0 : i32
      "tpu.region"() ({
        %run_scoped3A_1034 = tpu.sem_alloc : memref<!tpu.dma_semaphore, #tpu.memory_space<semaphore_mem>>
        %dma_start3A_1035 = arith.constant 0 : i32
        %dma_start3A_1036 = arith.constant 0 : i32
        %dma_start3A_1037 = tpu.memref_slice %arg10[%run_scoped3A_939, %dma_start3A_1035, %dma_start3A_1036] : memref<3x112x128xf32, #tpu.memory_space<vmem>> -> memref<1x112x128xf32, #tpu.memory_space<vmem>>
        %dma_start3A_1038 = tpu.memref_squeeze %dma_start3A_1037 : memref<1x112x128xf32, #tpu.memory_space<vmem>> -> memref<112x128xf32, #tpu.memory_space<vmem>>
        %dma_start3A_1039 = arith.constant 0 : i32
        %dma_start3A_1040 = tpu.memref_slice %arg9[%run_scoped3A_940, %dma_start3A_1039] : memref<3x112xi32, #tpu.memory_space<vmem>> -> memref<1x112xi32, #tpu.memory_space<vmem>>
        %dma_start3A_1041 = tpu.memref_squeeze %dma_start3A_1040 : memref<1x112xi32, #tpu.memory_space<vmem>> -> memref<112xi32, #tpu.memory_space<vmem>>
        %dma_start3A_1042 = arith.constant 0 : i32
        %dma_start3A_1043 = arith.constant 0 : i32
        %dma_start3A_1044 = tpu.memref_slice %arg7[%dma_start3A_1042, %dma_start3A_1043] : memref<10240x128xf32, #tpu.memory_space<vmem_shared>> -> memref<10240x128xf32, #tpu.memory_space<vmem_shared>>
        tpu.enqueue_indirect_dma source(%dma_start3A_1038 : memref<112x128xf32, #tpu.memory_space<vmem>>) target(%dma_start3A_1044 : memref<10240x128xf32, #tpu.memory_space<vmem_shared>>) offsets(%dma_start3A_1041 : memref<112xi32, #tpu.memory_space<vmem>>) semaphore(%run_scoped3A_1034 : memref<!tpu.dma_semaphore, #tpu.memory_space<semaphore_mem>>) {add = true}
        %dma_wait3A_1045 = arith.constant 0 : i32
        %dma_wait3A_1046 = arith.constant 0 : i32
        %dma_wait3A_1047 = tpu.memref_slice %arg10[%run_scoped3A_939, %dma_wait3A_1045, %dma_wait3A_1046] : memref<3x112x128xf32, #tpu.memory_space<vmem>> -> memref<1x112x128xf32, #tpu.memory_space<vmem>>
        %dma_wait3A_1048 = tpu.memref_squeeze %dma_wait3A_1047 : memref<1x112x128xf32, #tpu.memory_space<vmem>> -> memref<112x128xf32, #tpu.memory_space<vmem>>
        %dma_wait3A_1049 = arith.constant 0 : i32
        %dma_wait3A_1050 = tpu.memref_slice %arg9[%run_scoped3A_940, %dma_wait3A_1049] : memref<3x112xi32, #tpu.memory_space<vmem>> -> memref<1x112xi32, #tpu.memory_space<vmem>>
        %dma_wait3A_1051 = tpu.memref_squeeze %dma_wait3A_1050 : memref<1x112xi32, #tpu.memory_space<vmem>> -> memref<112xi32, #tpu.memory_space<vmem>>
        %dma_wait3A_1052 = arith.constant 0 : i32
        %dma_wait3A_1053 = arith.constant 0 : i32
        %dma_wait3A_1054 = tpu.memref_slice %arg7[%dma_wait3A_1052, %dma_wait3A_1053] : memref<10240x128xf32, #tpu.memory_space<vmem_shared>> -> memref<10240x128xf32, #tpu.memory_space<vmem_shared>>
        tpu.wait_indirect_dma semaphore(%run_scoped3A_1034 : memref<!tpu.dma_semaphore, #tpu.memory_space<semaphore_mem>>) src(%dma_wait3A_1048 : memref<112x128xf32, #tpu.memory_space<vmem>>) dst(%dma_wait3A_1054 : memref<10240x128xf32, #tpu.memory_space<vmem_shared>>)
        tpu.yield
      }) : () -> ()
      %lt3A_941 = arith.constant 29 : i32
      %lt3A_942 = arith.cmpi slt, %scan3A_905, %lt3A_941 : i32
      %convert_element_type3A_943 = arith.extui %lt3A_942 : i1 to i32
      %cond3A_944 = arith.constant 0 : i32
      %cond3A_945 = arith.cmpi ne, %convert_element_type3A_943, %cond3A_944 : i32
      scf.if %cond3A_945 {
        %mul3A_1034 = arith.constant 90 : i32
        %mul3A_1035 = arith.muli %arg1, %mul3A_1034 : i32
        %add3A_1036 = arith.addi %mul3A_1035, %add3A_909 : i32
        %add3A_1037 = arith.constant 3 : i32
        %add3A_1038 = arith.addi %add3A_1036, %add3A_1037 : i32
        %dma_wait3A_1039 = arith.constant 0 : i32
        %dma_wait3A_1040 = arith.constant 0 : i32
        %dma_wait3A_1041 = tpu.memref_slice %arg8[%dma_wait3A_1039, %dma_wait3A_1040] : memref<3x112xi32, #tpu.memory_space<vmem>> -> memref<1x112xi32, #tpu.memory_space<vmem>>
        %dma_wait3A_1042 = tpu.memref_squeeze %dma_wait3A_1041 : memref<1x112xi32, #tpu.memory_space<vmem>> -> memref<112xi32, #tpu.memory_space<vmem>>
        %dma_wait3A_1043 = arith.constant 0 : i32
        %dma_wait3A_1044 = tpu.memref_slice %arg3[%add3A_1038, %dma_wait3A_1043] : memref<1440x112xi32, #tpu.memory_space<hbm>> -> memref<1x112xi32, #tpu.memory_space<hbm>>
        %dma_wait3A_1045 = tpu.memref_squeeze %dma_wait3A_1044 : memref<1x112xi32, #tpu.memory_space<hbm>> -> memref<112xi32, #tpu.memory_space<hbm>>
        %dma_wait3A_1046 = arith.constant 0 : i32
        %dma_wait3A_1047 = tpu.memref_slice %arg8[%dma_wait3A_1039, %dma_wait3A_1046] : memref<3x112xi32, #tpu.memory_space<vmem>> -> memref<1x112xi32, #tpu.memory_space<vmem>>
        %dma_wait3A_1048 = tpu.memref_squeeze %dma_wait3A_1047 : memref<1x112xi32, #tpu.memory_space<vmem>> -> memref<112xi32, #tpu.memory_space<vmem>>
        %dma_wait3A_1049 = arith.constant 0 : i32
        %dma_wait3A_1050 = tpu.memref_slice %arg3[%add3A_1038, %dma_wait3A_1049] : memref<1440x112xi32, #tpu.memory_space<hbm>> -> memref<1x112xi32, #tpu.memory_space<hbm>>
        %dma_wait3A_1051 = tpu.memref_squeeze %dma_wait3A_1050 : memref<1x112xi32, #tpu.memory_space<hbm>> -> memref<112xi32, #tpu.memory_space<hbm>>
        tpu.wait_dma2 semaphore(%arg17 : memref<!tpu.dma_semaphore, #tpu.memory_space<semaphore_mem>>) src(%dma_wait3A_1051 : memref<112xi32, #tpu.memory_space<hbm>>) dst(%dma_wait3A_1048 : memref<112xi32, #tpu.memory_space<vmem>>)
        %add3A_1052 = arith.constant 3 : i32
        %add3A_1053 = arith.addi %add3A_909, %add3A_1052 : i32
        %get3A_1054 = arith.constant 0 : i32
        %get3A_1055 = arith.index_cast %get3A_1054 : i32 to index
        %get3A_1056 = arith.constant 0 : index
        %get3A_1057 = tpu.vector_load %arg8[%get3A_1055, %get3A_1056] {strides = array<i32>} : memref<3x112xi32, #tpu.memory_space<vmem>>, vector<1x16xi32>,
        %get3A_1058 = vector.shape_cast %get3A_1057 : vector<1x16xi32> to vector<16xi32>
        %mul3A_1059 = arith.constant 4 : i32
        %mul3A_1060 = vector.broadcast %mul3A_1059 : i32 to vector<16xi32>
        %mul3A_1061 = arith.muli %get3A_1058, %mul3A_1060 : vector<16xi32>
        %add3A_1062 = vector.broadcast %add3A_452 : i32 to vector<16xi32>
        %add3A_1063 = arith.addi %mul3A_1061, %add3A_1062 : vector<16xi32>
        %swap3A_1064 = arith.constant 0 : i32
        %swap3A_1065 = arith.index_cast %swap3A_1064 : i32 to index
        %swap3A_1066 = arith.constant 0 : index
        %swap3A_1067 = tpu.vector_load %arg8[%swap3A_1065, %swap3A_1066] {strides = array<i32>} : memref<3x112xi32, #tpu.memory_space<vmem>>, vector<1x16xi32>,
        %swap3A_1068 = vector.shape_cast %swap3A_1067 : vector<1x16xi32> to vector<16xi32>
        %swap3A_1069 = vector.shape_cast %add3A_1063 : vector<16xi32> to vector<1x16xi32>
        tpu.vector_store %arg8[%swap3A_1065, %swap3A_1066], %swap3A_1069 {strides = array<i32>} : memref<3x112xi32, #tpu.memory_space<vmem>>, vector<1x16xi32>,
        %get3A_1070 = arith.constant 0 : i32
        %get3A_1071 = arith.index_cast %get3A_1070 : i32 to index
        %get3A_1072 = arith.constant 16 : index
        %get3A_1073 = tpu.vector_load %arg8[%get3A_1071, %get3A_1072] {strides = array<i32>} : memref<3x112xi32, #tpu.memory_space<vmem>>, vector<1x16xi32>,
        %get3A_1074 = vector.shape_cast %get3A_1073 : vector<1x16xi32> to vector<16xi32>
        %mul3A_1075 = arith.constant 4 : i32
        %mul3A_1076 = vector.broadcast %mul3A_1075 : i32 to vector<16xi32>
        %mul3A_1077 = arith.muli %get3A_1074, %mul3A_1076 : vector<16xi32>
        %add3A_1078 = vector.broadcast %add3A_452 : i32 to vector<16xi32>
        %add3A_1079 = arith.addi %mul3A_1077, %add3A_1078 : vector<16xi32>
        %swap3A_1080 = arith.constant 0 : i32
        %swap3A_1081 = arith.index_cast %swap3A_1080 : i32 to index
        %swap3A_1082 = arith.constant 16 : index
        %swap3A_1083 = tpu.vector_load %arg8[%swap3A_1081, %swap3A_1082] {strides = array<i32>} : memref<3x112xi32, #tpu.memory_space<vmem>>, vector<1x16xi32>,
        %swap3A_1084 = vector.shape_cast %swap3A_1083 : vector<1x16xi32> to vector<16xi32>
        %swap3A_1085 = vector.shape_cast %add3A_1079 : vector<16xi32> to vector<1x16xi32>
        tpu.vector_store %arg8[%swap3A_1081, %swap3A_1082], %swap3A_1085 {strides = array<i32>} : memref<3x112xi32, #tpu.memory_space<vmem>>, vector<1x16xi32>,
        %get3A_1086 = arith.constant 0 : i32
        %get3A_1087 = arith.index_cast %get3A_1086 : i32 to index
        %get3A_1088 = arith.constant 32 : index
        %get3A_1089 = tpu.vector_load %arg8[%get3A_1087, %get3A_1088] {strides = array<i32>} : memref<3x112xi32, #tpu.memory_space<vmem>>, vector<1x16xi32>,
        %get3A_1090 = vector.shape_cast %get3A_1089 : vector<1x16xi32> to vector<16xi32>
        %mul3A_1091 = arith.constant 4 : i32
        %mul3A_1092 = vector.broadcast %mul3A_1091 : i32 to vector<16xi32>
        %mul3A_1093 = arith.muli %get3A_1090, %mul3A_1092 : vector<16xi32>
        %add3A_1094 = vector.broadcast %add3A_452 : i32 to vector<16xi32>
        %add3A_1095 = arith.addi %mul3A_1093, %add3A_1094 : vector<16xi32>
        %swap3A_1096 = arith.constant 0 : i32
        %swap3A_1097 = arith.index_cast %swap3A_1096 : i32 to index
        %swap3A_1098 = arith.constant 32 : index
        %swap3A_1099 = tpu.vector_load %arg8[%swap3A_1097, %swap3A_1098] {strides = array<i32>} : memref<3x112xi32, #tpu.memory_space<vmem>>, vector<1x16xi32>,
        %swap3A_1100 = vector.shape_cast %swap3A_1099 : vector<1x16xi32> to vector<16xi32>
        %swap3A_1101 = vector.shape_cast %add3A_1095 : vector<16xi32> to vector<1x16xi32>
        tpu.vector_store %arg8[%swap3A_1097, %swap3A_1098], %swap3A_1101 {strides = array<i32>} : memref<3x112xi32, #tpu.memory_space<vmem>>, vector<1x16xi32>,
        %get3A_1102 = arith.constant 0 : i32
        %get3A_1103 = arith.index_cast %get3A_1102 : i32 to index
        %get3A_1104 = arith.constant 48 : index
        %get3A_1105 = tpu.vector_load %arg8[%get3A_1103, %get3A_1104] {strides = array<i32>} : memref<3x112xi32, #tpu.memory_space<vmem>>, vector<1x16xi32>,
        %get3A_1106 = vector.shape_cast %get3A_1105 : vector<1x16xi32> to vector<16xi32>
        %mul3A_1107 = arith.constant 4 : i32
        %mul3A_1108 = vector.broadcast %mul3A_1107 : i32 to vector<16xi32>
        %mul3A_1109 = arith.muli %get3A_1106, %mul3A_1108 : vector<16xi32>
        %add3A_1110 = vector.broadcast %add3A_452 : i32 to vector<16xi32>
        %add3A_1111 = arith.addi %mul3A_1109, %add3A_1110 : vector<16xi32>
        %swap3A_1112 = arith.constant 0 : i32
        %swap3A_1113 = arith.index_cast %swap3A_1112 : i32 to index
        %swap3A_1114 = arith.constant 48 : index
        %swap3A_1115 = tpu.vector_load %arg8[%swap3A_1113, %swap3A_1114] {strides = array<i32>} : memref<3x112xi32, #tpu.memory_space<vmem>>, vector<1x16xi32>,
        %swap3A_1116 = vector.shape_cast %swap3A_1115 : vector<1x16xi32> to vector<16xi32>
        %swap3A_1117 = vector.shape_cast %add3A_1111 : vector<16xi32> to vector<1x16xi32>
        tpu.vector_store %arg8[%swap3A_1113, %swap3A_1114], %swap3A_1117 {strides = array<i32>} : memref<3x112xi32, #tpu.memory_space<vmem>>, vector<1x16xi32>,
        %get3A_1118 = arith.constant 0 : i32
        %get3A_1119 = arith.index_cast %get3A_1118 : i32 to index
        %get3A_1120 = arith.constant 64 : index
        %get3A_1121 = tpu.vector_load %arg8[%get3A_1119, %get3A_1120] {strides = array<i32>} : memref<3x112xi32, #tpu.memory_space<vmem>>, vector<1x16xi32>,
        %get3A_1122 = vector.shape_cast %get3A_1121 : vector<1x16xi32> to vector<16xi32>
        %mul3A_1123 = arith.constant 4 : i32
        %mul3A_1124 = vector.broadcast %mul3A_1123 : i32 to vector<16xi32>
        %mul3A_1125 = arith.muli %get3A_1122, %mul3A_1124 : vector<16xi32>
        %add3A_1126 = vector.broadcast %add3A_452 : i32 to vector<16xi32>
        %add3A_1127 = arith.addi %mul3A_1125, %add3A_1126 : vector<16xi32>
        %swap3A_1128 = arith.constant 0 : i32
        %swap3A_1129 = arith.index_cast %swap3A_1128 : i32 to index
        %swap3A_1130 = arith.constant 64 : index
        %swap3A_1131 = tpu.vector_load %arg8[%swap3A_1129, %swap3A_1130] {strides = array<i32>} : memref<3x112xi32, #tpu.memory_space<vmem>>, vector<1x16xi32>,
        %swap3A_1132 = vector.shape_cast %swap3A_1131 : vector<1x16xi32> to vector<16xi32>
        %swap3A_1133 = vector.shape_cast %add3A_1127 : vector<16xi32> to vector<1x16xi32>
        tpu.vector_store %arg8[%swap3A_1129, %swap3A_1130], %swap3A_1133 {strides = array<i32>} : memref<3x112xi32, #tpu.memory_space<vmem>>, vector<1x16xi32>,
        %get3A_1134 = arith.constant 0 : i32
        %get3A_1135 = arith.index_cast %get3A_1134 : i32 to index
        %get3A_1136 = arith.constant 80 : index
        %get3A_1137 = tpu.vector_load %arg8[%get3A_1135, %get3A_1136] {strides = array<i32>} : memref<3x112xi32, #tpu.memory_space<vmem>>, vector<1x16xi32>,
        %get3A_1138 = vector.shape_cast %get3A_1137 : vector<1x16xi32> to vector<16xi32>
        %mul3A_1139 = arith.constant 4 : i32
        %mul3A_1140 = vector.broadcast %mul3A_1139 : i32 to vector<16xi32>
        %mul3A_1141 = arith.muli %get3A_1138, %mul3A_1140 : vector<16xi32>
        %add3A_1142 = vector.broadcast %add3A_452 : i32 to vector<16xi32>
        %add3A_1143 = arith.addi %mul3A_1141, %add3A_1142 : vector<16xi32>
        %swap3A_1144 = arith.constant 0 : i32
        %swap3A_1145 = arith.index_cast %swap3A_1144 : i32 to index
        %swap3A_1146 = arith.constant 80 : index
        %swap3A_1147 = tpu.vector_load %arg8[%swap3A_1145, %swap3A_1146] {strides = array<i32>} : memref<3x112xi32, #tpu.memory_space<vmem>>, vector<1x16xi32>,
        %swap3A_1148 = vector.shape_cast %swap3A_1147 : vector<1x16xi32> to vector<16xi32>
        %swap3A_1149 = vector.shape_cast %add3A_1143 : vector<16xi32> to vector<1x16xi32>
        tpu.vector_store %arg8[%swap3A_1145, %swap3A_1146], %swap3A_1149 {strides = array<i32>} : memref<3x112xi32, #tpu.memory_space<vmem>>, vector<1x16xi32>,
        %get3A_1150 = arith.constant 0 : i32
        %get3A_1151 = arith.index_cast %get3A_1150 : i32 to index
        %get3A_1152 = arith.constant 96 : index
        %get3A_1153 = tpu.vector_load %arg8[%get3A_1151, %get3A_1152] {strides = array<i32>} : memref<3x112xi32, #tpu.memory_space<vmem>>, vector<1x16xi32>,
        %get3A_1154 = vector.shape_cast %get3A_1153 : vector<1x16xi32> to vector<16xi32>
        %mul3A_1155 = arith.constant 4 : i32
        %mul3A_1156 = vector.broadcast %mul3A_1155 : i32 to vector<16xi32>
        %mul3A_1157 = arith.muli %get3A_1154, %mul3A_1156 : vector<16xi32>
        %add3A_1158 = vector.broadcast %add3A_452 : i32 to vector<16xi32>
        %add3A_1159 = arith.addi %mul3A_1157, %add3A_1158 : vector<16xi32>
        %swap3A_1160 = arith.constant 0 : i32
        %swap3A_1161 = arith.index_cast %swap3A_1160 : i32 to index
        %swap3A_1162 = arith.constant 96 : index
        %swap3A_1163 = tpu.vector_load %arg8[%swap3A_1161, %swap3A_1162] {strides = array<i32>} : memref<3x112xi32, #tpu.memory_space<vmem>>, vector<1x16xi32>,
        %swap3A_1164 = vector.shape_cast %swap3A_1163 : vector<1x16xi32> to vector<16xi32>
        %swap3A_1165 = vector.shape_cast %add3A_1159 : vector<16xi32> to vector<1x16xi32>
        tpu.vector_store %arg8[%swap3A_1161, %swap3A_1162], %swap3A_1165 {strides = array<i32>} : memref<3x112xi32, #tpu.memory_space<vmem>>, vector<1x16xi32>,
        %mul3A_1166 = arith.constant 90 : i32
        %mul3A_1167 = arith.muli %arg1, %mul3A_1166 : i32
        %add3A_1168 = arith.addi %mul3A_1167, %add3A_1053 : i32
        %dma_start3A_1169 = arith.constant 0 : i32
        %dma_start3A_1170 = arith.constant 0 : i32
        %dma_start3A_1171 = tpu.memref_slice %arg9[%dma_start3A_1169, %dma_start3A_1170] : memref<3x112xi32, #tpu.memory_space<vmem>> -> memref<1x112xi32, #tpu.memory_space<vmem>>
        %dma_start3A_1172 = tpu.memref_squeeze %dma_start3A_1171 : memref<1x112xi32, #tpu.memory_space<vmem>> -> memref<112xi32, #tpu.memory_space<vmem>>
        %dma_start3A_1173 = arith.constant 0 : i32
        %dma_start3A_1174 = tpu.memref_slice %arg4[%add3A_1168, %dma_start3A_1173] : memref<1440x112xi32, #tpu.memory_space<hbm>> -> memref<1x112xi32, #tpu.memory_space<hbm>>
        %dma_start3A_1175 = tpu.memref_squeeze %dma_start3A_1174 : memref<1x112xi32, #tpu.memory_space<hbm>> -> memref<112xi32, #tpu.memory_space<hbm>>
        %dma_start3A_1176 = arith.constant 0 : i32
        %dma_start3A_1177 = tpu.memref_slice %arg9[%dma_start3A_1169, %dma_start3A_1176] : memref<3x112xi32, #tpu.memory_space<vmem>> -> memref<1x112xi32, #tpu.memory_space<vmem>>
        %dma_start3A_1178 = tpu.memref_squeeze %dma_start3A_1177 : memref<1x112xi32, #tpu.memory_space<vmem>> -> memref<112xi32, #tpu.memory_space<vmem>>
        %dma_start3A_1179 = arith.constant 0 : i32
        %dma_start3A_1180 = tpu.memref_slice %arg4[%add3A_1168, %dma_start3A_1179] : memref<1440x112xi32, #tpu.memory_space<hbm>> -> memref<1x112xi32, #tpu.memory_space<hbm>>
        %dma_start3A_1181 = tpu.memref_squeeze %dma_start3A_1180 : memref<1x112xi32, #tpu.memory_space<hbm>> -> memref<112xi32, #tpu.memory_space<hbm>>
        tpu.enqueue_dma source(%dma_start3A_1181 : memref<112xi32, #tpu.memory_space<hbm>>) target(%dma_start3A_1178 : memref<112xi32, #tpu.memory_space<vmem>>) target_semaphore(%arg14 : memref<!tpu.dma_semaphore, #tpu.memory_space<semaphore_mem>>)
        %dma_start3A_1182 = arith.constant 0 : i32
        %dma_start3A_1183 = arith.constant 0 : i32
        %dma_start3A_1184 = arith.constant 0 : i32
        %dma_start3A_1185 = arith.constant 0 : i32
        %dma_start3A_1186 = tpu.memref_slice %arg10[%dma_start3A_1183, %dma_start3A_1184, %dma_start3A_1185] : memref<3x112x128xf32, #tpu.memory_space<vmem>> -> memref<1x112x128xf32, #tpu.memory_space<vmem>>
        %dma_start3A_1187 = tpu.memref_squeeze %dma_start3A_1186 : memref<1x112x128xf32, #tpu.memory_space<vmem>> -> memref<112x128xf32, #tpu.memory_space<vmem>>
        %dma_start3A_1188 = arith.constant 0 : i32
        %dma_start3A_1189 = tpu.memref_slice %arg8[%dma_start3A_1182, %dma_start3A_1188] : memref<3x112xi32, #tpu.memory_space<vmem>> -> memref<1x112xi32, #tpu.memory_space<vmem>>
        %dma_start3A_1190 = tpu.memref_squeeze %dma_start3A_1189 : memref<1x112xi32, #tpu.memory_space<vmem>> -> memref<112xi32, #tpu.memory_space<vmem>>
        %dma_start3A_1191 = arith.constant 0 : i32
        %dma_start3A_1192 = arith.constant 0 : i32
        %dma_start3A_1193 = tpu.memref_slice %arg2[%dma_start3A_1191, %dma_start3A_1192] : memref<40000x128xf32, #tpu.memory_space<hbm>> -> memref<40000x128xf32, #tpu.memory_space<hbm>>
        tpu.enqueue_indirect_dma source(%dma_start3A_1193 : memref<40000x128xf32, #tpu.memory_space<hbm>>) target(%dma_start3A_1187 : memref<112x128xf32, #tpu.memory_space<vmem>>) offsets(%dma_start3A_1190 : memref<112xi32, #tpu.memory_space<vmem>>) semaphore(%arg11 : memref<!tpu.dma_semaphore, #tpu.memory_space<semaphore_mem>>)
      } else {
      }
      %mul3A_946 = arith.constant 3 : i32
      %mul3A_947 = arith.muli %scan3A_905, %mul3A_946 : i32
      %add3A_948 = arith.constant 1 : i32
      %add3A_949 = arith.addi %mul3A_947, %add3A_948 : i32
      %dma_wait3A_950 = arith.constant 1 : i32
      %dma_wait3A_951 = arith.constant 1 : i32
      %dma_wait3A_952 = arith.constant 0 : i32
      %dma_wait3A_953 = arith.constant 0 : i32
      %dma_wait3A_954 = tpu.memref_slice %arg10[%dma_wait3A_951, %dma_wait3A_952, %dma_wait3A_953] : memref<3x112x128xf32, #tpu.memory_space<vmem>> -> memref<1x112x128xf32, #tpu.memory_space<vmem>>
      %dma_wait3A_955 = tpu.memref_squeeze %dma_wait3A_954 : memref<1x112x128xf32, #tpu.memory_space<vmem>> -> memref<112x128xf32, #tpu.memory_space<vmem>>
      %dma_wait3A_956 = arith.constant 0 : i32
      %dma_wait3A_957 = tpu.memref_slice %arg8[%dma_wait3A_950, %dma_wait3A_956] : memref<3x112xi32, #tpu.memory_space<vmem>> -> memref<1x112xi32, #tpu.memory_space<vmem>>
      %dma_wait3A_958 = tpu.memref_squeeze %dma_wait3A_957 : memref<1x112xi32, #tpu.memory_space<vmem>> -> memref<112xi32, #tpu.memory_space<vmem>>
      %dma_wait3A_959 = arith.constant 0 : i32
      %dma_wait3A_960 = arith.constant 0 : i32
      %dma_wait3A_961 = tpu.memref_slice %arg2[%dma_wait3A_959, %dma_wait3A_960] : memref<40000x128xf32, #tpu.memory_space<hbm>> -> memref<40000x128xf32, #tpu.memory_space<hbm>>
      tpu.wait_indirect_dma semaphore(%arg12 : memref<!tpu.dma_semaphore, #tpu.memory_space<semaphore_mem>>) src(%dma_wait3A_961 : memref<40000x128xf32, #tpu.memory_space<hbm>>) dst(%dma_wait3A_955 : memref<112x128xf32, #tpu.memory_space<vmem>>)
      %lt3A_962 = arith.constant 29 : i32
      %lt3A_963 = arith.cmpi slt, %scan3A_905, %lt3A_962 : i32
      %convert_element_type3A_964 = arith.extui %lt3A_963 : i1 to i32
      %cond3A_965 = arith.constant 0 : i32
      %cond3A_966 = arith.cmpi ne, %convert_element_type3A_964, %cond3A_965 : i32
      scf.if %cond3A_966 {
        %mul3A_1034 = arith.constant 90 : i32
        %mul3A_1035 = arith.muli %arg1, %mul3A_1034 : i32
        %add3A_1036 = arith.addi %mul3A_1035, %add3A_949 : i32
        %add3A_1037 = arith.constant 3 : i32
        %add3A_1038 = arith.addi %add3A_1036, %add3A_1037 : i32
        %dma_start3A_1039 = arith.constant 1 : i32
        %dma_start3A_1040 = arith.constant 0 : i32
        %dma_start3A_1041 = tpu.memref_slice %arg8[%dma_start3A_1039, %dma_start3A_1040] : memref<3x112xi32, #tpu.memory_space<vmem>> -> memref<1x112xi32, #tpu.memory_space<vmem>>
        %dma_start3A_1042 = tpu.memref_squeeze %dma_start3A_1041 : memref<1x112xi32, #tpu.memory_space<vmem>> -> memref<112xi32, #tpu.memory_space<vmem>>
        %dma_start3A_1043 = arith.constant 0 : i32
        %dma_start3A_1044 = tpu.memref_slice %arg3[%add3A_1038, %dma_start3A_1043] : memref<1440x112xi32, #tpu.memory_space<hbm>> -> memref<1x112xi32, #tpu.memory_space<hbm>>
        %dma_start3A_1045 = tpu.memref_squeeze %dma_start3A_1044 : memref<1x112xi32, #tpu.memory_space<hbm>> -> memref<112xi32, #tpu.memory_space<hbm>>
        %dma_start3A_1046 = arith.constant 0 : i32
        %dma_start3A_1047 = tpu.memref_slice %arg8[%dma_start3A_1039, %dma_start3A_1046] : memref<3x112xi32, #tpu.memory_space<vmem>> -> memref<1x112xi32, #tpu.memory_space<vmem>>
        %dma_start3A_1048 = tpu.memref_squeeze %dma_start3A_1047 : memref<1x112xi32, #tpu.memory_space<vmem>> -> memref<112xi32, #tpu.memory_space<vmem>>
        %dma_start3A_1049 = arith.constant 0 : i32
        %dma_start3A_1050 = tpu.memref_slice %arg3[%add3A_1038, %dma_start3A_1049] : memref<1440x112xi32, #tpu.memory_space<hbm>> -> memref<1x112xi32, #tpu.memory_space<hbm>>
        %dma_start3A_1051 = tpu.memref_squeeze %dma_start3A_1050 : memref<1x112xi32, #tpu.memory_space<hbm>> -> memref<112xi32, #tpu.memory_space<hbm>>
        tpu.enqueue_dma source(%dma_start3A_1051 : memref<112xi32, #tpu.memory_space<hbm>>) target(%dma_start3A_1048 : memref<112xi32, #tpu.memory_space<vmem>>) target_semaphore(%arg18 : memref<!tpu.dma_semaphore, #tpu.memory_space<semaphore_mem>>)
      } else {
      }
      %mul3A_967 = arith.constant 90 : i32
      %mul3A_968 = arith.muli %arg1, %mul3A_967 : i32
      %add3A_969 = arith.addi %mul3A_968, %add3A_949 : i32
      %dma_wait3A_970 = arith.constant 1 : i32
      %dma_wait3A_971 = arith.constant 0 : i32
      %dma_wait3A_972 = tpu.memref_slice %arg9[%dma_wait3A_970, %dma_wait3A_971] : memref<3x112xi32, #tpu.memory_space<vmem>> -> memref<1x112xi32, #tpu.memory_space<vmem>>
      %dma_wait3A_973 = tpu.memref_squeeze %dma_wait3A_972 : memref<1x112xi32, #tpu.memory_space<vmem>> -> memref<112xi32, #tpu.memory_space<vmem>>
      %dma_wait3A_974 = arith.constant 0 : i32
      %dma_wait3A_975 = tpu.memref_slice %arg4[%add3A_969, %dma_wait3A_974] : memref<1440x112xi32, #tpu.memory_space<hbm>> -> memref<1x112xi32, #tpu.memory_space<hbm>>
      %dma_wait3A_976 = tpu.memref_squeeze %dma_wait3A_975 : memref<1x112xi32, #tpu.memory_space<hbm>> -> memref<112xi32, #tpu.memory_space<hbm>>
      %dma_wait3A_977 = arith.constant 0 : i32
      %dma_wait3A_978 = tpu.memref_slice %arg9[%dma_wait3A_970, %dma_wait3A_977] : memref<3x112xi32, #tpu.memory_space<vmem>> -> memref<1x112xi32, #tpu.memory_space<vmem>>
      %dma_wait3A_979 = tpu.memref_squeeze %dma_wait3A_978 : memref<1x112xi32, #tpu.memory_space<vmem>> -> memref<112xi32, #tpu.memory_space<vmem>>
      %dma_wait3A_980 = arith.constant 0 : i32
      %dma_wait3A_981 = tpu.memref_slice %arg4[%add3A_969, %dma_wait3A_980] : memref<1440x112xi32, #tpu.memory_space<hbm>> -> memref<1x112xi32, #tpu.memory_space<hbm>>
      %dma_wait3A_982 = tpu.memref_squeeze %dma_wait3A_981 : memref<1x112xi32, #tpu.memory_space<hbm>> -> memref<112xi32, #tpu.memory_space<hbm>>
      tpu.wait_dma2 semaphore(%arg15 : memref<!tpu.dma_semaphore, #tpu.memory_space<semaphore_mem>>) src(%dma_wait3A_982 : memref<112xi32, #tpu.memory_space<hbm>>) dst(%dma_wait3A_979 : memref<112xi32, #tpu.memory_space<vmem>>)
      %run_scoped3A_983 = arith.constant 1 : i32
      %run_scoped3A_984 = arith.constant 1 : i32
      "tpu.region"() ({
        %run_scoped3A_1034 = tpu.sem_alloc : memref<!tpu.dma_semaphore, #tpu.memory_space<semaphore_mem>>
        %dma_start3A_1035 = arith.constant 0 : i32
        %dma_start3A_1036 = arith.constant 0 : i32
        %dma_start3A_1037 = tpu.memref_slice %arg10[%run_scoped3A_983, %dma_start3A_1035, %dma_start3A_1036] : memref<3x112x128xf32, #tpu.memory_space<vmem>> -> memref<1x112x128xf32, #tpu.memory_space<vmem>>
        %dma_start3A_1038 = tpu.memref_squeeze %dma_start3A_1037 : memref<1x112x128xf32, #tpu.memory_space<vmem>> -> memref<112x128xf32, #tpu.memory_space<vmem>>
        %dma_start3A_1039 = arith.constant 0 : i32
        %dma_start3A_1040 = tpu.memref_slice %arg9[%run_scoped3A_984, %dma_start3A_1039] : memref<3x112xi32, #tpu.memory_space<vmem>> -> memref<1x112xi32, #tpu.memory_space<vmem>>
        %dma_start3A_1041 = tpu.memref_squeeze %dma_start3A_1040 : memref<1x112xi32, #tpu.memory_space<vmem>> -> memref<112xi32, #tpu.memory_space<vmem>>
        %dma_start3A_1042 = arith.constant 0 : i32
        %dma_start3A_1043 = arith.constant 0 : i32
        %dma_start3A_1044 = tpu.memref_slice %arg7[%dma_start3A_1042, %dma_start3A_1043] : memref<10240x128xf32, #tpu.memory_space<vmem_shared>> -> memref<10240x128xf32, #tpu.memory_space<vmem_shared>>
        tpu.enqueue_indirect_dma source(%dma_start3A_1038 : memref<112x128xf32, #tpu.memory_space<vmem>>) target(%dma_start3A_1044 : memref<10240x128xf32, #tpu.memory_space<vmem_shared>>) offsets(%dma_start3A_1041 : memref<112xi32, #tpu.memory_space<vmem>>) semaphore(%run_scoped3A_1034 : memref<!tpu.dma_semaphore, #tpu.memory_space<semaphore_mem>>) {add = true}
        %dma_wait3A_1045 = arith.constant 0 : i32
        %dma_wait3A_1046 = arith.constant 0 : i32
        %dma_wait3A_1047 = tpu.memref_slice %arg10[%run_scoped3A_983, %dma_wait3A_1045, %dma_wait3A_1046] : memref<3x112x128xf32, #tpu.memory_space<vmem>> -> memref<1x112x128xf32, #tpu.memory_space<vmem>>
        %dma_wait3A_1048 = tpu.memref_squeeze %dma_wait3A_1047 : memref<1x112x128xf32, #tpu.memory_space<vmem>> -> memref<112x128xf32, #tpu.memory_space<vmem>>
        %dma_wait3A_1049 = arith.constant 0 : i32
        %dma_wait3A_1050 = tpu.memref_slice %arg9[%run_scoped3A_984, %dma_wait3A_1049] : memref<3x112xi32, #tpu.memory_space<vmem>> -> memref<1x112xi32, #tpu.memory_space<vmem>>
        %dma_wait3A_1051 = tpu.memref_squeeze %dma_wait3A_1050 : memref<1x112xi32, #tpu.memory_space<vmem>> -> memref<112xi32, #tpu.memory_space<vmem>>
        %dma_wait3A_1052 = arith.constant 0 : i32
        %dma_wait3A_1053 = arith.constant 0 : i32
        %dma_wait3A_1054 = tpu.memref_slice %arg7[%dma_wait3A_1052, %dma_wait3A_1053] : memref<10240x128xf32, #tpu.memory_space<vmem_shared>> -> memref<10240x128xf32, #tpu.memory_space<vmem_shared>>
        tpu.wait_indirect_dma semaphore(%run_scoped3A_1034 : memref<!tpu.dma_semaphore, #tpu.memory_space<semaphore_mem>>) src(%dma_wait3A_1048 : memref<112x128xf32, #tpu.memory_space<vmem>>) dst(%dma_wait3A_1054 : memref<10240x128xf32, #tpu.memory_space<vmem_shared>>)
        tpu.yield
      }) : () -> ()
      %lt3A_985 = arith.constant 29 : i32
      %lt3A_986 = arith.cmpi slt, %scan3A_905, %lt3A_985 : i32
      %convert_element_type3A_987 = arith.extui %lt3A_986 : i1 to i32
      %cond3A_988 = arith.constant 0 : i32
      %cond3A_989 = arith.cmpi ne, %convert_element_type3A_987, %cond3A_988 : i32
      scf.if %cond3A_989 {
        %mul3A_1034 = arith.constant 90 : i32
        %mul3A_1035 = arith.muli %arg1, %mul3A_1034 : i32
        %add3A_1036 = arith.addi %mul3A_1035, %add3A_949 : i32
        %add3A_1037 = arith.constant 3 : i32
        %add3A_1038 = arith.addi %add3A_1036, %add3A_1037 : i32
        %dma_wait3A_1039 = arith.constant 1 : i32
        %dma_wait3A_1040 = arith.constant 0 : i32
        %dma_wait3A_1041 = tpu.memref_slice %arg8[%dma_wait3A_1039, %dma_wait3A_1040] : memref<3x112xi32, #tpu.memory_space<vmem>> -> memref<1x112xi32, #tpu.memory_space<vmem>>
        %dma_wait3A_1042 = tpu.memref_squeeze %dma_wait3A_1041 : memref<1x112xi32, #tpu.memory_space<vmem>> -> memref<112xi32, #tpu.memory_space<vmem>>
        %dma_wait3A_1043 = arith.constant 0 : i32
        %dma_wait3A_1044 = tpu.memref_slice %arg3[%add3A_1038, %dma_wait3A_1043] : memref<1440x112xi32, #tpu.memory_space<hbm>> -> memref<1x112xi32, #tpu.memory_space<hbm>>
        %dma_wait3A_1045 = tpu.memref_squeeze %dma_wait3A_1044 : memref<1x112xi32, #tpu.memory_space<hbm>> -> memref<112xi32, #tpu.memory_space<hbm>>
        %dma_wait3A_1046 = arith.constant 0 : i32
        %dma_wait3A_1047 = tpu.memref_slice %arg8[%dma_wait3A_1039, %dma_wait3A_1046] : memref<3x112xi32, #tpu.memory_space<vmem>> -> memref<1x112xi32, #tpu.memory_space<vmem>>
        %dma_wait3A_1048 = tpu.memref_squeeze %dma_wait3A_1047 : memref<1x112xi32, #tpu.memory_space<vmem>> -> memref<112xi32, #tpu.memory_space<vmem>>
        %dma_wait3A_1049 = arith.constant 0 : i32
        %dma_wait3A_1050 = tpu.memref_slice %arg3[%add3A_1038, %dma_wait3A_1049] : memref<1440x112xi32, #tpu.memory_space<hbm>> -> memref<1x112xi32, #tpu.memory_space<hbm>>
        %dma_wait3A_1051 = tpu.memref_squeeze %dma_wait3A_1050 : memref<1x112xi32, #tpu.memory_space<hbm>> -> memref<112xi32, #tpu.memory_space<hbm>>
        tpu.wait_dma2 semaphore(%arg18 : memref<!tpu.dma_semaphore, #tpu.memory_space<semaphore_mem>>) src(%dma_wait3A_1051 : memref<112xi32, #tpu.memory_space<hbm>>) dst(%dma_wait3A_1048 : memref<112xi32, #tpu.memory_space<vmem>>)
        %add3A_1052 = arith.constant 3 : i32
        %add3A_1053 = arith.addi %add3A_949, %add3A_1052 : i32
        %get3A_1054 = arith.constant 1 : i32
        %get3A_1055 = arith.index_cast %get3A_1054 : i32 to index
        %get3A_1056 = arith.constant 0 : index
        %get3A_1057 = tpu.vector_load %arg8[%get3A_1055, %get3A_1056] {strides = array<i32>} : memref<3x112xi32, #tpu.memory_space<vmem>>, vector<1x16xi32>,
        %get3A_1058 = vector.shape_cast %get3A_1057 : vector<1x16xi32> to vector<16xi32>
        %mul3A_1059 = arith.constant 4 : i32
        %mul3A_1060 = vector.broadcast %mul3A_1059 : i32 to vector<16xi32>
        %mul3A_1061 = arith.muli %get3A_1058, %mul3A_1060 : vector<16xi32>
        %add3A_1062 = vector.broadcast %add3A_452 : i32 to vector<16xi32>
        %add3A_1063 = arith.addi %mul3A_1061, %add3A_1062 : vector<16xi32>
        %swap3A_1064 = arith.constant 1 : i32
        %swap3A_1065 = arith.index_cast %swap3A_1064 : i32 to index
        %swap3A_1066 = arith.constant 0 : index
        %swap3A_1067 = tpu.vector_load %arg8[%swap3A_1065, %swap3A_1066] {strides = array<i32>} : memref<3x112xi32, #tpu.memory_space<vmem>>, vector<1x16xi32>,
        %swap3A_1068 = vector.shape_cast %swap3A_1067 : vector<1x16xi32> to vector<16xi32>
        %swap3A_1069 = vector.shape_cast %add3A_1063 : vector<16xi32> to vector<1x16xi32>
        tpu.vector_store %arg8[%swap3A_1065, %swap3A_1066], %swap3A_1069 {strides = array<i32>} : memref<3x112xi32, #tpu.memory_space<vmem>>, vector<1x16xi32>,
        %get3A_1070 = arith.constant 1 : i32
        %get3A_1071 = arith.index_cast %get3A_1070 : i32 to index
        %get3A_1072 = arith.constant 16 : index
        %get3A_1073 = tpu.vector_load %arg8[%get3A_1071, %get3A_1072] {strides = array<i32>} : memref<3x112xi32, #tpu.memory_space<vmem>>, vector<1x16xi32>,
        %get3A_1074 = vector.shape_cast %get3A_1073 : vector<1x16xi32> to vector<16xi32>
        %mul3A_1075 = arith.constant 4 : i32
        %mul3A_1076 = vector.broadcast %mul3A_1075 : i32 to vector<16xi32>
        %mul3A_1077 = arith.muli %get3A_1074, %mul3A_1076 : vector<16xi32>
        %add3A_1078 = vector.broadcast %add3A_452 : i32 to vector<16xi32>
        %add3A_1079 = arith.addi %mul3A_1077, %add3A_1078 : vector<16xi32>
        %swap3A_1080 = arith.constant 1 : i32
        %swap3A_1081 = arith.index_cast %swap3A_1080 : i32 to index
        %swap3A_1082 = arith.constant 16 : index
        %swap3A_1083 = tpu.vector_load %arg8[%swap3A_1081, %swap3A_1082] {strides = array<i32>} : memref<3x112xi32, #tpu.memory_space<vmem>>, vector<1x16xi32>,
        %swap3A_1084 = vector.shape_cast %swap3A_1083 : vector<1x16xi32> to vector<16xi32>
        %swap3A_1085 = vector.shape_cast %add3A_1079 : vector<16xi32> to vector<1x16xi32>
        tpu.vector_store %arg8[%swap3A_1081, %swap3A_1082], %swap3A_1085 {strides = array<i32>} : memref<3x112xi32, #tpu.memory_space<vmem>>, vector<1x16xi32>,
        %get3A_1086 = arith.constant 1 : i32
        %get3A_1087 = arith.index_cast %get3A_1086 : i32 to index
        %get3A_1088 = arith.constant 32 : index
        %get3A_1089 = tpu.vector_load %arg8[%get3A_1087, %get3A_1088] {strides = array<i32>} : memref<3x112xi32, #tpu.memory_space<vmem>>, vector<1x16xi32>,
        %get3A_1090 = vector.shape_cast %get3A_1089 : vector<1x16xi32> to vector<16xi32>
        %mul3A_1091 = arith.constant 4 : i32
        %mul3A_1092 = vector.broadcast %mul3A_1091 : i32 to vector<16xi32>
        %mul3A_1093 = arith.muli %get3A_1090, %mul3A_1092 : vector<16xi32>
        %add3A_1094 = vector.broadcast %add3A_452 : i32 to vector<16xi32>
        %add3A_1095 = arith.addi %mul3A_1093, %add3A_1094 : vector<16xi32>
        %swap3A_1096 = arith.constant 1 : i32
        %swap3A_1097 = arith.index_cast %swap3A_1096 : i32 to index
        %swap3A_1098 = arith.constant 32 : index
        %swap3A_1099 = tpu.vector_load %arg8[%swap3A_1097, %swap3A_1098] {strides = array<i32>} : memref<3x112xi32, #tpu.memory_space<vmem>>, vector<1x16xi32>,
        %swap3A_1100 = vector.shape_cast %swap3A_1099 : vector<1x16xi32> to vector<16xi32>
        %swap3A_1101 = vector.shape_cast %add3A_1095 : vector<16xi32> to vector<1x16xi32>
        tpu.vector_store %arg8[%swap3A_1097, %swap3A_1098], %swap3A_1101 {strides = array<i32>} : memref<3x112xi32, #tpu.memory_space<vmem>>, vector<1x16xi32>,
        %get3A_1102 = arith.constant 1 : i32
        %get3A_1103 = arith.index_cast %get3A_1102 : i32 to index
        %get3A_1104 = arith.constant 48 : index
        %get3A_1105 = tpu.vector_load %arg8[%get3A_1103, %get3A_1104] {strides = array<i32>} : memref<3x112xi32, #tpu.memory_space<vmem>>, vector<1x16xi32>,
        %get3A_1106 = vector.shape_cast %get3A_1105 : vector<1x16xi32> to vector<16xi32>
        %mul3A_1107 = arith.constant 4 : i32
        %mul3A_1108 = vector.broadcast %mul3A_1107 : i32 to vector<16xi32>
        %mul3A_1109 = arith.muli %get3A_1106, %mul3A_1108 : vector<16xi32>
        %add3A_1110 = vector.broadcast %add3A_452 : i32 to vector<16xi32>
        %add3A_1111 = arith.addi %mul3A_1109, %add3A_1110 : vector<16xi32>
        %swap3A_1112 = arith.constant 1 : i32
        %swap3A_1113 = arith.index_cast %swap3A_1112 : i32 to index
        %swap3A_1114 = arith.constant 48 : index
        %swap3A_1115 = tpu.vector_load %arg8[%swap3A_1113, %swap3A_1114] {strides = array<i32>} : memref<3x112xi32, #tpu.memory_space<vmem>>, vector<1x16xi32>,
        %swap3A_1116 = vector.shape_cast %swap3A_1115 : vector<1x16xi32> to vector<16xi32>
        %swap3A_1117 = vector.shape_cast %add3A_1111 : vector<16xi32> to vector<1x16xi32>
        tpu.vector_store %arg8[%swap3A_1113, %swap3A_1114], %swap3A_1117 {strides = array<i32>} : memref<3x112xi32, #tpu.memory_space<vmem>>, vector<1x16xi32>,
        %get3A_1118 = arith.constant 1 : i32
        %get3A_1119 = arith.index_cast %get3A_1118 : i32 to index
        %get3A_1120 = arith.constant 64 : index
        %get3A_1121 = tpu.vector_load %arg8[%get3A_1119, %get3A_1120] {strides = array<i32>} : memref<3x112xi32, #tpu.memory_space<vmem>>, vector<1x16xi32>,
        %get3A_1122 = vector.shape_cast %get3A_1121 : vector<1x16xi32> to vector<16xi32>
        %mul3A_1123 = arith.constant 4 : i32
        %mul3A_1124 = vector.broadcast %mul3A_1123 : i32 to vector<16xi32>
        %mul3A_1125 = arith.muli %get3A_1122, %mul3A_1124 : vector<16xi32>
        %add3A_1126 = vector.broadcast %add3A_452 : i32 to vector<16xi32>
        %add3A_1127 = arith.addi %mul3A_1125, %add3A_1126 : vector<16xi32>
        %swap3A_1128 = arith.constant 1 : i32
        %swap3A_1129 = arith.index_cast %swap3A_1128 : i32 to index
        %swap3A_1130 = arith.constant 64 : index
        %swap3A_1131 = tpu.vector_load %arg8[%swap3A_1129, %swap3A_1130] {strides = array<i32>} : memref<3x112xi32, #tpu.memory_space<vmem>>, vector<1x16xi32>,
        %swap3A_1132 = vector.shape_cast %swap3A_1131 : vector<1x16xi32> to vector<16xi32>
        %swap3A_1133 = vector.shape_cast %add3A_1127 : vector<16xi32> to vector<1x16xi32>
        tpu.vector_store %arg8[%swap3A_1129, %swap3A_1130], %swap3A_1133 {strides = array<i32>} : memref<3x112xi32, #tpu.memory_space<vmem>>, vector<1x16xi32>,
        %get3A_1134 = arith.constant 1 : i32
        %get3A_1135 = arith.index_cast %get3A_1134 : i32 to index
        %get3A_1136 = arith.constant 80 : index
        %get3A_1137 = tpu.vector_load %arg8[%get3A_1135, %get3A_1136] {strides = array<i32>} : memref<3x112xi32, #tpu.memory_space<vmem>>, vector<1x16xi32>,
        %get3A_1138 = vector.shape_cast %get3A_1137 : vector<1x16xi32> to vector<16xi32>
        %mul3A_1139 = arith.constant 4 : i32
        %mul3A_1140 = vector.broadcast %mul3A_1139 : i32 to vector<16xi32>
        %mul3A_1141 = arith.muli %get3A_1138, %mul3A_1140 : vector<16xi32>
        %add3A_1142 = vector.broadcast %add3A_452 : i32 to vector<16xi32>
        %add3A_1143 = arith.addi %mul3A_1141, %add3A_1142 : vector<16xi32>
        %swap3A_1144 = arith.constant 1 : i32
        %swap3A_1145 = arith.index_cast %swap3A_1144 : i32 to index
        %swap3A_1146 = arith.constant 80 : index
        %swap3A_1147 = tpu.vector_load %arg8[%swap3A_1145, %swap3A_1146] {strides = array<i32>} : memref<3x112xi32, #tpu.memory_space<vmem>>, vector<1x16xi32>,
        %swap3A_1148 = vector.shape_cast %swap3A_1147 : vector<1x16xi32> to vector<16xi32>
        %swap3A_1149 = vector.shape_cast %add3A_1143 : vector<16xi32> to vector<1x16xi32>
        tpu.vector_store %arg8[%swap3A_1145, %swap3A_1146], %swap3A_1149 {strides = array<i32>} : memref<3x112xi32, #tpu.memory_space<vmem>>, vector<1x16xi32>,
        %get3A_1150 = arith.constant 1 : i32
        %get3A_1151 = arith.index_cast %get3A_1150 : i32 to index
        %get3A_1152 = arith.constant 96 : index
        %get3A_1153 = tpu.vector_load %arg8[%get3A_1151, %get3A_1152] {strides = array<i32>} : memref<3x112xi32, #tpu.memory_space<vmem>>, vector<1x16xi32>,
        %get3A_1154 = vector.shape_cast %get3A_1153 : vector<1x16xi32> to vector<16xi32>
        %mul3A_1155 = arith.constant 4 : i32
        %mul3A_1156 = vector.broadcast %mul3A_1155 : i32 to vector<16xi32>
        %mul3A_1157 = arith.muli %get3A_1154, %mul3A_1156 : vector<16xi32>
        %add3A_1158 = vector.broadcast %add3A_452 : i32 to vector<16xi32>
        %add3A_1159 = arith.addi %mul3A_1157, %add3A_1158 : vector<16xi32>
        %swap3A_1160 = arith.constant 1 : i32
        %swap3A_1161 = arith.index_cast %swap3A_1160 : i32 to index
        %swap3A_1162 = arith.constant 96 : index
        %swap3A_1163 = tpu.vector_load %arg8[%swap3A_1161, %swap3A_1162] {strides = array<i32>} : memref<3x112xi32, #tpu.memory_space<vmem>>, vector<1x16xi32>,
        %swap3A_1164 = vector.shape_cast %swap3A_1163 : vector<1x16xi32> to vector<16xi32>
        %swap3A_1165 = vector.shape_cast %add3A_1159 : vector<16xi32> to vector<1x16xi32>
        tpu.vector_store %arg8[%swap3A_1161, %swap3A_1162], %swap3A_1165 {strides = array<i32>} : memref<3x112xi32, #tpu.memory_space<vmem>>, vector<1x16xi32>,
        %mul3A_1166 = arith.constant 90 : i32
        %mul3A_1167 = arith.muli %arg1, %mul3A_1166 : i32
        %add3A_1168 = arith.addi %mul3A_1167, %add3A_1053 : i32
        %dma_start3A_1169 = arith.constant 1 : i32
        %dma_start3A_1170 = arith.constant 0 : i32
        %dma_start3A_1171 = tpu.memref_slice %arg9[%dma_start3A_1169, %dma_start3A_1170] : memref<3x112xi32, #tpu.memory_space<vmem>> -> memref<1x112xi32, #tpu.memory_space<vmem>>
        %dma_start3A_1172 = tpu.memref_squeeze %dma_start3A_1171 : memref<1x112xi32, #tpu.memory_space<vmem>> -> memref<112xi32, #tpu.memory_space<vmem>>
        %dma_start3A_1173 = arith.constant 0 : i32
        %dma_start3A_1174 = tpu.memref_slice %arg4[%add3A_1168, %dma_start3A_1173] : memref<1440x112xi32, #tpu.memory_space<hbm>> -> memref<1x112xi32, #tpu.memory_space<hbm>>
        %dma_start3A_1175 = tpu.memref_squeeze %dma_start3A_1174 : memref<1x112xi32, #tpu.memory_space<hbm>> -> memref<112xi32, #tpu.memory_space<hbm>>
        %dma_start3A_1176 = arith.constant 0 : i32
        %dma_start3A_1177 = tpu.memref_slice %arg9[%dma_start3A_1169, %dma_start3A_1176] : memref<3x112xi32, #tpu.memory_space<vmem>> -> memref<1x112xi32, #tpu.memory_space<vmem>>
        %dma_start3A_1178 = tpu.memref_squeeze %dma_start3A_1177 : memref<1x112xi32, #tpu.memory_space<vmem>> -> memref<112xi32, #tpu.memory_space<vmem>>
        %dma_start3A_1179 = arith.constant 0 : i32
        %dma_start3A_1180 = tpu.memref_slice %arg4[%add3A_1168, %dma_start3A_1179] : memref<1440x112xi32, #tpu.memory_space<hbm>> -> memref<1x112xi32, #tpu.memory_space<hbm>>
        %dma_start3A_1181 = tpu.memref_squeeze %dma_start3A_1180 : memref<1x112xi32, #tpu.memory_space<hbm>> -> memref<112xi32, #tpu.memory_space<hbm>>
        tpu.enqueue_dma source(%dma_start3A_1181 : memref<112xi32, #tpu.memory_space<hbm>>) target(%dma_start3A_1178 : memref<112xi32, #tpu.memory_space<vmem>>) target_semaphore(%arg15 : memref<!tpu.dma_semaphore, #tpu.memory_space<semaphore_mem>>)
        %dma_start3A_1182 = arith.constant 1 : i32
        %dma_start3A_1183 = arith.constant 1 : i32
        %dma_start3A_1184 = arith.constant 0 : i32
        %dma_start3A_1185 = arith.constant 0 : i32
        %dma_start3A_1186 = tpu.memref_slice %arg10[%dma_start3A_1183, %dma_start3A_1184, %dma_start3A_1185] : memref<3x112x128xf32, #tpu.memory_space<vmem>> -> memref<1x112x128xf32, #tpu.memory_space<vmem>>
        %dma_start3A_1187 = tpu.memref_squeeze %dma_start3A_1186 : memref<1x112x128xf32, #tpu.memory_space<vmem>> -> memref<112x128xf32, #tpu.memory_space<vmem>>
        %dma_start3A_1188 = arith.constant 0 : i32
        %dma_start3A_1189 = tpu.memref_slice %arg8[%dma_start3A_1182, %dma_start3A_1188] : memref<3x112xi32, #tpu.memory_space<vmem>> -> memref<1x112xi32, #tpu.memory_space<vmem>>
        %dma_start3A_1190 = tpu.memref_squeeze %dma_start3A_1189 : memref<1x112xi32, #tpu.memory_space<vmem>> -> memref<112xi32, #tpu.memory_space<vmem>>
        %dma_start3A_1191 = arith.constant 0 : i32
        %dma_start3A_1192 = arith.constant 0 : i32
        %dma_start3A_1193 = tpu.memref_slice %arg2[%dma_start3A_1191, %dma_start3A_1192] : memref<40000x128xf32, #tpu.memory_space<hbm>> -> memref<40000x128xf32, #tpu.memory_space<hbm>>
        tpu.enqueue_indirect_dma source(%dma_start3A_1193 : memref<40000x128xf32, #tpu.memory_space<hbm>>) target(%dma_start3A_1187 : memref<112x128xf32, #tpu.memory_space<vmem>>) offsets(%dma_start3A_1190 : memref<112xi32, #tpu.memory_space<vmem>>) semaphore(%arg12 : memref<!tpu.dma_semaphore, #tpu.memory_space<semaphore_mem>>)
      } else {
      }
      %mul3A_990 = arith.constant 3 : i32
      %mul3A_991 = arith.muli %scan3A_905, %mul3A_990 : i32
      %add3A_992 = arith.constant 2 : i32
      %add3A_993 = arith.addi %mul3A_991, %add3A_992 : i32
      %dma_wait3A_994 = arith.constant 2 : i32
      %dma_wait3A_995 = arith.constant 2 : i32
      %dma_wait3A_996 = arith.constant 0 : i32
      %dma_wait3A_997 = arith.constant 0 : i32
      %dma_wait3A_998 = tpu.memref_slice %arg10[%dma_wait3A_995, %dma_wait3A_996, %dma_wait3A_997] : memref<3x112x128xf32, #tpu.memory_space<vmem>> -> memref<1x112x128xf32, #tpu.memory_space<vmem>>
      %dma_wait3A_999 = tpu.memref_squeeze %dma_wait3A_998 : memref<1x112x128xf32, #tpu.memory_space<vmem>> -> memref<112x128xf32, #tpu.memory_space<vmem>>
      %dma_wait3A_1000 = arith.constant 0 : i32
      %dma_wait3A_1001 = tpu.memref_slice %arg8[%dma_wait3A_994, %dma_wait3A_1000] : memref<3x112xi32, #tpu.memory_space<vmem>> -> memref<1x112xi32, #tpu.memory_space<vmem>>
      %dma_wait3A_1002 = tpu.memref_squeeze %dma_wait3A_1001 : memref<1x112xi32, #tpu.memory_space<vmem>> -> memref<112xi32, #tpu.memory_space<vmem>>
      %dma_wait3A_1003 = arith.constant 0 : i32
      %dma_wait3A_1004 = arith.constant 0 : i32
      %dma_wait3A_1005 = tpu.memref_slice %arg2[%dma_wait3A_1003, %dma_wait3A_1004] : memref<40000x128xf32, #tpu.memory_space<hbm>> -> memref<40000x128xf32, #tpu.memory_space<hbm>>
      tpu.wait_indirect_dma semaphore(%arg13 : memref<!tpu.dma_semaphore, #tpu.memory_space<semaphore_mem>>) src(%dma_wait3A_1005 : memref<40000x128xf32, #tpu.memory_space<hbm>>) dst(%dma_wait3A_999 : memref<112x128xf32, #tpu.memory_space<vmem>>)
      %lt3A_1006 = arith.constant 29 : i32
      %lt3A_1007 = arith.cmpi slt, %scan3A_905, %lt3A_1006 : i32
      %convert_element_type3A_1008 = arith.extui %lt3A_1007 : i1 to i32
      %cond3A_1009 = arith.constant 0 : i32
      %cond3A_1010 = arith.cmpi ne, %convert_element_type3A_1008, %cond3A_1009 : i32
      scf.if %cond3A_1010 {
        %mul3A_1034 = arith.constant 90 : i32
        %mul3A_1035 = arith.muli %arg1, %mul3A_1034 : i32
        %add3A_1036 = arith.addi %mul3A_1035, %add3A_993 : i32
        %add3A_1037 = arith.constant 3 : i32
        %add3A_1038 = arith.addi %add3A_1036, %add3A_1037 : i32
        %dma_start3A_1039 = arith.constant 2 : i32
        %dma_start3A_1040 = arith.constant 0 : i32
        %dma_start3A_1041 = tpu.memref_slice %arg8[%dma_start3A_1039, %dma_start3A_1040] : memref<3x112xi32, #tpu.memory_space<vmem>> -> memref<1x112xi32, #tpu.memory_space<vmem>>
        %dma_start3A_1042 = tpu.memref_squeeze %dma_start3A_1041 : memref<1x112xi32, #tpu.memory_space<vmem>> -> memref<112xi32, #tpu.memory_space<vmem>>
        %dma_start3A_1043 = arith.constant 0 : i32
        %dma_start3A_1044 = tpu.memref_slice %arg3[%add3A_1038, %dma_start3A_1043] : memref<1440x112xi32, #tpu.memory_space<hbm>> -> memref<1x112xi32, #tpu.memory_space<hbm>>
        %dma_start3A_1045 = tpu.memref_squeeze %dma_start3A_1044 : memref<1x112xi32, #tpu.memory_space<hbm>> -> memref<112xi32, #tpu.memory_space<hbm>>
        %dma_start3A_1046 = arith.constant 0 : i32
        %dma_start3A_1047 = tpu.memref_slice %arg8[%dma_start3A_1039, %dma_start3A_1046] : memref<3x112xi32, #tpu.memory_space<vmem>> -> memref<1x112xi32, #tpu.memory_space<vmem>>
        %dma_start3A_1048 = tpu.memref_squeeze %dma_start3A_1047 : memref<1x112xi32, #tpu.memory_space<vmem>> -> memref<112xi32, #tpu.memory_space<vmem>>
        %dma_start3A_1049 = arith.constant 0 : i32
        %dma_start3A_1050 = tpu.memref_slice %arg3[%add3A_1038, %dma_start3A_1049] : memref<1440x112xi32, #tpu.memory_space<hbm>> -> memref<1x112xi32, #tpu.memory_space<hbm>>
        %dma_start3A_1051 = tpu.memref_squeeze %dma_start3A_1050 : memref<1x112xi32, #tpu.memory_space<hbm>> -> memref<112xi32, #tpu.memory_space<hbm>>
        tpu.enqueue_dma source(%dma_start3A_1051 : memref<112xi32, #tpu.memory_space<hbm>>) target(%dma_start3A_1048 : memref<112xi32, #tpu.memory_space<vmem>>) target_semaphore(%arg19 : memref<!tpu.dma_semaphore, #tpu.memory_space<semaphore_mem>>)
      } else {
      }
      %mul3A_1011 = arith.constant 90 : i32
      %mul3A_1012 = arith.muli %arg1, %mul3A_1011 : i32
      %add3A_1013 = arith.addi %mul3A_1012, %add3A_993 : i32
      %dma_wait3A_1014 = arith.constant 2 : i32
      %dma_wait3A_1015 = arith.constant 0 : i32
      %dma_wait3A_1016 = tpu.memref_slice %arg9[%dma_wait3A_1014, %dma_wait3A_1015] : memref<3x112xi32, #tpu.memory_space<vmem>> -> memref<1x112xi32, #tpu.memory_space<vmem>>
      %dma_wait3A_1017 = tpu.memref_squeeze %dma_wait3A_1016 : memref<1x112xi32, #tpu.memory_space<vmem>> -> memref<112xi32, #tpu.memory_space<vmem>>
      %dma_wait3A_1018 = arith.constant 0 : i32
      %dma_wait3A_1019 = tpu.memref_slice %arg4[%add3A_1013, %dma_wait3A_1018] : memref<1440x112xi32, #tpu.memory_space<hbm>> -> memref<1x112xi32, #tpu.memory_space<hbm>>
      %dma_wait3A_1020 = tpu.memref_squeeze %dma_wait3A_1019 : memref<1x112xi32, #tpu.memory_space<hbm>> -> memref<112xi32, #tpu.memory_space<hbm>>
      %dma_wait3A_1021 = arith.constant 0 : i32
      %dma_wait3A_1022 = tpu.memref_slice %arg9[%dma_wait3A_1014, %dma_wait3A_1021] : memref<3x112xi32, #tpu.memory_space<vmem>> -> memref<1x112xi32, #tpu.memory_space<vmem>>
      %dma_wait3A_1023 = tpu.memref_squeeze %dma_wait3A_1022 : memref<1x112xi32, #tpu.memory_space<vmem>> -> memref<112xi32, #tpu.memory_space<vmem>>
      %dma_wait3A_1024 = arith.constant 0 : i32
      %dma_wait3A_1025 = tpu.memref_slice %arg4[%add3A_1013, %dma_wait3A_1024] : memref<1440x112xi32, #tpu.memory_space<hbm>> -> memref<1x112xi32, #tpu.memory_space<hbm>>
      %dma_wait3A_1026 = tpu.memref_squeeze %dma_wait3A_1025 : memref<1x112xi32, #tpu.memory_space<hbm>> -> memref<112xi32, #tpu.memory_space<hbm>>
      tpu.wait_dma2 semaphore(%arg16 : memref<!tpu.dma_semaphore, #tpu.memory_space<semaphore_mem>>) src(%dma_wait3A_1026 : memref<112xi32, #tpu.memory_space<hbm>>) dst(%dma_wait3A_1023 : memref<112xi32, #tpu.memory_space<vmem>>)
      %run_scoped3A_1027 = arith.constant 2 : i32
      %run_scoped3A_1028 = arith.constant 2 : i32
      "tpu.region"() ({
        %run_scoped3A_1034 = tpu.sem_alloc : memref<!tpu.dma_semaphore, #tpu.memory_space<semaphore_mem>>
        %dma_start3A_1035 = arith.constant 0 : i32
        %dma_start3A_1036 = arith.constant 0 : i32
        %dma_start3A_1037 = tpu.memref_slice %arg10[%run_scoped3A_1027, %dma_start3A_1035, %dma_start3A_1036] : memref<3x112x128xf32, #tpu.memory_space<vmem>> -> memref<1x112x128xf32, #tpu.memory_space<vmem>>
        %dma_start3A_1038 = tpu.memref_squeeze %dma_start3A_1037 : memref<1x112x128xf32, #tpu.memory_space<vmem>> -> memref<112x128xf32, #tpu.memory_space<vmem>>
        %dma_start3A_1039 = arith.constant 0 : i32
        %dma_start3A_1040 = tpu.memref_slice %arg9[%run_scoped3A_1028, %dma_start3A_1039] : memref<3x112xi32, #tpu.memory_space<vmem>> -> memref<1x112xi32, #tpu.memory_space<vmem>>
        %dma_start3A_1041 = tpu.memref_squeeze %dma_start3A_1040 : memref<1x112xi32, #tpu.memory_space<vmem>> -> memref<112xi32, #tpu.memory_space<vmem>>
        %dma_start3A_1042 = arith.constant 0 : i32
        %dma_start3A_1043 = arith.constant 0 : i32
        %dma_start3A_1044 = tpu.memref_slice %arg7[%dma_start3A_1042, %dma_start3A_1043] : memref<10240x128xf32, #tpu.memory_space<vmem_shared>> -> memref<10240x128xf32, #tpu.memory_space<vmem_shared>>
        tpu.enqueue_indirect_dma source(%dma_start3A_1038 : memref<112x128xf32, #tpu.memory_space<vmem>>) target(%dma_start3A_1044 : memref<10240x128xf32, #tpu.memory_space<vmem_shared>>) offsets(%dma_start3A_1041 : memref<112xi32, #tpu.memory_space<vmem>>) semaphore(%run_scoped3A_1034 : memref<!tpu.dma_semaphore, #tpu.memory_space<semaphore_mem>>) {add = true}
        %dma_wait3A_1045 = arith.constant 0 : i32
        %dma_wait3A_1046 = arith.constant 0 : i32
        %dma_wait3A_1047 = tpu.memref_slice %arg10[%run_scoped3A_1027, %dma_wait3A_1045, %dma_wait3A_1046] : memref<3x112x128xf32, #tpu.memory_space<vmem>> -> memref<1x112x128xf32, #tpu.memory_space<vmem>>
        %dma_wait3A_1048 = tpu.memref_squeeze %dma_wait3A_1047 : memref<1x112x128xf32, #tpu.memory_space<vmem>> -> memref<112x128xf32, #tpu.memory_space<vmem>>
        %dma_wait3A_1049 = arith.constant 0 : i32
        %dma_wait3A_1050 = tpu.memref_slice %arg9[%run_scoped3A_1028, %dma_wait3A_1049] : memref<3x112xi32, #tpu.memory_space<vmem>> -> memref<1x112xi32, #tpu.memory_space<vmem>>
        %dma_wait3A_1051 = tpu.memref_squeeze %dma_wait3A_1050 : memref<1x112xi32, #tpu.memory_space<vmem>> -> memref<112xi32, #tpu.memory_space<vmem>>
        %dma_wait3A_1052 = arith.constant 0 : i32
        %dma_wait3A_1053 = arith.constant 0 : i32
        %dma_wait3A_1054 = tpu.memref_slice %arg7[%dma_wait3A_1052, %dma_wait3A_1053] : memref<10240x128xf32, #tpu.memory_space<vmem_shared>> -> memref<10240x128xf32, #tpu.memory_space<vmem_shared>>
        tpu.wait_indirect_dma semaphore(%run_scoped3A_1034 : memref<!tpu.dma_semaphore, #tpu.memory_space<semaphore_mem>>) src(%dma_wait3A_1048 : memref<112x128xf32, #tpu.memory_space<vmem>>) dst(%dma_wait3A_1054 : memref<10240x128xf32, #tpu.memory_space<vmem_shared>>)
        tpu.yield
      }) : () -> ()
      %lt3A_1029 = arith.constant 29 : i32
      %lt3A_1030 = arith.cmpi slt, %scan3A_905, %lt3A_1029 : i32
      %convert_element_type3A_1031 = arith.extui %lt3A_1030 : i1 to i32
      %cond3A_1032 = arith.constant 0 : i32
      %cond3A_1033 = arith.cmpi ne, %convert_element_type3A_1031, %cond3A_1032 : i32
      scf.if %cond3A_1033 {
        %mul3A_1034 = arith.constant 90 : i32
        %mul3A_1035 = arith.muli %arg1, %mul3A_1034 : i32
        %add3A_1036 = arith.addi %mul3A_1035, %add3A_993 : i32
        %add3A_1037 = arith.constant 3 : i32
        %add3A_1038 = arith.addi %add3A_1036, %add3A_1037 : i32
        %dma_wait3A_1039 = arith.constant 2 : i32
        %dma_wait3A_1040 = arith.constant 0 : i32
        %dma_wait3A_1041 = tpu.memref_slice %arg8[%dma_wait3A_1039, %dma_wait3A_1040] : memref<3x112xi32, #tpu.memory_space<vmem>> -> memref<1x112xi32, #tpu.memory_space<vmem>>
        %dma_wait3A_1042 = tpu.memref_squeeze %dma_wait3A_1041 : memref<1x112xi32, #tpu.memory_space<vmem>> -> memref<112xi32, #tpu.memory_space<vmem>>
        %dma_wait3A_1043 = arith.constant 0 : i32
        %dma_wait3A_1044 = tpu.memref_slice %arg3[%add3A_1038, %dma_wait3A_1043] : memref<1440x112xi32, #tpu.memory_space<hbm>> -> memref<1x112xi32, #tpu.memory_space<hbm>>
        %dma_wait3A_1045 = tpu.memref_squeeze %dma_wait3A_1044 : memref<1x112xi32, #tpu.memory_space<hbm>> -> memref<112xi32, #tpu.memory_space<hbm>>
        %dma_wait3A_1046 = arith.constant 0 : i32
        %dma_wait3A_1047 = tpu.memref_slice %arg8[%dma_wait3A_1039, %dma_wait3A_1046] : memref<3x112xi32, #tpu.memory_space<vmem>> -> memref<1x112xi32, #tpu.memory_space<vmem>>
        %dma_wait3A_1048 = tpu.memref_squeeze %dma_wait3A_1047 : memref<1x112xi32, #tpu.memory_space<vmem>> -> memref<112xi32, #tpu.memory_space<vmem>>
        %dma_wait3A_1049 = arith.constant 0 : i32
        %dma_wait3A_1050 = tpu.memref_slice %arg3[%add3A_1038, %dma_wait3A_1049] : memref<1440x112xi32, #tpu.memory_space<hbm>> -> memref<1x112xi32, #tpu.memory_space<hbm>>
        %dma_wait3A_1051 = tpu.memref_squeeze %dma_wait3A_1050 : memref<1x112xi32, #tpu.memory_space<hbm>> -> memref<112xi32, #tpu.memory_space<hbm>>
        tpu.wait_dma2 semaphore(%arg19 : memref<!tpu.dma_semaphore, #tpu.memory_space<semaphore_mem>>) src(%dma_wait3A_1051 : memref<112xi32, #tpu.memory_space<hbm>>) dst(%dma_wait3A_1048 : memref<112xi32, #tpu.memory_space<vmem>>)
        %add3A_1052 = arith.constant 3 : i32
        %add3A_1053 = arith.addi %add3A_993, %add3A_1052 : i32
        %get3A_1054 = arith.constant 2 : i32
        %get3A_1055 = arith.index_cast %get3A_1054 : i32 to index
        %get3A_1056 = arith.constant 0 : index
        %get3A_1057 = tpu.vector_load %arg8[%get3A_1055, %get3A_1056] {strides = array<i32>} : memref<3x112xi32, #tpu.memory_space<vmem>>, vector<1x16xi32>,
        %get3A_1058 = vector.shape_cast %get3A_1057 : vector<1x16xi32> to vector<16xi32>
        %mul3A_1059 = arith.constant 4 : i32
        %mul3A_1060 = vector.broadcast %mul3A_1059 : i32 to vector<16xi32>
        %mul3A_1061 = arith.muli %get3A_1058, %mul3A_1060 : vector<16xi32>
        %add3A_1062 = vector.broadcast %add3A_452 : i32 to vector<16xi32>
        %add3A_1063 = arith.addi %mul3A_1061, %add3A_1062 : vector<16xi32>
        %swap3A_1064 = arith.constant 2 : i32
        %swap3A_1065 = arith.index_cast %swap3A_1064 : i32 to index
        %swap3A_1066 = arith.constant 0 : index
        %swap3A_1067 = tpu.vector_load %arg8[%swap3A_1065, %swap3A_1066] {strides = array<i32>} : memref<3x112xi32, #tpu.memory_space<vmem>>, vector<1x16xi32>,
        %swap3A_1068 = vector.shape_cast %swap3A_1067 : vector<1x16xi32> to vector<16xi32>
        %swap3A_1069 = vector.shape_cast %add3A_1063 : vector<16xi32> to vector<1x16xi32>
        tpu.vector_store %arg8[%swap3A_1065, %swap3A_1066], %swap3A_1069 {strides = array<i32>} : memref<3x112xi32, #tpu.memory_space<vmem>>, vector<1x16xi32>,
        %get3A_1070 = arith.constant 2 : i32
        %get3A_1071 = arith.index_cast %get3A_1070 : i32 to index
        %get3A_1072 = arith.constant 16 : index
        %get3A_1073 = tpu.vector_load %arg8[%get3A_1071, %get3A_1072] {strides = array<i32>} : memref<3x112xi32, #tpu.memory_space<vmem>>, vector<1x16xi32>,
        %get3A_1074 = vector.shape_cast %get3A_1073 : vector<1x16xi32> to vector<16xi32>
        %mul3A_1075 = arith.constant 4 : i32
        %mul3A_1076 = vector.broadcast %mul3A_1075 : i32 to vector<16xi32>
        %mul3A_1077 = arith.muli %get3A_1074, %mul3A_1076 : vector<16xi32>
        %add3A_1078 = vector.broadcast %add3A_452 : i32 to vector<16xi32>
        %add3A_1079 = arith.addi %mul3A_1077, %add3A_1078 : vector<16xi32>
        %swap3A_1080 = arith.constant 2 : i32
        %swap3A_1081 = arith.index_cast %swap3A_1080 : i32 to index
        %swap3A_1082 = arith.constant 16 : index
        %swap3A_1083 = tpu.vector_load %arg8[%swap3A_1081, %swap3A_1082] {strides = array<i32>} : memref<3x112xi32, #tpu.memory_space<vmem>>, vector<1x16xi32>,
        %swap3A_1084 = vector.shape_cast %swap3A_1083 : vector<1x16xi32> to vector<16xi32>
        %swap3A_1085 = vector.shape_cast %add3A_1079 : vector<16xi32> to vector<1x16xi32>
        tpu.vector_store %arg8[%swap3A_1081, %swap3A_1082], %swap3A_1085 {strides = array<i32>} : memref<3x112xi32, #tpu.memory_space<vmem>>, vector<1x16xi32>,
        %get3A_1086 = arith.constant 2 : i32
        %get3A_1087 = arith.index_cast %get3A_1086 : i32 to index
        %get3A_1088 = arith.constant 32 : index
        %get3A_1089 = tpu.vector_load %arg8[%get3A_1087, %get3A_1088] {strides = array<i32>} : memref<3x112xi32, #tpu.memory_space<vmem>>, vector<1x16xi32>,
        %get3A_1090 = vector.shape_cast %get3A_1089 : vector<1x16xi32> to vector<16xi32>
        %mul3A_1091 = arith.constant 4 : i32
        %mul3A_1092 = vector.broadcast %mul3A_1091 : i32 to vector<16xi32>
        %mul3A_1093 = arith.muli %get3A_1090, %mul3A_1092 : vector<16xi32>
        %add3A_1094 = vector.broadcast %add3A_452 : i32 to vector<16xi32>
        %add3A_1095 = arith.addi %mul3A_1093, %add3A_1094 : vector<16xi32>
        %swap3A_1096 = arith.constant 2 : i32
        %swap3A_1097 = arith.index_cast %swap3A_1096 : i32 to index
        %swap3A_1098 = arith.constant 32 : index
        %swap3A_1099 = tpu.vector_load %arg8[%swap3A_1097, %swap3A_1098] {strides = array<i32>} : memref<3x112xi32, #tpu.memory_space<vmem>>, vector<1x16xi32>,
        %swap3A_1100 = vector.shape_cast %swap3A_1099 : vector<1x16xi32> to vector<16xi32>
        %swap3A_1101 = vector.shape_cast %add3A_1095 : vector<16xi32> to vector<1x16xi32>
        tpu.vector_store %arg8[%swap3A_1097, %swap3A_1098], %swap3A_1101 {strides = array<i32>} : memref<3x112xi32, #tpu.memory_space<vmem>>, vector<1x16xi32>,
        %get3A_1102 = arith.constant 2 : i32
        %get3A_1103 = arith.index_cast %get3A_1102 : i32 to index
        %get3A_1104 = arith.constant 48 : index
        %get3A_1105 = tpu.vector_load %arg8[%get3A_1103, %get3A_1104] {strides = array<i32>} : memref<3x112xi32, #tpu.memory_space<vmem>>, vector<1x16xi32>,
        %get3A_1106 = vector.shape_cast %get3A_1105 : vector<1x16xi32> to vector<16xi32>
        %mul3A_1107 = arith.constant 4 : i32
        %mul3A_1108 = vector.broadcast %mul3A_1107 : i32 to vector<16xi32>
        %mul3A_1109 = arith.muli %get3A_1106, %mul3A_1108 : vector<16xi32>
        %add3A_1110 = vector.broadcast %add3A_452 : i32 to vector<16xi32>
        %add3A_1111 = arith.addi %mul3A_1109, %add3A_1110 : vector<16xi32>
        %swap3A_1112 = arith.constant 2 : i32
        %swap3A_1113 = arith.index_cast %swap3A_1112 : i32 to index
        %swap3A_1114 = arith.constant 48 : index
        %swap3A_1115 = tpu.vector_load %arg8[%swap3A_1113, %swap3A_1114] {strides = array<i32>} : memref<3x112xi32, #tpu.memory_space<vmem>>, vector<1x16xi32>,
        %swap3A_1116 = vector.shape_cast %swap3A_1115 : vector<1x16xi32> to vector<16xi32>
        %swap3A_1117 = vector.shape_cast %add3A_1111 : vector<16xi32> to vector<1x16xi32>
        tpu.vector_store %arg8[%swap3A_1113, %swap3A_1114], %swap3A_1117 {strides = array<i32>} : memref<3x112xi32, #tpu.memory_space<vmem>>, vector<1x16xi32>,
        %get3A_1118 = arith.constant 2 : i32
        %get3A_1119 = arith.index_cast %get3A_1118 : i32 to index
        %get3A_1120 = arith.constant 64 : index
        %get3A_1121 = tpu.vector_load %arg8[%get3A_1119, %get3A_1120] {strides = array<i32>} : memref<3x112xi32, #tpu.memory_space<vmem>>, vector<1x16xi32>,
        %get3A_1122 = vector.shape_cast %get3A_1121 : vector<1x16xi32> to vector<16xi32>
        %mul3A_1123 = arith.constant 4 : i32
        %mul3A_1124 = vector.broadcast %mul3A_1123 : i32 to vector<16xi32>
        %mul3A_1125 = arith.muli %get3A_1122, %mul3A_1124 : vector<16xi32>
        %add3A_1126 = vector.broadcast %add3A_452 : i32 to vector<16xi32>
        %add3A_1127 = arith.addi %mul3A_1125, %add3A_1126 : vector<16xi32>
        %swap3A_1128 = arith.constant 2 : i32
        %swap3A_1129 = arith.index_cast %swap3A_1128 : i32 to index
        %swap3A_1130 = arith.constant 64 : index
        %swap3A_1131 = tpu.vector_load %arg8[%swap3A_1129, %swap3A_1130] {strides = array<i32>} : memref<3x112xi32, #tpu.memory_space<vmem>>, vector<1x16xi32>,
        %swap3A_1132 = vector.shape_cast %swap3A_1131 : vector<1x16xi32> to vector<16xi32>
        %swap3A_1133 = vector.shape_cast %add3A_1127 : vector<16xi32> to vector<1x16xi32>
        tpu.vector_store %arg8[%swap3A_1129, %swap3A_1130], %swap3A_1133 {strides = array<i32>} : memref<3x112xi32, #tpu.memory_space<vmem>>, vector<1x16xi32>,
        %get3A_1134 = arith.constant 2 : i32
        %get3A_1135 = arith.index_cast %get3A_1134 : i32 to index
        %get3A_1136 = arith.constant 80 : index
        %get3A_1137 = tpu.vector_load %arg8[%get3A_1135, %get3A_1136] {strides = array<i32>} : memref<3x112xi32, #tpu.memory_space<vmem>>, vector<1x16xi32>,
        %get3A_1138 = vector.shape_cast %get3A_1137 : vector<1x16xi32> to vector<16xi32>
        %mul3A_1139 = arith.constant 4 : i32
        %mul3A_1140 = vector.broadcast %mul3A_1139 : i32 to vector<16xi32>
        %mul3A_1141 = arith.muli %get3A_1138, %mul3A_1140 : vector<16xi32>
        %add3A_1142 = vector.broadcast %add3A_452 : i32 to vector<16xi32>
        %add3A_1143 = arith.addi %mul3A_1141, %add3A_1142 : vector<16xi32>
        %swap3A_1144 = arith.constant 2 : i32
        %swap3A_1145 = arith.index_cast %swap3A_1144 : i32 to index
        %swap3A_1146 = arith.constant 80 : index
        %swap3A_1147 = tpu.vector_load %arg8[%swap3A_1145, %swap3A_1146] {strides = array<i32>} : memref<3x112xi32, #tpu.memory_space<vmem>>, vector<1x16xi32>,
        %swap3A_1148 = vector.shape_cast %swap3A_1147 : vector<1x16xi32> to vector<16xi32>
        %swap3A_1149 = vector.shape_cast %add3A_1143 : vector<16xi32> to vector<1x16xi32>
        tpu.vector_store %arg8[%swap3A_1145, %swap3A_1146], %swap3A_1149 {strides = array<i32>} : memref<3x112xi32, #tpu.memory_space<vmem>>, vector<1x16xi32>,
        %get3A_1150 = arith.constant 2 : i32
        %get3A_1151 = arith.index_cast %get3A_1150 : i32 to index
        %get3A_1152 = arith.constant 96 : index
        %get3A_1153 = tpu.vector_load %arg8[%get3A_1151, %get3A_1152] {strides = array<i32>} : memref<3x112xi32, #tpu.memory_space<vmem>>, vector<1x16xi32>,
        %get3A_1154 = vector.shape_cast %get3A_1153 : vector<1x16xi32> to vector<16xi32>
        %mul3A_1155 = arith.constant 4 : i32
        %mul3A_1156 = vector.broadcast %mul3A_1155 : i32 to vector<16xi32>
        %mul3A_1157 = arith.muli %get3A_1154, %mul3A_1156 : vector<16xi32>
        %add3A_1158 = vector.broadcast %add3A_452 : i32 to vector<16xi32>
        %add3A_1159 = arith.addi %mul3A_1157, %add3A_1158 : vector<16xi32>
        %swap3A_1160 = arith.constant 2 : i32
        %swap3A_1161 = arith.index_cast %swap3A_1160 : i32 to index
        %swap3A_1162 = arith.constant 96 : index
        %swap3A_1163 = tpu.vector_load %arg8[%swap3A_1161, %swap3A_1162] {strides = array<i32>} : memref<3x112xi32, #tpu.memory_space<vmem>>, vector<1x16xi32>,
        %swap3A_1164 = vector.shape_cast %swap3A_1163 : vector<1x16xi32> to vector<16xi32>
        %swap3A_1165 = vector.shape_cast %add3A_1159 : vector<16xi32> to vector<1x16xi32>
        tpu.vector_store %arg8[%swap3A_1161, %swap3A_1162], %swap3A_1165 {strides = array<i32>} : memref<3x112xi32, #tpu.memory_space<vmem>>, vector<1x16xi32>,
        %mul3A_1166 = arith.constant 90 : i32
        %mul3A_1167 = arith.muli %arg1, %mul3A_1166 : i32
        %add3A_1168 = arith.addi %mul3A_1167, %add3A_1053 : i32
        %dma_start3A_1169 = arith.constant 2 : i32
        %dma_start3A_1170 = arith.constant 0 : i32
        %dma_start3A_1171 = tpu.memref_slice %arg9[%dma_start3A_1169, %dma_start3A_1170] : memref<3x112xi32, #tpu.memory_space<vmem>> -> memref<1x112xi32, #tpu.memory_space<vmem>>
        %dma_start3A_1172 = tpu.memref_squeeze %dma_start3A_1171 : memref<1x112xi32, #tpu.memory_space<vmem>> -> memref<112xi32, #tpu.memory_space<vmem>>
        %dma_start3A_1173 = arith.constant 0 : i32
        %dma_start3A_1174 = tpu.memref_slice %arg4[%add3A_1168, %dma_start3A_1173] : memref<1440x112xi32, #tpu.memory_space<hbm>> -> memref<1x112xi32, #tpu.memory_space<hbm>>
        %dma_start3A_1175 = tpu.memref_squeeze %dma_start3A_1174 : memref<1x112xi32, #tpu.memory_space<hbm>> -> memref<112xi32, #tpu.memory_space<hbm>>
        %dma_start3A_1176 = arith.constant 0 : i32
        %dma_start3A_1177 = tpu.memref_slice %arg9[%dma_start3A_1169, %dma_start3A_1176] : memref<3x112xi32, #tpu.memory_space<vmem>> -> memref<1x112xi32, #tpu.memory_space<vmem>>
        %dma_start3A_1178 = tpu.memref_squeeze %dma_start3A_1177 : memref<1x112xi32, #tpu.memory_space<vmem>> -> memref<112xi32, #tpu.memory_space<vmem>>
        %dma_start3A_1179 = arith.constant 0 : i32
        %dma_start3A_1180 = tpu.memref_slice %arg4[%add3A_1168, %dma_start3A_1179] : memref<1440x112xi32, #tpu.memory_space<hbm>> -> memref<1x112xi32, #tpu.memory_space<hbm>>
        %dma_start3A_1181 = tpu.memref_squeeze %dma_start3A_1180 : memref<1x112xi32, #tpu.memory_space<hbm>> -> memref<112xi32, #tpu.memory_space<hbm>>
        tpu.enqueue_dma source(%dma_start3A_1181 : memref<112xi32, #tpu.memory_space<hbm>>) target(%dma_start3A_1178 : memref<112xi32, #tpu.memory_space<vmem>>) target_semaphore(%arg16 : memref<!tpu.dma_semaphore, #tpu.memory_space<semaphore_mem>>)
        %dma_start3A_1182 = arith.constant 2 : i32
        %dma_start3A_1183 = arith.constant 2 : i32
        %dma_start3A_1184 = arith.constant 0 : i32
        %dma_start3A_1185 = arith.constant 0 : i32
        %dma_start3A_1186 = tpu.memref_slice %arg10[%dma_start3A_1183, %dma_start3A_1184, %dma_start3A_1185] : memref<3x112x128xf32, #tpu.memory_space<vmem>> -> memref<1x112x128xf32, #tpu.memory_space<vmem>>
        %dma_start3A_1187 = tpu.memref_squeeze %dma_start3A_1186 : memref<1x112x128xf32, #tpu.memory_space<vmem>> -> memref<112x128xf32, #tpu.memory_space<vmem>>
        %dma_start3A_1188 = arith.constant 0 : i32
        %dma_start3A_1189 = tpu.memref_slice %arg8[%dma_start3A_1182, %dma_start3A_1188] : memref<3x112xi32, #tpu.memory_space<vmem>> -> memref<1x112xi32, #tpu.memory_space<vmem>>
        %dma_start3A_1190 = tpu.memref_squeeze %dma_start3A_1189 : memref<1x112xi32, #tpu.memory_space<vmem>> -> memref<112xi32, #tpu.memory_space<vmem>>
        %dma_start3A_1191 = arith.constant 0 : i32
        %dma_start3A_1192 = arith.constant 0 : i32
        %dma_start3A_1193 = tpu.memref_slice %arg2[%dma_start3A_1191, %dma_start3A_1192] : memref<40000x128xf32, #tpu.memory_space<hbm>> -> memref<40000x128xf32, #tpu.memory_space<hbm>>
        tpu.enqueue_indirect_dma source(%dma_start3A_1193 : memref<40000x128xf32, #tpu.memory_space<hbm>>) target(%dma_start3A_1187 : memref<112x128xf32, #tpu.memory_space<vmem>>) offsets(%dma_start3A_1190 : memref<112xi32, #tpu.memory_space<vmem>>) semaphore(%arg13 : memref<!tpu.dma_semaphore, #tpu.memory_space<semaphore_mem>>)
      } else {
      }
    }
    %scan3A_899 = arith.constant 30 : i32
    %barrier3A_900 = arith.constant 0 : index
    tpu.barrier barrier_id(%barrier3A_900)
    %mul3A_901 = arith.constant 640 : i32
    %mul3A_902 = arith.muli %arg1, %mul3A_901 : i32
    %mul3A_903 = arith.constant 640 : i32
    %mul3A_904 = arith.muli %arg1, %mul3A_903 : i32
    "tpu.region"() ({
      %run_scoped3A_905 = tpu.sem_alloc : memref<!tpu.dma_semaphore, #tpu.memory_space<semaphore_mem>>
      %dma_start3A_906 = arith.constant 0 : i32
      %dma_start3A_907 = tpu.memref_slice %arg6[%add3A_452, %mul3A_904, %dma_start3A_906] : memref<4x10240x128xf32, #tpu.memory_space<hbm>> -> memref<1x640x128xf32, #tpu.memory_space<hbm>>
      %dma_start3A_908 = tpu.memref_squeeze %dma_start3A_907 : memref<1x640x128xf32, #tpu.memory_space<hbm>> -> memref<640x128xf32, #tpu.memory_space<hbm>>
      %dma_start3A_909 = arith.constant 0 : i32
      %dma_start3A_910 = tpu.memref_slice %arg7[%mul3A_902, %dma_start3A_909] : memref<10240x128xf32, #tpu.memory_space<vmem_shared>> -> memref<640x128xf32, #tpu.memory_space<vmem_shared>>
      tpu.enqueue_dma source(%dma_start3A_910 : memref<640x128xf32, #tpu.memory_space<vmem_shared>>) target(%dma_start3A_908 : memref<640x128xf32, #tpu.memory_space<hbm>>) target_semaphore(%run_scoped3A_905 : memref<!tpu.dma_semaphore, #tpu.memory_space<semaphore_mem>>)
      %dma_wait3A = arith.constant 0 : i32
      %dma_wait3A_911 = tpu.memref_slice %arg6[%add3A_452, %mul3A_904, %dma_wait3A] : memref<4x10240x128xf32, #tpu.memory_space<hbm>> -> memref<1x640x128xf32, #tpu.memory_space<hbm>>
      %dma_wait3A_912 = tpu.memref_squeeze %dma_wait3A_911 : memref<1x640x128xf32, #tpu.memory_space<hbm>> -> memref<640x128xf32, #tpu.memory_space<hbm>>
      %dma_wait3A_913 = arith.constant 0 : i32
      %dma_wait3A_914 = tpu.memref_slice %arg7[%mul3A_902, %dma_wait3A_913] : memref<10240x128xf32, #tpu.memory_space<vmem_shared>> -> memref<640x128xf32, #tpu.memory_space<vmem_shared>>
      tpu.wait_dma2 semaphore(%run_scoped3A_905 : memref<!tpu.dma_semaphore, #tpu.memory_space<semaphore_mem>>) src(%dma_wait3A_914 : memref<640x128xf32, #tpu.memory_space<vmem_shared>>) dst(%dma_wait3A_912 : memref<640x128xf32, #tpu.memory_space<hbm>>)
      tpu.yield
    }) : () -> ()
    return
  }
}

module attributes {stable_mosaic.version = 14 : i64} {
  func.func @_scale_body(%arg0: i32, %arg1: memref<2x1000x128xf32, #tpu.memory_space<vmem>>, %arg2: memref<1000x256xf32, #tpu.memory_space<vmem>>, %arg3: memref<1000x256xf32, #tpu.memory_space<vmem>>, %arg4: memref<1000x1xf32, #tpu.memory_space<vmem>>) attributes {dimension_semantics = [#tpu.dimension_semantics<arbitrary>], iteration_bounds = array<i64: 10>, scalar_prefetch = 0 : i64, scratch_operands = 0 : i64, tpu.core_type = #tpu.core_type<tc>, window_params = [{transform_indices = @transform_0, window_bounds = array<i64: 2, 1000, 128>}, {transform_indices = @transform_1, window_bounds = array<i64: 1000, 256>}, {transform_indices = @transform_2, window_bounds = array<i64: 1000, 256>}, {transform_indices = @transform_3, window_bounds = array<i64: 1000, 1>}]} {
    %get3A = arith.constant 0 : index
    %get3A_0 = arith.constant 0 : index
    %get3A_1 = arith.constant 0 : index
    %get3A_2 = vector.load %arg1[%get3A, %get3A_0, %get3A_1] : memref<2x1000x128xf32, #tpu.memory_space<vmem>>, vector<1x1000x128xf32>
    %get3A_3 = vector.shape_cast %get3A_2 : vector<1x1000x128xf32> to vector<1000x128xf32>
    %slice3A = vector.extract_strided_slice %get3A_3 {offsets = [0, 0], sizes = [1000, 1], strides = [1, 1]} : vector<1000x128xf32> to vector<1000x1xf32>
    %add3A = arith.constant 1.000000e+00 : f32
    %add3A_4 = vector.broadcast %add3A : f32 to vector<1000x1xf32>
    %add3A_5 = arith.addf %add3A_4, %slice3A : vector<1000x1xf32>
    %get3A_6 = arith.constant 1 : index
    %get3A_7 = arith.constant 0 : index
    %get3A_8 = arith.constant 0 : index
    %get3A_9 = vector.load %arg1[%get3A_6, %get3A_7, %get3A_8] : memref<2x1000x128xf32, #tpu.memory_space<vmem>>, vector<1x1000x128xf32>
    %get3A_10 = vector.shape_cast %get3A_9 : vector<1x1000x128xf32> to vector<1000x128xf32>
    %slice3A_11 = vector.extract_strided_slice %get3A_10 {offsets = [0, 0], sizes = [1000, 1], strides = [1, 1]} : vector<1000x128xf32> to vector<1000x1xf32>
    %add3A_12 = arith.addf %add3A_5, %slice3A_11 : vector<1000x1xf32>
    %rsqrt3A = math.rsqrt %add3A_12 : vector<1000x1xf32>
    %swap3A = arith.constant 0 : index
    %swap3A_13 = arith.constant 0 : index
    %swap3A_14 = vector.load %arg4[%swap3A, %swap3A_13] : memref<1000x1xf32, #tpu.memory_space<vmem>>, vector<1000x1xf32>
    tpu.vector_store %arg4[%swap3A, %swap3A_13], %rsqrt3A {strides = array<i32>} : memref<1000x1xf32, #tpu.memory_space<vmem>>, vector<1000x1xf32>,
    %get3A_15 = arith.constant 0 : index
    %get3A_16 = arith.constant 0 : index
    %get3A_17 = vector.load %arg2[%get3A_15, %get3A_16] : memref<1000x256xf32, #tpu.memory_space<vmem>>, vector<1000x256xf32>
    %mul3A = vector.broadcast %rsqrt3A : vector<1000x1xf32> to vector<1000x256xf32>
    %mul3A_18 = arith.mulf %get3A_17, %mul3A : vector<1000x256xf32>
    %swap3A_19 = arith.constant 0 : index
    %swap3A_20 = arith.constant 0 : index
    %swap3A_21 = vector.load %arg3[%swap3A_19, %swap3A_20] : memref<1000x256xf32, #tpu.memory_space<vmem>>, vector<1000x256xf32>
    tpu.vector_store %arg3[%swap3A_19, %swap3A_20], %mul3A_18 {strides = array<i32>} : memref<1000x256xf32, #tpu.memory_space<vmem>>, vector<1000x256xf32>,
    return
  }
  func.func @transform_0(%arg0: i32) -> (i32, i32, i32) {
    %c0_i32 = arith.constant 0 : i32
    %c0_i32_0 = arith.constant 0 : i32
    %c0_i32_1 = arith.constant 0 : i32
    return %c0_i32, %arg0, %c0_i32_0 : i32, i32, i32
  }
  func.func @transform_1(%arg0: i32) -> (i32, i32) {
    %c0_i32 = arith.constant 0 : i32
    %c0_i32_0 = arith.constant 0 : i32
    return %arg0, %c0_i32 : i32, i32
  }
  func.func @transform_2(%arg0: i32) -> (i32, i32) {
    %c0_i32 = arith.constant 0 : i32
    %c0_i32_0 = arith.constant 0 : i32
    return %arg0, %c0_i32 : i32, i32
  }
  func.func @transform_3(%arg0: i32) -> (i32, i32) {
    %c0_i32 = arith.constant 0 : i32
    %c0_i32_0 = arith.constant 0 : i32
    return %arg0, %c0_i32 : i32, i32
  }
}

module attributes {stable_mosaic.version = 14 : i64} {
  func.func @_mm1_body(%arg0: i32, %arg1: memref<2x1000x128xf32, #tpu.memory_space<vmem>>, %arg2: memref<1000x256xf32, #tpu.memory_space<vmem>>, %arg3: memref<1000x1xf32, #tpu.memory_space<vmem>>, %arg4: memref<256x512xf32, #tpu.memory_space<vmem>>, %arg5: memref<1x512xf32, #tpu.memory_space<vmem>>, %arg6: memref<1x512xf32, #tpu.memory_space<vmem>>, %arg7: memref<1x512xf32, #tpu.memory_space<vmem>>, %arg8: memref<1000x512xf32, #tpu.memory_space<vmem>>) attributes {dimension_semantics = [#tpu.dimension_semantics<arbitrary>], iteration_bounds = array<i64: 10>, scalar_prefetch = 0 : i64, scratch_operands = 0 : i64, tpu.core_type = #tpu.core_type<tc>, window_params = [{transform_indices = @transform_0, window_bounds = array<i64: 2, 1000, 128>}, {transform_indices = @transform_1, window_bounds = array<i64: 1000, 256>}, {transform_indices = @transform_2, window_bounds = array<i64: 1000, 1>}, {pipeline_mode = #tpu.pipeline_mode<synchronous>, transform_indices = @transform_3, window_bounds = array<i64: 256, 512>}, {pipeline_mode = #tpu.pipeline_mode<synchronous>, transform_indices = @transform_4, window_bounds = array<i64: 1, 512>}, {pipeline_mode = #tpu.pipeline_mode<synchronous>, transform_indices = @transform_5, window_bounds = array<i64: 1, 512>}, {pipeline_mode = #tpu.pipeline_mode<synchronous>, transform_indices = @transform_6, window_bounds = array<i64: 1, 512>}, {transform_indices = @transform_7, window_bounds = array<i64: 1000, 512>}]} {
    %get3A = arith.constant 0 : index
    %get3A_0 = arith.constant 0 : index
    %get3A_1 = arith.constant 0 : index
    %get3A_2 = vector.load %arg1[%get3A, %get3A_0, %get3A_1] : memref<2x1000x128xf32, #tpu.memory_space<vmem>>, vector<1x1000x128xf32>
    %get3A_3 = vector.shape_cast %get3A_2 : vector<1x1000x128xf32> to vector<1000x128xf32>
    %get3A_4 = arith.constant 1 : index
    %get3A_5 = arith.constant 0 : index
    %get3A_6 = arith.constant 0 : index
    %get3A_7 = vector.load %arg1[%get3A_4, %get3A_5, %get3A_6] : memref<2x1000x128xf32, #tpu.memory_space<vmem>>, vector<1x1000x128xf32>
    %get3A_8 = vector.shape_cast %get3A_7 : vector<1x1000x128xf32> to vector<1000x128xf32>
    %concatenate3A = tpu.concatenate %get3A_3, %get3A_8 in 1 : vector<1000x128xf32>, vector<1000x128xf32> -> vector<1000x256xf32>
    %get3A_9 = arith.constant 0 : index
    %get3A_10 = arith.constant 0 : index
    %get3A_11 = vector.load %arg2[%get3A_9, %get3A_10] : memref<1000x256xf32, #tpu.memory_space<vmem>>, vector<1000x256xf32>
    %add3A = arith.addf %concatenate3A, %get3A_11 : vector<1000x256xf32>
    %get3A_12 = arith.constant 0 : index
    %get3A_13 = arith.constant 0 : index
    %get3A_14 = vector.load %arg3[%get3A_12, %get3A_13] : memref<1000x1xf32, #tpu.memory_space<vmem>>, vector<1000x1xf32>
    %mul3A = vector.broadcast %get3A_14 : vector<1000x1xf32> to vector<1000x256xf32>
    %mul3A_15 = arith.mulf %add3A, %mul3A : vector<1000x256xf32>
    %get3A_16 = arith.constant 0 : index
    %get3A_17 = arith.constant 0 : index
    %get3A_18 = vector.load %arg4[%get3A_16, %get3A_17] : memref<256x512xf32, #tpu.memory_space<vmem>>, vector<256x512xf32>
    %dot_general3A = arith.constant dense<0.000000e+00> : vector<1000x512xf32>
    %dot_general3A_19 = tpu.matmul %mul3A_15, %get3A_18, %dot_general3A {dimension_numbers = #tpu.dot_dimension_numbers<[1], [0], [0], [1], [0, 0, 1, 1], [], []>, transpose_lhs_hint = false} : vector<1000x256xf32>, vector<256x512xf32>, vector<1000x512xf32> -> vector<1000x512xf32>
    %get3A_20 = arith.constant 0 : index
    %get3A_21 = arith.constant 0 : index
    %get3A_22 = vector.load %arg5[%get3A_20, %get3A_21] : memref<1x512xf32, #tpu.memory_space<vmem>>, vector<1x512xf32>
    %add3A_23 = vector.broadcast %get3A_22 : vector<1x512xf32> to vector<1000x512xf32>
    %add3A_24 = arith.addf %dot_general3A_19, %add3A_23 : vector<1000x512xf32>
    %get3A_25 = arith.constant 0 : index
    %get3A_26 = arith.constant 0 : index
    %get3A_27 = vector.load %arg6[%get3A_25, %get3A_26] : memref<1x512xf32, #tpu.memory_space<vmem>>, vector<1x512xf32>
    %mul3A_28 = arith.constant 0.999994993 : f32
    %mul3A_29 = vector.broadcast %mul3A_28 : f32 to vector<1x512xf32>
    %mul3A_30 = arith.mulf %get3A_27, %mul3A_29 : vector<1x512xf32>
    %mul3A_31 = vector.broadcast %mul3A_30 : vector<1x512xf32> to vector<1000x512xf32>
    %mul3A_32 = arith.mulf %add3A_24, %mul3A_31 : vector<1000x512xf32>
    %get3A_33 = arith.constant 0 : index
    %get3A_34 = arith.constant 0 : index
    %get3A_35 = vector.load %arg7[%get3A_33, %get3A_34] : memref<1x512xf32, #tpu.memory_space<vmem>>, vector<1x512xf32>
    %add3A_36 = vector.broadcast %get3A_35 : vector<1x512xf32> to vector<1000x512xf32>
    %add3A_37 = arith.addf %mul3A_32, %add3A_36 : vector<1000x512xf32>
    %max3A = arith.constant 0.000000e+00 : f32
    %max3A_38 = vector.broadcast %max3A : f32 to vector<1000x512xf32>
    %max3A_39 = arith.maximumf %add3A_37, %max3A_38 : vector<1000x512xf32>
    %get3A_40 = arith.constant 0 : index
    %get3A_41 = arith.constant 0 : index
    %get3A_42 = vector.load %arg3[%get3A_40, %get3A_41] : memref<1000x1xf32, #tpu.memory_space<vmem>>, vector<1000x1xf32>
    %mul3A_43 = vector.broadcast %get3A_42 : vector<1000x1xf32> to vector<1000x512xf32>
    %mul3A_44 = arith.mulf %max3A_39, %mul3A_43 : vector<1000x512xf32>
    %swap3A = arith.constant 0 : index
    %swap3A_45 = arith.constant 0 : index
    %swap3A_46 = vector.load %arg8[%swap3A, %swap3A_45] : memref<1000x512xf32, #tpu.memory_space<vmem>>, vector<1000x512xf32>
    tpu.vector_store %arg8[%swap3A, %swap3A_45], %mul3A_44 {strides = array<i32>} : memref<1000x512xf32, #tpu.memory_space<vmem>>, vector<1000x512xf32>,
    return
  }
  func.func @transform_0(%arg0: i32) -> (i32, i32, i32) {
    %c0_i32 = arith.constant 0 : i32
    %c0_i32_0 = arith.constant 0 : i32
    %c0_i32_1 = arith.constant 0 : i32
    return %c0_i32, %arg0, %c0_i32_0 : i32, i32, i32
  }
  func.func @transform_1(%arg0: i32) -> (i32, i32) {
    %c0_i32 = arith.constant 0 : i32
    %c0_i32_0 = arith.constant 0 : i32
    return %arg0, %c0_i32 : i32, i32
  }
  func.func @transform_2(%arg0: i32) -> (i32, i32) {
    %c0_i32 = arith.constant 0 : i32
    %c0_i32_0 = arith.constant 0 : i32
    return %arg0, %c0_i32 : i32, i32
  }
  func.func @transform_3(%arg0: i32) -> (i32, i32) {
    %c0_i32 = arith.constant 0 : i32
    %c0_i32_0 = arith.constant 0 : i32
    %c0_i32_1 = arith.constant 0 : i32
    return %c0_i32, %c0_i32_0 : i32, i32
  }
  func.func @transform_4(%arg0: i32) -> (i32, i32) {
    %c0_i32 = arith.constant 0 : i32
    %c0_i32_0 = arith.constant 0 : i32
    %c0_i32_1 = arith.constant 0 : i32
    return %c0_i32, %c0_i32_0 : i32, i32
  }
  func.func @transform_5(%arg0: i32) -> (i32, i32) {
    %c0_i32 = arith.constant 0 : i32
    %c0_i32_0 = arith.constant 0 : i32
    %c0_i32_1 = arith.constant 0 : i32
    return %c0_i32, %c0_i32_0 : i32, i32
  }
  func.func @transform_6(%arg0: i32) -> (i32, i32) {
    %c0_i32 = arith.constant 0 : i32
    %c0_i32_0 = arith.constant 0 : i32
    %c0_i32_1 = arith.constant 0 : i32
    return %c0_i32, %c0_i32_0 : i32, i32
  }
  func.func @transform_7(%arg0: i32) -> (i32, i32) {
    %c0_i32 = arith.constant 0 : i32
    %c0_i32_0 = arith.constant 0 : i32
    return %arg0, %c0_i32 : i32, i32
  }
}

module attributes {stable_mosaic.version = 14 : i64} {
  func.func @_mm2_body(%arg0: i32, %arg1: memref<4x1000x128xf32, #tpu.memory_space<vmem>>, %arg2: memref<1000x512xf32, #tpu.memory_space<vmem>>, %arg3: memref<1000x1xf32, #tpu.memory_space<vmem>>, %arg4: memref<512x512xf32, #tpu.memory_space<vmem>>, %arg5: memref<1x512xf32, #tpu.memory_space<vmem>>, %arg6: memref<1x512xf32, #tpu.memory_space<vmem>>, %arg7: memref<1x512xf32, #tpu.memory_space<vmem>>, %arg8: memref<512x256xf32, #tpu.memory_space<vmem>>, %arg9: memref<1x256xf32, #tpu.memory_space<vmem>>, %arg10: memref<1000x256xf32, #tpu.memory_space<vmem>>) attributes {dimension_semantics = [#tpu.dimension_semantics<arbitrary>], iteration_bounds = array<i64: 10>, scalar_prefetch = 0 : i64, scratch_operands = 0 : i64, tpu.core_type = #tpu.core_type<tc>, window_params = [{transform_indices = @transform_0, window_bounds = array<i64: 4, 1000, 128>}, {transform_indices = @transform_1, window_bounds = array<i64: 1000, 512>}, {transform_indices = @transform_2, window_bounds = array<i64: 1000, 1>}, {pipeline_mode = #tpu.pipeline_mode<synchronous>, transform_indices = @transform_3, window_bounds = array<i64: 512, 512>}, {pipeline_mode = #tpu.pipeline_mode<synchronous>, transform_indices = @transform_4, window_bounds = array<i64: 1, 512>}, {pipeline_mode = #tpu.pipeline_mode<synchronous>, transform_indices = @transform_5, window_bounds = array<i64: 1, 512>}, {pipeline_mode = #tpu.pipeline_mode<synchronous>, transform_indices = @transform_6, window_bounds = array<i64: 1, 512>}, {pipeline_mode = #tpu.pipeline_mode<synchronous>, transform_indices = @transform_7, window_bounds = array<i64: 512, 256>}, {pipeline_mode = #tpu.pipeline_mode<synchronous>, transform_indices = @transform_8, window_bounds = array<i64: 1, 256>}, {transform_indices = @transform_9, window_bounds = array<i64: 1000, 256>}]} {
    %get3A = arith.constant 0 : index
    %get3A_0 = arith.constant 0 : index
    %get3A_1 = arith.constant 0 : index
    %get3A_2 = vector.load %arg1[%get3A, %get3A_0, %get3A_1] : memref<4x1000x128xf32, #tpu.memory_space<vmem>>, vector<1x1000x128xf32>
    %get3A_3 = vector.shape_cast %get3A_2 : vector<1x1000x128xf32> to vector<1000x128xf32>
    %get3A_4 = arith.constant 1 : index
    %get3A_5 = arith.constant 0 : index
    %get3A_6 = arith.constant 0 : index
    %get3A_7 = vector.load %arg1[%get3A_4, %get3A_5, %get3A_6] : memref<4x1000x128xf32, #tpu.memory_space<vmem>>, vector<1x1000x128xf32>
    %get3A_8 = vector.shape_cast %get3A_7 : vector<1x1000x128xf32> to vector<1000x128xf32>
    %get3A_9 = arith.constant 2 : index
    %get3A_10 = arith.constant 0 : index
    %get3A_11 = arith.constant 0 : index
    %get3A_12 = vector.load %arg1[%get3A_9, %get3A_10, %get3A_11] : memref<4x1000x128xf32, #tpu.memory_space<vmem>>, vector<1x1000x128xf32>
    %get3A_13 = vector.shape_cast %get3A_12 : vector<1x1000x128xf32> to vector<1000x128xf32>
    %get3A_14 = arith.constant 3 : index
    %get3A_15 = arith.constant 0 : index
    %get3A_16 = arith.constant 0 : index
    %get3A_17 = vector.load %arg1[%get3A_14, %get3A_15, %get3A_16] : memref<4x1000x128xf32, #tpu.memory_space<vmem>>, vector<1x1000x128xf32>
    %get3A_18 = vector.shape_cast %get3A_17 : vector<1x1000x128xf32> to vector<1000x128xf32>
    %concatenate3A = tpu.concatenate %get3A_3, %get3A_8, %get3A_13, %get3A_18 in 1 : vector<1000x128xf32>, vector<1000x128xf32>, vector<1000x128xf32>, vector<1000x128xf32> -> vector<1000x512xf32>
    %get3A_19 = arith.constant 0 : index
    %get3A_20 = arith.constant 0 : index
    %get3A_21 = vector.load %arg2[%get3A_19, %get3A_20] : memref<1000x512xf32, #tpu.memory_space<vmem>>, vector<1000x512xf32>
    %add3A = arith.addf %concatenate3A, %get3A_21 : vector<1000x512xf32>
    %get3A_22 = arith.constant 0 : index
    %get3A_23 = arith.constant 0 : index
    %get3A_24 = vector.load %arg3[%get3A_22, %get3A_23] : memref<1000x1xf32, #tpu.memory_space<vmem>>, vector<1000x1xf32>
    %mul3A = vector.broadcast %get3A_24 : vector<1000x1xf32> to vector<1000x512xf32>
    %mul3A_25 = arith.mulf %add3A, %mul3A : vector<1000x512xf32>
    %get3A_26 = arith.constant 0 : index
    %get3A_27 = arith.constant 0 : index
    %get3A_28 = vector.load %arg4[%get3A_26, %get3A_27] : memref<512x512xf32, #tpu.memory_space<vmem>>, vector<512x512xf32>
    %dot_general3A = arith.constant dense<0.000000e+00> : vector<1000x512xf32>
    %dot_general3A_29 = tpu.matmul %mul3A_25, %get3A_28, %dot_general3A {dimension_numbers = #tpu.dot_dimension_numbers<[1], [0], [0], [1], [0, 0, 1, 1], [], []>, transpose_lhs_hint = false} : vector<1000x512xf32>, vector<512x512xf32>, vector<1000x512xf32> -> vector<1000x512xf32>
    %get3A_30 = arith.constant 0 : index
    %get3A_31 = arith.constant 0 : index
    %get3A_32 = vector.load %arg5[%get3A_30, %get3A_31] : memref<1x512xf32, #tpu.memory_space<vmem>>, vector<1x512xf32>
    %add3A_33 = vector.broadcast %get3A_32 : vector<1x512xf32> to vector<1000x512xf32>
    %add3A_34 = arith.addf %dot_general3A_29, %add3A_33 : vector<1000x512xf32>
    %get3A_35 = arith.constant 0 : index
    %get3A_36 = arith.constant 0 : index
    %get3A_37 = vector.load %arg6[%get3A_35, %get3A_36] : memref<1x512xf32, #tpu.memory_space<vmem>>, vector<1x512xf32>
    %mul3A_38 = arith.constant 0.999994993 : f32
    %mul3A_39 = vector.broadcast %mul3A_38 : f32 to vector<1x512xf32>
    %mul3A_40 = arith.mulf %get3A_37, %mul3A_39 : vector<1x512xf32>
    %mul3A_41 = vector.broadcast %mul3A_40 : vector<1x512xf32> to vector<1000x512xf32>
    %mul3A_42 = arith.mulf %add3A_34, %mul3A_41 : vector<1000x512xf32>
    %get3A_43 = arith.constant 0 : index
    %get3A_44 = arith.constant 0 : index
    %get3A_45 = vector.load %arg7[%get3A_43, %get3A_44] : memref<1x512xf32, #tpu.memory_space<vmem>>, vector<1x512xf32>
    %add3A_46 = vector.broadcast %get3A_45 : vector<1x512xf32> to vector<1000x512xf32>
    %add3A_47 = arith.addf %mul3A_42, %add3A_46 : vector<1000x512xf32>
    %max3A = arith.constant 0.000000e+00 : f32
    %max3A_48 = vector.broadcast %max3A : f32 to vector<1000x512xf32>
    %max3A_49 = arith.maximumf %add3A_47, %max3A_48 : vector<1000x512xf32>
    %get3A_50 = arith.constant 0 : index
    %get3A_51 = arith.constant 0 : index
    %get3A_52 = vector.load %arg8[%get3A_50, %get3A_51] : memref<512x256xf32, #tpu.memory_space<vmem>>, vector<512x256xf32>
    %dot_general3A_53 = arith.constant dense<0.000000e+00> : vector<1000x256xf32>
    %dot_general3A_54 = tpu.matmul %max3A_49, %get3A_52, %dot_general3A_53 {dimension_numbers = #tpu.dot_dimension_numbers<[1], [0], [0], [1], [0, 0, 1, 1], [], []>, transpose_lhs_hint = false} : vector<1000x512xf32>, vector<512x256xf32>, vector<1000x256xf32> -> vector<1000x256xf32>
    %get3A_55 = arith.constant 0 : index
    %get3A_56 = arith.constant 0 : index
    %get3A_57 = vector.load %arg9[%get3A_55, %get3A_56] : memref<1x256xf32, #tpu.memory_space<vmem>>, vector<1x256xf32>
    %add3A_58 = vector.broadcast %get3A_57 : vector<1x256xf32> to vector<1000x256xf32>
    %add3A_59 = arith.addf %dot_general3A_54, %add3A_58 : vector<1000x256xf32>
    %logistic3A = arith.negf %add3A_59 : vector<1000x256xf32>
    %logistic3A_60 = math.exp %logistic3A : vector<1000x256xf32>
    %logistic3A_61 = arith.constant 1.000000e+00 : f32
    %logistic3A_62 = vector.broadcast %logistic3A_61 : f32 to vector<1000x256xf32>
    %logistic3A_63 = arith.addf %logistic3A_62, %logistic3A_60 : vector<1000x256xf32>
    %logistic3A_64 = arith.divf %logistic3A_62, %logistic3A_63 : vector<1000x256xf32>
    %swap3A = arith.constant 0 : index
    %swap3A_65 = arith.constant 0 : index
    %swap3A_66 = vector.load %arg10[%swap3A, %swap3A_65] : memref<1000x256xf32, #tpu.memory_space<vmem>>, vector<1000x256xf32>
    tpu.vector_store %arg10[%swap3A, %swap3A_65], %logistic3A_64 {strides = array<i32>} : memref<1000x256xf32, #tpu.memory_space<vmem>>, vector<1000x256xf32>,
    return
  }
  func.func @transform_0(%arg0: i32) -> (i32, i32, i32) {
    %c0_i32 = arith.constant 0 : i32
    %c0_i32_0 = arith.constant 0 : i32
    %c0_i32_1 = arith.constant 0 : i32
    return %c0_i32, %arg0, %c0_i32_0 : i32, i32, i32
  }
  func.func @transform_1(%arg0: i32) -> (i32, i32) {
    %c0_i32 = arith.constant 0 : i32
    %c0_i32_0 = arith.constant 0 : i32
    return %arg0, %c0_i32 : i32, i32
  }
  func.func @transform_2(%arg0: i32) -> (i32, i32) {
    %c0_i32 = arith.constant 0 : i32
    %c0_i32_0 = arith.constant 0 : i32
    return %arg0, %c0_i32 : i32, i32
  }
  func.func @transform_3(%arg0: i32) -> (i32, i32) {
    %c0_i32 = arith.constant 0 : i32
    %c0_i32_0 = arith.constant 0 : i32
    %c0_i32_1 = arith.constant 0 : i32
    return %c0_i32, %c0_i32_0 : i32, i32
  }
  func.func @transform_4(%arg0: i32) -> (i32, i32) {
    %c0_i32 = arith.constant 0 : i32
    %c0_i32_0 = arith.constant 0 : i32
    %c0_i32_1 = arith.constant 0 : i32
    return %c0_i32, %c0_i32_0 : i32, i32
  }
  func.func @transform_5(%arg0: i32) -> (i32, i32) {
    %c0_i32 = arith.constant 0 : i32
    %c0_i32_0 = arith.constant 0 : i32
    %c0_i32_1 = arith.constant 0 : i32
    return %c0_i32, %c0_i32_0 : i32, i32
  }
  func.func @transform_6(%arg0: i32) -> (i32, i32) {
    %c0_i32 = arith.constant 0 : i32
    %c0_i32_0 = arith.constant 0 : i32
    %c0_i32_1 = arith.constant 0 : i32
    return %c0_i32, %c0_i32_0 : i32, i32
  }
  func.func @transform_7(%arg0: i32) -> (i32, i32) {
    %c0_i32 = arith.constant 0 : i32
    %c0_i32_0 = arith.constant 0 : i32
    %c0_i32_1 = arith.constant 0 : i32
    return %c0_i32, %c0_i32_0 : i32, i32
  }
  func.func @transform_8(%arg0: i32) -> (i32, i32) {
    %c0_i32 = arith.constant 0 : i32
    %c0_i32_0 = arith.constant 0 : i32
    %c0_i32_1 = arith.constant 0 : i32
    return %c0_i32, %c0_i32_0 : i32, i32
  }
  func.func @transform_9(%arg0: i32) -> (i32, i32) {
    %c0_i32 = arith.constant 0 : i32
    %c0_i32_0 = arith.constant 0 : i32
    return %arg0, %c0_i32 : i32, i32
  }
}

</mosaic_0001>

<sc_bundles>
// kernel: kernel.11.cloned.1.call-start
scs
__scs_entry_jumppad:
0x0: {  	(pc) =	sbr.rel $0x88, $3  }
0x1: {  	(tag) =	ssettag $0x0;
	lr =	simm.s32 $0x1  }
0x2: {  	[smem:$0x3F95] =	sst lr;
	_ =	strace $0xD0000000  }
0x3: {  	_ = 	snop  }
0x4: {  	_ = 	snop  }
0x5: {  	_ = 	snop  }
0x6: {  	_ = 	snop  }
0x7: {  	_ = 	snop  }
__scs_overlays_trampoline_lowered:
0x8: {  	[smem:$0x3FA4] =	sst s0  }
0x9: {  	[smem:$0x3FA5] =	sst s1  }
0xa: {  	[smem:$0x3FA6] =	sst s2  }
0xb: {  	[smem:$0x3FA7] =	sst s3  }
0xc: {  	[smem:$0x3FA8] =	sst s4  }
0xd: {  	[smem:$0x3FA9] =	sst s5  }
0xe: {  	[smem:$0x3FAA] =	sst s6  }
0xf: {  	[smem:$0x3FAB] =	sst s7  }
0x10: {  	[smem:$0x3FAC] =	sst s8  }
0x11: {  	[smem:$0x3FAD] =	sst s9;
	s0 =	simm.s32 @!p0 $0x0  }
0x12: {  	s1 =	sld [smem:$0x3F93];
	s0 =	simm.s32 @p0 $0x1  }
0x13: {  	[smem:$0x3FAE] =	sst s0;
	s0 =	simm.s32 @!p1 $0x0  }
0x14: {  	s2 =	sld [smem:$0x3F92];
	s0 =	simm.s32 @p1 $0x1  }
0x15: {  	[smem:$0x3FAF] =	sst s0;
	s0 =	simm.s32 @!p2 $0x0  }
0x16: {  	s3 =	sld [smem:$0x3FDB];
	s0 =	simm.s32 @p2 $0x1  }
0x17: {  	s4 =	simm.s32 $0x1BF5;
	[smem:$0x3FB1] =	sst s0  }
0x18: {  	s0 =	sld [smem:$0x3F94];
	_ =	swait.ge [sflag:s4], $0x0  }
0x19: {  	s7 =	sld [smem:$0x3F95]  }
0x1a: {  	s8 =	sadd.s32 $0xFFFFE003, lr  }
0x1b: {  	s9 =	sadd.s32 $0xFFFFFEF7, lr;
	s5 =	simm.s32 $0xFFFFFFFF;
	p2 =	slt.u32 s8, $0xFFFFF086  }
0x1c: {  	p1 =	slt.u32 s9, $0xF7A;
	s5 =	simm.s32 @!p2 $0x0  }
0x1d: {  	s5 =	simm.s32 @p1 $0x1;
	p0 =	seq.s32 s7, s2  }
0x1e: {  	s7 =	smul.u32 @!p0 $0xF7A, s2;
	p2 =	seq.s32 @!p0 s5, $0x0  }
0x1f: {  	s9 =	smul.u32 $0xF7A, s1;
	s8 =	simm.s32 @!p0 $0x1BF5;
	p2 =	por !p2, p0  }
0x20: {  	[sflag:s8] =	ssyncset.s32 @!p0 $0xFFFFF086;
	s6 =	sadd.s32 @!p0 s3, s7;
	s7 =	simm.s32 @!p0 $0x108  }
0x21: {  	s3 =	sadd.s32 s3, s9;
	s6 =	sadd.s32 @!p0 $0x88, s6;
	s7 =	simm.s32 @p2 $0x1082  }
0x22: {  	[simem:s7], [sflag:s8] =	dma.local @!p0 [hbm:s6], $0xF7A  }
0x23: {  	s9 =	sor.u32 $0xD0000000, s2;
	s6 =	simm.s32 $0x108;
	_ =	swait.ge @!p0 [sflag:s8], $0x0  }
0x24: {  	s3 =	sadd.s32 $0x88, s3;
	s6 =	simm.s32 @!p1 $0x1082;
	[sflag:s4] =	ssyncset.s32 $0xFFFFF086  }
0x25: {  	[simem:s6], [sflag:s4] =	dma.local [hbm:s3], $0xF7A  }
0x26: {  	[smem:$0x3F95] =	sst s1;
	(tag) =	ssettag s2;
	_ =	strace s9  }
0x27: {  	s1 =	sld [smem:$0x3FA5]  }
0x28: {  	s2 =	sld [smem:$0x3FA6]  }
0x29: {  	s4 =	sld [smem:$0x3FA8]  }
0x2a: {  	p0 =	seq.s32 s5, $0x0;
	s5 =	sld [smem:$0x3FA9]  }
0x2b: {  	s6 =	sld [smem:$0x3FAA]  }
0x2c: {  	s7 =	sld [smem:$0x3FAB]  }
0x2d: {  	s3 =	simm.s32 $0x108;
	s8 =	sld [smem:$0x3FAC]  }
0x2e: {  	s3 =	simm.s32 @!p0 $0x1082;
	s9 =	sld [smem:$0x3FAD]  }
0x2f: {  	lr =	sadd.s32 s0, s3;
	s0 =	sld [smem:$0x3FA4]  }
0x30: {  	s3 =	sld [smem:$0x3FA7]  }
0x31: {  	[smem:$0x3FB0] =	sst s10  }
0x32: {  	s10 =	sld [smem:$0x3FAE];
	_ =	sdelay $0x3  }
0x33: {  	p0 =	seq.s32 s10, $0x1;
	s10 =	sld [smem:$0x3FB0];
	_ =	sdelay $0x3  }
0x34: {  	[smem:$0x3FB0] =	sst s10  }
0x35: {  	s10 =	sld [smem:$0x3FAF];
	_ =	sdelay $0x3  }
0x36: {  	p1 =	seq.s32 s10, $0x1;
	s10 =	sld [smem:$0x3FB0];
	_ =	sdelay $0x3  }
0x37: {  	[smem:$0x3FB0] =	sst s10  }
0x38: {  	s10 =	sld [smem:$0x3FB1]  }
0x39: {  	_ = 	snop;
	(pc) =	sbr.ind lr, $3  }
0x3a: {  	_ = 	snop  }
0x3b: {  	_ = 	snop  }
0x3c: {  	p2 =	seq.s32 s10, $0x1;
	s10 =	sld [smem:$0x3FB0]  }
0x3d: {  	_ =	shalt  }
0x3e: {  	_ =	shalt  }
0x3f: {  	_ =	shalt  }
0x40: {  	_ =	shalt  }
0x41: {  	_ =	shalt  }
0x42: {  	_ =	shalt  }
0x43: {  	_ =	shalt  }
0x44: {  	_ =	shalt  }
0x45: {  	_ =	shalt  }
0x46: {  	_ =	shalt  }
0x47: {  	_ =	shalt  }
0x48: {  	_ =	shalt  }
0x49: {  	_ =	shalt  }
0x4a: {  	_ =	shalt  }
0x4b: {  	_ =	shalt  }
0x4c: {  	_ =	shalt  }
0x4d: {  	_ =	shalt  }
0x4e: {  	_ =	shalt  }
0x4f: {  	_ =	shalt  }
0x50: {  	_ =	shalt  }
0x51: {  	_ =	shalt  }
0x52: {  	_ =	shalt  }
0x53: {  	_ =	shalt  }
0x54: {  	_ =	shalt  }
0x55: {  	_ =	shalt  }
0x56: {  	_ =	shalt  }
0x57: {  	_ =	shalt  }
0x58: {  	_ =	shalt  }
0x59: {  	_ =	shalt  }
0x5a: {  	_ =	shalt  }
0x5b: {  	_ =	shalt  }
0x5c: {  	_ =	shalt  }
0x5d: {  	_ =	shalt  }
0x5e: {  	_ =	shalt  }
0x5f: {  	_ =	shalt  }
0x60: {  	_ =	shalt  }
0x61: {  	_ =	shalt  }
0x62: {  	_ =	shalt  }
0x63: {  	_ =	shalt  }
0x64: {  	_ =	shalt  }
0x65: {  	_ =	shalt  }
0x66: {  	_ =	shalt  }
0x67: {  	_ =	shalt  }
0x68: {  	_ =	shalt  }
0x69: {  	_ =	shalt  }
0x6a: {  	_ =	shalt  }
0x6b: {  	_ =	shalt  }
0x6c: {  	_ =	shalt  }
0x6d: {  	_ =	shalt  }
0x6e: {  	_ =	shalt  }
0x6f: {  	_ =	shalt  }
0x70: {  	_ =	shalt  }
0x71: {  	_ =	shalt  }
0x72: {  	_ =	shalt  }
0x73: {  	_ =	shalt  }
0x74: {  	_ =	shalt  }
0x75: {  	_ =	shalt  }
0x76: {  	_ =	shalt  }
0x77: {  	_ =	shalt  }
0x78: {  	_ =	shalt  }
0x79: {  	_ =	shalt  }
0x7a: {  	_ =	shalt  }
0x7b: {  	_ =	shalt  }
0x7c: {  	_ =	shalt  }
0x7d: {  	_ =	shalt  }
0x7e: {  	_ =	shalt  }
0x7f: {  	_ =	shalt  }
0x80: {  	_ =	shalt  }
0x81: {  	_ =	shalt  }
0x82: {  	_ =	shalt  }
0x83: {  	_ =	shalt  }
0x84: {  	_ =	shalt  }
0x85: {  	_ =	shalt  }
0x86: {  	_ =	shalt  }
0x87: {  	_ =	shalt  }
.Lfunc_end0:
.L_simem_size_0:
called_computation.1_lowered:
.L_overlay_start_0:
0x88: {  	s2 =	sld [smem:$0x3FD9]  }
0x89: {  	s3 =	sld [smem:$0x3FFE];
	_ =	sdelay $0x1  }
0x8a: {  	s1 =	srdreg.scid  }
0x8b: {  	s0 =	sand.u32 $0x1, s1  }
0x8c: {  	s17 =	sshll.u32 s0, $0xA;
	s2 =	sadd.s32 s3, s2  }
0x8d: {  	s2 =	sadd.s32 s2, s17  }
0x8e: {  	[smem:$0x3FBC] =	sst s2  }
0x8f: {  	_ = 	snop  }
0x90: {  	s2 =	sld [smem:$0x3FD0];
	(tm) =	ssettm $0x1  }
0x91: {  	s18 =	sld [smem:$0x3FFB];
	_ =	sdelay $0x3  }
0x92: {  	_ =	strace s18  }
0x93: {  	s3 =	sld [smem:$0x3FFC];
	_ =	sdelay $0x3  }
0x94: {  	_ =	strace s3  }
0x95: {  	s3 =	sld [smem:$0x3FFD];
	_ =	sdelay $0x3  }
0x96: {  	_ =	strace s3  }
0x97: {  	_ =	strace $0x8FFFFFFF  }
0x98: {  	s19 =	sld [smem:$0x3FDB];
	_ =	sdelay $0x1  }
0x99: {  	s4 =	simm.s32 $_scs_section_size  }
0x9a: {  	s5 =	simm.s32 $_size__tile_overlayer_lowered;
	s6 =	simm.s32 $_tile_overlayer_lowered  }
0x9b: {  	s22 =	simm.s32 $0x1BFF;
	s21 =	sshll.u32 s6, $0x1;
	s3 =	sadd.s32 s4, s19  }
0x9c: {  	s7 =	simm.s32 $0x0;
	s20 =	sshll.u32 s5, $0x1;
	s5 =	sadd.s32 s21, s3  }
0x9d: {  	[timem:s7], [sflag:s22] =	dma.local [hbm:s5], s20  }
0x9e: {  	_ =	swait.ge [sflag:s22], s20  }
0x9f: {  	s4 =	ssub.s32 $0x0, s20;
	[sflag:s22] =	ssyncset.done $0x0  }
0xa0: {  	[sflag:s22] =	ssyncadd.s32 s4;
	_ =	sdelay $0x1  }
0xa1: {  	s23 =	simm.s32 $0x1B8B  }
0xa2: {  	_ =	swait.ge [sflag:s23], $0x1  }
0xa3: {  	[sflag:s23] =	ssyncset.done $0x0  }
0xa4: {  	s25 =	simm.s32 $0x1B8E;
	s24 =	sld [smem:$0x3FFE];
	[sflag:s23] =	ssyncadd.s32 $0xFFFFFFFF  }
0xa5: {  	s26 =	simm.s32 $execute0_lowered;
	[smem:$0x3FD2] =	sst s25  }
0xa6: {  	s5 =	sshll.u32 s26, $0x1;
	_ =	strace $0x80000049;
	[dreg:$0x1] =	wrdreg $0xFFFFFFFF  }
0xa7: {  	s28 =	simm.s32 $_size_execute0_lowered;
	s3 =	sadd.s32 s3, s5;
	[dreg:$0x0] =	wrdreg $0x0  }
0xa8: {  	s5 =	sshll.u32 s28, $0x1;
	[dreg:$0x2] =	wrdreg s3  }
0xa9: {  	[dreg:$0x3] =	wrdreg s5  }
0xaa: {  	[dreg:$0x4] =	wrdreg $0xC0  }
0xab: {  	_ =	task [dreg:s7], $0x5FFFF  }
0xac: {  	[dreg:$0x1] =	wrdreg $0xFFFFFFFF  }
0xad: {  	[dreg:$0x0] =	wrdreg $0x60  }
0xae: {  	[dreg:$0x2] =	wrdreg s2  }
0xaf: {  	[dreg:$0x3] =	wrdreg s24  }
0xb0: {  	[dreg:$0x4] =	wrdreg $0x0  }
0xb1: {  	[dreg:$0x5] =	wrdreg $0x9  }
0xb2: {  	_ =	task.clear_ibuf [dreg:s7], $0x6FFFF;
	_ =	strace $0x90000049  }
0xb3: {  	s29 =	simm.s32 $0x9;
	_ =	strace $0x8000004B  }
0xb4: {  	_ =	swait.ge [sflag:s29], $0x1  }
0xb5: {  	[sflag:s29] =	ssyncadd.s32 $0xFFFFFFFF  }
0xb6: {  	_ =	strace $0x9000004B  }
0xb7: {  	_ =	sfence  }
0xb8: {  	s30 =	sld [smem:$0x0];
	_ =	sdelay $0x2  }
0xb9: {  	s31 =	sshll.u32 s1, $0xD;
	s1 =	sshrl.u32 s1, $0x2  }
0xba: {  	s3 =	sand.u32 $0x4000, s31;
	s1 =	sadd.s32 s1, s30  }
0xbb: {  	s0 =	sor.u32 s3, s0;
	s1 =	sshll.u32 s1, $0x11  }
0xbc: {  	s0 =	sor.u32 s1, s0  }
0xbd: {  	s0 =	sadd.s32 $0x8F2B, s0  }
0xbe: {  	[sflag:s0] =	ssyncadd.remote.s32 $0x1  }
0xbf: {  	_ =	sfence.sel $0xFFFF  }
0xc0: {  	[dreg:$0x0] =	wrdreg $0xFFFFFFFF;
	(pc) =	sbr.abs _section_cstart, $3  }
0xc1: {  	[dreg:$0x1] =	wrdreg $0xFFFFFFFF  }
0xc2: {  	_ =	task.clear_ibuf [dreg:s7], $0x2FFFF;
	_ =	strace $0x9FFFFFFF  }
0xc3: {  	(tm) =	ssettm $0x7FFFFFFF  }
tec
execute0_lowered:
.L_overlay_start_1:
0x0: {  	(tag) =	ssettag $0x1  }
0x1: {  	s1 =	rddreg [dreg:$0x0]  }
0x2: {  	s0 =	rddreg [dreg:$0x1]  }
0x3: {  	s2 =	rddreg [dreg:$0x2]  }
0x4: {  	s4 =	simm.s32 $0x0;
	s3 =	srdreg.scid;
	s14 =	stileid.u32  }
0x5: {  	s28 =	simm.s32 $0x14300;
	s29 =	simm.s32 $0x1B400;
	s30 =	simm.s32 $0x1  }
0x6: {  	s31 =	simm.s32 $0x5;
	[smem:$0x7FF] =	sst s4;
	s6 =	smul.u32 $0x14000, s14  }
0x7: {  	s3 =	sand.u32 $0x1, s3;
	s7 =	sadd.s32 $0x59C00, s0;
	s26 =	smul.u32 $0x2D00, s14  }
0x8: {  	s8 =	sadd.s32 $0x1A00, s0;
	s9 =	sadd.s32 $0x7400, s0;
	s12 =	smul.u32 $0x50000, s14  }
0x9: {  	s11 =	sshll.u32 s14, $0x8;
	s15 =	sshll.u32 s14, $0x6;
	s5 =	smul.u32 $0x140000, s3  }
0xa: {  	_ =	strace $0x8000004A;
	[dreg:$0x4] =	wrdreg s9;
	s25 =	ssub.s32 $0x2, s3  }
0xb: {  	s11 =	sand.u32 $0x300, s11;
	v0 =	vmov s3;
	s3 =	simm.s32 $0x9;
	s10 =	sshrl.u32 s25, $0x1  }
0xc: {  	s13 =	sand.u32 $0x3FC00, s26;
	s21 =	sshrl.u32 s26, $0x3;
	s5 =	sadd.s32 s6, s5  }
0xd: {  	s11 =	sor.u32 s11, s13;
	s13 =	sshrl.u32 s12, $0x2;
	s6 =	sor.u32 $0x1C0A, s15  }
0xe: {  	s23 =	sadd.s32 $0x20, s21;
	s21 =	simm.s32 $0x70;
	s5 =	sshrl.u32 s5, $0x3  }
0xf: {  	s16 =	sshrl.u32 s11, $0x3;
	s17 =	sadd.s32 s13, s2;
	s26 =	sadd.s32 s8, s23  }
0x10: {  	s0 =	sadd.s32 s5, s0;
	s5 =	ssub.s32 s25, s10;
	s18 =	sadd.s32 s7, s16  }
0x11: {  	s19 =	sadd.s32 s8, s16;
	s20 =	sor.u32 $0x10, s16;
	s16 =	smul.u32 $0x5A0, s14  }
0x12: {  	s25 =	sadd.s32 s7, s23;
	[dreg:$0xa] =	wrdreg s26;
	s17 =	sshrl.u32 s17, $0x3  }
0x13: {  	s23 =	simm.s32 $0x14080;
	s26 =	simm.s32 $0x14100;
	[dreg:$0x5] =	wrdreg s18  }
0x14: {  	[dreg:$0x6] =	wrdreg s19;
	s22 =	sadd.s32 s7, s20;
	s24 =	sadd.s32 s8, s20  }
.Ltmp0:
0x15: {  	[dreg:$0x9] =	wrdreg s25;
	s0 =	sadd.s32 $0x9C00, s0;
	(pc) =	sbr.rel .LBB2_1-.Ltmp0, $4  }
0x16: {  	s14 =	smax.u32 s5, $0x1;
	s18 =	simm.s32 $0xA;
	[dreg:$0x7] =	wrdreg s22  }
0x17: {  	s19 =	simm.s32 $0x14000;
	s25 =	simm.s32 $0x17C00;
	[dreg:$0x8] =	wrdreg s24  }
0x18: {  	s20 =	simm.s32 $0x0;
	[dreg:$0xb] =	wrdreg s0;
	s15 =	sadd.s32 s16, s8  }
0x19: {  	s16 =	sadd.s32 s16, s7;
	s24 =	simm.s32 $0x14280;
	s0 =	simm.s32 $0x6  }
.LBB2_4:
0x1a: {  	s20 =	sadd.s32 $0x1, s20  }
0x1b: {  	[bflag:$0x0] =	sbarrier.arrive $0xFFFF;
	p0 =	sne.s32 s20, s14  }
.Ltmp1:
0x1c: {  	s5 =	rddreg [dreg:$0xb];
	(pc) =	sbr.rel @!p0 .LBB2_5-.Ltmp1, $4  }
0x1d: {  	[hbm:s5], [sflag:s6] =	dma.local [spmem:s17], $0x2800  }
0x1e: {  	_ =	swait.ge [sflag:s18], $0x2800  }
0x1f: {  	[sflag:s18] =	ssyncset.done $0x0  }
0x20: {  	[sflag:s18] =	ssyncadd.s32 $0xFFFFD800  }
.LBB2_1:
0x21: {  	s5 =	rddreg [dreg:$0x4]  }
0x22: {  	[spmem:s17], [sflag:s6] =	dma.local [hbm:s5], $0x2800  }
0x23: {  	_ =	swait.ge [sflag:s18], $0x2800  }
0x24: {  	[sflag:s18] =	ssyncset.done $0x0  }
0x25: {  	[sflag:s18] =	ssyncadd.s32 $0xFFFFD800  }
0x26: {  	[bflag:$0x0] =	sbarrier.arrive $0xFFFF  }
0x27: {  	s8 =	rddreg [dreg:$0x5]  }
0x28: {  	[tilespmem:s19], [sflag:$0xA] =	stream.linear.gather [hbm4b:s8+s4], $0x80, $0x38;
	[tilespmem:$0x1EC00] =	vst v63  }
0x29: {  	_ =	swait.ge [sflag:s18], $0x80  }
0x2a: {  	[sflag:s18] =	ssyncset.done $0x0  }
0x2b: {  	[sflag:s18] =	ssyncadd.s32 $0xFFFFFF80  }
0x2c: {  	v1 =	vld [tilespmem:$0x14000]  }
0x2d: {  	v2 =	vld [tilespmem:$0x14010]  }
0x2e: {  	v3 =	vld [tilespmem:$0x14020]  }
0x2f: {  	v4 =	vld [tilespmem:$0x14030]  }
0x30: {  	v5 =	vld [tilespmem:$0x14040]  }
0x31: {  	v6 =	vld [tilespmem:$0x14050];
	v1 =	vshll.u32 v1, $0x1  }
0x32: {  	v7 =	vld [tilespmem:$0x14060];
	v2 =	vshll.u32 v2, $0x1;
	v1 =	vor.u32 v0, v1  }
0x33: {  	[tilespmem:$0x14000] =	vst v1;
	v1 =	vor.u32 v0, v2;
	v2 =	vshll.u32 v3, $0x1  }
0x34: {  	[tilespmem:$0x14010] =	vst v1;
	v1 =	vor.u32 v0, v2;
	v2 =	vshll.u32 v4, $0x1  }
0x35: {  	[tilespmem:$0x14020] =	vst v1;
	v1 =	vor.u32 v0, v2;
	v2 =	vshll.u32 v5, $0x1  }
0x36: {  	[tilespmem:$0x14030] =	vst v1;
	v1 =	vor.u32 v0, v2;
	v2 =	vshll.u32 v6, $0x1  }
0x37: {  	[tilespmem:$0x14040] =	vst v1;
	v1 =	vor.u32 v0, v2;
	v2 =	vshll.u32 v7, $0x1  }
0x38: {  	[tilespmem:$0x14050] =	vst v1;
	v1 =	vor.u32 v0, v2  }
0x39: {  	s7 =	simm.s32 $0x14200;
	s9 =	rddreg [dreg:$0x6];
	[tilespmem:$0x14060] =	vst v1  }
0x3a: {  	[tilespmem:s7], [sflag:$0x4] =	stream.linear.gather [hbm4b:s9+s4], $0x80, $0x38;
	[tilespmem:$0x1EC00] =	vst v63  }
0x3b: {  	s10 =	simm.s32 $0x14400  }
0x3c: {  	[tilespmem:s10], [sflag:$0x1] =	stream.indirect.gather [hbm4b:s1+s21], $0x80, s19, s21, $0xb8;
	[tilespmem:$0x1EC00] =	vst v63  }
0x3d: {  	s11 =	rddreg [dreg:$0x7]  }
0x3e: {  	[tilespmem:s23], [sflag:$0xA] =	stream.linear.gather [hbm4b:s11+s4], $0x80, $0x38;
	[tilespmem:$0x1EC00] =	vst v63  }
0x3f: {  	_ =	swait.ge [sflag:s18], $0x80  }
0x40: {  	[sflag:s18] =	ssyncset.done $0x0  }
0x41: {  	[sflag:s18] =	ssyncadd.s32 $0xFFFFFF80  }
0x42: {  	v1 =	vld [tilespmem:$0x14080]  }
0x43: {  	v2 =	vld [tilespmem:$0x14090]  }
0x44: {  	v3 =	vld [tilespmem:$0x140A0]  }
0x45: {  	v56 =	vld [tilespmem:$0x140B0]  }
0x46: {  	v57 =	vld [tilespmem:$0x140C0]  }
0x47: {  	v58 =	vld [tilespmem:$0x140D0];
	v1 =	vshll.u32 v1, $0x1  }
0x48: {  	v59 =	vld [tilespmem:$0x140E0];
	v2 =	vshll.u32 v2, $0x1;
	v1 =	vor.u32 v0, v1  }
0x49: {  	[tilespmem:$0x14080] =	vst v1;
	v1 =	vor.u32 v0, v2;
	v2 =	vshll.u32 v3, $0x1  }
0x4a: {  	[tilespmem:$0x14090] =	vst v1;
	v1 =	vor.u32 v0, v2;
	v2 =	vshll.u32 v56, $0x1  }
0x4b: {  	[tilespmem:$0x140A0] =	vst v1;
	v1 =	vor.u32 v0, v2;
	v2 =	vshll.u32 v57, $0x1  }
0x4c: {  	[tilespmem:$0x140B0] =	vst v1;
	v1 =	vor.u32 v0, v2;
	v2 =	vshll.u32 v58, $0x1  }
0x4d: {  	[tilespmem:$0x140C0] =	vst v1;
	v1 =	vor.u32 v0, v2;
	v2 =	vshll.u32 v59, $0x1  }
0x4e: {  	[tilespmem:$0x140D0] =	vst v1;
	v1 =	vor.u32 v0, v2  }
0x4f: {  	s12 =	rddreg [dreg:$0x8];
	[tilespmem:$0x140E0] =	vst v1  }
0x50: {  	[tilespmem:s24], [sflag:$0x5] =	stream.linear.gather [hbm4b:s12+s4], $0x80, $0x38;
	[tilespmem:$0x1EC00] =	vst v63  }
0x51: {  	_ = 	snop  }
0x52: {  	[tilespmem:s25], [sflag:$0x2] =	stream.indirect.gather [hbm4b:s1+s21], $0x80, s23, s21, $0xb8;
	[tilespmem:$0x1EC00] =	vst v63  }
0x53: {  	s13 =	rddreg [dreg:$0x9]  }
0x54: {  	[tilespmem:s26], [sflag:$0xA] =	stream.linear.gather [hbm4b:s13+s4], $0x80, $0x38;
	[tilespmem:$0x1EC00] =	vst v63  }
0x55: {  	_ =	swait.ge [sflag:s18], $0x80  }
0x56: {  	[sflag:s18] =	ssyncset.done $0x0  }
0x57: {  	[sflag:s18] =	ssyncadd.s32 $0xFFFFFF80  }
0x58: {  	v1 =	vld [tilespmem:$0x14100]  }
0x59: {  	v2 =	vld [tilespmem:$0x14110]  }
0x5a: {  	v3 =	vld [tilespmem:$0x14120]  }
0x5b: {  	v60 =	vld [tilespmem:$0x14130]  }
0x5c: {  	v61 =	vld [tilespmem:$0x14140]  }
0x5d: {  	v62 =	vld [tilespmem:$0x14150];
	v1 =	vshll.u32 v1, $0x1  }
0x5e: {  	v63 =	vld [tilespmem:$0x14160];
	v2 =	vshll.u32 v2, $0x1;
	v1 =	vor.u32 v0, v1  }
0x5f: {  	[tilespmem:$0x14100] =	vst v1;
	v1 =	vor.u32 v0, v2;
	v2 =	vshll.u32 v3, $0x1  }
0x60: {  	[tilespmem:$0x14110] =	vst v1;
	v1 =	vor.u32 v0, v2;
	v2 =	vshll.u32 v60, $0x1  }
0x61: {  	[tilespmem:$0x14120] =	vst v1;
	v1 =	vor.u32 v0, v2;
	v2 =	vshll.u32 v61, $0x1  }
0x62: {  	[tilespmem:$0x14130] =	vst v1;
	v1 =	vor.u32 v0, v2;
	v2 =	vshll.u32 v62, $0x1  }
0x63: {  	[tilespmem:$0x14140] =	vst v1;
	v1 =	vor.u32 v0, v2;
	v2 =	vshll.u32 v63, $0x1  }
0x64: {  	[tilespmem:$0x14150] =	vst v1;
	v1 =	vor.u32 v0, v2  }
0x65: {  	s22 =	rddreg [dreg:$0xa];
	[tilespmem:$0x14160] =	vst v1  }
0x66: {  	[tilespmem:s28], [sflag:$0x6] =	stream.linear.gather [hbm4b:s22+s4], $0x80, $0x38;
	[tilespmem:$0x1EC00] =	vst v63  }
0x67: {  	s22 =	simm.s32 $0x0  }
0x68: {  	[tilespmem:s29], [sflag:$0x3] =	stream.indirect.gather [hbm4b:s1+s21], $0x80, s26, s21, $0xb8;
	[tilespmem:$0x1EC00] =	vst v63  }
.LBB2_2:
0x69: {  	_ =	swait.ge [sflag:s30], $0x3800  }
0x6a: {  	p0 =	seq.s32 s22, $0x570;
	[sflag:s30] =	ssyncset.done $0x0  }
0x6b: {  	s5 =	simm.s32 @p0 $0x4;
	[sflag:s30] =	ssyncadd.s32 $0xFFFFC800  }
0x6c: {  	_ =	swait.ge @p0 [sflag:s5], $0x80  }
0x6d: {  	s7 =	simm.s32 @p0 $0x14200;
	[sflag:s5] =	ssyncset.done @p0 $0x0  }
0x6e: {  	s8 =	simm.s32 @p0 $0x14400;
	[sflag:s5] =	ssyncadd.s32 @p0 $0xFFFFFF80;
	s5 =	simm.s32 @p0 $0x70  }
0x6f: {  	[spmem:s2] =	stream.indirect.scatter.add.f32 @p0 [tilespmem:s8], [sflag:$0xA], $0x80, s7, s5, $0xb8;
	[tilespmem:$0x1EC00] =	vst v63  }
0x70: {  	s5 =	simm.s32 @p0 $0xA  }
0x71: {  	_ =	swait.ge @p0 [sflag:s5], $0x3800  }
0x72: {  	[sflag:s5] =	ssyncset.done @p0 $0x0  }
0x73: {  	[sflag:s5] =	ssyncadd.s32 @p0 $0xFFFFC800;
	s5 =	simm.s32 @p0 $0x2  }
0x74: {  	_ =	swait.ge @p0 [sflag:s5], $0x3800  }
0x75: {  	[sflag:s5] =	ssyncset.done @p0 $0x0  }
0x76: {  	[sflag:s5] =	ssyncadd.s32 @p0 $0xFFFFC800;
	s5 =	sadd.s32 @!p0 s22, s16  }
0x77: {  	s9 =	simm.s32 @!p0 $0x14000;
	s7 =	simm.s32 @!p0 $0x0;
	s8 =	sadd.s32 @!p0 $0x30, s5  }
0x78: {  	[tilespmem:s9], [sflag:$0x7] =	stream.linear.gather @!p0 [hbm4b:s8+s7], $0x80, $0x38;
	[tilespmem:$0x1EC00] =	vst v63  }
0x79: {  	s8 =	simm.s32 @!p0 $0x4  }
0x7a: {  	_ =	swait.ge @!p0 [sflag:s8], $0x80  }
0x7b: {  	s10 =	simm.s32 @!p0 $0x14200;
	s11 =	simm.s32 @!p0 $0x14400;
	[sflag:s8] =	ssyncset.done @!p0 $0x0  }
0x7c: {  	s12 =	simm.s32 @!p0 $0xA;
	[sflag:s8] =	ssyncadd.s32 @!p0 $0xFFFFFF80;
	s8 =	simm.s32 @!p0 $0x70  }
0x7d: {  	[spmem:s2] =	stream.indirect.scatter.add.f32 @!p0 [tilespmem:s11], [sflag:$0xA], $0x80, s10, s8, $0xb8;
	[tilespmem:$0x1EC00] =	vst v63  }
0x7e: {  	_ =	swait.ge @!p0 [sflag:s12], $0x3800  }
0x7f: {  	[sflag:s12] =	ssyncset.done @!p0 $0x0  }
0x80: {  	[sflag:s12] =	ssyncadd.s32 @!p0 $0xFFFFC800;
	s12 =	simm.s32 @!p0 $0x7  }
0x81: {  	_ =	swait.ge @!p0 [sflag:s12], $0x80  }
0x82: {  	[sflag:s12] =	ssyncset.done @!p0 $0x0  }
0x83: {  	[sflag:s12] =	ssyncadd.s32 @!p0 $0xFFFFFF80  }
0x84: {  	v1 =	vld @!p0 [tilespmem:$0x14000]  }
0x85: {  	v2 =	vld @!p0 [tilespmem:$0x14010]  }
0x86: {  	v3 =	vld @!p0 [tilespmem:$0x14020]  }
0x87: {  	v4 =	vld @!p0 [tilespmem:$0x14030]  }
0x88: {  	v5 =	vld @!p0 [tilespmem:$0x14040]  }
0x89: {  	v6 =	vld @!p0 [tilespmem:$0x14050];
	v1 =	vshll.u32 @!p0 v1, $0x1  }
0x8a: {  	v7 =	vld @!p0 [tilespmem:$0x14060];
	v2 =	vshll.u32 @!p0 v2, $0x1;
	v1 =	vor.u32 @!p0 v0, v1  }
0x8b: {  	[tilespmem:$0x14000] =	vst @!p0 v1;
	v1 =	vor.u32 @!p0 v0, v2;
	v2 =	vshll.u32 @!p0 v3, $0x1  }
0x8c: {  	[tilespmem:$0x14010] =	vst @!p0 v1;
	v1 =	vor.u32 @!p0 v0, v2;
	v2 =	vshll.u32 @!p0 v4, $0x1  }
0x8d: {  	[tilespmem:$0x14020] =	vst @!p0 v1;
	v1 =	vor.u32 @!p0 v0, v2;
	v2 =	vshll.u32 @!p0 v5, $0x1  }
0x8e: {  	[tilespmem:$0x14030] =	vst @!p0 v1;
	v1 =	vor.u32 @!p0 v0, v2;
	v2 =	vshll.u32 @!p0 v6, $0x1  }
0x8f: {  	[tilespmem:$0x14040] =	vst @!p0 v1;
	v1 =	vor.u32 @!p0 v0, v2;
	v2 =	vshll.u32 @!p0 v7, $0x1  }
0x90: {  	s12 =	sadd.s32 @!p0 s22, s15;
	[tilespmem:$0x14050] =	vst @!p0 v1;
	v1 =	vor.u32 @!p0 v0, v2  }
0x91: {  	s13 =	sadd.s32 @!p0 $0x30, s12;
	[tilespmem:$0x14060] =	vst @!p0 v1  }
0x92: {  	[tilespmem:s10], [sflag:$0x4] =	stream.linear.gather @!p0 [hbm4b:s13+s7], $0x80, $0x38;
	[tilespmem:$0x1EC00] =	vst v63  }
0x93: {  	_ = 	snop  }
0x94: {  	[tilespmem:s11], [sflag:$0x1] =	stream.indirect.gather @!p0 [hbm4b:s1+s8], $0x80, s9, s8, $0xb8;
	[tilespmem:$0x1EC00] =	vst v63  }
0x95: {  	s9 =	simm.s32 @!p0 $0x2  }
0x96: {  	_ =	swait.ge @!p0 [sflag:s9], $0x3800  }
0x97: {  	[sflag:s9] =	ssyncset.done @!p0 $0x0  }
0x98: {  	s10 =	simm.s32 @!p0 $0x14080;
	[sflag:s9] =	ssyncadd.s32 @!p0 $0xFFFFC800;
	s9 =	sadd.s32 @!p0 $0x40, s5  }
0x99: {  	[tilespmem:s10], [sflag:$0x8] =	stream.linear.gather @!p0 [hbm4b:s9+s7], $0x80, $0x38;
	[tilespmem:$0x1EC00] =	vst v63  }
0x9a: {  	_ =	swait.ge [sflag:s31], $0x80  }
0x9b: {  	[sflag:s31] =	ssyncset.done $0x0  }
0x9c: {  	[sflag:s31] =	ssyncadd.s32 $0xFFFFFF80  }
0x9d: {  	[spmem:s2] =	stream.indirect.scatter.add.f32 [tilespmem:s25], [sflag:$0xA], $0x80, s24, s21, $0xb8;
	[tilespmem:$0x1EC00] =	vst v63  }
0x9e: {  	_ =	swait.ge [sflag:s18], $0x3800  }
0x9f: {  	[sflag:s18] =	ssyncset.done $0x0  }
0xa0: {  	s9 =	simm.s32 @p0 $0x3;
	[sflag:s18] =	ssyncadd.s32 $0xFFFFC800  }
0xa1: {  	_ =	swait.ge @p0 [sflag:s9], $0x3800  }
0xa2: {  	[sflag:s9] =	ssyncset.done @p0 $0x0  }
0xa3: {  	[sflag:s9] =	ssyncadd.s32 @p0 $0xFFFFC800;
	s9 =	simm.s32 @!p0 $0x8  }
0xa4: {  	_ =	swait.ge @!p0 [sflag:s9], $0x80  }
0xa5: {  	[sflag:s9] =	ssyncset.done @!p0 $0x0  }
0xa6: {  	[sflag:s9] =	ssyncadd.s32 @!p0 $0xFFFFFF80  }
0xa7: {  	v1 =	vld @!p0 [tilespmem:$0x14080]  }
0xa8: {  	v2 =	vld @!p0 [tilespmem:$0x14090]  }
0xa9: {  	v3 =	vld @!p0 [tilespmem:$0x140A0]  }
0xaa: {  	v4 =	vld @!p0 [tilespmem:$0x140B0]  }
0xab: {  	v5 =	vld @!p0 [tilespmem:$0x140C0]  }
0xac: {  	v6 =	vld @!p0 [tilespmem:$0x140D0];
	v1 =	vshll.u32 @!p0 v1, $0x1  }
0xad: {  	v7 =	vld @!p0 [tilespmem:$0x140E0];
	v2 =	vshll.u32 @!p0 v2, $0x1;
	v1 =	vor.u32 @!p0 v0, v1  }
0xae: {  	[tilespmem:$0x14080] =	vst @!p0 v1;
	v1 =	vor.u32 @!p0 v0, v2;
	v2 =	vshll.u32 @!p0 v3, $0x1  }
0xaf: {  	[tilespmem:$0x14090] =	vst @!p0 v1;
	v1 =	vor.u32 @!p0 v0, v2;
	v2 =	vshll.u32 @!p0 v4, $0x1  }
0xb0: {  	[tilespmem:$0x140A0] =	vst @!p0 v1;
	v1 =	vor.u32 @!p0 v0, v2;
	v2 =	vshll.u32 @!p0 v5, $0x1  }
0xb1: {  	[tilespmem:$0x140B0] =	vst @!p0 v1;
	v1 =	vor.u32 @!p0 v0, v2;
	v2 =	vshll.u32 @!p0 v6, $0x1  }
0xb2: {  	[tilespmem:$0x140C0] =	vst @!p0 v1;
	v1 =	vor.u32 @!p0 v0, v2;
	v2 =	vshll.u32 @!p0 v7, $0x1  }
0xb3: {  	[tilespmem:$0x140D0] =	vst @!p0 v1;
	v1 =	vor.u32 @!p0 v0, v2  }
0xb4: {  	s11 =	simm.s32 @!p0 $0x14280;
	s9 =	sadd.s32 @!p0 $0x40, s12;
	[tilespmem:$0x140E0] =	vst @!p0 v1  }
0xb5: {  	[tilespmem:s11], [sflag:$0x5] =	stream.linear.gather @!p0 [hbm4b:s9+s7], $0x80, $0x38;
	[tilespmem:$0x1EC00] =	vst v63  }
0xb6: {  	s9 =	simm.s32 @!p0 $0x17C00  }
0xb7: {  	[tilespmem:s9], [sflag:$0x2] =	stream.indirect.gather @!p0 [hbm4b:s1+s8], $0x80, s10, s8, $0xb8;
	[tilespmem:$0x1EC00] =	vst v63  }
0xb8: {  	s8 =	simm.s32 @!p0 $0x3  }
0xb9: {  	_ =	swait.ge @!p0 [sflag:s8], $0x3800  }
0xba: {  	[sflag:s8] =	ssyncset.done @!p0 $0x0  }
0xbb: {  	s5 =	sadd.s32 @!p0 $0x50, s5;
	[sflag:s8] =	ssyncadd.s32 @!p0 $0xFFFFC800;
	s8 =	simm.s32 @!p0 $0x14100  }
0xbc: {  	[tilespmem:s8], [sflag:$0x9] =	stream.linear.gather @!p0 [hbm4b:s5+s7], $0x80, $0x38;
	[tilespmem:$0x1EC00] =	vst v63  }
0xbd: {  	_ =	swait.ge [sflag:s0], $0x80  }
0xbe: {  	[sflag:s0] =	ssyncset.done $0x0  }
.Ltmp2:
0xbf: {  	[sflag:s0] =	ssyncadd.s32 $0xFFFFFF80;
	(pc) =	sbr.rel @p0 .LBB2_4-.Ltmp2, $4  }
0xc0: {  	[spmem:s2] =	stream.indirect.scatter.add.f32 [tilespmem:s29], [sflag:$0xA], $0x80, s28, s21, $0xb8;
	[tilespmem:$0x1EC00] =	vst v63  }
0xc1: {  	_ =	swait.ge [sflag:s18], $0x3800  }
0xc2: {  	[sflag:s18] =	ssyncset.done $0x0  }
0xc3: {  	[sflag:s18] =	ssyncadd.s32 $0xFFFFC800  }
0xc4: {  	_ =	swait.ge [sflag:s3], $0x80  }
0xc5: {  	[sflag:s3] =	ssyncset.done $0x0  }
0xc6: {  	[sflag:s3] =	ssyncadd.s32 $0xFFFFFF80  }
0xc7: {  	v1 =	vld [tilespmem:$0x14100]  }
0xc8: {  	v2 =	vld [tilespmem:$0x14110]  }
0xc9: {  	v3 =	vld [tilespmem:$0x14120]  }
0xca: {  	v4 =	vld [tilespmem:$0x14130]  }
0xcb: {  	v5 =	vld [tilespmem:$0x14140]  }
0xcc: {  	v6 =	vld [tilespmem:$0x14150];
	v1 =	vshll.u32 v1, $0x1  }
0xcd: {  	v7 =	vld [tilespmem:$0x14160];
	v2 =	vshll.u32 v2, $0x1;
	v1 =	vor.u32 v0, v1  }
0xce: {  	[tilespmem:$0x14100] =	vst v1;
	v1 =	vor.u32 v0, v2;
	v2 =	vshll.u32 v3, $0x1  }
0xcf: {  	[tilespmem:$0x14110] =	vst v1;
	v1 =	vor.u32 v0, v2;
	v2 =	vshll.u32 v4, $0x1  }
0xd0: {  	[tilespmem:$0x14120] =	vst v1;
	v1 =	vor.u32 v0, v2;
	v2 =	vshll.u32 v5, $0x1  }
0xd1: {  	[tilespmem:$0x14130] =	vst v1;
	v1 =	vor.u32 v0, v2;
	v2 =	vshll.u32 v6, $0x1  }
0xd2: {  	[tilespmem:$0x14140] =	vst v1;
	v1 =	vor.u32 v0, v2;
	v2 =	vshll.u32 v7, $0x1  }
.Ltmp3:
0xd3: {  	s5 =	sadd.s32 s22, s15;
	[tilespmem:$0x14150] =	vst v1;
	v1 =	vor.u32 v0, v2;
	(pc) =	sbr.rel .LBB2_2-.Ltmp3, $4  }
0xd4: {  	s5 =	sadd.s32 $0x50, s5;
	[tilespmem:$0x14160] =	vst v1  }
0xd5: {  	[tilespmem:s28], [sflag:$0x6] =	stream.linear.gather [hbm4b:s5+s4], $0x80, $0x38;
	[tilespmem:$0x1EC00] =	vst v63  }
0xd6: {  	s22 =	sadd.s32 $0x30, s22  }
0xd7: {  	[tilespmem:s29], [sflag:$0x3] =	stream.indirect.gather [hbm4b:s1+s21], $0x80, s26, s21, $0xb8;
	[tilespmem:$0x1EC00] =	vst v63  }
.LBB2_5:
0xd8: {  	_ =	sfence.sel $0x180000  }
0xd9: {  	[bflag:$0x0] =	sbarrier.arrive $0xFFFF  }
0xda: {  	_ =	strace $0x9000004A  }
0xdb: {  	s0 =	stileid.u32;
	[bflag:$0x2] =	sbarrier.arrive $0xFFFF  }
0xdc: {  	p0 =	sne.s32 s0, $0x0;
	s0 =	rddreg [dreg:$0x3]  }
0xdd: {  	s0 =	sadd.s32 @!p0 $0x100000, s0  }
0xde: {  	[sflag:s0] =	ssyncadd.tile.s32 @!p0 $0x1;
	_ =	shalt  }
.Lfunc_end2:
_tile_overlayer_lowered:
.L_overlay_start_2:
0xdf: {  	(tag) =	ssettag $0x2  }
0xe0: {  	s0 =	rddreg [dreg:$0x0];
	s2 =	stileid.u32  }
0xe1: {  	s1 =	rddreg [dreg:$0x1];
	p0 =	sne.s32 s2, $0x0  }
0xe2: {  	s3 =	rddreg [dreg:$0x2];
	[bflag:$0x3] =	sbarrier.arrive $0xFFFF;
	s2 =	simm.s32 @!p0 $0x1C0A  }
0xe3: {  	[timem:s3], [sflag:s2] =	dma.local @!p0 [hbm:s0], s1  }
0xe4: {  	s0 =	simm.s32 @!p0 $0xA  }
0xe5: {  	_ =	swait.ge @!p0 [sflag:s0], s1  }
0xe6: {  	s1 =	ssub.s32 @!p0 $0x0, s1;
	[sflag:s0] =	ssyncset.done @!p0 $0x0  }
0xe7: {  	[sflag:s0] =	ssyncadd.s32 @!p0 s1  }
0xe8: {  	[bflag:$0x3] =	sbarrier.arrive $0xFFFF  }
0xe9: {  	_ =	shalt  }

// kernel: kernel.14.cloned.1.call-start
scs
__scs_entry_jumppad:
0x0: {  	(pc) =	sbr.rel $0x88, $3  }
0x1: {  	(tag) =	ssettag $0x0;
	lr =	simm.s32 $0x1  }
0x2: {  	[smem:$0x3F95] =	sst lr;
	_ =	strace $0xD0000000  }
0x3: {  	_ = 	snop  }
0x4: {  	_ = 	snop  }
0x5: {  	_ = 	snop  }
0x6: {  	_ = 	snop  }
0x7: {  	_ = 	snop  }
__scs_overlays_trampoline_lowered:
0x8: {  	[smem:$0x3FA4] =	sst s0  }
0x9: {  	[smem:$0x3FA5] =	sst s1  }
0xa: {  	[smem:$0x3FA6] =	sst s2  }
0xb: {  	[smem:$0x3FA7] =	sst s3  }
0xc: {  	[smem:$0x3FA8] =	sst s4  }
0xd: {  	[smem:$0x3FA9] =	sst s5  }
0xe: {  	[smem:$0x3FAA] =	sst s6  }
0xf: {  	[smem:$0x3FAB] =	sst s7  }
0x10: {  	[smem:$0x3FAC] =	sst s8  }
0x11: {  	[smem:$0x3FAD] =	sst s9;
	s0 =	simm.s32 @!p0 $0x0  }
0x12: {  	s1 =	sld [smem:$0x3F93];
	s0 =	simm.s32 @p0 $0x1  }
0x13: {  	[smem:$0x3FAE] =	sst s0;
	s0 =	simm.s32 @!p1 $0x0  }
0x14: {  	s2 =	sld [smem:$0x3F92];
	s0 =	simm.s32 @p1 $0x1  }
0x15: {  	[smem:$0x3FAF] =	sst s0;
	s0 =	simm.s32 @!p2 $0x0  }
0x16: {  	s3 =	sld [smem:$0x3FDB];
	s0 =	simm.s32 @p2 $0x1  }
0x17: {  	s4 =	simm.s32 $0x1BF5;
	[smem:$0x3FB1] =	sst s0  }
0x18: {  	s0 =	sld [smem:$0x3F94];
	_ =	swait.ge [sflag:s4], $0x0  }
0x19: {  	s7 =	sld [smem:$0x3F95]  }
0x1a: {  	s8 =	sadd.s32 $0xFFFFE003, lr  }
0x1b: {  	s9 =	sadd.s32 $0xFFFFFEF7, lr;
	s5 =	simm.s32 $0xFFFFFFFF;
	p2 =	slt.u32 s8, $0xFFFFF086  }
0x1c: {  	p1 =	slt.u32 s9, $0xF7A;
	s5 =	simm.s32 @!p2 $0x0  }
0x1d: {  	s5 =	simm.s32 @p1 $0x1;
	p0 =	seq.s32 s7, s2  }
0x1e: {  	s7 =	smul.u32 @!p0 $0xF7A, s2;
	p2 =	seq.s32 @!p0 s5, $0x0  }
0x1f: {  	s9 =	smul.u32 $0xF7A, s1;
	s8 =	simm.s32 @!p0 $0x1BF5;
	p2 =	por !p2, p0  }
0x20: {  	[sflag:s8] =	ssyncset.s32 @!p0 $0xFFFFF086;
	s6 =	sadd.s32 @!p0 s3, s7;
	s7 =	simm.s32 @!p0 $0x108  }
0x21: {  	s3 =	sadd.s32 s3, s9;
	s6 =	sadd.s32 @!p0 $0x88, s6;
	s7 =	simm.s32 @p2 $0x1082  }
0x22: {  	[simem:s7], [sflag:s8] =	dma.local @!p0 [hbm:s6], $0xF7A  }
0x23: {  	s9 =	sor.u32 $0xD0000000, s2;
	s6 =	simm.s32 $0x108;
	_ =	swait.ge @!p0 [sflag:s8], $0x0  }
0x24: {  	s3 =	sadd.s32 $0x88, s3;
	s6 =	simm.s32 @!p1 $0x1082;
	[sflag:s4] =	ssyncset.s32 $0xFFFFF086  }
0x25: {  	[simem:s6], [sflag:s4] =	dma.local [hbm:s3], $0xF7A  }
0x26: {  	[smem:$0x3F95] =	sst s1;
	(tag) =	ssettag s2;
	_ =	strace s9  }
0x27: {  	s1 =	sld [smem:$0x3FA5]  }
0x28: {  	s2 =	sld [smem:$0x3FA6]  }
0x29: {  	s4 =	sld [smem:$0x3FA8]  }
0x2a: {  	p0 =	seq.s32 s5, $0x0;
	s5 =	sld [smem:$0x3FA9]  }
0x2b: {  	s6 =	sld [smem:$0x3FAA]  }
0x2c: {  	s7 =	sld [smem:$0x3FAB]  }
0x2d: {  	s3 =	simm.s32 $0x108;
	s8 =	sld [smem:$0x3FAC]  }
0x2e: {  	s3 =	simm.s32 @!p0 $0x1082;
	s9 =	sld [smem:$0x3FAD]  }
0x2f: {  	lr =	sadd.s32 s0, s3;
	s0 =	sld [smem:$0x3FA4]  }
0x30: {  	s3 =	sld [smem:$0x3FA7]  }
0x31: {  	[smem:$0x3FB0] =	sst s10  }
0x32: {  	s10 =	sld [smem:$0x3FAE];
	_ =	sdelay $0x3  }
0x33: {  	p0 =	seq.s32 s10, $0x1;
	s10 =	sld [smem:$0x3FB0];
	_ =	sdelay $0x3  }
0x34: {  	[smem:$0x3FB0] =	sst s10  }
0x35: {  	s10 =	sld [smem:$0x3FAF];
	_ =	sdelay $0x3  }
0x36: {  	p1 =	seq.s32 s10, $0x1;
	s10 =	sld [smem:$0x3FB0];
	_ =	sdelay $0x3  }
0x37: {  	[smem:$0x3FB0] =	sst s10  }
0x38: {  	s10 =	sld [smem:$0x3FB1]  }
0x39: {  	_ = 	snop;
	(pc) =	sbr.ind lr, $3  }
0x3a: {  	_ = 	snop  }
0x3b: {  	_ = 	snop  }
0x3c: {  	p2 =	seq.s32 s10, $0x1;
	s10 =	sld [smem:$0x3FB0]  }
0x3d: {  	_ =	shalt  }
0x3e: {  	_ =	shalt  }
0x3f: {  	_ =	shalt  }
0x40: {  	_ =	shalt  }
0x41: {  	_ =	shalt  }
0x42: {  	_ =	shalt  }
0x43: {  	_ =	shalt  }
0x44: {  	_ =	shalt  }
0x45: {  	_ =	shalt  }
0x46: {  	_ =	shalt  }
0x47: {  	_ =	shalt  }
0x48: {  	_ =	shalt  }
0x49: {  	_ =	shalt  }
0x4a: {  	_ =	shalt  }
0x4b: {  	_ =	shalt  }
0x4c: {  	_ =	shalt  }
0x4d: {  	_ =	shalt  }
0x4e: {  	_ =	shalt  }
0x4f: {  	_ =	shalt  }
0x50: {  	_ =	shalt  }
0x51: {  	_ =	shalt  }
0x52: {  	_ =	shalt  }
0x53: {  	_ =	shalt  }
0x54: {  	_ =	shalt  }
0x55: {  	_ =	shalt  }
0x56: {  	_ =	shalt  }
0x57: {  	_ =	shalt  }
0x58: {  	_ =	shalt  }
0x59: {  	_ =	shalt  }
0x5a: {  	_ =	shalt  }
0x5b: {  	_ =	shalt  }
0x5c: {  	_ =	shalt  }
0x5d: {  	_ =	shalt  }
0x5e: {  	_ =	shalt  }
0x5f: {  	_ =	shalt  }
0x60: {  	_ =	shalt  }
0x61: {  	_ =	shalt  }
0x62: {  	_ =	shalt  }
0x63: {  	_ =	shalt  }
0x64: {  	_ =	shalt  }
0x65: {  	_ =	shalt  }
0x66: {  	_ =	shalt  }
0x67: {  	_ =	shalt  }
0x68: {  	_ =	shalt  }
0x69: {  	_ =	shalt  }
0x6a: {  	_ =	shalt  }
0x6b: {  	_ =	shalt  }
0x6c: {  	_ =	shalt  }
0x6d: {  	_ =	shalt  }
0x6e: {  	_ =	shalt  }
0x6f: {  	_ =	shalt  }
0x70: {  	_ =	shalt  }
0x71: {  	_ =	shalt  }
0x72: {  	_ =	shalt  }
0x73: {  	_ =	shalt  }
0x74: {  	_ =	shalt  }
0x75: {  	_ =	shalt  }
0x76: {  	_ =	shalt  }
0x77: {  	_ =	shalt  }
0x78: {  	_ =	shalt  }
0x79: {  	_ =	shalt  }
0x7a: {  	_ =	shalt  }
0x7b: {  	_ =	shalt  }
0x7c: {  	_ =	shalt  }
0x7d: {  	_ =	shalt  }
0x7e: {  	_ =	shalt  }
0x7f: {  	_ =	shalt  }
0x80: {  	_ =	shalt  }
0x81: {  	_ =	shalt  }
0x82: {  	_ =	shalt  }
0x83: {  	_ =	shalt  }
0x84: {  	_ =	shalt  }
0x85: {  	_ =	shalt  }
0x86: {  	_ =	shalt  }
0x87: {  	_ =	shalt  }
.Lfunc_end0:
.L_simem_size_0:
called_computation.2_lowered:
.L_overlay_start_0:
0x88: {  	s2 =	sld [smem:$0x3FD9]  }
0x89: {  	s3 =	sld [smem:$0x3FFE];
	_ =	sdelay $0x1  }
0x8a: {  	s1 =	srdreg.scid  }
0x8b: {  	s0 =	sand.u32 $0x1, s1  }
0x8c: {  	s16 =	sshll.u32 s0, $0xA;
	s2 =	sadd.s32 s3, s2  }
0x8d: {  	s2 =	sadd.s32 s2, s16  }
0x8e: {  	[smem:$0x3FBC] =	sst s2  }
0x8f: {  	_ = 	snop  }
0x90: {  	(tm) =	ssettm $0x1  }
0x91: {  	s17 =	sld [smem:$0x3FFB];
	_ =	sdelay $0x3  }
0x92: {  	_ =	strace s17  }
0x93: {  	s2 =	sld [smem:$0x3FFC];
	_ =	sdelay $0x3  }
0x94: {  	_ =	strace s2  }
0x95: {  	s2 =	sld [smem:$0x3FFD];
	_ =	sdelay $0x3  }
0x96: {  	_ =	strace s2  }
0x97: {  	_ =	strace $0x8FFFFFFF  }
0x98: {  	s18 =	sld [smem:$0x3FDB];
	_ =	sdelay $0x1  }
0x99: {  	s19 =	simm.s32 $_scs_section_size  }
0x9a: {  	s4 =	simm.s32 $_size__tile_overlayer_lowered;
	s5 =	simm.s32 $_tile_overlayer_lowered  }
0x9b: {  	s22 =	simm.s32 $0x1BFF;
	s21 =	sshll.u32 s5, $0x1;
	s2 =	sadd.s32 s19, s18  }
0x9c: {  	s6 =	simm.s32 $0x0;
	s20 =	sshll.u32 s4, $0x1;
	s4 =	sadd.s32 s21, s2  }
0x9d: {  	[timem:s6], [sflag:s22] =	dma.local [hbm:s4], s20  }
0x9e: {  	_ =	swait.ge [sflag:s22], s20  }
0x9f: {  	s3 =	ssub.s32 $0x0, s20;
	[sflag:s22] =	ssyncset.done $0x0  }
0xa0: {  	[sflag:s22] =	ssyncadd.s32 s3;
	_ =	sdelay $0x1  }
0xa1: {  	s23 =	simm.s32 $0x1B8B  }
0xa2: {  	_ =	swait.ge [sflag:s23], $0x1  }
0xa3: {  	[sflag:s23] =	ssyncset.done $0x0  }
0xa4: {  	s25 =	simm.s32 $0x1B8E;
	s24 =	sld [smem:$0x3FFE];
	[sflag:s23] =	ssyncadd.s32 $0xFFFFFFFF  }
0xa5: {  	s26 =	simm.s32 $execute0_lowered;
	[smem:$0x3FD2] =	sst s25  }
0xa6: {  	s4 =	sshll.u32 s26, $0x1;
	_ =	strace $0x8000004C;
	[dreg:$0x1] =	wrdreg $0xFFFFFFFF  }
0xa7: {  	s28 =	simm.s32 $_size_execute0_lowered;
	s2 =	sadd.s32 s2, s4;
	[dreg:$0x0] =	wrdreg $0x0  }
0xa8: {  	s4 =	sshll.u32 s28, $0x1;
	[dreg:$0x2] =	wrdreg s2  }
0xa9: {  	[dreg:$0x3] =	wrdreg s4  }
0xaa: {  	[dreg:$0x4] =	wrdreg $0xC0  }
0xab: {  	_ =	task [dreg:s6], $0x5FFFF  }
0xac: {  	[dreg:$0x1] =	wrdreg $0xFFFFFFFF  }
0xad: {  	[dreg:$0x0] =	wrdreg $0x60  }
0xae: {  	[dreg:$0x2] =	wrdreg s24  }
0xaf: {  	[dreg:$0x3] =	wrdreg $0x0  }
0xb0: {  	[dreg:$0x4] =	wrdreg $0x9  }
0xb1: {  	_ =	task.clear_ibuf [dreg:s6], $0x5FFFF;
	_ =	strace $0x9000004C  }
0xb2: {  	s29 =	simm.s32 $0x9;
	_ =	strace $0x8000004E  }
0xb3: {  	_ =	swait.ge [sflag:s29], $0x1  }
0xb4: {  	[sflag:s29] =	ssyncadd.s32 $0xFFFFFFFF  }
0xb5: {  	_ =	strace $0x9000004E  }
0xb6: {  	_ =	sfence  }
0xb7: {  	s30 =	sld [smem:$0x0];
	_ =	sdelay $0x2  }
0xb8: {  	s31 =	sshll.u32 s1, $0xD;
	s1 =	sshrl.u32 s1, $0x2  }
0xb9: {  	s3 =	sand.u32 $0x4000, s31;
	s1 =	sadd.s32 s1, s30  }
0xba: {  	s0 =	sor.u32 s3, s0;
	s1 =	sshll.u32 s1, $0x11  }
0xbb: {  	s0 =	sor.u32 s1, s0  }
0xbc: {  	s0 =	sadd.s32 $0x8F2B, s0  }
0xbd: {  	[sflag:s0] =	ssyncadd.remote.s32 $0x1  }
0xbe: {  	_ =	sfence.sel $0xFFFF  }
0xbf: {  	[dreg:$0x0] =	wrdreg $0xFFFFFFFF;
	(pc) =	sbr.abs _section_cstart, $3  }
0xc0: {  	[dreg:$0x1] =	wrdreg $0xFFFFFFFF  }
0xc1: {  	_ =	task.clear_ibuf [dreg:s6], $0x2FFFF;
	_ =	strace $0x9FFFFFFF  }
0xc2: {  	(tm) =	ssettm $0x7FFFFFFF  }
0xc3: {  	_ =	shalt  }
tec
execute0_lowered:
.L_overlay_start_1:
0x0: {  	(tag) =	ssettag $0x1  }
0x1: {  	s0 =	rddreg [dreg:$0x0]  }
0x2: {  	s1 =	rddreg [dreg:$0x1];
	s2 =	simm.s32 $0x0;
	s4 =	srdreg.scid  }
0x3: {  	s12 =	stileid.u32;
	s28 =	simm.s32 $0x14100;
	s29 =	simm.s32 $0x14300  }
0x4: {  	s30 =	simm.s32 $0x1B400;
	s31 =	simm.s32 $0x1;
	[smem:$0x7FF] =	sst s2  }
0x5: {  	s3 =	sadd.s32 $0xFBA00, s0;
	s5 =	sadd.s32 $0x59C00, s0;
	s6 =	sadd.s32 $0x1A00, s0  }
0x6: {  	s4 =	sand.u32 $0x1, s4;
	s7 =	sadd.s32 $0x7400, s0;
	s10 =	smul.u32 $0x2D00, s12  }
0x7: {  	s0 =	sadd.s32 $0x197E00, s0;
	s17 =	smul.u32 $0x50000, s12;
	s18 =	sshll.u32 s12, $0x8  }
0x8: {  	s11 =	sshll.u32 s12, $0x6;
	s24 =	smul.u32 $0x5A0, s12;
	_ =	strace $0x8000004D  }
0x9: {  	[dreg:$0x3] =	wrdreg s7;
	s16 =	ssub.s32 $0x2, s4;
	s15 =	sshll.u32 s4, $0x1  }
0xa: {  	s8 =	sshrl.u32 s16, $0x1;
	s9 =	sand.u32 $0x3FC00, s10;
	s7 =	sshrl.u32 s17, $0x2  }
0xb: {  	s10 =	sshrl.u32 s10, $0x3;
	s17 =	smul.u32 $0x280000, s4;
	s4 =	sshllo.u32 s4, $0x1  }
0xc: {  	s14 =	ssub.s32 s16, s8;
	s8 =	sand.u32 $0x300, s18;
	s16 =	smul.u32 $0x14000, s12  }
0xd: {  	s7 =	sadd.s32 s7, s1;
	s13 =	sadd.s32 $0x20, s10;
	s18 =	smul.u32 $0x140000, s4  }
0xe: {  	v1 =	vmov s4;
	s4 =	simm.s32 $0x6;
	s8 =	sor.u32 s8, s9;
	[dreg:$0x4] =	wrdreg s7  }
0xf: {  	s7 =	sor.u32 $0x1C0A, s11;
	s23 =	sadd.s32 s5, s13;
	s13 =	sadd.s32 s6, s13  }
0x10: {  	s26 =	smax.u32 s14, $0x1;
	s19 =	sshrl.u32 s8, $0x3;
	[dreg:$0x9] =	wrdreg s23  }
0x11: {  	s17 =	sadd.s32 s16, s17;
	s16 =	sadd.s32 s16, s18;
	[dreg:$0xc] =	wrdreg s26  }
0x12: {  	s18 =	sadd.s32 s24, s5;
	s26 =	simm.s32 $0x17C00;
	s8 =	sadd.s32 s5, s19  }
0x13: {  	s20 =	sadd.s32 s6, s19;
	s11 =	sor.u32 $0x10, s19;
	s17 =	sshrl.u32 s17, $0x3  }
0x14: {  	s16 =	sshrl.u32 s16, $0x3;
	s19 =	simm.s32 $0xA;
	[dreg:$0x5] =	wrdreg s8  }
0x15: {  	[dreg:$0x6] =	wrdreg s20;
	s21 =	sadd.s32 s5, s11;
	s22 =	sadd.s32 s6, s11  }
.Ltmp0:
0x16: {  	s25 =	sadd.s32 s0, s17;
	[dreg:$0x7] =	wrdreg s21;
	(pc) =	sbr.rel .LBB2_1-.Ltmp0, $4  }
0x17: {  	s0 =	sadd.s32 s0, s16;
	s17 =	sadd.s32 s24, s6;
	[dreg:$0x8] =	wrdreg s22  }
0x18: {  	s20 =	simm.s32 $0x14000;
	s24 =	simm.s32 $0x14080;
	[dreg:$0xa] =	wrdreg s25  }
0x19: {  	s6 =	simm.s32 $0x9;
	[dreg:$0xb] =	wrdreg s0;
	s22 =	simm.s32 $0x70  }
0x1a: {  	v0 =	vmov s15;
	s25 =	simm.s32 $0x14280;
	s0 =	simm.s32 $0x5;
	s21 =	simm.s32 $0x0  }
.LBB2_7:
0x1b: {  	[bflag:$0x0] =	sbarrier.arrive $0xFFFF  }
0x1c: {  	s5 =	rddreg [dreg:$0xb]  }
0x1d: {  	[hbm:s5], [sflag:s7] =	dma.local [spmem:s23], $0x2800  }
0x1e: {  	_ =	swait.ge [sflag:s19], $0x2800  }
0x1f: {  	s21 =	sadd.s32 $0x1, s21;
	s23 =	rddreg [dreg:$0xc]  }
0x20: {  	p0 =	sne.s32 s21, s23  }
.Ltmp1:
0x21: {  	_ = 	snop;
	(pc) =	sbr.rel @!p0 .LBB2_8-.Ltmp1, $3  }
0x22: {  	_ =	sdelay $0x1  }
0x23: {  	[sflag:s19] =	ssyncset.done $0x0  }
0x24: {  	[sflag:s19] =	ssyncadd.s32 $0xFFFFD800  }
.LBB2_1:
0x25: {  	s5 =	rddreg [dreg:$0x4]  }
0x26: {  	s9 =	rddreg [dreg:$0x3];
	s23 =	sshrl.u32 s5, $0x3  }
0x27: {  	[spmem:s23], [sflag:s7] =	dma.local [hbm:s9], $0x2800  }
0x28: {  	_ =	swait.ge [sflag:s19], $0x2800  }
0x29: {  	[sflag:s19] =	ssyncset.done $0x0  }
0x2a: {  	[sflag:s19] =	ssyncadd.s32 $0xFFFFD800  }
0x2b: {  	[bflag:$0x0] =	sbarrier.arrive $0xFFFF  }
0x2c: {  	s10 =	rddreg [dreg:$0x5]  }
0x2d: {  	[tilespmem:s20], [sflag:$0xA] =	stream.linear.gather [hbm4b:s10+s2], $0x80, $0x38;
	[tilespmem:$0x1EC00] =	vst v63  }
0x2e: {  	_ =	swait.ge [sflag:s19], $0x80  }
0x2f: {  	[sflag:s19] =	ssyncset.done $0x0  }
0x30: {  	[sflag:s19] =	ssyncadd.s32 $0xFFFFFF80  }
0x31: {  	v2 =	vld [tilespmem:$0x14000]  }
0x32: {  	v3 =	vld [tilespmem:$0x14010]  }
0x33: {  	v4 =	vld [tilespmem:$0x14020]  }
0x34: {  	v5 =	vld [tilespmem:$0x14030]  }
0x35: {  	v6 =	vld [tilespmem:$0x14040]  }
0x36: {  	v7 =	vld [tilespmem:$0x14050];
	v2 =	vshll.u32 v2, $0x2  }
0x37: {  	v8 =	vld [tilespmem:$0x14060];
	v3 =	vshll.u32 v3, $0x2;
	v2 =	vor.u32 v0, v2  }
0x38: {  	[tilespmem:$0x14000] =	vst v2;
	v2 =	vor.u32 v0, v3;
	v3 =	vshll.u32 v4, $0x2  }
0x39: {  	[tilespmem:$0x14010] =	vst v2;
	v2 =	vor.u32 v0, v3;
	v3 =	vshll.u32 v5, $0x2  }
0x3a: {  	[tilespmem:$0x14020] =	vst v2;
	v2 =	vor.u32 v0, v3;
	v3 =	vshll.u32 v6, $0x2  }
0x3b: {  	[tilespmem:$0x14030] =	vst v2;
	v2 =	vor.u32 v0, v3;
	v3 =	vshll.u32 v7, $0x2  }
0x3c: {  	[tilespmem:$0x14040] =	vst v2;
	v2 =	vor.u32 v0, v3;
	v3 =	vshll.u32 v8, $0x2  }
0x3d: {  	[tilespmem:$0x14050] =	vst v2;
	v2 =	vor.u32 v0, v3  }
0x3e: {  	s8 =	simm.s32 $0x14200;
	s11 =	rddreg [dreg:$0x6];
	[tilespmem:$0x14060] =	vst v2  }
0x3f: {  	[tilespmem:s8], [sflag:$0x4] =	stream.linear.gather [hbm4b:s11+s2], $0x80, $0x38;
	[tilespmem:$0x1EC00] =	vst v63  }
0x40: {  	s12 =	simm.s32 $0x14400  }
0x41: {  	[tilespmem:s12], [sflag:$0x1] =	stream.indirect.gather [hbm4b:s3+s22], $0x80, s20, s22, $0xb8;
	[tilespmem:$0x1EC00] =	vst v63  }
0x42: {  	s14 =	rddreg [dreg:$0x7]  }
0x43: {  	[tilespmem:s24], [sflag:$0xA] =	stream.linear.gather [hbm4b:s14+s2], $0x80, $0x38;
	[tilespmem:$0x1EC00] =	vst v63  }
0x44: {  	_ =	swait.ge [sflag:s19], $0x80  }
0x45: {  	[sflag:s19] =	ssyncset.done $0x0  }
0x46: {  	[sflag:s19] =	ssyncadd.s32 $0xFFFFFF80  }
0x47: {  	v2 =	vld [tilespmem:$0x14080]  }
0x48: {  	v3 =	vld [tilespmem:$0x14090]  }
0x49: {  	v54 =	vld [tilespmem:$0x140A0]  }
0x4a: {  	v55 =	vld [tilespmem:$0x140B0]  }
0x4b: {  	v56 =	vld [tilespmem:$0x140C0]  }
0x4c: {  	v57 =	vld [tilespmem:$0x140D0];
	v2 =	vshll.u32 v2, $0x2  }
0x4d: {  	v58 =	vld [tilespmem:$0x140E0];
	v3 =	vshll.u32 v3, $0x2;
	v2 =	vor.u32 v0, v2  }
0x4e: {  	[tilespmem:$0x14080] =	vst v2;
	v2 =	vor.u32 v0, v3;
	v3 =	vshll.u32 v54, $0x2  }
0x4f: {  	[tilespmem:$0x14090] =	vst v2;
	v2 =	vor.u32 v0, v3;
	v3 =	vshll.u32 v55, $0x2  }
0x50: {  	[tilespmem:$0x140A0] =	vst v2;
	v2 =	vor.u32 v0, v3;
	v3 =	vshll.u32 v56, $0x2  }
0x51: {  	[tilespmem:$0x140B0] =	vst v2;
	v2 =	vor.u32 v0, v3;
	v3 =	vshll.u32 v57, $0x2  }
0x52: {  	[tilespmem:$0x140C0] =	vst v2;
	v2 =	vor.u32 v0, v3;
	v3 =	vshll.u32 v58, $0x2  }
0x53: {  	[tilespmem:$0x140D0] =	vst v2;
	v2 =	vor.u32 v0, v3  }
0x54: {  	s15 =	rddreg [dreg:$0x8];
	[tilespmem:$0x140E0] =	vst v2  }
0x55: {  	[tilespmem:s25], [sflag:$0x5] =	stream.linear.gather [hbm4b:s15+s2], $0x80, $0x38;
	[tilespmem:$0x1EC00] =	vst v63  }
0x56: {  	_ = 	snop  }
0x57: {  	[tilespmem:s26], [sflag:$0x2] =	stream.indirect.gather [hbm4b:s3+s22], $0x80, s24, s22, $0xb8;
	[tilespmem:$0x1EC00] =	vst v63  }
0x58: {  	s16 =	rddreg [dreg:$0x9]  }
0x59: {  	[tilespmem:s28], [sflag:$0xA] =	stream.linear.gather [hbm4b:s16+s2], $0x80, $0x38;
	[tilespmem:$0x1EC00] =	vst v63  }
0x5a: {  	_ =	swait.ge [sflag:s19], $0x80  }
0x5b: {  	[sflag:s19] =	ssyncset.done $0x0  }
0x5c: {  	[sflag:s19] =	ssyncadd.s32 $0xFFFFFF80  }
0x5d: {  	v2 =	vld [tilespmem:$0x14100]  }
0x5e: {  	v3 =	vld [tilespmem:$0x14110]  }
0x5f: {  	v59 =	vld [tilespmem:$0x14120]  }
0x60: {  	v60 =	vld [tilespmem:$0x14130]  }
0x61: {  	v61 =	vld [tilespmem:$0x14140]  }
0x62: {  	v62 =	vld [tilespmem:$0x14150];
	v2 =	vshll.u32 v2, $0x2  }
0x63: {  	v63 =	vld [tilespmem:$0x14160];
	v3 =	vshll.u32 v3, $0x2;
	v2 =	vor.u32 v0, v2  }
0x64: {  	[tilespmem:$0x14100] =	vst v2;
	v2 =	vor.u32 v0, v3;
	v3 =	vshll.u32 v59, $0x2  }
0x65: {  	[tilespmem:$0x14110] =	vst v2;
	v2 =	vor.u32 v0, v3;
	v3 =	vshll.u32 v60, $0x2  }
0x66: {  	[tilespmem:$0x14120] =	vst v2;
	v2 =	vor.u32 v0, v3;
	v3 =	vshll.u32 v61, $0x2  }
0x67: {  	[tilespmem:$0x14130] =	vst v2;
	v2 =	vor.u32 v0, v3;
	v3 =	vshll.u32 v62, $0x2  }
0x68: {  	[tilespmem:$0x14140] =	vst v2;
	v2 =	vor.u32 v0, v3;
	v3 =	vshll.u32 v63, $0x2  }
0x69: {  	[tilespmem:$0x14150] =	vst v2;
	v2 =	vor.u32 v0, v3  }
0x6a: {  	[tilespmem:$0x14160] =	vst v2  }
0x6b: {  	[tilespmem:s29], [sflag:$0x6] =	stream.linear.gather [hbm4b:s13+s2], $0x80, $0x38;
	[tilespmem:$0x1EC00] =	vst v63  }
0x6c: {  	s14 =	simm.s32 $0x0  }
0x6d: {  	[tilespmem:s30], [sflag:$0x3] =	stream.indirect.gather [hbm4b:s3+s22], $0x80, s28, s22, $0xb8;
	[tilespmem:$0x1EC00] =	vst v63  }
.LBB2_2:
0x6e: {  	_ =	swait.ge [sflag:s31], $0x3800  }
0x6f: {  	p0 =	seq.s32 s14, $0x570;
	[sflag:s31] =	ssyncset.done $0x0  }
0x70: {  	s5 =	simm.s32 @p0 $0x4;
	[sflag:s31] =	ssyncadd.s32 $0xFFFFC800  }
0x71: {  	_ =	swait.ge @p0 [sflag:s5], $0x80  }
0x72: {  	s15 =	simm.s32 @p0 $0x14200;
	[sflag:s5] =	ssyncset.done @p0 $0x0  }
0x73: {  	s16 =	simm.s32 @p0 $0x14400;
	[sflag:s5] =	ssyncadd.s32 @p0 $0xFFFFFF80;
	s5 =	simm.s32 @p0 $0x70  }
0x74: {  	[spmem:s1] =	stream.indirect.scatter.add.f32 @p0 [tilespmem:s16], [sflag:$0xA], $0x80, s15, s5, $0xb8;
	[tilespmem:$0x1EC00] =	vst v63  }
0x75: {  	s5 =	simm.s32 @p0 $0xA  }
0x76: {  	_ =	swait.ge @p0 [sflag:s5], $0x3800  }
0x77: {  	[sflag:s5] =	ssyncset.done @p0 $0x0  }
0x78: {  	[sflag:s5] =	ssyncadd.s32 @p0 $0xFFFFC800;
	s5 =	simm.s32 @p0 $0x2  }
0x79: {  	_ =	swait.ge @p0 [sflag:s5], $0x3800  }
0x7a: {  	s8 =	simm.s32 @!p0 $0x14000;
	s15 =	sadd.s32 @!p0 s14, s18;
	[sflag:s5] =	ssyncset.done @p0 $0x0  }
0x7b: {  	s16 =	simm.s32 @!p0 $0x0;
	[sflag:s5] =	ssyncadd.s32 @p0 $0xFFFFC800;
	s5 =	sadd.s32 @!p0 $0x30, s15  }
0x7c: {  	[tilespmem:s8], [sflag:$0x7] =	stream.linear.gather @!p0 [hbm4b:s5+s16], $0x80, $0x38;
	[tilespmem:$0x1EC00] =	vst v63  }
0x7d: {  	s5 =	simm.s32 @!p0 $0x4  }
0x7e: {  	_ =	swait.ge @!p0 [sflag:s5], $0x80  }
0x7f: {  	s9 =	simm.s32 @!p0 $0x14200;
	s10 =	simm.s32 @!p0 $0x14400;
	[sflag:s5] =	ssyncset.done @!p0 $0x0  }
0x80: {  	s11 =	simm.s32 @!p0 $0xA;
	[sflag:s5] =	ssyncadd.s32 @!p0 $0xFFFFFF80;
	s5 =	simm.s32 @!p0 $0x70  }
0x81: {  	[spmem:s1] =	stream.indirect.scatter.add.f32 @!p0 [tilespmem:s10], [sflag:$0xA], $0x80, s9, s5, $0xb8;
	[tilespmem:$0x1EC00] =	vst v63  }
0x82: {  	_ =	swait.ge @!p0 [sflag:s11], $0x3800  }
0x83: {  	[sflag:s11] =	ssyncset.done @!p0 $0x0  }
0x84: {  	[sflag:s11] =	ssyncadd.s32 @!p0 $0xFFFFC800;
	s11 =	simm.s32 @!p0 $0x7  }
0x85: {  	_ =	swait.ge @!p0 [sflag:s11], $0x80  }
0x86: {  	[sflag:s11] =	ssyncset.done @!p0 $0x0  }
0x87: {  	[sflag:s11] =	ssyncadd.s32 @!p0 $0xFFFFFF80  }
0x88: {  	v2 =	vld @!p0 [tilespmem:$0x14000]  }
0x89: {  	v3 =	vld @!p0 [tilespmem:$0x14010]  }
0x8a: {  	v4 =	vld @!p0 [tilespmem:$0x14020]  }
0x8b: {  	v5 =	vld @!p0 [tilespmem:$0x14030]  }
0x8c: {  	v6 =	vld @!p0 [tilespmem:$0x14040]  }
0x8d: {  	v7 =	vld @!p0 [tilespmem:$0x14050];
	v2 =	vshll.u32 @!p0 v2, $0x2  }
0x8e: {  	v8 =	vld @!p0 [tilespmem:$0x14060];
	v3 =	vshll.u32 @!p0 v3, $0x2;
	v2 =	vor.u32 @!p0 v0, v2  }
0x8f: {  	[tilespmem:$0x14000] =	vst @!p0 v2;
	v2 =	vor.u32 @!p0 v0, v3;
	v3 =	vshll.u32 @!p0 v4, $0x2  }
0x90: {  	[tilespmem:$0x14010] =	vst @!p0 v2;
	v2 =	vor.u32 @!p0 v0, v3;
	v3 =	vshll.u32 @!p0 v5, $0x2  }
0x91: {  	[tilespmem:$0x14020] =	vst @!p0 v2;
	v2 =	vor.u32 @!p0 v0, v3;
	v3 =	vshll.u32 @!p0 v6, $0x2  }
0x92: {  	[tilespmem:$0x14030] =	vst @!p0 v2;
	v2 =	vor.u32 @!p0 v0, v3;
	v3 =	vshll.u32 @!p0 v7, $0x2  }
0x93: {  	[tilespmem:$0x14040] =	vst @!p0 v2;
	v2 =	vor.u32 @!p0 v0, v3;
	v3 =	vshll.u32 @!p0 v8, $0x2  }
0x94: {  	s11 =	sadd.s32 @!p0 s14, s17;
	[tilespmem:$0x14050] =	vst @!p0 v2;
	v2 =	vor.u32 @!p0 v0, v3  }
0x95: {  	s12 =	sadd.s32 @!p0 $0x30, s11;
	[tilespmem:$0x14060] =	vst @!p0 v2  }
0x96: {  	[tilespmem:s9], [sflag:$0x4] =	stream.linear.gather @!p0 [hbm4b:s12+s16], $0x80, $0x38;
	[tilespmem:$0x1EC00] =	vst v63  }
0x97: {  	_ = 	snop  }
0x98: {  	[tilespmem:s10], [sflag:$0x1] =	stream.indirect.gather @!p0 [hbm4b:s3+s5], $0x80, s8, s5, $0xb8;
	[tilespmem:$0x1EC00] =	vst v63  }
0x99: {  	s8 =	simm.s32 @!p0 $0x2  }
0x9a: {  	_ =	swait.ge @!p0 [sflag:s8], $0x3800  }
0x9b: {  	[sflag:s8] =	ssyncset.done @!p0 $0x0  }
0x9c: {  	s9 =	simm.s32 @!p0 $0x14080;
	[sflag:s8] =	ssyncadd.s32 @!p0 $0xFFFFC800;
	s8 =	sadd.s32 @!p0 $0x40, s15  }
0x9d: {  	[tilespmem:s9], [sflag:$0x8] =	stream.linear.gather @!p0 [hbm4b:s8+s16], $0x80, $0x38;
	[tilespmem:$0x1EC00] =	vst v63  }
0x9e: {  	_ =	swait.ge [sflag:s0], $0x80  }
0x9f: {  	[sflag:s0] =	ssyncset.done $0x0  }
0xa0: {  	[sflag:s0] =	ssyncadd.s32 $0xFFFFFF80  }
0xa1: {  	[spmem:s1] =	stream.indirect.scatter.add.f32 [tilespmem:s26], [sflag:$0xA], $0x80, s25, s22, $0xb8;
	[tilespmem:$0x1EC00] =	vst v63  }
0xa2: {  	_ =	swait.ge [sflag:s19], $0x3800  }
0xa3: {  	[sflag:s19] =	ssyncset.done $0x0  }
0xa4: {  	s8 =	simm.s32 @p0 $0x3;
	[sflag:s19] =	ssyncadd.s32 $0xFFFFC800  }
0xa5: {  	_ =	swait.ge @p0 [sflag:s8], $0x3800  }
0xa6: {  	[sflag:s8] =	ssyncset.done @p0 $0x0  }
0xa7: {  	[sflag:s8] =	ssyncadd.s32 @p0 $0xFFFFC800;
	s8 =	simm.s32 @!p0 $0x8  }
0xa8: {  	_ =	swait.ge @!p0 [sflag:s8], $0x80  }
0xa9: {  	[sflag:s8] =	ssyncset.done @!p0 $0x0  }
0xaa: {  	[sflag:s8] =	ssyncadd.s32 @!p0 $0xFFFFFF80  }
0xab: {  	v2 =	vld @!p0 [tilespmem:$0x14080]  }
0xac: {  	v3 =	vld @!p0 [tilespmem:$0x14090]  }
0xad: {  	v4 =	vld @!p0 [tilespmem:$0x140A0]  }
0xae: {  	v5 =	vld @!p0 [tilespmem:$0x140B0]  }
0xaf: {  	v6 =	vld @!p0 [tilespmem:$0x140C0]  }
0xb0: {  	v7 =	vld @!p0 [tilespmem:$0x140D0];
	v2 =	vshll.u32 @!p0 v2, $0x2  }
0xb1: {  	v8 =	vld @!p0 [tilespmem:$0x140E0];
	v3 =	vshll.u32 @!p0 v3, $0x2;
	v2 =	vor.u32 @!p0 v0, v2  }
0xb2: {  	[tilespmem:$0x14080] =	vst @!p0 v2;
	v2 =	vor.u32 @!p0 v0, v3;
	v3 =	vshll.u32 @!p0 v4, $0x2  }
0xb3: {  	[tilespmem:$0x14090] =	vst @!p0 v2;
	v2 =	vor.u32 @!p0 v0, v3;
	v3 =	vshll.u32 @!p0 v5, $0x2  }
0xb4: {  	[tilespmem:$0x140A0] =	vst @!p0 v2;
	v2 =	vor.u32 @!p0 v0, v3;
	v3 =	vshll.u32 @!p0 v6, $0x2  }
0xb5: {  	[tilespmem:$0x140B0] =	vst @!p0 v2;
	v2 =	vor.u32 @!p0 v0, v3;
	v3 =	vshll.u32 @!p0 v7, $0x2  }
0xb6: {  	[tilespmem:$0x140C0] =	vst @!p0 v2;
	v2 =	vor.u32 @!p0 v0, v3;
	v3 =	vshll.u32 @!p0 v8, $0x2  }
0xb7: {  	[tilespmem:$0x140D0] =	vst @!p0 v2;
	v2 =	vor.u32 @!p0 v0, v3  }
0xb8: {  	s10 =	simm.s32 @!p0 $0x14280;
	s8 =	sadd.s32 @!p0 $0x40, s11;
	[tilespmem:$0x140E0] =	vst @!p0 v2  }
0xb9: {  	[tilespmem:s10], [sflag:$0x5] =	stream.linear.gather @!p0 [hbm4b:s8+s16], $0x80, $0x38;
	[tilespmem:$0x1EC00] =	vst v63  }
0xba: {  	s8 =	simm.s32 @!p0 $0x17C00  }
0xbb: {  	[tilespmem:s8], [sflag:$0x2] =	stream.indirect.gather @!p0 [hbm4b:s3+s5], $0x80, s9, s5, $0xb8;
	[tilespmem:$0x1EC00] =	vst v63  }
0xbc: {  	s5 =	simm.s32 @!p0 $0x3  }
0xbd: {  	_ =	swait.ge @!p0 [sflag:s5], $0x3800  }
0xbe: {  	[sflag:s5] =	ssyncset.done @!p0 $0x0  }
0xbf: {  	s8 =	simm.s32 @!p0 $0x14100;
	[sflag:s5] =	ssyncadd.s32 @!p0 $0xFFFFC800;
	s5 =	sadd.s32 @!p0 $0x50, s15  }
0xc0: {  	[tilespmem:s8], [sflag:$0x9] =	stream.linear.gather @!p0 [hbm4b:s5+s16], $0x80, $0x38;
	[tilespmem:$0x1EC00] =	vst v63  }
0xc1: {  	_ =	swait.ge [sflag:s4], $0x80  }
0xc2: {  	[sflag:s4] =	ssyncset.done $0x0  }
.Ltmp2:
0xc3: {  	[sflag:s4] =	ssyncadd.s32 $0xFFFFFF80;
	(pc) =	sbr.rel @p0 .LBB2_4-.Ltmp2, $4  }
0xc4: {  	[spmem:s1] =	stream.indirect.scatter.add.f32 [tilespmem:s30], [sflag:$0xA], $0x80, s29, s22, $0xb8;
	[tilespmem:$0x1EC00] =	vst v63  }
0xc5: {  	_ =	swait.ge [sflag:s19], $0x3800  }
0xc6: {  	[sflag:s19] =	ssyncset.done $0x0  }
0xc7: {  	[sflag:s19] =	ssyncadd.s32 $0xFFFFC800  }
0xc8: {  	_ =	swait.ge [sflag:s6], $0x80  }
0xc9: {  	[sflag:s6] =	ssyncset.done $0x0  }
0xca: {  	[sflag:s6] =	ssyncadd.s32 $0xFFFFFF80  }
0xcb: {  	v2 =	vld [tilespmem:$0x14100]  }
0xcc: {  	v3 =	vld [tilespmem:$0x14110]  }
0xcd: {  	v4 =	vld [tilespmem:$0x14120]  }
0xce: {  	v5 =	vld [tilespmem:$0x14130]  }
0xcf: {  	v6 =	vld [tilespmem:$0x14140]  }
0xd0: {  	v7 =	vld [tilespmem:$0x14150];
	v2 =	vshll.u32 v2, $0x2  }
0xd1: {  	v8 =	vld [tilespmem:$0x14160];
	v3 =	vshll.u32 v3, $0x2;
	v2 =	vor.u32 v0, v2  }
0xd2: {  	[tilespmem:$0x14100] =	vst v2;
	v2 =	vor.u32 v0, v3;
	v3 =	vshll.u32 v4, $0x2  }
0xd3: {  	[tilespmem:$0x14110] =	vst v2;
	v2 =	vor.u32 v0, v3;
	v3 =	vshll.u32 v5, $0x2  }
0xd4: {  	[tilespmem:$0x14120] =	vst v2;
	v2 =	vor.u32 v0, v3;
	v3 =	vshll.u32 v6, $0x2  }
0xd5: {  	[tilespmem:$0x14130] =	vst v2;
	v2 =	vor.u32 v0, v3;
	v3 =	vshll.u32 v7, $0x2  }
0xd6: {  	[tilespmem:$0x14140] =	vst v2;
	v2 =	vor.u32 v0, v3;
	v3 =	vshll.u32 v8, $0x2  }
.Ltmp3:
0xd7: {  	s5 =	sadd.s32 s14, s17;
	[tilespmem:$0x14150] =	vst v2;
	v2 =	vor.u32 v0, v3;
	(pc) =	sbr.rel .LBB2_2-.Ltmp3, $4  }
0xd8: {  	s5 =	sadd.s32 $0x50, s5;
	[tilespmem:$0x14160] =	vst v2  }
0xd9: {  	[tilespmem:s29], [sflag:$0x6] =	stream.linear.gather [hbm4b:s5+s2], $0x80, $0x38;
	[tilespmem:$0x1EC00] =	vst v63  }
0xda: {  	s14 =	sadd.s32 $0x30, s14  }
0xdb: {  	[tilespmem:s30], [sflag:$0x3] =	stream.indirect.gather [hbm4b:s3+s22], $0x80, s28, s22, $0xb8;
	[tilespmem:$0x1EC00] =	vst v63  }
.LBB2_4:
0xdc: {  	[bflag:$0x0] =	sbarrier.arrive $0xFFFF  }
0xdd: {  	s5 =	rddreg [dreg:$0xa]  }
0xde: {  	[hbm:s5], [sflag:s7] =	dma.local [spmem:s23], $0x2800  }
0xdf: {  	_ =	swait.ge [sflag:s19], $0x2800  }
0xe0: {  	[sflag:s19] =	ssyncset.done $0x0  }
0xe1: {  	[sflag:s19] =	ssyncadd.s32 $0xFFFFD800  }
0xe2: {  	[bflag:$0x0] =	sbarrier.arrive $0xFFFF  }
0xe3: {  	s8 =	rddreg [dreg:$0x3]  }
0xe4: {  	[spmem:s23], [sflag:s7] =	dma.local [hbm:s8], $0x2800  }
0xe5: {  	_ =	swait.ge [sflag:s19], $0x2800  }
0xe6: {  	[sflag:s19] =	ssyncset.done $0x0  }
0xe7: {  	[sflag:s19] =	ssyncadd.s32 $0xFFFFD800  }
0xe8: {  	[bflag:$0x0] =	sbarrier.arrive $0xFFFF  }
0xe9: {  	s14 =	simm.s32 $0x0;
	s9 =	rddreg [dreg:$0x5]  }
0xea: {  	[tilespmem:s20], [sflag:$0xA] =	stream.linear.gather [hbm4b:s9+s14], $0x80, $0x38;
	[tilespmem:$0x1EC00] =	vst v63  }
0xeb: {  	_ =	swait.ge [sflag:s19], $0x80  }
0xec: {  	[sflag:s19] =	ssyncset.done $0x0  }
0xed: {  	[sflag:s19] =	ssyncadd.s32 $0xFFFFFF80  }
0xee: {  	v2 =	vld [tilespmem:$0x14000]  }
0xef: {  	v3 =	vld [tilespmem:$0x14010]  }
0xf0: {  	v4 =	vld [tilespmem:$0x14020]  }
0xf1: {  	v5 =	vld [tilespmem:$0x14030]  }
0xf2: {  	v6 =	vld [tilespmem:$0x14040]  }
0xf3: {  	v7 =	vld [tilespmem:$0x14050];
	v2 =	vshll.u32 v2, $0x2  }
0xf4: {  	v8 =	vld [tilespmem:$0x14060];
	v3 =	vshll.u32 v3, $0x2;
	v2 =	vor.u32 v1, v2  }
0xf5: {  	[tilespmem:$0x14000] =	vst v2;
	v2 =	vor.u32 v1, v3;
	v3 =	vshll.u32 v4, $0x2  }
0xf6: {  	[tilespmem:$0x14010] =	vst v2;
	v2 =	vor.u32 v1, v3;
	v3 =	vshll.u32 v5, $0x2  }
0xf7: {  	[tilespmem:$0x14020] =	vst v2;
	v2 =	vor.u32 v1, v3;
	v3 =	vshll.u32 v6, $0x2  }
0xf8: {  	[tilespmem:$0x14030] =	vst v2;
	v2 =	vor.u32 v1, v3;
	v3 =	vshll.u32 v7, $0x2  }
0xf9: {  	[tilespmem:$0x14040] =	vst v2;
	v2 =	vor.u32 v1, v3;
	v3 =	vshll.u32 v8, $0x2  }
0xfa: {  	[tilespmem:$0x14050] =	vst v2;
	v2 =	vor.u32 v1, v3  }
0xfb: {  	s8 =	simm.s32 $0x14200;
	s10 =	rddreg [dreg:$0x6];
	[tilespmem:$0x14060] =	vst v2  }
0xfc: {  	[tilespmem:s8], [sflag:$0x4] =	stream.linear.gather [hbm4b:s10+s14], $0x80, $0x38;
	[tilespmem:$0x1EC00] =	vst v63  }
0xfd: {  	s11 =	simm.s32 $0x14400  }
0xfe: {  	[tilespmem:s11], [sflag:$0x1] =	stream.indirect.gather [hbm4b:s3+s22], $0x80, s20, s22, $0xb8;
	[tilespmem:$0x1EC00] =	vst v63  }
0xff: {  	s12 =	rddreg [dreg:$0x7]  }
0x100: {  	[tilespmem:s24], [sflag:$0xA] =	stream.linear.gather [hbm4b:s12+s14], $0x80, $0x38;
	[tilespmem:$0x1EC00] =	vst v63  }
0x101: {  	_ =	swait.ge [sflag:s19], $0x80  }
0x102: {  	[sflag:s19] =	ssyncset.done $0x0  }
0x103: {  	[sflag:s19] =	ssyncadd.s32 $0xFFFFFF80  }
0x104: {  	v2 =	vld [tilespmem:$0x14080]  }
0x105: {  	v3 =	vld [tilespmem:$0x14090]  }
0x106: {  	v54 =	vld [tilespmem:$0x140A0]  }
0x107: {  	v55 =	vld [tilespmem:$0x140B0]  }
0x108: {  	v56 =	vld [tilespmem:$0x140C0]  }
0x109: {  	v57 =	vld [tilespmem:$0x140D0];
	v2 =	vshll.u32 v2, $0x2  }
0x10a: {  	v58 =	vld [tilespmem:$0x140E0];
	v3 =	vshll.u32 v3, $0x2;
	v2 =	vor.u32 v1, v2  }
0x10b: {  	[tilespmem:$0x14080] =	vst v2;
	v2 =	vor.u32 v1, v3;
	v3 =	vshll.u32 v54, $0x2  }
0x10c: {  	[tilespmem:$0x14090] =	vst v2;
	v2 =	vor.u32 v1, v3;
	v3 =	vshll.u32 v55, $0x2  }
0x10d: {  	[tilespmem:$0x140A0] =	vst v2;
	v2 =	vor.u32 v1, v3;
	v3 =	vshll.u32 v56, $0x2  }
0x10e: {  	[tilespmem:$0x140B0] =	vst v2;
	v2 =	vor.u32 v1, v3;
	v3 =	vshll.u32 v57, $0x2  }
0x10f: {  	[tilespmem:$0x140C0] =	vst v2;
	v2 =	vor.u32 v1, v3;
	v3 =	vshll.u32 v58, $0x2  }
0x110: {  	[tilespmem:$0x140D0] =	vst v2;
	v2 =	vor.u32 v1, v3  }
0x111: {  	s15 =	rddreg [dreg:$0x8];
	[tilespmem:$0x140E0] =	vst v2  }
0x112: {  	[tilespmem:s25], [sflag:$0x5] =	stream.linear.gather [hbm4b:s15+s14], $0x80, $0x38;
	[tilespmem:$0x1EC00] =	vst v63  }
0x113: {  	_ = 	snop  }
0x114: {  	[tilespmem:s26], [sflag:$0x2] =	stream.indirect.gather [hbm4b:s3+s22], $0x80, s24, s22, $0xb8;
	[tilespmem:$0x1EC00] =	vst v63  }
0x115: {  	s16 =	rddreg [dreg:$0x9]  }
0x116: {  	[tilespmem:s28], [sflag:$0xA] =	stream.linear.gather [hbm4b:s16+s14], $0x80, $0x38;
	[tilespmem:$0x1EC00] =	vst v63  }
0x117: {  	_ =	swait.ge [sflag:s19], $0x80  }
0x118: {  	[sflag:s19] =	ssyncset.done $0x0  }
0x119: {  	[sflag:s19] =	ssyncadd.s32 $0xFFFFFF80  }
0x11a: {  	v2 =	vld [tilespmem:$0x14100]  }
0x11b: {  	v3 =	vld [tilespmem:$0x14110]  }
0x11c: {  	v59 =	vld [tilespmem:$0x14120]  }
0x11d: {  	v60 =	vld [tilespmem:$0x14130]  }
0x11e: {  	v61 =	vld [tilespmem:$0x14140]  }
0x11f: {  	v62 =	vld [tilespmem:$0x14150];
	v2 =	vshll.u32 v2, $0x2  }
0x120: {  	v63 =	vld [tilespmem:$0x14160];
	v3 =	vshll.u32 v3, $0x2;
	v2 =	vor.u32 v1, v2  }
0x121: {  	[tilespmem:$0x14100] =	vst v2;
	v2 =	vor.u32 v1, v3;
	v3 =	vshll.u32 v59, $0x2  }
0x122: {  	[tilespmem:$0x14110] =	vst v2;
	v2 =	vor.u32 v1, v3;
	v3 =	vshll.u32 v60, $0x2  }
0x123: {  	[tilespmem:$0x14120] =	vst v2;
	v2 =	vor.u32 v1, v3;
	v3 =	vshll.u32 v61, $0x2  }
0x124: {  	[tilespmem:$0x14130] =	vst v2;
	v2 =	vor.u32 v1, v3;
	v3 =	vshll.u32 v62, $0x2  }
0x125: {  	[tilespmem:$0x14140] =	vst v2;
	v2 =	vor.u32 v1, v3;
	v3 =	vshll.u32 v63, $0x2  }
0x126: {  	[tilespmem:$0x14150] =	vst v2;
	v2 =	vor.u32 v1, v3  }
0x127: {  	[tilespmem:$0x14160] =	vst v2  }
0x128: {  	[tilespmem:s29], [sflag:$0x6] =	stream.linear.gather [hbm4b:s13+s14], $0x80, $0x38;
	[tilespmem:$0x1EC00] =	vst v63  }
0x129: {  	_ = 	snop  }
0x12a: {  	[tilespmem:s30], [sflag:$0x3] =	stream.indirect.gather [hbm4b:s3+s22], $0x80, s28, s22, $0xb8;
	[tilespmem:$0x1EC00] =	vst v63  }
.LBB2_5:
0x12b: {  	_ =	swait.ge [sflag:s31], $0x3800  }
0x12c: {  	p0 =	seq.s32 s14, $0x570;
	[sflag:s31] =	ssyncset.done $0x0  }
0x12d: {  	s5 =	simm.s32 @p0 $0x4;
	[sflag:s31] =	ssyncadd.s32 $0xFFFFC800  }
0x12e: {  	_ =	swait.ge @p0 [sflag:s5], $0x80  }
0x12f: {  	s8 =	simm.s32 @p0 $0x14200;
	[sflag:s5] =	ssyncset.done @p0 $0x0  }
0x130: {  	s9 =	simm.s32 @p0 $0x14400;
	[sflag:s5] =	ssyncadd.s32 @p0 $0xFFFFFF80;
	s5 =	simm.s32 @p0 $0x70  }
0x131: {  	[spmem:s1] =	stream.indirect.scatter.add.f32 @p0 [tilespmem:s9], [sflag:$0xA], $0x80, s8, s5, $0xb8;
	[tilespmem:$0x1EC00] =	vst v63  }
0x132: {  	s5 =	simm.s32 @p0 $0xA  }
0x133: {  	_ =	swait.ge @p0 [sflag:s5], $0x3800  }
0x134: {  	[sflag:s5] =	ssyncset.done @p0 $0x0  }
0x135: {  	[sflag:s5] =	ssyncadd.s32 @p0 $0xFFFFC800;
	s5 =	simm.s32 @p0 $0x2  }
0x136: {  	_ =	swait.ge @p0 [sflag:s5], $0x3800  }
0x137: {  	s15 =	sadd.s32 @!p0 s14, s18;
	s16 =	simm.s32 @!p0 $0x0;
	[sflag:s5] =	ssyncset.done @p0 $0x0  }
0x138: {  	s8 =	simm.s32 @!p0 $0x14000;
	[sflag:s5] =	ssyncadd.s32 @p0 $0xFFFFC800;
	s5 =	sadd.s32 @!p0 $0x30, s15  }
0x139: {  	[tilespmem:s8], [sflag:$0x7] =	stream.linear.gather @!p0 [hbm4b:s5+s16], $0x80, $0x38;
	[tilespmem:$0x1EC00] =	vst v63  }
0x13a: {  	s5 =	simm.s32 @!p0 $0x4  }
0x13b: {  	_ =	swait.ge @!p0 [sflag:s5], $0x80  }
0x13c: {  	s10 =	simm.s32 @!p0 $0x14400;
	s11 =	simm.s32 @!p0 $0xA;
	[sflag:s5] =	ssyncset.done @!p0 $0x0  }
0x13d: {  	s9 =	simm.s32 @!p0 $0x14200;
	[sflag:s5] =	ssyncadd.s32 @!p0 $0xFFFFFF80;
	s5 =	simm.s32 @!p0 $0x70  }
0x13e: {  	[spmem:s1] =	stream.indirect.scatter.add.f32 @!p0 [tilespmem:s10], [sflag:$0xA], $0x80, s9, s5, $0xb8;
	[tilespmem:$0x1EC00] =	vst v63  }
0x13f: {  	_ =	swait.ge @!p0 [sflag:s11], $0x3800  }
0x140: {  	[sflag:s11] =	ssyncset.done @!p0 $0x0  }
0x141: {  	[sflag:s11] =	ssyncadd.s32 @!p0 $0xFFFFC800;
	s11 =	simm.s32 @!p0 $0x7  }
0x142: {  	_ =	swait.ge @!p0 [sflag:s11], $0x80  }
0x143: {  	[sflag:s11] =	ssyncset.done @!p0 $0x0  }
0x144: {  	[sflag:s11] =	ssyncadd.s32 @!p0 $0xFFFFFF80  }
0x145: {  	v2 =	vld @!p0 [tilespmem:$0x14000]  }
0x146: {  	v3 =	vld @!p0 [tilespmem:$0x14010]  }
0x147: {  	v4 =	vld @!p0 [tilespmem:$0x14020]  }
0x148: {  	v5 =	vld @!p0 [tilespmem:$0x14030]  }
0x149: {  	v6 =	vld @!p0 [tilespmem:$0x14040]  }
0x14a: {  	v7 =	vld @!p0 [tilespmem:$0x14050];
	v2 =	vshll.u32 @!p0 v2, $0x2  }
0x14b: {  	v8 =	vld @!p0 [tilespmem:$0x14060];
	v3 =	vshll.u32 @!p0 v3, $0x2;
	v2 =	vor.u32 @!p0 v1, v2  }
0x14c: {  	[tilespmem:$0x14000] =	vst @!p0 v2;
	v2 =	vor.u32 @!p0 v1, v3;
	v3 =	vshll.u32 @!p0 v4, $0x2  }
0x14d: {  	[tilespmem:$0x14010] =	vst @!p0 v2;
	v2 =	vor.u32 @!p0 v1, v3;
	v3 =	vshll.u32 @!p0 v5, $0x2  }
0x14e: {  	[tilespmem:$0x14020] =	vst @!p0 v2;
	v2 =	vor.u32 @!p0 v1, v3;
	v3 =	vshll.u32 @!p0 v6, $0x2  }
0x14f: {  	[tilespmem:$0x14030] =	vst @!p0 v2;
	v2 =	vor.u32 @!p0 v1, v3;
	v3 =	vshll.u32 @!p0 v7, $0x2  }
0x150: {  	[tilespmem:$0x14040] =	vst @!p0 v2;
	v2 =	vor.u32 @!p0 v1, v3;
	v3 =	vshll.u32 @!p0 v8, $0x2  }
0x151: {  	s11 =	sadd.s32 @!p0 s14, s17;
	[tilespmem:$0x14050] =	vst @!p0 v2;
	v2 =	vor.u32 @!p0 v1, v3  }
0x152: {  	s12 =	sadd.s32 @!p0 $0x30, s11;
	[tilespmem:$0x14060] =	vst @!p0 v2  }
0x153: {  	[tilespmem:s9], [sflag:$0x4] =	stream.linear.gather @!p0 [hbm4b:s12+s16], $0x80, $0x38;
	[tilespmem:$0x1EC00] =	vst v63  }
0x154: {  	_ = 	snop  }
0x155: {  	[tilespmem:s10], [sflag:$0x1] =	stream.indirect.gather @!p0 [hbm4b:s3+s5], $0x80, s8, s5, $0xb8;
	[tilespmem:$0x1EC00] =	vst v63  }
0x156: {  	s8 =	simm.s32 @!p0 $0x2  }
0x157: {  	_ =	swait.ge @!p0 [sflag:s8], $0x3800  }
0x158: {  	[sflag:s8] =	ssyncset.done @!p0 $0x0  }
0x159: {  	s9 =	simm.s32 @!p0 $0x14080;
	[sflag:s8] =	ssyncadd.s32 @!p0 $0xFFFFC800;
	s8 =	sadd.s32 @!p0 $0x40, s15  }
0x15a: {  	[tilespmem:s9], [sflag:$0x8] =	stream.linear.gather @!p0 [hbm4b:s8+s16], $0x80, $0x38;
	[tilespmem:$0x1EC00] =	vst v63  }
0x15b: {  	_ =	swait.ge [sflag:s0], $0x80  }
0x15c: {  	[sflag:s0] =	ssyncset.done $0x0  }
0x15d: {  	[sflag:s0] =	ssyncadd.s32 $0xFFFFFF80  }
0x15e: {  	[spmem:s1] =	stream.indirect.scatter.add.f32 [tilespmem:s26], [sflag:$0xA], $0x80, s25, s22, $0xb8;
	[tilespmem:$0x1EC00] =	vst v63  }
0x15f: {  	_ =	swait.ge [sflag:s19], $0x3800  }
0x160: {  	[sflag:s19] =	ssyncset.done $0x0  }
0x161: {  	s8 =	simm.s32 @p0 $0x3;
	[sflag:s19] =	ssyncadd.s32 $0xFFFFC800  }
0x162: {  	_ =	swait.ge @p0 [sflag:s8], $0x3800  }
0x163: {  	[sflag:s8] =	ssyncset.done @p0 $0x0  }
0x164: {  	[sflag:s8] =	ssyncadd.s32 @p0 $0xFFFFC800;
	s8 =	simm.s32 @!p0 $0x8  }
0x165: {  	_ =	swait.ge @!p0 [sflag:s8], $0x80  }
0x166: {  	[sflag:s8] =	ssyncset.done @!p0 $0x0  }
0x167: {  	[sflag:s8] =	ssyncadd.s32 @!p0 $0xFFFFFF80  }
0x168: {  	v2 =	vld @!p0 [tilespmem:$0x14080]  }
0x169: {  	v3 =	vld @!p0 [tilespmem:$0x14090]  }
0x16a: {  	v4 =	vld @!p0 [tilespmem:$0x140A0]  }
0x16b: {  	v5 =	vld @!p0 [tilespmem:$0x140B0]  }
0x16c: {  	v6 =	vld @!p0 [tilespmem:$0x140C0]  }
0x16d: {  	v7 =	vld @!p0 [tilespmem:$0x140D0];
	v2 =	vshll.u32 @!p0 v2, $0x2  }
0x16e: {  	v8 =	vld @!p0 [tilespmem:$0x140E0];
	v3 =	vshll.u32 @!p0 v3, $0x2;
	v2 =	vor.u32 @!p0 v1, v2  }
0x16f: {  	[tilespmem:$0x14080] =	vst @!p0 v2;
	v2 =	vor.u32 @!p0 v1, v3;
	v3 =	vshll.u32 @!p0 v4, $0x2  }
0x170: {  	[tilespmem:$0x14090] =	vst @!p0 v2;
	v2 =	vor.u32 @!p0 v1, v3;
	v3 =	vshll.u32 @!p0 v5, $0x2  }
0x171: {  	[tilespmem:$0x140A0] =	vst @!p0 v2;
	v2 =	vor.u32 @!p0 v1, v3;
	v3 =	vshll.u32 @!p0 v6, $0x2  }
0x172: {  	[tilespmem:$0x140B0] =	vst @!p0 v2;
	v2 =	vor.u32 @!p0 v1, v3;
	v3 =	vshll.u32 @!p0 v7, $0x2  }
0x173: {  	[tilespmem:$0x140C0] =	vst @!p0 v2;
	v2 =	vor.u32 @!p0 v1, v3;
	v3 =	vshll.u32 @!p0 v8, $0x2  }
0x174: {  	[tilespmem:$0x140D0] =	vst @!p0 v2;
	v2 =	vor.u32 @!p0 v1, v3  }
0x175: {  	s10 =	simm.s32 @!p0 $0x14280;
	s8 =	sadd.s32 @!p0 $0x40, s11;
	[tilespmem:$0x140E0] =	vst @!p0 v2  }
0x176: {  	[tilespmem:s10], [sflag:$0x5] =	stream.linear.gather @!p0 [hbm4b:s8+s16], $0x80, $0x38;
	[tilespmem:$0x1EC00] =	vst v63  }
0x177: {  	s8 =	simm.s32 @!p0 $0x17C00  }
0x178: {  	[tilespmem:s8], [sflag:$0x2] =	stream.indirect.gather @!p0 [hbm4b:s3+s5], $0x80, s9, s5, $0xb8;
	[tilespmem:$0x1EC00] =	vst v63  }
0x179: {  	s5 =	simm.s32 @!p0 $0x3  }
0x17a: {  	_ =	swait.ge @!p0 [sflag:s5], $0x3800  }
0x17b: {  	[sflag:s5] =	ssyncset.done @!p0 $0x0  }
0x17c: {  	s8 =	simm.s32 @!p0 $0x14100;
	[sflag:s5] =	ssyncadd.s32 @!p0 $0xFFFFC800;
	s5 =	sadd.s32 @!p0 $0x50, s15  }
0x17d: {  	[tilespmem:s8], [sflag:$0x9] =	stream.linear.gather @!p0 [hbm4b:s5+s16], $0x80, $0x38;
	[tilespmem:$0x1EC00] =	vst v63  }
0x17e: {  	_ =	swait.ge [sflag:s4], $0x80  }
0x17f: {  	[sflag:s4] =	ssyncset.done $0x0  }
.Ltmp4:
0x180: {  	[sflag:s4] =	ssyncadd.s32 $0xFFFFFF80;
	(pc) =	sbr.rel @p0 .LBB2_7-.Ltmp4, $4  }
0x181: {  	[spmem:s1] =	stream.indirect.scatter.add.f32 [tilespmem:s30], [sflag:$0xA], $0x80, s29, s22, $0xb8;
	[tilespmem:$0x1EC00] =	vst v63  }
0x182: {  	_ =	swait.ge [sflag:s19], $0x3800  }
0x183: {  	[sflag:s19] =	ssyncset.done $0x0  }
0x184: {  	[sflag:s19] =	ssyncadd.s32 $0xFFFFC800  }
0x185: {  	_ =	swait.ge [sflag:s6], $0x80  }
0x186: {  	[sflag:s6] =	ssyncset.done $0x0  }
0x187: {  	[sflag:s6] =	ssyncadd.s32 $0xFFFFFF80  }
0x188: {  	v2 =	vld [tilespmem:$0x14100]  }
0x189: {  	v3 =	vld [tilespmem:$0x14110]  }
0x18a: {  	v4 =	vld [tilespmem:$0x14120]  }
0x18b: {  	v5 =	vld [tilespmem:$0x14130]  }
0x18c: {  	v6 =	vld [tilespmem:$0x14140]  }
0x18d: {  	v7 =	vld [tilespmem:$0x14150];
	v2 =	vshll.u32 v2, $0x2  }
0x18e: {  	v8 =	vld [tilespmem:$0x14160];
	v3 =	vshll.u32 v3, $0x2;
	v2 =	vor.u32 v1, v2  }
0x18f: {  	[tilespmem:$0x14100] =	vst v2;
	v2 =	vor.u32 v1, v3;
	v3 =	vshll.u32 v4, $0x2  }
0x190: {  	[tilespmem:$0x14110] =	vst v2;
	v2 =	vor.u32 v1, v3;
	v3 =	vshll.u32 v5, $0x2  }
0x191: {  	[tilespmem:$0x14120] =	vst v2;
	v2 =	vor.u32 v1, v3;
	v3 =	vshll.u32 v6, $0x2  }
0x192: {  	[tilespmem:$0x14130] =	vst v2;
	v2 =	vor.u32 v1, v3;
	v3 =	vshll.u32 v7, $0x2  }
0x193: {  	[tilespmem:$0x14140] =	vst v2;
	v2 =	vor.u32 v1, v3;
	v3 =	vshll.u32 v8, $0x2  }
.Ltmp5:
0x194: {  	s5 =	sadd.s32 s14, s17;
	[tilespmem:$0x14150] =	vst v2;
	v2 =	vor.u32 v1, v3;
	(pc) =	sbr.rel .LBB2_5-.Ltmp5, $4  }
0x195: {  	s5 =	sadd.s32 $0x50, s5;
	[tilespmem:$0x14160] =	vst v2  }
0x196: {  	[tilespmem:s29], [sflag:$0x6] =	stream.linear.gather [hbm4b:s5+s2], $0x80, $0x38;
	[tilespmem:$0x1EC00] =	vst v63  }
0x197: {  	s14 =	sadd.s32 $0x30, s14  }
0x198: {  	[tilespmem:s30], [sflag:$0x3] =	stream.indirect.gather [hbm4b:s3+s22], $0x80, s28, s22, $0xb8;
	[tilespmem:$0x1EC00] =	vst v63  }
.LBB2_8:
0x199: {  	_ =	sfence.sel $0x180000  }
0x19a: {  	[bflag:$0x0] =	sbarrier.arrive $0xFFFF  }
0x19b: {  	_ =	strace $0x9000004D  }
0x19c: {  	s0 =	stileid.u32;
	[bflag:$0x2] =	sbarrier.arrive $0xFFFF  }
0x19d: {  	p0 =	sne.s32 s0, $0x0;
	s0 =	rddreg [dreg:$0x2]  }
0x19e: {  	s0 =	sadd.s32 @!p0 $0x100000, s0  }
0x19f: {  	[sflag:s0] =	ssyncadd.tile.s32 @!p0 $0x1;
	_ =	shalt  }
.Lfunc_end2:
_tile_overlayer_lowered:
.L_overlay_start_2:
0x1a0: {  	(tag) =	ssettag $0x2  }
0x1a1: {  	s0 =	rddreg [dreg:$0x0];
	s2 =	stileid.u32  }
0x1a2: {  	s1 =	rddreg [dreg:$0x1];
	p0 =	sne.s32 s2, $0x0  }
0x1a3: {  	s3 =	rddreg [dreg:$0x2];
	[bflag:$0x3] =	sbarrier.arrive $0xFFFF;
	s2 =	simm.s32 @!p0 $0x1C0A  }
0x1a4: {  	[timem:s3], [sflag:s2] =	dma.local @!p0 [hbm:s0], s1  }
0x1a5: {  	s0 =	simm.s32 @!p0 $0xA  }
0x1a6: {  	_ =	swait.ge @!p0 [sflag:s0], s1  }
0x1a7: {  	s1 =	ssub.s32 @!p0 $0x0, s1;
	[sflag:s0] =	ssyncset.done @!p0 $0x0  }
0x1a8: {  	[sflag:s0] =	ssyncadd.s32 @!p0 s1  }
0x1a9: {  	[bflag:$0x3] =	sbarrier.arrive $0xFFFF  }
0x1aa: {  	_ =	shalt  }

// kernel: kernel.8.cloned.1.call-start
scs
__scs_entry_jumppad:
0x0: {  	(pc) =	sbr.rel $0x88, $3  }
0x1: {  	(tag) =	ssettag $0x0;
	lr =	simm.s32 $0x1  }
0x2: {  	[smem:$0x3F95] =	sst lr;
	_ =	strace $0xD0000000  }
0x3: {  	_ = 	snop  }
0x4: {  	_ = 	snop  }
0x5: {  	_ = 	snop  }
0x6: {  	_ = 	snop  }
0x7: {  	_ = 	snop  }
__scs_overlays_trampoline_lowered:
0x8: {  	[smem:$0x3FA4] =	sst s0  }
0x9: {  	[smem:$0x3FA5] =	sst s1  }
0xa: {  	[smem:$0x3FA6] =	sst s2  }
0xb: {  	[smem:$0x3FA7] =	sst s3  }
0xc: {  	[smem:$0x3FA8] =	sst s4  }
0xd: {  	[smem:$0x3FA9] =	sst s5  }
0xe: {  	[smem:$0x3FAA] =	sst s6  }
0xf: {  	[smem:$0x3FAB] =	sst s7  }
0x10: {  	[smem:$0x3FAC] =	sst s8  }
0x11: {  	[smem:$0x3FAD] =	sst s9;
	s0 =	simm.s32 @!p0 $0x0  }
0x12: {  	s1 =	sld [smem:$0x3F93];
	s0 =	simm.s32 @p0 $0x1  }
0x13: {  	[smem:$0x3FAE] =	sst s0;
	s0 =	simm.s32 @!p1 $0x0  }
0x14: {  	s2 =	sld [smem:$0x3F92];
	s0 =	simm.s32 @p1 $0x1  }
0x15: {  	[smem:$0x3FAF] =	sst s0;
	s0 =	simm.s32 @!p2 $0x0  }
0x16: {  	s3 =	sld [smem:$0x3FDB];
	s0 =	simm.s32 @p2 $0x1  }
0x17: {  	s4 =	simm.s32 $0x1BF5;
	[smem:$0x3FB1] =	sst s0  }
0x18: {  	s0 =	sld [smem:$0x3F94];
	_ =	swait.ge [sflag:s4], $0x0  }
0x19: {  	s7 =	sld [smem:$0x3F95]  }
0x1a: {  	s8 =	sadd.s32 $0xFFFFE003, lr  }
0x1b: {  	s9 =	sadd.s32 $0xFFFFFEF7, lr;
	s5 =	simm.s32 $0xFFFFFFFF;
	p2 =	slt.u32 s8, $0xFFFFF086  }
0x1c: {  	p1 =	slt.u32 s9, $0xF7A;
	s5 =	simm.s32 @!p2 $0x0  }
0x1d: {  	s5 =	simm.s32 @p1 $0x1;
	p0 =	seq.s32 s7, s2  }
0x1e: {  	s7 =	smul.u32 @!p0 $0xF7A, s2;
	p2 =	seq.s32 @!p0 s5, $0x0  }
0x1f: {  	s9 =	smul.u32 $0xF7A, s1;
	s8 =	simm.s32 @!p0 $0x1BF5;
	p2 =	por !p2, p0  }
0x20: {  	[sflag:s8] =	ssyncset.s32 @!p0 $0xFFFFF086;
	s6 =	sadd.s32 @!p0 s3, s7;
	s7 =	simm.s32 @!p0 $0x108  }
0x21: {  	s3 =	sadd.s32 s3, s9;
	s6 =	sadd.s32 @!p0 $0x88, s6;
	s7 =	simm.s32 @p2 $0x1082  }
0x22: {  	[simem:s7], [sflag:s8] =	dma.local @!p0 [hbm:s6], $0xF7A  }
0x23: {  	s9 =	sor.u32 $0xD0000000, s2;
	s6 =	simm.s32 $0x108;
	_ =	swait.ge @!p0 [sflag:s8], $0x0  }
0x24: {  	s3 =	sadd.s32 $0x88, s3;
	s6 =	simm.s32 @!p1 $0x1082;
	[sflag:s4] =	ssyncset.s32 $0xFFFFF086  }
0x25: {  	[simem:s6], [sflag:s4] =	dma.local [hbm:s3], $0xF7A  }
0x26: {  	[smem:$0x3F95] =	sst s1;
	(tag) =	ssettag s2;
	_ =	strace s9  }
0x27: {  	s1 =	sld [smem:$0x3FA5]  }
0x28: {  	s2 =	sld [smem:$0x3FA6]  }
0x29: {  	s4 =	sld [smem:$0x3FA8]  }
0x2a: {  	p0 =	seq.s32 s5, $0x0;
	s5 =	sld [smem:$0x3FA9]  }
0x2b: {  	s6 =	sld [smem:$0x3FAA]  }
0x2c: {  	s7 =	sld [smem:$0x3FAB]  }
0x2d: {  	s3 =	simm.s32 $0x108;
	s8 =	sld [smem:$0x3FAC]  }
0x2e: {  	s3 =	simm.s32 @!p0 $0x1082;
	s9 =	sld [smem:$0x3FAD]  }
0x2f: {  	lr =	sadd.s32 s0, s3;
	s0 =	sld [smem:$0x3FA4]  }
0x30: {  	s3 =	sld [smem:$0x3FA7]  }
0x31: {  	[smem:$0x3FB0] =	sst s10  }
0x32: {  	s10 =	sld [smem:$0x3FAE];
	_ =	sdelay $0x3  }
0x33: {  	p0 =	seq.s32 s10, $0x1;
	s10 =	sld [smem:$0x3FB0];
	_ =	sdelay $0x3  }
0x34: {  	[smem:$0x3FB0] =	sst s10  }
0x35: {  	s10 =	sld [smem:$0x3FAF];
	_ =	sdelay $0x3  }
0x36: {  	p1 =	seq.s32 s10, $0x1;
	s10 =	sld [smem:$0x3FB0];
	_ =	sdelay $0x3  }
0x37: {  	[smem:$0x3FB0] =	sst s10  }
0x38: {  	s10 =	sld [smem:$0x3FB1]  }
0x39: {  	_ = 	snop;
	(pc) =	sbr.ind lr, $3  }
0x3a: {  	_ = 	snop  }
0x3b: {  	_ = 	snop  }
0x3c: {  	p2 =	seq.s32 s10, $0x1;
	s10 =	sld [smem:$0x3FB0]  }
0x3d: {  	_ =	shalt  }
0x3e: {  	_ =	shalt  }
0x3f: {  	_ =	shalt  }
0x40: {  	_ =	shalt  }
0x41: {  	_ =	shalt  }
0x42: {  	_ =	shalt  }
0x43: {  	_ =	shalt  }
0x44: {  	_ =	shalt  }
0x45: {  	_ =	shalt  }
0x46: {  	_ =	shalt  }
0x47: {  	_ =	shalt  }
0x48: {  	_ =	shalt  }
0x49: {  	_ =	shalt  }
0x4a: {  	_ =	shalt  }
0x4b: {  	_ =	shalt  }
0x4c: {  	_ =	shalt  }
0x4d: {  	_ =	shalt  }
0x4e: {  	_ =	shalt  }
0x4f: {  	_ =	shalt  }
0x50: {  	_ =	shalt  }
0x51: {  	_ =	shalt  }
0x52: {  	_ =	shalt  }
0x53: {  	_ =	shalt  }
0x54: {  	_ =	shalt  }
0x55: {  	_ =	shalt  }
0x56: {  	_ =	shalt  }
0x57: {  	_ =	shalt  }
0x58: {  	_ =	shalt  }
0x59: {  	_ =	shalt  }
0x5a: {  	_ =	shalt  }
0x5b: {  	_ =	shalt  }
0x5c: {  	_ =	shalt  }
0x5d: {  	_ =	shalt  }
0x5e: {  	_ =	shalt  }
0x5f: {  	_ =	shalt  }
0x60: {  	_ =	shalt  }
0x61: {  	_ =	shalt  }
0x62: {  	_ =	shalt  }
0x63: {  	_ =	shalt  }
0x64: {  	_ =	shalt  }
0x65: {  	_ =	shalt  }
0x66: {  	_ =	shalt  }
0x67: {  	_ =	shalt  }
0x68: {  	_ =	shalt  }
0x69: {  	_ =	shalt  }
0x6a: {  	_ =	shalt  }
0x6b: {  	_ =	shalt  }
0x6c: {  	_ =	shalt  }
0x6d: {  	_ =	shalt  }
0x6e: {  	_ =	shalt  }
0x6f: {  	_ =	shalt  }
0x70: {  	_ =	shalt  }
0x71: {  	_ =	shalt  }
0x72: {  	_ =	shalt  }
0x73: {  	_ =	shalt  }
0x74: {  	_ =	shalt  }
0x75: {  	_ =	shalt  }
0x76: {  	_ =	shalt  }
0x77: {  	_ =	shalt  }
0x78: {  	_ =	shalt  }
0x79: {  	_ =	shalt  }
0x7a: {  	_ =	shalt  }
0x7b: {  	_ =	shalt  }
0x7c: {  	_ =	shalt  }
0x7d: {  	_ =	shalt  }
0x7e: {  	_ =	shalt  }
0x7f: {  	_ =	shalt  }
0x80: {  	_ =	shalt  }
0x81: {  	_ =	shalt  }
0x82: {  	_ =	shalt  }
0x83: {  	_ =	shalt  }
0x84: {  	_ =	shalt  }
0x85: {  	_ =	shalt  }
0x86: {  	_ =	shalt  }
0x87: {  	_ =	shalt  }
.Lfunc_end0:
.L_simem_size_0:
called_computation_lowered:
.L_overlay_start_0:
0x88: {  	s2 =	sld [smem:$0x3FD9]  }
0x89: {  	s3 =	sld [smem:$0x3FFE];
	_ =	sdelay $0x1  }
0x8a: {  	s1 =	srdreg.scid  }
0x8b: {  	s0 =	sand.u32 $0x1, s1  }
0x8c: {  	s17 =	sshll.u32 s0, $0xA;
	s2 =	sadd.s32 s3, s2  }
0x8d: {  	s2 =	sadd.s32 s2, s17  }
0x8e: {  	[smem:$0x3FBC] =	sst s2  }
0x8f: {  	_ = 	snop  }
0x90: {  	s2 =	sld [smem:$0x3FD0];
	(tm) =	ssettm $0x1  }
0x91: {  	s18 =	sld [smem:$0x3FFB];
	_ =	sdelay $0x3  }
0x92: {  	_ =	strace s18  }
0x93: {  	s3 =	sld [smem:$0x3FFC];
	_ =	sdelay $0x3  }
0x94: {  	_ =	strace s3  }
0x95: {  	s3 =	sld [smem:$0x3FFD];
	_ =	sdelay $0x3  }
0x96: {  	_ =	strace s3  }
0x97: {  	_ =	strace $0x8FFFFFFF  }
0x98: {  	s19 =	sld [smem:$0x3FDB];
	_ =	sdelay $0x1  }
0x99: {  	s4 =	simm.s32 $_scs_section_size  }
0x9a: {  	s5 =	simm.s32 $_size__tile_overlayer_lowered;
	s6 =	simm.s32 $_tile_overlayer_lowered  }
0x9b: {  	s22 =	simm.s32 $0x1BFF;
	s21 =	sshll.u32 s6, $0x1;
	s3 =	sadd.s32 s4, s19  }
0x9c: {  	s7 =	simm.s32 $0x0;
	s20 =	sshll.u32 s5, $0x1;
	s5 =	sadd.s32 s21, s3  }
0x9d: {  	[timem:s7], [sflag:s22] =	dma.local [hbm:s5], s20  }
0x9e: {  	_ =	swait.ge [sflag:s22], s20  }
0x9f: {  	s4 =	ssub.s32 $0x0, s20;
	[sflag:s22] =	ssyncset.done $0x0  }
0xa0: {  	[sflag:s22] =	ssyncadd.s32 s4;
	_ =	sdelay $0x1  }
0xa1: {  	s23 =	simm.s32 $0x1B8B  }
0xa2: {  	_ =	swait.ge [sflag:s23], $0x1  }
0xa3: {  	[sflag:s23] =	ssyncset.done $0x0  }
0xa4: {  	s25 =	simm.s32 $0x1B8E;
	s24 =	sld [smem:$0x3FFE];
	[sflag:s23] =	ssyncadd.s32 $0xFFFFFFFF  }
0xa5: {  	s26 =	simm.s32 $execute0_lowered;
	[smem:$0x3FD2] =	sst s25  }
0xa6: {  	s5 =	sshll.u32 s26, $0x1;
	_ =	strace $0x80000046;
	[dreg:$0x1] =	wrdreg $0xFFFFFFFF  }
0xa7: {  	s28 =	simm.s32 $_size_execute0_lowered;
	s3 =	sadd.s32 s3, s5;
	[dreg:$0x0] =	wrdreg $0x0  }
0xa8: {  	s5 =	sshll.u32 s28, $0x1;
	[dreg:$0x2] =	wrdreg s3  }
0xa9: {  	[dreg:$0x3] =	wrdreg s5  }
0xaa: {  	[dreg:$0x4] =	wrdreg $0xC0  }
0xab: {  	_ =	task [dreg:s7], $0x5FFFF  }
0xac: {  	[dreg:$0x1] =	wrdreg $0xFFFFFFFF  }
0xad: {  	[dreg:$0x0] =	wrdreg $0x60  }
0xae: {  	[dreg:$0x2] =	wrdreg s24  }
0xaf: {  	[dreg:$0x3] =	wrdreg s2  }
0xb0: {  	[dreg:$0x4] =	wrdreg $0x0  }
0xb1: {  	[dreg:$0x5] =	wrdreg $0x9  }
0xb2: {  	_ =	task.clear_ibuf [dreg:s7], $0x6FFFF;
	_ =	strace $0x90000046  }
0xb3: {  	s29 =	simm.s32 $0x9;
	_ =	strace $0x80000048  }
0xb4: {  	_ =	swait.ge [sflag:s29], $0x1  }
0xb5: {  	[sflag:s29] =	ssyncadd.s32 $0xFFFFFFFF  }
0xb6: {  	_ =	strace $0x90000048  }
0xb7: {  	_ =	sfence  }
0xb8: {  	s30 =	sld [smem:$0x0];
	_ =	sdelay $0x2  }
0xb9: {  	s31 =	sshll.u32 s1, $0xD;
	s1 =	sshrl.u32 s1, $0x2  }
0xba: {  	s3 =	sand.u32 $0x4000, s31;
	s1 =	sadd.s32 s1, s30  }
0xbb: {  	s0 =	sor.u32 s3, s0;
	s1 =	sshll.u32 s1, $0x11  }
0xbc: {  	s0 =	sor.u32 s1, s0  }
0xbd: {  	s0 =	sadd.s32 $0x8F2B, s0  }
0xbe: {  	[sflag:s0] =	ssyncadd.remote.s32 $0x1  }
0xbf: {  	_ =	sfence.sel $0xFFFF  }
0xc0: {  	[dreg:$0x0] =	wrdreg $0xFFFFFFFF;
	(pc) =	sbr.abs _section_cstart, $3  }
0xc1: {  	[dreg:$0x1] =	wrdreg $0xFFFFFFFF  }
0xc2: {  	_ =	task.clear_ibuf [dreg:s7], $0x2FFFF;
	_ =	strace $0x9FFFFFFF  }
0xc3: {  	(tm) =	ssettm $0x7FFFFFFF  }
tec
execute0_lowered:
.L_overlay_start_1:
0x0: {  	(tag) =	ssettag $0x1  }
0x1: {  	s6 =	rddreg [dreg:$0x0]  }
0x2: {  	s1 =	rddreg [dreg:$0x1]  }
0x3: {  	s2 =	rddreg [dreg:$0x2]  }
0x4: {  	s0 =	rddreg [dreg:$0x3]  }
0x5: {  	s4 =	simm.s32 $0x0;
	s3 =	srdreg.scid;
	s18 =	simm.s32 $0x14100  }
0x6: {  	s19 =	simm.s32 $0x1;
	s20 =	simm.s32 $0x70;
	s8 =	sand.u32 $0x1, s3  }
0x7: {  	s21 =	simm.s32 $0x2;
	s3 =	stileid.u32;
	s5 =	smul.u32 $0x140000, s8  }
0x8: {  	s22 =	simm.s32 $0x3;
	s23 =	simm.s32 $0x0;
	s7 =	smul.u32 $0x14000, s3  }
0x9: {  	[smem:$0x7FF] =	sst s4;
	s12 =	sadd.s32 $0x1A00, s6;
	s10 =	smul.u32 $0x50000, s3  }
0xa: {  	_ =	strace $0x80000047;
	s9 =	sshll.u32 s8, $0x4;
	s16 =	smul.u32 $0x2D00, s8  }
0xb: {  	s26 =	ssub.s32 $0x2, s8;
	s17 =	smul.u32 $0x2D0, s3;
	s9 =	sor.u32 s3, s9  }
0xc: {  	s30 =	sshll.u32 s3, $0x6;
	s14 =	sshrl.u32 s26, $0x1;
	s11 =	smul.u32 $0x1680, s9  }
0xd: {  	s5 =	sadd.s32 s7, s5;
	s9 =	smul.u32 $0x280, s9;
	s14 =	ssub.s32 s26, s14  }
0xe: {  	s28 =	sshrl.u32 s10, $0x2;
	s13 =	sshrl.u32 s5, $0x3;
	s5 =	sadd.s32 $0x7400, s6  }
0xf: {  	s15 =	sadd.s32 s28, s2;
	s13 =	sadd.s32 s13, s6;
	s29 =	sand.u32 $0x3FC00, s11  }
0x10: {  	s9 =	sand.u32 $0x380, s9;
	s6 =	sor.u32 $0x1C04, s30;
	s31 =	sshrl.u32 s11, $0x3  }
0x11: {  	s11 =	smax.u32 s14, $0x1;
	s14 =	simm.s32 $0x4;
	s7 =	sor.u32 s9, s29  }
0x12: {  	s9 =	sadd.s32 s12, s31;
	s10 =	sadd.s32 $0x9C00, s13;
	s13 =	sshrl.u32 s15, $0x3  }
0x13: {  	s15 =	simm.s32 $0x14200;
	s7 =	sshrl.u32 s7, $0x3;
	s8 =	sadd.s32 $0x10, s9  }
0x14: {  	s9 =	sadd.s32 $0x20, s9;
	s7 =	sadd.s32 s12, s7;
	s12 =	sadd.s32 s16, s12  }
0x15: {  	s16 =	simm.s32 $0x14000;
	s12 =	sadd.s32 s17, s12;
	s17 =	simm.s32 $0x14080  }
.LBB2_1:
0x16: {  	[spmem:s13], [sflag:s6] =	dma.local [hbm:s5], $0x2800  }
0x17: {  	_ =	swait.ge [sflag:s14], $0x2800  }
0x18: {  	[sflag:s14] =	ssyncset.done $0x0  }
0x19: {  	[sflag:s14] =	ssyncadd.s32 $0xFFFFD800  }
0x1a: {  	[tilespmem:s15], [sflag:$0x4] =	stream.linear.gather [hbm4b:s1+s4], $0x3800, $0x38;
	[tilespmem:$0x17A00] =	vst v63  }
0x1b: {  	_ =	swait.ge [sflag:s14], $0x3800  }
0x1c: {  	[sflag:s14] =	ssyncset.done $0x0  }
0x1d: {  	[sflag:s14] =	ssyncadd.s32 $0xFFFFC800  }
0x1e: {  	[bflag:$0x0] =	sbarrier.arrive $0xFFFF  }
0x1f: {  	[tilespmem:s16], [sflag:$0x1] =	stream.linear.gather [hbm4b:s7+s4], $0x80, $0x38;
	[tilespmem:$0x17A00] =	vst v63  }
0x20: {  	_ = 	snop  }
0x21: {  	[tilespmem:s17], [sflag:$0x2] =	stream.linear.gather [hbm4b:s8+s4], $0x80, $0x38;
	[tilespmem:$0x17A00] =	vst v63  }
0x22: {  	_ = 	snop  }
0x23: {  	[tilespmem:s18], [sflag:$0x3] =	stream.linear.gather [hbm4b:s9+s4], $0x80, $0x38;
	[tilespmem:$0x17A00] =	vst v63  }
0x24: {  	_ =	swait.ge [sflag:s19], $0x80  }
0x25: {  	[sflag:s19] =	ssyncset.done $0x0  }
0x26: {  	[sflag:s19] =	ssyncadd.s32 $0xFFFFFF80  }
0x27: {  	[spmem:s2] =	stream.indirect.scatter.add.f32 [tilespmem:s15], [sflag:$0x4], $0x80, s16, s20, $0xb8;
	[tilespmem:$0x17A00] =	vst v63  }
0x28: {  	_ =	swait.ge [sflag:s14], $0x3800  }
0x29: {  	s25 =	sadd.s32 $0xFFFFFD60, s12;
	[sflag:s14] =	ssyncset.done $0x0  }
0x2a: {  	s24 =	sadd.s32 $0x2D0, s25;
	[sflag:s14] =	ssyncadd.s32 $0xFFFFC800  }
0x2b: {  	[tilespmem:s16], [sflag:$0x1] =	stream.linear.gather [hbm4b:s24+s4], $0x80, $0x38;
	[tilespmem:$0x17A00] =	vst v63  }
0x2c: {  	_ =	swait.ge [sflag:s21], $0x80  }
0x2d: {  	[sflag:s21] =	ssyncset.done $0x0  }
0x2e: {  	[sflag:s21] =	ssyncadd.s32 $0xFFFFFF80  }
0x2f: {  	[spmem:s2] =	stream.indirect.scatter.add.f32 [tilespmem:s15], [sflag:$0x4], $0x80, s17, s20, $0xb8;
	[tilespmem:$0x17A00] =	vst v63  }
0x30: {  	_ =	swait.ge [sflag:s14], $0x3800  }
0x31: {  	[sflag:s14] =	ssyncset.done $0x0  }
0x32: {  	s31 =	sadd.s32 $0x2E0, s25;
	[sflag:s14] =	ssyncadd.s32 $0xFFFFC800  }
0x33: {  	[tilespmem:s17], [sflag:$0x2] =	stream.linear.gather [hbm4b:s31+s4], $0x80, $0x38;
	[tilespmem:$0x17A00] =	vst v63  }
0x34: {  	_ =	swait.ge [sflag:s22], $0x80  }
0x35: {  	[sflag:s22] =	ssyncset.done $0x0  }
0x36: {  	[sflag:s22] =	ssyncadd.s32 $0xFFFFFF80  }
0x37: {  	[spmem:s2] =	stream.indirect.scatter.add.f32 [tilespmem:s15], [sflag:$0x4], $0x80, s18, s20, $0xb8;
	[tilespmem:$0x17A00] =	vst v63  }
0x38: {  	_ =	swait.ge [sflag:s14], $0x3800  }
0x39: {  	[sflag:s14] =	ssyncset.done $0x0  }
0x3a: {  	s25 =	sadd.s32 $0x2F0, s25;
	s24 =	simm.s32 $0xFFFFFD90;
	[sflag:s14] =	ssyncadd.s32 $0xFFFFC800  }
.LBB2_2:
0x3b: {  	[tilespmem:s18], [sflag:$0x3] =	stream.linear.gather [hbm4b:s25+s4], $0x80, $0x38;
	[tilespmem:$0x17A00] =	vst v63  }
0x3c: {  	s25 =	smov.u32 s24  }
0x3d: {  	p0 =	sne.s32 s24, $0xFFFFFFD0;
	s24 =	sadd.s32 $0x30, s24;
	_ =	swait.ge [sflag:s19], $0x80  }
0x3e: {  	[sflag:s19] =	ssyncset.done $0x0  }
0x3f: {  	[sflag:s19] =	ssyncadd.s32 $0xFFFFFF80  }
0x40: {  	[spmem:s2] =	stream.indirect.scatter.add.f32 [tilespmem:s15], [sflag:$0x4], $0x80, s16, s20, $0xb8;
	[tilespmem:$0x17A00] =	vst v63  }
0x41: {  	_ =	swait.ge [sflag:s14], $0x3800  }
0x42: {  	s25 =	sadd.s32 s25, s12;
	[sflag:s14] =	ssyncset.done $0x0  }
0x43: {  	s26 =	sadd.s32 $0x2D0, s25;
	[sflag:s14] =	ssyncadd.s32 $0xFFFFC800  }
0x44: {  	[tilespmem:s16], [sflag:$0x1] =	stream.linear.gather [hbm4b:s26+s4], $0x80, $0x38;
	[tilespmem:$0x17A00] =	vst v63  }
0x45: {  	_ =	swait.ge [sflag:s21], $0x80  }
0x46: {  	[sflag:s21] =	ssyncset.done $0x0  }
0x47: {  	[sflag:s21] =	ssyncadd.s32 $0xFFFFFF80  }
0x48: {  	[spmem:s2] =	stream.indirect.scatter.add.f32 [tilespmem:s15], [sflag:$0x4], $0x80, s17, s20, $0xb8;
	[tilespmem:$0x17A00] =	vst v63  }
0x49: {  	_ =	swait.ge [sflag:s14], $0x3800  }
0x4a: {  	[sflag:s14] =	ssyncset.done $0x0  }
0x4b: {  	s26 =	sadd.s32 $0x2E0, s25;
	[sflag:s14] =	ssyncadd.s32 $0xFFFFC800  }
0x4c: {  	[tilespmem:s17], [sflag:$0x2] =	stream.linear.gather [hbm4b:s26+s4], $0x80, $0x38;
	[tilespmem:$0x17A00] =	vst v63  }
0x4d: {  	_ =	swait.ge [sflag:s22], $0x80  }
0x4e: {  	[sflag:s22] =	ssyncset.done $0x0  }
.Ltmp0:
0x4f: {  	[sflag:s22] =	ssyncadd.s32 $0xFFFFFF80;
	(pc) =	sbr.rel @p0 .LBB2_2-.Ltmp0, $4  }
0x50: {  	[spmem:s2] =	stream.indirect.scatter.add.f32 [tilespmem:s15], [sflag:$0x4], $0x80, s18, s20, $0xb8;
	[tilespmem:$0x17A00] =	vst v63  }
0x51: {  	_ =	swait.ge [sflag:s14], $0x3800  }
0x52: {  	[sflag:s14] =	ssyncset.done $0x0  }
0x53: {  	s25 =	sadd.s32 $0x2F0, s25;
	[sflag:s14] =	ssyncadd.s32 $0xFFFFC800  }
0x54: {  	[tilespmem:s18], [sflag:$0x3] =	stream.linear.gather [hbm4b:s25+s4], $0x80, $0x38;
	[tilespmem:$0x17A00] =	vst v63  }
0x55: {  	_ =	swait.ge [sflag:s19], $0x80  }
0x56: {  	[sflag:s19] =	ssyncset.done $0x0  }
0x57: {  	[sflag:s19] =	ssyncadd.s32 $0xFFFFFF80  }
0x58: {  	[spmem:s2] =	stream.indirect.scatter.add.f32 [tilespmem:s15], [sflag:$0x4], $0x80, s16, s20, $0xb8;
	[tilespmem:$0x17A00] =	vst v63  }
0x59: {  	_ =	swait.ge [sflag:s14], $0x3800  }
0x5a: {  	[sflag:s14] =	ssyncset.done $0x0  }
0x5b: {  	[sflag:s14] =	ssyncadd.s32 $0xFFFFC800  }
0x5c: {  	_ =	swait.ge [sflag:s21], $0x80  }
0x5d: {  	[sflag:s21] =	ssyncset.done $0x0  }
0x5e: {  	[sflag:s21] =	ssyncadd.s32 $0xFFFFFF80  }
0x5f: {  	[spmem:s2] =	stream.indirect.scatter.add.f32 [tilespmem:s15], [sflag:$0x4], $0x80, s17, s20, $0xb8;
	[tilespmem:$0x17A00] =	vst v63  }
0x60: {  	_ =	swait.ge [sflag:s14], $0x3800  }
0x61: {  	[sflag:s14] =	ssyncset.done $0x0  }
0x62: {  	[sflag:s14] =	ssyncadd.s32 $0xFFFFC800  }
0x63: {  	_ =	swait.ge [sflag:s22], $0x80  }
0x64: {  	[sflag:s22] =	ssyncset.done $0x0  }
0x65: {  	[sflag:s22] =	ssyncadd.s32 $0xFFFFFF80  }
0x66: {  	[spmem:s2] =	stream.indirect.scatter.add.f32 [tilespmem:s15], [sflag:$0x4], $0x80, s18, s20, $0xb8;
	[tilespmem:$0x17A00] =	vst v63  }
0x67: {  	_ =	swait.ge [sflag:s14], $0x3800  }
0x68: {  	s23 =	sadd.s32 $0x1, s23;
	[sflag:s14] =	ssyncset.done $0x0  }
0x69: {  	p0 =	sne.s32 s23, s11;
	[sflag:s14] =	ssyncadd.s32 $0xFFFFC800  }
.Ltmp1:
0x6a: {  	[bflag:$0x0] =	sbarrier.arrive $0xFFFF;
	(pc) =	sbr.rel @p0 .LBB2_1-.Ltmp1, $4  }
0x6b: {  	[hbm:s10], [sflag:s6] =	dma.local [spmem:s13], $0x2800  }
0x6c: {  	_ =	swait.ge [sflag:s14], $0x2800  }
0x6d: {  	[sflag:s14] =	ssyncset.done $0x0  }
0x6e: {  	[sflag:s14] =	ssyncadd.s32 $0xFFFFD800  }
0x6f: {  	_ =	sfence.sel $0x180000  }
0x70: {  	[bflag:$0x0] =	sbarrier.arrive $0xFFFF  }
0x71: {  	p0 =	sne.s32 s3, $0x0;
	_ =	strace $0x90000047  }
0x72: {  	s0 =	sadd.s32 @!p0 $0x100000, s0;
	[bflag:$0x2] =	sbarrier.arrive $0xFFFF  }
0x73: {  	[sflag:s0] =	ssyncadd.tile.s32 @!p0 $0x1;
	_ =	shalt  }
.Lfunc_end2:
_tile_overlayer_lowered:
.L_overlay_start_2:
0x74: {  	(tag) =	ssettag $0x2  }
0x75: {  	s0 =	rddreg [dreg:$0x0];
	s2 =	stileid.u32  }
0x76: {  	s1 =	rddreg [dreg:$0x1];
	p0 =	sne.s32 s2, $0x0  }
0x77: {  	s3 =	rddreg [dreg:$0x2];
	[bflag:$0x3] =	sbarrier.arrive $0xFFFF;
	s2 =	simm.s32 @!p0 $0x1C04  }
0x78: {  	[timem:s3], [sflag:s2] =	dma.local @!p0 [hbm:s0], s1  }
0x79: {  	s0 =	simm.s32 @!p0 $0x4  }
0x7a: {  	_ =	swait.ge @!p0 [sflag:s0], s1  }
0x7b: {  	s1 =	ssub.s32 @!p0 $0x0, s1;
	[sflag:s0] =	ssyncset.done @!p0 $0x0  }
0x7c: {  	[sflag:s0] =	ssyncadd.s32 @!p0 s1  }
0x7d: {  	[bflag:$0x3] =	sbarrier.arrive $0xFFFF  }
0x7e: {  	_ =	shalt  }

</sc_bundles>
